<compile_context>
chip_gen: v7x
topology: tpu7x:2x2x1
jax: 0.10.2.dev20260603
libtpu: 0.0.44.dev20260713+nightly
codegen_flags: <defaults>
</compile_context>

<pallas_src>
import jax
import jax.numpy as jnp
from jax import lax
from jax.experimental import pallas as pl
from jax.experimental.pallas import tpu as pltpu
from jax.experimental.pallas import tpu_sc as plsc

_NT = 16
_K = 128
_IC = 16
_HALF = 128


def _make_scatter(NP, EP):
    chunk = EP // _NT
    n_it = chunk // _K
    nq = n_it // _IC
    n2 = _IC // 2
    rpt = NP // _NT

    mesh = plsc.VectorSubcoreMesh(core_axis_name="c", subcore_axis_name="s")

    def body(g3, src_h, dst_h, acc3, isrc2, idst2, rows_a, rows_b,
             acc_sh, sem_i, sem_a, sem_b):
        c = lax.axis_index("c")
        s = lax.axis_index("s")
        r0 = s * rpt
        row0 = s * n_it

        pltpu.async_copy(src_h.at[pl.ds(row0, _IC)], isrc2.at[0], sem_i)
        pltpu.async_copy(dst_h.at[pl.ds(row0, _IC)], idst2.at[0], sem_i)
        pltpu.sync_copy(g3.at[c, pl.ds(r0, rpt)], acc_sh.at[pl.ds(r0, rpt)])
        plsc.subcore_barrier()
        gsrc = g3.at[c]

        def qloop(q, carry):
            p = lax.rem(q, 2)
            isrc = isrc2.at[p]
            idst = idst2.at[p]
            pltpu.make_async_copy(src_h.at[pl.ds(row0, _IC)],
                                  isrc, sem_i).wait()
            pltpu.make_async_copy(dst_h.at[pl.ds(row0, _IC)],
                                  idst, sem_i).wait()

            @pl.when(q + 1 < nq)
            def _():
                nxt = row0 + (q + 1) * _IC
                pltpu.async_copy(src_h.at[pl.ds(nxt, _IC)],
                                 isrc2.at[1 - p], sem_i)
                pltpu.async_copy(dst_h.at[pl.ds(nxt, _IC)],
                                 idst2.at[1 - p], sem_i)

            pltpu.async_copy(gsrc.at[isrc.at[0]], rows_a, sem_a)
            pltpu.async_copy(gsrc.at[isrc.at[1]], rows_b, sem_b)

            def it(j, carry2):
                i0 = 2 * j
                pltpu.make_async_copy(gsrc.at[isrc.at[i0]],
                                      rows_a, sem_a).wait()
                pltpu.sync_copy(rows_a, acc_sh.at[idst.at[i0]], add=True)

                @pl.when(j + 1 < n2)
                def _():
                    pltpu.async_copy(gsrc.at[isrc.at[i0 + 2]], rows_a, sem_a)

                pltpu.make_async_copy(gsrc.at[isrc.at[i0 + 1]],
                                      rows_b, sem_b).wait()
                pltpu.sync_copy(rows_b, acc_sh.at[idst.at[i0 + 1]], add=True)

                @pl.when(j + 1 < n2)
                def _():
                    pltpu.async_copy(gsrc.at[isrc.at[i0 + 3]], rows_b, sem_b)

                return carry2

            lax.fori_loop(0, n2, it, 0)
            return carry

        lax.fori_loop(0, nq, qloop, 0)
        plsc.subcore_barrier()
        pltpu.sync_copy(acc_sh.at[pl.ds(r0, rpt)], acc3.at[c, pl.ds(r0, rpt)])

    return pl.kernel(
        body,
        out_type=jax.ShapeDtypeStruct((2, NP, _HALF), jnp.float32),
        mesh=mesh,
        scratch_types=[
            pltpu.VMEM((2, _IC, _K), jnp.int32),
            pltpu.VMEM((2, _IC, _K), jnp.int32),
            pltpu.VMEM((_K, _HALF), jnp.float32),
            pltpu.VMEM((_K, _HALF), jnp.float32),
            pltpu.VMEM_SHARED((NP, _HALF), jnp.float32),
            pltpu.SemaphoreType.DMA,
            pltpu.SemaphoreType.DMA,
            pltpu.SemaphoreType.DMA,
        ],
    )


def _make_deg(NP, EP):
    rows_half = EP // _K // 2
    n_it = rows_half // _NT
    nq = n_it // _IC
    rpt = NP // _NT

    mesh = plsc.VectorSubcoreMesh(core_axis_name="c", subcore_axis_name="s")

    def body(dst_h, ones_h, zeros_h, deg3, ones_v, idst2, deg_sh, sem_i):
        c = lax.axis_index("c")
        s = lax.axis_index("s")
        r0 = s * rpt
        row0 = c * rows_half + s * n_it
        pltpu.async_copy(dst_h.at[pl.ds(row0, _IC)], idst2.at[0], sem_i)
        pltpu.sync_copy(zeros_h.at[pl.ds(r0, rpt)], deg_sh.at[pl.ds(r0, rpt)])
        pltpu.sync_copy(ones_h, ones_v)
        plsc.subcore_barrier()

        def qloop(q, carry):
            p = lax.rem(q, 2)
            idst = idst2.at[p]
            pltpu.make_async_copy(dst_h.at[pl.ds(row0, _IC)],
                                  idst, sem_i).wait()

            @pl.when(q + 1 < nq)
            def _():
                nxt = row0 + (q + 1) * _IC
                pltpu.async_copy(dst_h.at[pl.ds(nxt, _IC)],
                                 idst2.at[1 - p], sem_i)

            def it(i, carry2):
                pltpu.sync_copy(ones_v, deg_sh.at[idst.at[i]], add=True)
                return carry2

            lax.fori_loop(0, _IC, it, 0)
            return carry

        lax.fori_loop(0, nq, qloop, 0)
        plsc.subcore_barrier()
        pltpu.sync_copy(deg_sh.at[pl.ds(r0, rpt)], deg3.at[c, pl.ds(r0, rpt)])

    return pl.kernel(
        body,
        out_type=jax.ShapeDtypeStruct((2, NP, _HALF), jnp.float32),
        mesh=mesh,
        scratch_types=[
            pltpu.VMEM((_K, _HALF), jnp.float32),
            pltpu.VMEM((2, _IC, _K), jnp.int32),
            pltpu.VMEM_SHARED((NP, _HALF), jnp.float32),
            pltpu.SemaphoreType.DMA,
        ],
    )


def _dis(deg3_ref):
    return lax.rsqrt(deg3_ref[0, :, 0:1] + deg3_ref[1, :, 0:1] + 1.0)


def _enc_body(x_ref, we_ref, be_ref, w0_ref, deg3_ref, g3_ref):
    dis = _dis(deg3_ref)
    h = jnp.dot(x_ref[...], we_ref[...],
                preferred_element_type=jnp.float32) + be_ref[...]
    g = dis * jnp.dot(h, w0_ref[...], preferred_element_type=jnp.float32)
    g3_ref[0] = g[:, :_HALF]
    g3_ref[1] = g[:, _HALF:]


def _mid_body(acc3_ref, deg3_ref, b_ref, w_ref, g3_ref):
    dis = _dis(deg3_ref)
    h_a = jnp.maximum(dis * acc3_ref[0] + b_ref[:, :_HALF], 0.0)
    h_b = jnp.maximum(dis * acc3_ref[1] + b_ref[:, _HALF:], 0.0)
    h = jnp.concatenate([h_a, h_b], axis=1)
    g = dis * jnp.dot(h, w_ref[...], preferred_element_type=jnp.float32)
    g3_ref[0] = g[:, :_HALF]
    g3_ref[1] = g[:, _HALF:]


def _make_fin(N):
    def body(acc3_ref, deg3_ref, b_ref, out_ref):
        dis = _dis(deg3_ref)
        h_a = jnp.maximum(dis * acc3_ref[0] + b_ref[:, :_HALF], 0.0)
        h_b = jnp.maximum(dis * acc3_ref[1] + b_ref[:, _HALF:], 0.0)
        out_ref[...] = jnp.concatenate([h_a, h_b], axis=1)[:N]

    return pl.pallas_call(
        body,
        out_shape=jax.ShapeDtypeStruct((N, 2 * _HALF), jnp.float32),
    )


@jax.jit
def kernel(x, edge_index, W_enc, b_enc, W0, b0, W1, b1, W2, b2, W3, b3):
    N, D_IN = x.shape
    E = edge_index.shape[1]

    NP = ((N + 1 + 127) // 128) * 128
    grain = 2 * _NT * _K * _IC
    EP = ((E + grain - 1) // grain) * grain

    x_p = jnp.pad(x, ((0, NP - N), (0, 0)))
    pad = jnp.full((EP - E,), N, jnp.int32)
    src_p = jnp.concatenate([edge_index[0], pad])
    dst_p = jnp.concatenate([edge_index[1], pad])

    src2 = src_p.reshape(-1, _K)
    dst2 = dst_p.reshape(-1, _K)

    ones_h = jnp.ones((_K, _HALF), jnp.float32)
    zeros_h = jnp.zeros((NP, _HALF), jnp.float32)

    deg3 = _make_deg(NP, EP)(dst2, ones_h, zeros_h)

    enc = pl.pallas_call(
        _enc_body,
        out_shape=jax.ShapeDtypeStruct((2, NP, _HALF), jnp.float32),
    )
    mid = pl.pallas_call(
        _mid_body,
        out_shape=jax.ShapeDtypeStruct((2, NP, _HALF), jnp.float32),
    )
    scatter = _make_scatter(NP, EP)

    g3 = enc(x_p, W_enc, b_enc.reshape(1, -1), W0, deg3)
    acc3 = scatter(g3, src2, dst2)
    for b_prev, W_next in ((b0, W1), (b1, W2), (b2, W3)):
        g3 = mid(acc3, deg3, b_prev.reshape(1, -1), W_next)
        acc3 = scatter(g3, src2, dst2)
    return _make_fin(N)(acc3, deg3, b3.reshape(1, -1))

# --- scband reference (transcript-rebuilt; emitter-appended) ---
"""Pipeline reference for scband-gnn-35459249996384 (READ-ONLY COPY).

The authoritative reference and input builder live on the scoring server;
editing this copy changes nothing except your own understanding.
"""

import jax, jax.numpy as jnp
import numpy as np

N = 10000
E = 320000
D_IN = 128
D_ENC = 256
HID = [256, 256, 256, 256]


def setup_inputs(seed: int = 0) -> dict:
    key = jax.random.key(seed)
    ks = jax.random.split(key, 16)
    x = jax.random.normal(ks[0], (N, D_IN), dtype=jnp.float32)
    edge_index = jax.random.randint(ks[1], (2, E), 0, N, dtype=jnp.int32)
    inp = {"x": x, "edge_index": edge_index}
    inp["W_enc"] = jax.random.normal(ks[2], (D_IN, D_ENC), dtype=jnp.float32) * (1.0 / np.sqrt(D_IN))
    inp["b_enc"] = jnp.zeros((D_ENC,), dtype=jnp.float32)
    din = D_ENC
    for i, h in enumerate(HID):
        inp[f"W{i}"] = jax.random.normal(ks[3 + i], (din, h), dtype=jnp.float32) * (1.0 / np.sqrt(din))
        inp[f"b{i}"] = jnp.zeros((h,), dtype=jnp.float32)
        din = h
    return inp


def _gcn_conv(h, W, b, src, dst, norm):
    # PyG GCNConv: x' = D^{-1/2} (A + I) D^{-1/2} X W + b
    h = h @ W
    msg = jnp.take(h, src, axis=0) * norm[:, None]
    out = jax.ops.segment_sum(msg, dst, num_segments=N)
    return out + b


def reference(x, edge_index, W_enc, b_enc, W0, b0, W1, b1, W2, b2, W3, b3):
    # add self loops and compute symmetric normalization (shared by all layers)
    loop = jnp.arange(N, dtype=edge_index.dtype)
    src = jnp.concatenate([edge_index[0], loop])
    dst = jnp.concatenate([edge_index[1], loop])
    deg = jnp.zeros((N,), dtype=jnp.float32).at[dst].add(1.0)
    deg_inv_sqrt = jnp.where(deg > 0, 1.0 / jnp.sqrt(deg), 0.0)
    norm = deg_inv_sqrt[src] * deg_inv_sqrt[dst]
    # input encoder: single Linear (pairwise([in, enc]) yields one final layer) + Identity
    h = x @ W_enc + b_enc
    # 4 x (GCNConv -> ReLU); dropout p=0 is a no-op
    for W, b in ((W0, b0), (W1, b1), (W2, b2), (W3, b3)):
        h = _gcn_conv(h, W, b, src, dst, norm)
        h = jax.nn.relu(h)
    return h

if __name__ == "__main__":
    import jax
    _d = setup_inputs()
    print(jax.jit(kernel)(*tuple(_d.values())))

</pallas_src>

<mosaic_0001>
#map = affine_map<(d0, d1) -> (0, 0, 0)>
#map1 = affine_map<(d0, d1) -> (0, 0)>
module attributes {stable_mosaic.version = 14 : i64} {
  func.func @body(%arg0: i32, %arg1: i32, %arg2: memref<2x10112x128xf32, #tpu.memory_space<hbm>>, %arg3: memref<2560x128xi32, #tpu.memory_space<hbm>>, %arg4: memref<2560x128xi32, #tpu.memory_space<hbm>>, %arg5: memref<2x10112x128xf32, #tpu.memory_space<hbm>>, %arg6: memref<2x16x128xi32, #tpu.memory_space<vmem>>, %arg7: memref<2x16x128xi32, #tpu.memory_space<vmem>>, %arg8: memref<128x128xf32, #tpu.memory_space<vmem>>, %arg9: memref<128x128xf32, #tpu.memory_space<vmem>>, %arg10: memref<10112x128xf32, #tpu.memory_space<vmem_shared>>, %arg11: memref<!tpu.dma_semaphore, #tpu.memory_space<semaphore_mem>>, %arg12: memref<!tpu.dma_semaphore, #tpu.memory_space<semaphore_mem>>, %arg13: memref<!tpu.dma_semaphore, #tpu.memory_space<semaphore_mem>>) attributes {dimension_semantics = [#tpu.dimension_semantics<core_parallel>, #tpu.dimension_semantics<subcore_parallel>], iteration_bounds = array<i64: 2, 16>, scalar_prefetch = 0 : i64, scratch_operands = 8 : i64, tpu.core_type = #tpu.core_type<sc_vector_subcore>, window_params = [{transform_indices = #map}, {transform_indices = #map1}, {transform_indices = #map1}, {transform_indices = #map}]} {
    %mul3A = arith.constant 632 : i32
    %mul3A_0 = arith.muli %arg1, %mul3A : i32
    %mul3A_1 = arith.constant 160 : i32
    %mul3A_2 = arith.muli %arg1, %mul3A_1 : i32
    %dma_start3A = arith.constant 0 : i32
    %dma_start3A_3 = arith.constant 0 : i32
    %dma_start3A_4 = arith.constant 0 : i32
    %dma_start3A_5 = tpu.memref_slice %arg6[%dma_start3A, %dma_start3A_3, %dma_start3A_4] : memref<2x16x128xi32, #tpu.memory_space<vmem>> -> memref<1x16x128xi32, #tpu.memory_space<vmem>>
    %dma_start3A_6 = tpu.memref_squeeze %dma_start3A_5 : memref<1x16x128xi32, #tpu.memory_space<vmem>> -> memref<16x128xi32, #tpu.memory_space<vmem>>
    %dma_start3A_7 = arith.constant 0 : i32
    %dma_start3A_8 = tpu.memref_slice %arg3[%mul3A_2, %dma_start3A_7] : memref<2560x128xi32, #tpu.memory_space<hbm>> -> memref<16x128xi32, #tpu.memory_space<hbm>>
    %dma_start3A_9 = arith.constant 0 : i32
    %dma_start3A_10 = arith.constant 0 : i32
    %dma_start3A_11 = tpu.memref_slice %arg6[%dma_start3A, %dma_start3A_9, %dma_start3A_10] : memref<2x16x128xi32, #tpu.memory_space<vmem>> -> memref<1x16x128xi32, #tpu.memory_space<vmem>>
    %dma_start3A_12 = tpu.memref_squeeze %dma_start3A_11 : memref<1x16x128xi32, #tpu.memory_space<vmem>> -> memref<16x128xi32, #tpu.memory_space<vmem>>
    %dma_start3A_13 = arith.constant 0 : i32
    %dma_start3A_14 = tpu.memref_slice %arg3[%mul3A_2, %dma_start3A_13] : memref<2560x128xi32, #tpu.memory_space<hbm>> -> memref<16x128xi32, #tpu.memory_space<hbm>>
    tpu.enqueue_dma source(%dma_start3A_14 : memref<16x128xi32, #tpu.memory_space<hbm>>) target(%dma_start3A_12 : memref<16x128xi32, #tpu.memory_space<vmem>>) target_semaphore(%arg11 : memref<!tpu.dma_semaphore, #tpu.memory_space<semaphore_mem>>)
    %dma_start3A_15 = arith.constant 0 : i32
    %dma_start3A_16 = arith.constant 0 : i32
    %dma_start3A_17 = arith.constant 0 : i32
    %dma_start3A_18 = tpu.memref_slice %arg7[%dma_start3A_15, %dma_start3A_16, %dma_start3A_17] : memref<2x16x128xi32, #tpu.memory_space<vmem>> -> memref<1x16x128xi32, #tpu.memory_space<vmem>>
    %dma_start3A_19 = tpu.memref_squeeze %dma_start3A_18 : memref<1x16x128xi32, #tpu.memory_space<vmem>> -> memref<16x128xi32, #tpu.memory_space<vmem>>
    %dma_start3A_20 = arith.constant 0 : i32
    %dma_start3A_21 = tpu.memref_slice %arg4[%mul3A_2, %dma_start3A_20] : memref<2560x128xi32, #tpu.memory_space<hbm>> -> memref<16x128xi32, #tpu.memory_space<hbm>>
    %dma_start3A_22 = arith.constant 0 : i32
    %dma_start3A_23 = arith.constant 0 : i32
    %dma_start3A_24 = tpu.memref_slice %arg7[%dma_start3A_15, %dma_start3A_22, %dma_start3A_23] : memref<2x16x128xi32, #tpu.memory_space<vmem>> -> memref<1x16x128xi32, #tpu.memory_space<vmem>>
    %dma_start3A_25 = tpu.memref_squeeze %dma_start3A_24 : memref<1x16x128xi32, #tpu.memory_space<vmem>> -> memref<16x128xi32, #tpu.memory_space<vmem>>
    %dma_start3A_26 = arith.constant 0 : i32
    %dma_start3A_27 = tpu.memref_slice %arg4[%mul3A_2, %dma_start3A_26] : memref<2560x128xi32, #tpu.memory_space<hbm>> -> memref<16x128xi32, #tpu.memory_space<hbm>>
    tpu.enqueue_dma source(%dma_start3A_27 : memref<16x128xi32, #tpu.memory_space<hbm>>) target(%dma_start3A_25 : memref<16x128xi32, #tpu.memory_space<vmem>>) target_semaphore(%arg11 : memref<!tpu.dma_semaphore, #tpu.memory_space<semaphore_mem>>)
    "tpu.region"() ({
      %run_scoped3A = tpu.sem_alloc : memref<!tpu.dma_semaphore, #tpu.memory_space<semaphore_mem>>
      %dma_start3A_34 = arith.constant 0 : i32
      %dma_start3A_35 = tpu.memref_slice %arg10[%mul3A_0, %dma_start3A_34] : memref<10112x128xf32, #tpu.memory_space<vmem_shared>> -> memref<632x128xf32, #tpu.memory_space<vmem_shared>>
      %dma_start3A_36 = arith.constant 0 : i32
      %dma_start3A_37 = tpu.memref_slice %arg2[%arg0, %mul3A_0, %dma_start3A_36] : memref<2x10112x128xf32, #tpu.memory_space<hbm>> -> memref<1x632x128xf32, #tpu.memory_space<hbm>>
      %dma_start3A_38 = tpu.memref_squeeze %dma_start3A_37 : memref<1x632x128xf32, #tpu.memory_space<hbm>> -> memref<632x128xf32, #tpu.memory_space<hbm>>
      tpu.enqueue_dma source(%dma_start3A_38 : memref<632x128xf32, #tpu.memory_space<hbm>>) target(%dma_start3A_35 : memref<632x128xf32, #tpu.memory_space<vmem_shared>>) target_semaphore(%run_scoped3A : memref<!tpu.dma_semaphore, #tpu.memory_space<semaphore_mem>>)
      %dma_wait3A = arith.constant 0 : i32
      %dma_wait3A_39 = tpu.memref_slice %arg10[%mul3A_0, %dma_wait3A] : memref<10112x128xf32, #tpu.memory_space<vmem_shared>> -> memref<632x128xf32, #tpu.memory_space<vmem_shared>>
      %dma_wait3A_40 = arith.constant 0 : i32
      %dma_wait3A_41 = tpu.memref_slice %arg2[%arg0, %mul3A_0, %dma_wait3A_40] : memref<2x10112x128xf32, #tpu.memory_space<hbm>> -> memref<1x632x128xf32, #tpu.memory_space<hbm>>
      %dma_wait3A_42 = tpu.memref_squeeze %dma_wait3A_41 : memref<1x632x128xf32, #tpu.memory_space<hbm>> -> memref<632x128xf32, #tpu.memory_space<hbm>>
      tpu.wait_dma2 semaphore(%run_scoped3A : memref<!tpu.dma_semaphore, #tpu.memory_space<semaphore_mem>>) src(%dma_wait3A_42 : memref<632x128xf32, #tpu.memory_space<hbm>>) dst(%dma_wait3A_39 : memref<632x128xf32, #tpu.memory_space<vmem_shared>>)
      tpu.yield
    }) : () -> ()
    %barrier3A = arith.constant 0 : index
    tpu.barrier barrier_id(%barrier3A)
    %scan3A = arith.constant 0 : i32
    %scan3A_28 = arith.constant 0 : i32
    %scan3A_29 = arith.constant 10 : i32
    %scan3A_30 = arith.addi %scan3A_28, %scan3A_29 : i32
    %scan3A_31 = arith.constant 1 : i32
    scf.for %scan3A_34 = %scan3A_28 to %scan3A_30 step %scan3A_31  : i32 {
      %rem3A = arith.constant 2 : i32
      %rem3A_35 = arith.remsi %scan3A_34, %rem3A : i32
      %dma_wait3A = arith.constant 0 : i32
      %dma_wait3A_36 = arith.constant 0 : i32
      %dma_wait3A_37 = tpu.memref_slice %arg6[%rem3A_35, %dma_wait3A, %dma_wait3A_36] : memref<2x16x128xi32, #tpu.memory_space<vmem>> -> memref<1x16x128xi32, #tpu.memory_space<vmem>>
      %dma_wait3A_38 = tpu.memref_squeeze %dma_wait3A_37 : memref<1x16x128xi32, #tpu.memory_space<vmem>> -> memref<16x128xi32, #tpu.memory_space<vmem>>
      %dma_wait3A_39 = arith.constant 0 : i32
      %dma_wait3A_40 = tpu.memref_slice %arg3[%mul3A_2, %dma_wait3A_39] : memref<2560x128xi32, #tpu.memory_space<hbm>> -> memref<16x128xi32, #tpu.memory_space<hbm>>
      %dma_wait3A_41 = arith.constant 0 : i32
      %dma_wait3A_42 = arith.constant 0 : i32
      %dma_wait3A_43 = tpu.memref_slice %arg6[%rem3A_35, %dma_wait3A_41, %dma_wait3A_42] : memref<2x16x128xi32, #tpu.memory_space<vmem>> -> memref<1x16x128xi32, #tpu.memory_space<vmem>>
      %dma_wait3A_44 = tpu.memref_squeeze %dma_wait3A_43 : memref<1x16x128xi32, #tpu.memory_space<vmem>> -> memref<16x128xi32, #tpu.memory_space<vmem>>
      %dma_wait3A_45 = arith.constant 0 : i32
      %dma_wait3A_46 = tpu.memref_slice %arg3[%mul3A_2, %dma_wait3A_45] : memref<2560x128xi32, #tpu.memory_space<hbm>> -> memref<16x128xi32, #tpu.memory_space<hbm>>
      tpu.wait_dma2 semaphore(%arg11 : memref<!tpu.dma_semaphore, #tpu.memory_space<semaphore_mem>>) src(%dma_wait3A_46 : memref<16x128xi32, #tpu.memory_space<hbm>>) dst(%dma_wait3A_44 : memref<16x128xi32, #tpu.memory_space<vmem>>)
      %dma_wait3A_47 = arith.constant 0 : i32
      %dma_wait3A_48 = arith.constant 0 : i32
      %dma_wait3A_49 = tpu.memref_slice %arg7[%rem3A_35, %dma_wait3A_47, %dma_wait3A_48] : memref<2x16x128xi32, #tpu.memory_space<vmem>> -> memref<1x16x128xi32, #tpu.memory_space<vmem>>
      %dma_wait3A_50 = tpu.memref_squeeze %dma_wait3A_49 : memref<1x16x128xi32, #tpu.memory_space<vmem>> -> memref<16x128xi32, #tpu.memory_space<vmem>>
      %dma_wait3A_51 = arith.constant 0 : i32
      %dma_wait3A_52 = tpu.memref_slice %arg4[%mul3A_2, %dma_wait3A_51] : memref<2560x128xi32, #tpu.memory_space<hbm>> -> memref<16x128xi32, #tpu.memory_space<hbm>>
      %dma_wait3A_53 = arith.constant 0 : i32
      %dma_wait3A_54 = arith.constant 0 : i32
      %dma_wait3A_55 = tpu.memref_slice %arg7[%rem3A_35, %dma_wait3A_53, %dma_wait3A_54] : memref<2x16x128xi32, #tpu.memory_space<vmem>> -> memref<1x16x128xi32, #tpu.memory_space<vmem>>
      %dma_wait3A_56 = tpu.memref_squeeze %dma_wait3A_55 : memref<1x16x128xi32, #tpu.memory_space<vmem>> -> memref<16x128xi32, #tpu.memory_space<vmem>>
      %dma_wait3A_57 = arith.constant 0 : i32
      %dma_wait3A_58 = tpu.memref_slice %arg4[%mul3A_2, %dma_wait3A_57] : memref<2560x128xi32, #tpu.memory_space<hbm>> -> memref<16x128xi32, #tpu.memory_space<hbm>>
      tpu.wait_dma2 semaphore(%arg11 : memref<!tpu.dma_semaphore, #tpu.memory_space<semaphore_mem>>) src(%dma_wait3A_58 : memref<16x128xi32, #tpu.memory_space<hbm>>) dst(%dma_wait3A_56 : memref<16x128xi32, #tpu.memory_space<vmem>>)
      %add3A = arith.constant 1 : i32
      %add3A_59 = arith.addi %scan3A_34, %add3A : i32
      %lt3A = arith.constant 10 : i32
      %lt3A_60 = arith.cmpi slt, %add3A_59, %lt3A : i32
      %convert_element_type3A = arith.extui %lt3A_60 : i1 to i32
      %cond3A = arith.constant 0 : i32
      %cond3A_61 = arith.cmpi ne, %convert_element_type3A, %cond3A : i32
      scf.if %cond3A_61 {
        %add3A_98 = arith.constant 1 : i32
        %add3A_99 = arith.addi %scan3A_34, %add3A_98 : i32
        %mul3A_100 = arith.constant 16 : i32
        %mul3A_101 = arith.muli %add3A_99, %mul3A_100 : i32
        %add3A_102 = arith.addi %mul3A_2, %mul3A_101 : i32
        %sub3A = arith.constant 1 : i32
        %sub3A_103 = arith.subi %sub3A, %rem3A_35 : i32
        %dma_start3A_104 = arith.constant 0 : i32
        %dma_start3A_105 = arith.constant 0 : i32
        %dma_start3A_106 = tpu.memref_slice %arg6[%sub3A_103, %dma_start3A_104, %dma_start3A_105] : memref<2x16x128xi32, #tpu.memory_space<vmem>> -> memref<1x16x128xi32, #tpu.memory_space<vmem>>
        %dma_start3A_107 = tpu.memref_squeeze %dma_start3A_106 : memref<1x16x128xi32, #tpu.memory_space<vmem>> -> memref<16x128xi32, #tpu.memory_space<vmem>>
        %dma_start3A_108 = arith.constant 0 : i32
        %dma_start3A_109 = tpu.memref_slice %arg3[%add3A_102, %dma_start3A_108] : memref<2560x128xi32, #tpu.memory_space<hbm>> -> memref<16x128xi32, #tpu.memory_space<hbm>>
        %dma_start3A_110 = arith.constant 0 : i32
        %dma_start3A_111 = arith.constant 0 : i32
        %dma_start3A_112 = tpu.memref_slice %arg6[%sub3A_103, %dma_start3A_110, %dma_start3A_111] : memref<2x16x128xi32, #tpu.memory_space<vmem>> -> memref<1x16x128xi32, #tpu.memory_space<vmem>>
        %dma_start3A_113 = tpu.memref_squeeze %dma_start3A_112 : memref<1x16x128xi32, #tpu.memory_space<vmem>> -> memref<16x128xi32, #tpu.memory_space<vmem>>
        %dma_start3A_114 = arith.constant 0 : i32
        %dma_start3A_115 = tpu.memref_slice %arg3[%add3A_102, %dma_start3A_114] : memref<2560x128xi32, #tpu.memory_space<hbm>> -> memref<16x128xi32, #tpu.memory_space<hbm>>
        tpu.enqueue_dma source(%dma_start3A_115 : memref<16x128xi32, #tpu.memory_space<hbm>>) target(%dma_start3A_113 : memref<16x128xi32, #tpu.memory_space<vmem>>) target_semaphore(%arg11 : memref<!tpu.dma_semaphore, #tpu.memory_space<semaphore_mem>>)
        %sub3A_116 = arith.constant 1 : i32
        %sub3A_117 = arith.subi %sub3A_116, %rem3A_35 : i32
        %dma_start3A_118 = arith.constant 0 : i32
        %dma_start3A_119 = arith.constant 0 : i32
        %dma_start3A_120 = tpu.memref_slice %arg7[%sub3A_117, %dma_start3A_118, %dma_start3A_119] : memref<2x16x128xi32, #tpu.memory_space<vmem>> -> memref<1x16x128xi32, #tpu.memory_space<vmem>>
        %dma_start3A_121 = tpu.memref_squeeze %dma_start3A_120 : memref<1x16x128xi32, #tpu.memory_space<vmem>> -> memref<16x128xi32, #tpu.memory_space<vmem>>
        %dma_start3A_122 = arith.constant 0 : i32
        %dma_start3A_123 = tpu.memref_slice %arg4[%add3A_102, %dma_start3A_122] : memref<2560x128xi32, #tpu.memory_space<hbm>> -> memref<16x128xi32, #tpu.memory_space<hbm>>
        %dma_start3A_124 = arith.constant 0 : i32
        %dma_start3A_125 = arith.constant 0 : i32
        %dma_start3A_126 = tpu.memref_slice %arg7[%sub3A_117, %dma_start3A_124, %dma_start3A_125] : memref<2x16x128xi32, #tpu.memory_space<vmem>> -> memref<1x16x128xi32, #tpu.memory_space<vmem>>
        %dma_start3A_127 = tpu.memref_squeeze %dma_start3A_126 : memref<1x16x128xi32, #tpu.memory_space<vmem>> -> memref<16x128xi32, #tpu.memory_space<vmem>>
        %dma_start3A_128 = arith.constant 0 : i32
        %dma_start3A_129 = tpu.memref_slice %arg4[%add3A_102, %dma_start3A_128] : memref<2560x128xi32, #tpu.memory_space<hbm>> -> memref<16x128xi32, #tpu.memory_space<hbm>>
        tpu.enqueue_dma source(%dma_start3A_129 : memref<16x128xi32, #tpu.memory_space<hbm>>) target(%dma_start3A_127 : memref<16x128xi32, #tpu.memory_space<vmem>>) target_semaphore(%arg11 : memref<!tpu.dma_semaphore, #tpu.memory_space<semaphore_mem>>)
      } else {
      }
      %dma_start3A_62 = arith.constant 0 : i32
      %dma_start3A_63 = arith.constant 0 : i32
      %dma_start3A_64 = arith.constant 0 : i32
      %dma_start3A_65 = tpu.memref_slice %arg6[%rem3A_35, %dma_start3A_63, %dma_start3A_64] : memref<2x16x128xi32, #tpu.memory_space<vmem>> -> memref<1x16x128xi32, #tpu.memory_space<vmem>>
      %dma_start3A_66 = tpu.memref_squeeze %dma_start3A_65 : memref<1x16x128xi32, #tpu.memory_space<vmem>> -> memref<16x128xi32, #tpu.memory_space<vmem>>
      %dma_start3A_67 = arith.constant 0 : i32
      %dma_start3A_68 = tpu.memref_slice %dma_start3A_66[%dma_start3A_62, %dma_start3A_67] : memref<16x128xi32, #tpu.memory_space<vmem>> -> memref<1x128xi32, #tpu.memory_space<vmem>>
      %dma_start3A_69 = tpu.memref_squeeze %dma_start3A_68 : memref<1x128xi32, #tpu.memory_space<vmem>> -> memref<128xi32, #tpu.memory_space<vmem>>
      %dma_start3A_70 = arith.constant 0 : i32
      %dma_start3A_71 = arith.constant 0 : i32
      %dma_start3A_72 = tpu.memref_slice %arg2[%arg0, %dma_start3A_70, %dma_start3A_71] : memref<2x10112x128xf32, #tpu.memory_space<hbm>> -> memref<1x10112x128xf32, #tpu.memory_space<hbm>>
      %dma_start3A_73 = tpu.memref_squeeze %dma_start3A_72 : memref<1x10112x128xf32, #tpu.memory_space<hbm>> -> memref<10112x128xf32, #tpu.memory_space<hbm>>
      %dma_start3A_74 = arith.constant 0 : i32
      %dma_start3A_75 = arith.constant 0 : i32
      %dma_start3A_76 = tpu.memref_slice %dma_start3A_73[%dma_start3A_74, %dma_start3A_75] : memref<10112x128xf32, #tpu.memory_space<hbm>> -> memref<10112x128xf32, #tpu.memory_space<hbm>>
      tpu.enqueue_indirect_dma source(%dma_start3A_76 : memref<10112x128xf32, #tpu.memory_space<hbm>>) target(%arg8 : memref<128x128xf32, #tpu.memory_space<vmem>>) offsets(%dma_start3A_69 : memref<128xi32, #tpu.memory_space<vmem>>) semaphore(%arg12 : memref<!tpu.dma_semaphore, #tpu.memory_space<semaphore_mem>>)
      %dma_start3A_77 = arith.constant 1 : i32
      %dma_start3A_78 = arith.constant 0 : i32
      %dma_start3A_79 = arith.constant 0 : i32
      %dma_start3A_80 = tpu.memref_slice %arg6[%rem3A_35, %dma_start3A_78, %dma_start3A_79] : memref<2x16x128xi32, #tpu.memory_space<vmem>> -> memref<1x16x128xi32, #tpu.memory_space<vmem>>
      %dma_start3A_81 = tpu.memref_squeeze %dma_start3A_80 : memref<1x16x128xi32, #tpu.memory_space<vmem>> -> memref<16x128xi32, #tpu.memory_space<vmem>>
      %dma_start3A_82 = arith.constant 0 : i32
      %dma_start3A_83 = tpu.memref_slice %dma_start3A_81[%dma_start3A_77, %dma_start3A_82] : memref<16x128xi32, #tpu.memory_space<vmem>> -> memref<1x128xi32, #tpu.memory_space<vmem>>
      %dma_start3A_84 = tpu.memref_squeeze %dma_start3A_83 : memref<1x128xi32, #tpu.memory_space<vmem>> -> memref<128xi32, #tpu.memory_space<vmem>>
      %dma_start3A_85 = arith.constant 0 : i32
      %dma_start3A_86 = arith.constant 0 : i32
      %dma_start3A_87 = tpu.memref_slice %arg2[%arg0, %dma_start3A_85, %dma_start3A_86] : memref<2x10112x128xf32, #tpu.memory_space<hbm>> -> memref<1x10112x128xf32, #tpu.memory_space<hbm>>
      %dma_start3A_88 = tpu.memref_squeeze %dma_start3A_87 : memref<1x10112x128xf32, #tpu.memory_space<hbm>> -> memref<10112x128xf32, #tpu.memory_space<hbm>>
      %dma_start3A_89 = arith.constant 0 : i32
      %dma_start3A_90 = arith.constant 0 : i32
      %dma_start3A_91 = tpu.memref_slice %dma_start3A_88[%dma_start3A_89, %dma_start3A_90] : memref<10112x128xf32, #tpu.memory_space<hbm>> -> memref<10112x128xf32, #tpu.memory_space<hbm>>
      tpu.enqueue_indirect_dma source(%dma_start3A_91 : memref<10112x128xf32, #tpu.memory_space<hbm>>) target(%arg9 : memref<128x128xf32, #tpu.memory_space<vmem>>) offsets(%dma_start3A_84 : memref<128xi32, #tpu.memory_space<vmem>>) semaphore(%arg13 : memref<!tpu.dma_semaphore, #tpu.memory_space<semaphore_mem>>)
      %scan3A_92 = arith.constant 0 : i32
      %scan3A_93 = arith.constant 0 : i32
      %scan3A_94 = arith.constant 8 : i32
      %scan3A_95 = arith.addi %scan3A_93, %scan3A_94 : i32
      %scan3A_96 = arith.constant 1 : i32
      scf.for %scan3A_98 = %scan3A_93 to %scan3A_95 step %scan3A_96  : i32 {
        %mul3A_99 = arith.constant 2 : i32
        %mul3A_100 = arith.muli %mul3A_99, %scan3A_98 : i32
        %dma_wait3A_101 = arith.constant 0 : i32
        %dma_wait3A_102 = arith.constant 0 : i32
        %dma_wait3A_103 = tpu.memref_slice %arg6[%rem3A_35, %dma_wait3A_101, %dma_wait3A_102] : memref<2x16x128xi32, #tpu.memory_space<vmem>> -> memref<1x16x128xi32, #tpu.memory_space<vmem>>
        %dma_wait3A_104 = tpu.memref_squeeze %dma_wait3A_103 : memref<1x16x128xi32, #tpu.memory_space<vmem>> -> memref<16x128xi32, #tpu.memory_space<vmem>>
        %dma_wait3A_105 = arith.constant 0 : i32
        %dma_wait3A_106 = tpu.memref_slice %dma_wait3A_104[%mul3A_100, %dma_wait3A_105] : memref<16x128xi32, #tpu.memory_space<vmem>> -> memref<1x128xi32, #tpu.memory_space<vmem>>
        %dma_wait3A_107 = tpu.memref_squeeze %dma_wait3A_106 : memref<1x128xi32, #tpu.memory_space<vmem>> -> memref<128xi32, #tpu.memory_space<vmem>>
        %dma_wait3A_108 = arith.constant 0 : i32
        %dma_wait3A_109 = arith.constant 0 : i32
        %dma_wait3A_110 = tpu.memref_slice %arg2[%arg0, %dma_wait3A_108, %dma_wait3A_109] : memref<2x10112x128xf32, #tpu.memory_space<hbm>> -> memref<1x10112x128xf32, #tpu.memory_space<hbm>>
        %dma_wait3A_111 = tpu.memref_squeeze %dma_wait3A_110 : memref<1x10112x128xf32, #tpu.memory_space<hbm>> -> memref<10112x128xf32, #tpu.memory_space<hbm>>
        %dma_wait3A_112 = arith.constant 0 : i32
        %dma_wait3A_113 = arith.constant 0 : i32
        %dma_wait3A_114 = tpu.memref_slice %dma_wait3A_111[%dma_wait3A_112, %dma_wait3A_113] : memref<10112x128xf32, #tpu.memory_space<hbm>> -> memref<10112x128xf32, #tpu.memory_space<hbm>>
        tpu.wait_indirect_dma semaphore(%arg12 : memref<!tpu.dma_semaphore, #tpu.memory_space<semaphore_mem>>) src(%dma_wait3A_114 : memref<10112x128xf32, #tpu.memory_space<hbm>>) dst(%arg8 : memref<128x128xf32, #tpu.memory_space<vmem>>)
        "tpu.region"() ({
          %run_scoped3A = tpu.sem_alloc : memref<!tpu.dma_semaphore, #tpu.memory_space<semaphore_mem>>
          %dma_start3A_147 = arith.constant 0 : i32
          %dma_start3A_148 = arith.constant 0 : i32
          %dma_start3A_149 = tpu.memref_slice %arg7[%rem3A_35, %dma_start3A_147, %dma_start3A_148] : memref<2x16x128xi32, #tpu.memory_space<vmem>> -> memref<1x16x128xi32, #tpu.memory_space<vmem>>
          %dma_start3A_150 = tpu.memref_squeeze %dma_start3A_149 : memref<1x16x128xi32, #tpu.memory_space<vmem>> -> memref<16x128xi32, #tpu.memory_space<vmem>>
          %dma_start3A_151 = arith.constant 0 : i32
          %dma_start3A_152 = tpu.memref_slice %dma_start3A_150[%mul3A_100, %dma_start3A_151] : memref<16x128xi32, #tpu.memory_space<vmem>> -> memref<1x128xi32, #tpu.memory_space<vmem>>
          %dma_start3A_153 = tpu.memref_squeeze %dma_start3A_152 : memref<1x128xi32, #tpu.memory_space<vmem>> -> memref<128xi32, #tpu.memory_space<vmem>>
          %dma_start3A_154 = arith.constant 0 : i32
          %dma_start3A_155 = arith.constant 0 : i32
          %dma_start3A_156 = tpu.memref_slice %arg10[%dma_start3A_154, %dma_start3A_155] : memref<10112x128xf32, #tpu.memory_space<vmem_shared>> -> memref<10112x128xf32, #tpu.memory_space<vmem_shared>>
          tpu.enqueue_indirect_dma source(%arg8 : memref<128x128xf32, #tpu.memory_space<vmem>>) target(%dma_start3A_156 : memref<10112x128xf32, #tpu.memory_space<vmem_shared>>) offsets(%dma_start3A_153 : memref<128xi32, #tpu.memory_space<vmem>>) semaphore(%run_scoped3A : memref<!tpu.dma_semaphore, #tpu.memory_space<semaphore_mem>>) {add = true}
          %dma_wait3A_157 = arith.constant 0 : i32
          %dma_wait3A_158 = arith.constant 0 : i32
          %dma_wait3A_159 = tpu.memref_slice %arg7[%rem3A_35, %dma_wait3A_157, %dma_wait3A_158] : memref<2x16x128xi32, #tpu.memory_space<vmem>> -> memref<1x16x128xi32, #tpu.memory_space<vmem>>
          %dma_wait3A_160 = tpu.memref_squeeze %dma_wait3A_159 : memref<1x16x128xi32, #tpu.memory_space<vmem>> -> memref<16x128xi32, #tpu.memory_space<vmem>>
          %dma_wait3A_161 = arith.constant 0 : i32
          %dma_wait3A_162 = tpu.memref_slice %dma_wait3A_160[%mul3A_100, %dma_wait3A_161] : memref<16x128xi32, #tpu.memory_space<vmem>> -> memref<1x128xi32, #tpu.memory_space<vmem>>
          %dma_wait3A_163 = tpu.memref_squeeze %dma_wait3A_162 : memref<1x128xi32, #tpu.memory_space<vmem>> -> memref<128xi32, #tpu.memory_space<vmem>>
          %dma_wait3A_164 = arith.constant 0 : i32
          %dma_wait3A_165 = arith.constant 0 : i32
          %dma_wait3A_166 = tpu.memref_slice %arg10[%dma_wait3A_164, %dma_wait3A_165] : memref<10112x128xf32, #tpu.memory_space<vmem_shared>> -> memref<10112x128xf32, #tpu.memory_space<vmem_shared>>
          tpu.wait_indirect_dma semaphore(%run_scoped3A : memref<!tpu.dma_semaphore, #tpu.memory_space<semaphore_mem>>) src(%arg8 : memref<128x128xf32, #tpu.memory_space<vmem>>) dst(%dma_wait3A_166 : memref<10112x128xf32, #tpu.memory_space<vmem_shared>>)
          tpu.yield
        }) : () -> ()
        %add3A_115 = arith.constant 1 : i32
        %add3A_116 = arith.addi %scan3A_98, %add3A_115 : i32
        %lt3A_117 = arith.constant 8 : i32
        %lt3A_118 = arith.cmpi slt, %add3A_116, %lt3A_117 : i32
        %convert_element_type3A_119 = arith.extui %lt3A_118 : i1 to i32
        %cond3A_120 = arith.constant 0 : i32
        %cond3A_121 = arith.cmpi ne, %convert_element_type3A_119, %cond3A_120 : i32
        scf.if %cond3A_121 {
          %add3A_147 = arith.constant 2 : i32
          %add3A_148 = arith.addi %mul3A_100, %add3A_147 : i32
          %dma_start3A_149 = arith.constant 0 : i32
          %dma_start3A_150 = arith.constant 0 : i32
          %dma_start3A_151 = tpu.memref_slice %arg6[%rem3A_35, %dma_start3A_149, %dma_start3A_150] : memref<2x16x128xi32, #tpu.memory_space<vmem>> -> memref<1x16x128xi32, #tpu.memory_space<vmem>>
          %dma_start3A_152 = tpu.memref_squeeze %dma_start3A_151 : memref<1x16x128xi32, #tpu.memory_space<vmem>> -> memref<16x128xi32, #tpu.memory_space<vmem>>
          %dma_start3A_153 = arith.constant 0 : i32
          %dma_start3A_154 = tpu.memref_slice %dma_start3A_152[%add3A_148, %dma_start3A_153] : memref<16x128xi32, #tpu.memory_space<vmem>> -> memref<1x128xi32, #tpu.memory_space<vmem>>
          %dma_start3A_155 = tpu.memref_squeeze %dma_start3A_154 : memref<1x128xi32, #tpu.memory_space<vmem>> -> memref<128xi32, #tpu.memory_space<vmem>>
          %dma_start3A_156 = arith.constant 0 : i32
          %dma_start3A_157 = arith.constant 0 : i32
          %dma_start3A_158 = tpu.memref_slice %arg2[%arg0, %dma_start3A_156, %dma_start3A_157] : memref<2x10112x128xf32, #tpu.memory_space<hbm>> -> memref<1x10112x128xf32, #tpu.memory_space<hbm>>
          %dma_start3A_159 = tpu.memref_squeeze %dma_start3A_158 : memref<1x10112x128xf32, #tpu.memory_space<hbm>> -> memref<10112x128xf32, #tpu.memory_space<hbm>>
          %dma_start3A_160 = arith.constant 0 : i32
          %dma_start3A_161 = arith.constant 0 : i32
          %dma_start3A_162 = tpu.memref_slice %dma_start3A_159[%dma_start3A_160, %dma_start3A_161] : memref<10112x128xf32, #tpu.memory_space<hbm>> -> memref<10112x128xf32, #tpu.memory_space<hbm>>
          tpu.enqueue_indirect_dma source(%dma_start3A_162 : memref<10112x128xf32, #tpu.memory_space<hbm>>) target(%arg8 : memref<128x128xf32, #tpu.memory_space<vmem>>) offsets(%dma_start3A_155 : memref<128xi32, #tpu.memory_space<vmem>>) semaphore(%arg12 : memref<!tpu.dma_semaphore, #tpu.memory_space<semaphore_mem>>)
        } else {
        }
        %add3A_122 = arith.constant 1 : i32
        %add3A_123 = arith.addi %mul3A_100, %add3A_122 : i32
        %dma_wait3A_124 = arith.constant 0 : i32
        %dma_wait3A_125 = arith.constant 0 : i32
        %dma_wait3A_126 = tpu.memref_slice %arg6[%rem3A_35, %dma_wait3A_124, %dma_wait3A_125] : memref<2x16x128xi32, #tpu.memory_space<vmem>> -> memref<1x16x128xi32, #tpu.memory_space<vmem>>
        %dma_wait3A_127 = tpu.memref_squeeze %dma_wait3A_126 : memref<1x16x128xi32, #tpu.memory_space<vmem>> -> memref<16x128xi32, #tpu.memory_space<vmem>>
        %dma_wait3A_128 = arith.constant 0 : i32
        %dma_wait3A_129 = tpu.memref_slice %dma_wait3A_127[%add3A_123, %dma_wait3A_128] : memref<16x128xi32, #tpu.memory_space<vmem>> -> memref<1x128xi32, #tpu.memory_space<vmem>>
        %dma_wait3A_130 = tpu.memref_squeeze %dma_wait3A_129 : memref<1x128xi32, #tpu.memory_space<vmem>> -> memref<128xi32, #tpu.memory_space<vmem>>
        %dma_wait3A_131 = arith.constant 0 : i32
        %dma_wait3A_132 = arith.constant 0 : i32
        %dma_wait3A_133 = tpu.memref_slice %arg2[%arg0, %dma_wait3A_131, %dma_wait3A_132] : memref<2x10112x128xf32, #tpu.memory_space<hbm>> -> memref<1x10112x128xf32, #tpu.memory_space<hbm>>
        %dma_wait3A_134 = tpu.memref_squeeze %dma_wait3A_133 : memref<1x10112x128xf32, #tpu.memory_space<hbm>> -> memref<10112x128xf32, #tpu.memory_space<hbm>>
        %dma_wait3A_135 = arith.constant 0 : i32
        %dma_wait3A_136 = arith.constant 0 : i32
        %dma_wait3A_137 = tpu.memref_slice %dma_wait3A_134[%dma_wait3A_135, %dma_wait3A_136] : memref<10112x128xf32, #tpu.memory_space<hbm>> -> memref<10112x128xf32, #tpu.memory_space<hbm>>
        tpu.wait_indirect_dma semaphore(%arg13 : memref<!tpu.dma_semaphore, #tpu.memory_space<semaphore_mem>>) src(%dma_wait3A_137 : memref<10112x128xf32, #tpu.memory_space<hbm>>) dst(%arg9 : memref<128x128xf32, #tpu.memory_space<vmem>>)
        %add3A_138 = arith.constant 1 : i32
        %add3A_139 = arith.addi %mul3A_100, %add3A_138 : i32
        "tpu.region"() ({
          %run_scoped3A = tpu.sem_alloc : memref<!tpu.dma_semaphore, #tpu.memory_space<semaphore_mem>>
          %dma_start3A_147 = arith.constant 0 : i32
          %dma_start3A_148 = arith.constant 0 : i32
          %dma_start3A_149 = tpu.memref_slice %arg7[%rem3A_35, %dma_start3A_147, %dma_start3A_148] : memref<2x16x128xi32, #tpu.memory_space<vmem>> -> memref<1x16x128xi32, #tpu.memory_space<vmem>>
          %dma_start3A_150 = tpu.memref_squeeze %dma_start3A_149 : memref<1x16x128xi32, #tpu.memory_space<vmem>> -> memref<16x128xi32, #tpu.memory_space<vmem>>
          %dma_start3A_151 = arith.constant 0 : i32
          %dma_start3A_152 = tpu.memref_slice %dma_start3A_150[%add3A_139, %dma_start3A_151] : memref<16x128xi32, #tpu.memory_space<vmem>> -> memref<1x128xi32, #tpu.memory_space<vmem>>
          %dma_start3A_153 = tpu.memref_squeeze %dma_start3A_152 : memref<1x128xi32, #tpu.memory_space<vmem>> -> memref<128xi32, #tpu.memory_space<vmem>>
          %dma_start3A_154 = arith.constant 0 : i32
          %dma_start3A_155 = arith.constant 0 : i32
          %dma_start3A_156 = tpu.memref_slice %arg10[%dma_start3A_154, %dma_start3A_155] : memref<10112x128xf32, #tpu.memory_space<vmem_shared>> -> memref<10112x128xf32, #tpu.memory_space<vmem_shared>>
          tpu.enqueue_indirect_dma source(%arg9 : memref<128x128xf32, #tpu.memory_space<vmem>>) target(%dma_start3A_156 : memref<10112x128xf32, #tpu.memory_space<vmem_shared>>) offsets(%dma_start3A_153 : memref<128xi32, #tpu.memory_space<vmem>>) semaphore(%run_scoped3A : memref<!tpu.dma_semaphore, #tpu.memory_space<semaphore_mem>>) {add = true}
          %dma_wait3A_157 = arith.constant 0 : i32
          %dma_wait3A_158 = arith.constant 0 : i32
          %dma_wait3A_159 = tpu.memref_slice %arg7[%rem3A_35, %dma_wait3A_157, %dma_wait3A_158] : memref<2x16x128xi32, #tpu.memory_space<vmem>> -> memref<1x16x128xi32, #tpu.memory_space<vmem>>
          %dma_wait3A_160 = tpu.memref_squeeze %dma_wait3A_159 : memref<1x16x128xi32, #tpu.memory_space<vmem>> -> memref<16x128xi32, #tpu.memory_space<vmem>>
          %dma_wait3A_161 = arith.constant 0 : i32
          %dma_wait3A_162 = tpu.memref_slice %dma_wait3A_160[%add3A_139, %dma_wait3A_161] : memref<16x128xi32, #tpu.memory_space<vmem>> -> memref<1x128xi32, #tpu.memory_space<vmem>>
          %dma_wait3A_163 = tpu.memref_squeeze %dma_wait3A_162 : memref<1x128xi32, #tpu.memory_space<vmem>> -> memref<128xi32, #tpu.memory_space<vmem>>
          %dma_wait3A_164 = arith.constant 0 : i32
          %dma_wait3A_165 = arith.constant 0 : i32
          %dma_wait3A_166 = tpu.memref_slice %arg10[%dma_wait3A_164, %dma_wait3A_165] : memref<10112x128xf32, #tpu.memory_space<vmem_shared>> -> memref<10112x128xf32, #tpu.memory_space<vmem_shared>>
          tpu.wait_indirect_dma semaphore(%run_scoped3A : memref<!tpu.dma_semaphore, #tpu.memory_space<semaphore_mem>>) src(%arg9 : memref<128x128xf32, #tpu.memory_space<vmem>>) dst(%dma_wait3A_166 : memref<10112x128xf32, #tpu.memory_space<vmem_shared>>)
          tpu.yield
        }) : () -> ()
        %add3A_140 = arith.constant 1 : i32
        %add3A_141 = arith.addi %scan3A_98, %add3A_140 : i32
        %lt3A_142 = arith.constant 8 : i32
        %lt3A_143 = arith.cmpi slt, %add3A_141, %lt3A_142 : i32
        %convert_element_type3A_144 = arith.extui %lt3A_143 : i1 to i32
        %cond3A_145 = arith.constant 0 : i32
        %cond3A_146 = arith.cmpi ne, %convert_element_type3A_144, %cond3A_145 : i32
        scf.if %cond3A_146 {
          %add3A_147 = arith.constant 3 : i32
          %add3A_148 = arith.addi %mul3A_100, %add3A_147 : i32
          %dma_start3A_149 = arith.constant 0 : i32
          %dma_start3A_150 = arith.constant 0 : i32
          %dma_start3A_151 = tpu.memref_slice %arg6[%rem3A_35, %dma_start3A_149, %dma_start3A_150] : memref<2x16x128xi32, #tpu.memory_space<vmem>> -> memref<1x16x128xi32, #tpu.memory_space<vmem>>
          %dma_start3A_152 = tpu.memref_squeeze %dma_start3A_151 : memref<1x16x128xi32, #tpu.memory_space<vmem>> -> memref<16x128xi32, #tpu.memory_space<vmem>>
          %dma_start3A_153 = arith.constant 0 : i32
          %dma_start3A_154 = tpu.memref_slice %dma_start3A_152[%add3A_148, %dma_start3A_153] : memref<16x128xi32, #tpu.memory_space<vmem>> -> memref<1x128xi32, #tpu.memory_space<vmem>>
          %dma_start3A_155 = tpu.memref_squeeze %dma_start3A_154 : memref<1x128xi32, #tpu.memory_space<vmem>> -> memref<128xi32, #tpu.memory_space<vmem>>
          %dma_start3A_156 = arith.constant 0 : i32
          %dma_start3A_157 = arith.constant 0 : i32
          %dma_start3A_158 = tpu.memref_slice %arg2[%arg0, %dma_start3A_156, %dma_start3A_157] : memref<2x10112x128xf32, #tpu.memory_space<hbm>> -> memref<1x10112x128xf32, #tpu.memory_space<hbm>>
          %dma_start3A_159 = tpu.memref_squeeze %dma_start3A_158 : memref<1x10112x128xf32, #tpu.memory_space<hbm>> -> memref<10112x128xf32, #tpu.memory_space<hbm>>
          %dma_start3A_160 = arith.constant 0 : i32
          %dma_start3A_161 = arith.constant 0 : i32
          %dma_start3A_162 = tpu.memref_slice %dma_start3A_159[%dma_start3A_160, %dma_start3A_161] : memref<10112x128xf32, #tpu.memory_space<hbm>> -> memref<10112x128xf32, #tpu.memory_space<hbm>>
          tpu.enqueue_indirect_dma source(%dma_start3A_162 : memref<10112x128xf32, #tpu.memory_space<hbm>>) target(%arg9 : memref<128x128xf32, #tpu.memory_space<vmem>>) offsets(%dma_start3A_155 : memref<128xi32, #tpu.memory_space<vmem>>) semaphore(%arg13 : memref<!tpu.dma_semaphore, #tpu.memory_space<semaphore_mem>>)
        } else {
        }
      }
      %scan3A_97 = arith.constant 8 : i32
    }
    %scan3A_32 = arith.constant 10 : i32
    %barrier3A_33 = arith.constant 0 : index
    tpu.barrier barrier_id(%barrier3A_33)
    "tpu.region"() ({
      %run_scoped3A = tpu.sem_alloc : memref<!tpu.dma_semaphore, #tpu.memory_space<semaphore_mem>>
      %dma_start3A_34 = arith.constant 0 : i32
      %dma_start3A_35 = tpu.memref_slice %arg5[%arg0, %mul3A_0, %dma_start3A_34] : memref<2x10112x128xf32, #tpu.memory_space<hbm>> -> memref<1x632x128xf32, #tpu.memory_space<hbm>>
      %dma_start3A_36 = tpu.memref_squeeze %dma_start3A_35 : memref<1x632x128xf32, #tpu.memory_space<hbm>> -> memref<632x128xf32, #tpu.memory_space<hbm>>
      %dma_start3A_37 = arith.constant 0 : i32
      %dma_start3A_38 = tpu.memref_slice %arg10[%mul3A_0, %dma_start3A_37] : memref<10112x128xf32, #tpu.memory_space<vmem_shared>> -> memref<632x128xf32, #tpu.memory_space<vmem_shared>>
      tpu.enqueue_dma source(%dma_start3A_38 : memref<632x128xf32, #tpu.memory_space<vmem_shared>>) target(%dma_start3A_36 : memref<632x128xf32, #tpu.memory_space<hbm>>) target_semaphore(%run_scoped3A : memref<!tpu.dma_semaphore, #tpu.memory_space<semaphore_mem>>)
      %dma_wait3A = arith.constant 0 : i32
      %dma_wait3A_39 = tpu.memref_slice %arg5[%arg0, %mul3A_0, %dma_wait3A] : memref<2x10112x128xf32, #tpu.memory_space<hbm>> -> memref<1x632x128xf32, #tpu.memory_space<hbm>>
      %dma_wait3A_40 = tpu.memref_squeeze %dma_wait3A_39 : memref<1x632x128xf32, #tpu.memory_space<hbm>> -> memref<632x128xf32, #tpu.memory_space<hbm>>
      %dma_wait3A_41 = arith.constant 0 : i32
      %dma_wait3A_42 = tpu.memref_slice %arg10[%mul3A_0, %dma_wait3A_41] : memref<10112x128xf32, #tpu.memory_space<vmem_shared>> -> memref<632x128xf32, #tpu.memory_space<vmem_shared>>
      tpu.wait_dma2 semaphore(%run_scoped3A : memref<!tpu.dma_semaphore, #tpu.memory_space<semaphore_mem>>) src(%dma_wait3A_42 : memref<632x128xf32, #tpu.memory_space<vmem_shared>>) dst(%dma_wait3A_40 : memref<632x128xf32, #tpu.memory_space<hbm>>)
      tpu.yield
    }) : () -> ()
    return
  }
}

#map = affine_map<(d0, d1) -> (0, 0)>
#map1 = affine_map<(d0, d1) -> (0, 0, 0)>
module attributes {stable_mosaic.version = 14 : i64} {
  func.func @body(%arg0: i32, %arg1: i32, %arg2: memref<2560x128xi32, #tpu.memory_space<hbm>>, %arg3: memref<128x128xf32, #tpu.memory_space<hbm>>, %arg4: memref<10112x128xf32, #tpu.memory_space<hbm>>, %arg5: memref<2x10112x128xf32, #tpu.memory_space<hbm>>, %arg6: memref<128x128xf32, #tpu.memory_space<vmem>>, %arg7: memref<2x16x128xi32, #tpu.memory_space<vmem>>, %arg8: memref<10112x128xf32, #tpu.memory_space<vmem_shared>>, %arg9: memref<!tpu.dma_semaphore, #tpu.memory_space<semaphore_mem>>) attributes {dimension_semantics = [#tpu.dimension_semantics<core_parallel>, #tpu.dimension_semantics<subcore_parallel>], iteration_bounds = array<i64: 2, 16>, scalar_prefetch = 0 : i64, scratch_operands = 4 : i64, tpu.core_type = #tpu.core_type<sc_vector_subcore>, window_params = [{transform_indices = #map}, {transform_indices = #map}, {transform_indices = #map}, {transform_indices = #map1}]} {
    %mul3A = arith.constant 632 : i32
    %mul3A_0 = arith.muli %arg1, %mul3A : i32
    %mul3A_1 = arith.constant 1280 : i32
    %mul3A_2 = arith.muli %arg0, %mul3A_1 : i32
    %mul3A_3 = arith.constant 80 : i32
    %mul3A_4 = arith.muli %arg1, %mul3A_3 : i32
    %add3A = arith.addi %mul3A_2, %mul3A_4 : i32
    %dma_start3A = arith.constant 0 : i32
    %dma_start3A_5 = arith.constant 0 : i32
    %dma_start3A_6 = arith.constant 0 : i32
    %dma_start3A_7 = tpu.memref_slice %arg7[%dma_start3A, %dma_start3A_5, %dma_start3A_6] : memref<2x16x128xi32, #tpu.memory_space<vmem>> -> memref<1x16x128xi32, #tpu.memory_space<vmem>>
    %dma_start3A_8 = tpu.memref_squeeze %dma_start3A_7 : memref<1x16x128xi32, #tpu.memory_space<vmem>> -> memref<16x128xi32, #tpu.memory_space<vmem>>
    %dma_start3A_9 = arith.constant 0 : i32
    %dma_start3A_10 = tpu.memref_slice %arg2[%add3A, %dma_start3A_9] : memref<2560x128xi32, #tpu.memory_space<hbm>> -> memref<16x128xi32, #tpu.memory_space<hbm>>
    %dma_start3A_11 = arith.constant 0 : i32
    %dma_start3A_12 = arith.constant 0 : i32
    %dma_start3A_13 = tpu.memref_slice %arg7[%dma_start3A, %dma_start3A_11, %dma_start3A_12] : memref<2x16x128xi32, #tpu.memory_space<vmem>> -> memref<1x16x128xi32, #tpu.memory_space<vmem>>
    %dma_start3A_14 = tpu.memref_squeeze %dma_start3A_13 : memref<1x16x128xi32, #tpu.memory_space<vmem>> -> memref<16x128xi32, #tpu.memory_space<vmem>>
    %dma_start3A_15 = arith.constant 0 : i32
    %dma_start3A_16 = tpu.memref_slice %arg2[%add3A, %dma_start3A_15] : memref<2560x128xi32, #tpu.memory_space<hbm>> -> memref<16x128xi32, #tpu.memory_space<hbm>>
    tpu.enqueue_dma source(%dma_start3A_16 : memref<16x128xi32, #tpu.memory_space<hbm>>) target(%dma_start3A_14 : memref<16x128xi32, #tpu.memory_space<vmem>>) target_semaphore(%arg9 : memref<!tpu.dma_semaphore, #tpu.memory_space<semaphore_mem>>)
    "tpu.region"() ({
      %run_scoped3A = tpu.sem_alloc : memref<!tpu.dma_semaphore, #tpu.memory_space<semaphore_mem>>
      %dma_start3A_23 = arith.constant 0 : i32
      %dma_start3A_24 = tpu.memref_slice %arg8[%mul3A_0, %dma_start3A_23] : memref<10112x128xf32, #tpu.memory_space<vmem_shared>> -> memref<632x128xf32, #tpu.memory_space<vmem_shared>>
      %dma_start3A_25 = arith.constant 0 : i32
      %dma_start3A_26 = tpu.memref_slice %arg4[%mul3A_0, %dma_start3A_25] : memref<10112x128xf32, #tpu.memory_space<hbm>> -> memref<632x128xf32, #tpu.memory_space<hbm>>
      tpu.enqueue_dma source(%dma_start3A_26 : memref<632x128xf32, #tpu.memory_space<hbm>>) target(%dma_start3A_24 : memref<632x128xf32, #tpu.memory_space<vmem_shared>>) target_semaphore(%run_scoped3A : memref<!tpu.dma_semaphore, #tpu.memory_space<semaphore_mem>>)
      %dma_wait3A = arith.constant 0 : i32
      %dma_wait3A_27 = tpu.memref_slice %arg8[%mul3A_0, %dma_wait3A] : memref<10112x128xf32, #tpu.memory_space<vmem_shared>> -> memref<632x128xf32, #tpu.memory_space<vmem_shared>>
      %dma_wait3A_28 = arith.constant 0 : i32
      %dma_wait3A_29 = tpu.memref_slice %arg4[%mul3A_0, %dma_wait3A_28] : memref<10112x128xf32, #tpu.memory_space<hbm>> -> memref<632x128xf32, #tpu.memory_space<hbm>>
      tpu.wait_dma2 semaphore(%run_scoped3A : memref<!tpu.dma_semaphore, #tpu.memory_space<semaphore_mem>>) src(%dma_wait3A_29 : memref<632x128xf32, #tpu.memory_space<hbm>>) dst(%dma_wait3A_27 : memref<632x128xf32, #tpu.memory_space<vmem_shared>>)
      tpu.yield
    }) : () -> ()
    "tpu.region"() ({
      %run_scoped3A = tpu.sem_alloc : memref<!tpu.dma_semaphore, #tpu.memory_space<semaphore_mem>>
      tpu.enqueue_dma source(%arg3 : memref<128x128xf32, #tpu.memory_space<hbm>>) target(%arg6 : memref<128x128xf32, #tpu.memory_space<vmem>>) target_semaphore(%run_scoped3A : memref<!tpu.dma_semaphore, #tpu.memory_space<semaphore_mem>>)
      tpu.wait_dma2 semaphore(%run_scoped3A : memref<!tpu.dma_semaphore, #tpu.memory_space<semaphore_mem>>) src(%arg3 : memref<128x128xf32, #tpu.memory_space<hbm>>) dst(%arg6 : memref<128x128xf32, #tpu.memory_space<vmem>>)
      tpu.yield
    }) : () -> ()
    %barrier3A = arith.constant 0 : index
    tpu.barrier barrier_id(%barrier3A)
    %scan3A = arith.constant 0 : i32
    %scan3A_17 = arith.constant 0 : i32
    %scan3A_18 = arith.constant 5 : i32
    %scan3A_19 = arith.addi %scan3A_17, %scan3A_18 : i32
    %scan3A_20 = arith.constant 1 : i32
    scf.for %scan3A_23 = %scan3A_17 to %scan3A_19 step %scan3A_20  : i32 {
      %rem3A = arith.constant 2 : i32
      %rem3A_24 = arith.remsi %scan3A_23, %rem3A : i32
      %dma_wait3A = arith.constant 0 : i32
      %dma_wait3A_25 = arith.constant 0 : i32
      %dma_wait3A_26 = tpu.memref_slice %arg7[%rem3A_24, %dma_wait3A, %dma_wait3A_25] : memref<2x16x128xi32, #tpu.memory_space<vmem>> -> memref<1x16x128xi32, #tpu.memory_space<vmem>>
      %dma_wait3A_27 = tpu.memref_squeeze %dma_wait3A_26 : memref<1x16x128xi32, #tpu.memory_space<vmem>> -> memref<16x128xi32, #tpu.memory_space<vmem>>
      %dma_wait3A_28 = arith.constant 0 : i32
      %dma_wait3A_29 = tpu.memref_slice %arg2[%add3A, %dma_wait3A_28] : memref<2560x128xi32, #tpu.memory_space<hbm>> -> memref<16x128xi32, #tpu.memory_space<hbm>>
      %dma_wait3A_30 = arith.constant 0 : i32
      %dma_wait3A_31 = arith.constant 0 : i32
      %dma_wait3A_32 = tpu.memref_slice %arg7[%rem3A_24, %dma_wait3A_30, %dma_wait3A_31] : memref<2x16x128xi32, #tpu.memory_space<vmem>> -> memref<1x16x128xi32, #tpu.memory_space<vmem>>
      %dma_wait3A_33 = tpu.memref_squeeze %dma_wait3A_32 : memref<1x16x128xi32, #tpu.memory_space<vmem>> -> memref<16x128xi32, #tpu.memory_space<vmem>>
      %dma_wait3A_34 = arith.constant 0 : i32
      %dma_wait3A_35 = tpu.memref_slice %arg2[%add3A, %dma_wait3A_34] : memref<2560x128xi32, #tpu.memory_space<hbm>> -> memref<16x128xi32, #tpu.memory_space<hbm>>
      tpu.wait_dma2 semaphore(%arg9 : memref<!tpu.dma_semaphore, #tpu.memory_space<semaphore_mem>>) src(%dma_wait3A_35 : memref<16x128xi32, #tpu.memory_space<hbm>>) dst(%dma_wait3A_33 : memref<16x128xi32, #tpu.memory_space<vmem>>)
      %add3A_36 = arith.constant 1 : i32
      %add3A_37 = arith.addi %scan3A_23, %add3A_36 : i32
      %lt3A = arith.constant 5 : i32
      %lt3A_38 = arith.cmpi slt, %add3A_37, %lt3A : i32
      %convert_element_type3A = arith.extui %lt3A_38 : i1 to i32
      %cond3A = arith.constant 0 : i32
      %cond3A_39 = arith.cmpi ne, %convert_element_type3A, %cond3A : i32
      scf.if %cond3A_39 {
        %add3A_46 = arith.constant 1 : i32
        %add3A_47 = arith.addi %scan3A_23, %add3A_46 : i32
        %mul3A_48 = arith.constant 16 : i32
        %mul3A_49 = arith.muli %add3A_47, %mul3A_48 : i32
        %add3A_50 = arith.addi %add3A, %mul3A_49 : i32
        %sub3A = arith.constant 1 : i32
        %sub3A_51 = arith.subi %sub3A, %rem3A_24 : i32
        %dma_start3A_52 = arith.constant 0 : i32
        %dma_start3A_53 = arith.constant 0 : i32
        %dma_start3A_54 = tpu.memref_slice %arg7[%sub3A_51, %dma_start3A_52, %dma_start3A_53] : memref<2x16x128xi32, #tpu.memory_space<vmem>> -> memref<1x16x128xi32, #tpu.memory_space<vmem>>
        %dma_start3A_55 = tpu.memref_squeeze %dma_start3A_54 : memref<1x16x128xi32, #tpu.memory_space<vmem>> -> memref<16x128xi32, #tpu.memory_space<vmem>>
        %dma_start3A_56 = arith.constant 0 : i32
        %dma_start3A_57 = tpu.memref_slice %arg2[%add3A_50, %dma_start3A_56] : memref<2560x128xi32, #tpu.memory_space<hbm>> -> memref<16x128xi32, #tpu.memory_space<hbm>>
        %dma_start3A_58 = arith.constant 0 : i32
        %dma_start3A_59 = arith.constant 0 : i32
        %dma_start3A_60 = tpu.memref_slice %arg7[%sub3A_51, %dma_start3A_58, %dma_start3A_59] : memref<2x16x128xi32, #tpu.memory_space<vmem>> -> memref<1x16x128xi32, #tpu.memory_space<vmem>>
        %dma_start3A_61 = tpu.memref_squeeze %dma_start3A_60 : memref<1x16x128xi32, #tpu.memory_space<vmem>> -> memref<16x128xi32, #tpu.memory_space<vmem>>
        %dma_start3A_62 = arith.constant 0 : i32
        %dma_start3A_63 = tpu.memref_slice %arg2[%add3A_50, %dma_start3A_62] : memref<2560x128xi32, #tpu.memory_space<hbm>> -> memref<16x128xi32, #tpu.memory_space<hbm>>
        tpu.enqueue_dma source(%dma_start3A_63 : memref<16x128xi32, #tpu.memory_space<hbm>>) target(%dma_start3A_61 : memref<16x128xi32, #tpu.memory_space<vmem>>) target_semaphore(%arg9 : memref<!tpu.dma_semaphore, #tpu.memory_space<semaphore_mem>>)
      } else {
      }
      %scan3A_40 = arith.constant 0 : i32
      %scan3A_41 = arith.constant 0 : i32
      %scan3A_42 = arith.constant 16 : i32
      %scan3A_43 = arith.addi %scan3A_41, %scan3A_42 : i32
      %scan3A_44 = arith.constant 1 : i32
      scf.for %scan3A_46 = %scan3A_41 to %scan3A_43 step %scan3A_44  : i32 {
        "tpu.region"() ({
          %run_scoped3A = tpu.sem_alloc : memref<!tpu.dma_semaphore, #tpu.memory_space<semaphore_mem>>
          %dma_start3A_47 = arith.constant 0 : i32
          %dma_start3A_48 = arith.constant 0 : i32
          %dma_start3A_49 = tpu.memref_slice %arg7[%rem3A_24, %dma_start3A_47, %dma_start3A_48] : memref<2x16x128xi32, #tpu.memory_space<vmem>> -> memref<1x16x128xi32, #tpu.memory_space<vmem>>
          %dma_start3A_50 = tpu.memref_squeeze %dma_start3A_49 : memref<1x16x128xi32, #tpu.memory_space<vmem>> -> memref<16x128xi32, #tpu.memory_space<vmem>>
          %dma_start3A_51 = arith.constant 0 : i32
          %dma_start3A_52 = tpu.memref_slice %dma_start3A_50[%scan3A_46, %dma_start3A_51] : memref<16x128xi32, #tpu.memory_space<vmem>> -> memref<1x128xi32, #tpu.memory_space<vmem>>
          %dma_start3A_53 = tpu.memref_squeeze %dma_start3A_52 : memref<1x128xi32, #tpu.memory_space<vmem>> -> memref<128xi32, #tpu.memory_space<vmem>>
          %dma_start3A_54 = arith.constant 0 : i32
          %dma_start3A_55 = arith.constant 0 : i32
          %dma_start3A_56 = tpu.memref_slice %arg8[%dma_start3A_54, %dma_start3A_55] : memref<10112x128xf32, #tpu.memory_space<vmem_shared>> -> memref<10112x128xf32, #tpu.memory_space<vmem_shared>>
          tpu.enqueue_indirect_dma source(%arg6 : memref<128x128xf32, #tpu.memory_space<vmem>>) target(%dma_start3A_56 : memref<10112x128xf32, #tpu.memory_space<vmem_shared>>) offsets(%dma_start3A_53 : memref<128xi32, #tpu.memory_space<vmem>>) semaphore(%run_scoped3A : memref<!tpu.dma_semaphore, #tpu.memory_space<semaphore_mem>>) {add = true}
          %dma_wait3A_57 = arith.constant 0 : i32
          %dma_wait3A_58 = arith.constant 0 : i32
          %dma_wait3A_59 = tpu.memref_slice %arg7[%rem3A_24, %dma_wait3A_57, %dma_wait3A_58] : memref<2x16x128xi32, #tpu.memory_space<vmem>> -> memref<1x16x128xi32, #tpu.memory_space<vmem>>
          %dma_wait3A_60 = tpu.memref_squeeze %dma_wait3A_59 : memref<1x16x128xi32, #tpu.memory_space<vmem>> -> memref<16x128xi32, #tpu.memory_space<vmem>>
          %dma_wait3A_61 = arith.constant 0 : i32
          %dma_wait3A_62 = tpu.memref_slice %dma_wait3A_60[%scan3A_46, %dma_wait3A_61] : memref<16x128xi32, #tpu.memory_space<vmem>> -> memref<1x128xi32, #tpu.memory_space<vmem>>
          %dma_wait3A_63 = tpu.memref_squeeze %dma_wait3A_62 : memref<1x128xi32, #tpu.memory_space<vmem>> -> memref<128xi32, #tpu.memory_space<vmem>>
          %dma_wait3A_64 = arith.constant 0 : i32
          %dma_wait3A_65 = arith.constant 0 : i32
          %dma_wait3A_66 = tpu.memref_slice %arg8[%dma_wait3A_64, %dma_wait3A_65] : memref<10112x128xf32, #tpu.memory_space<vmem_shared>> -> memref<10112x128xf32, #tpu.memory_space<vmem_shared>>
          tpu.wait_indirect_dma semaphore(%run_scoped3A : memref<!tpu.dma_semaphore, #tpu.memory_space<semaphore_mem>>) src(%arg6 : memref<128x128xf32, #tpu.memory_space<vmem>>) dst(%dma_wait3A_66 : memref<10112x128xf32, #tpu.memory_space<vmem_shared>>)
          tpu.yield
        }) : () -> ()
      }
      %scan3A_45 = arith.constant 16 : i32
    }
    %scan3A_21 = arith.constant 5 : i32
    %barrier3A_22 = arith.constant 0 : index
    tpu.barrier barrier_id(%barrier3A_22)
    "tpu.region"() ({
      %run_scoped3A = tpu.sem_alloc : memref<!tpu.dma_semaphore, #tpu.memory_space<semaphore_mem>>
      %dma_start3A_23 = arith.constant 0 : i32
      %dma_start3A_24 = tpu.memref_slice %arg5[%arg0, %mul3A_0, %dma_start3A_23] : memref<2x10112x128xf32, #tpu.memory_space<hbm>> -> memref<1x632x128xf32, #tpu.memory_space<hbm>>
      %dma_start3A_25 = tpu.memref_squeeze %dma_start3A_24 : memref<1x632x128xf32, #tpu.memory_space<hbm>> -> memref<632x128xf32, #tpu.memory_space<hbm>>
      %dma_start3A_26 = arith.constant 0 : i32
      %dma_start3A_27 = tpu.memref_slice %arg8[%mul3A_0, %dma_start3A_26] : memref<10112x128xf32, #tpu.memory_space<vmem_shared>> -> memref<632x128xf32, #tpu.memory_space<vmem_shared>>
      tpu.enqueue_dma source(%dma_start3A_27 : memref<632x128xf32, #tpu.memory_space<vmem_shared>>) target(%dma_start3A_25 : memref<632x128xf32, #tpu.memory_space<hbm>>) target_semaphore(%run_scoped3A : memref<!tpu.dma_semaphore, #tpu.memory_space<semaphore_mem>>)
      %dma_wait3A = arith.constant 0 : i32
      %dma_wait3A_28 = tpu.memref_slice %arg5[%arg0, %mul3A_0, %dma_wait3A] : memref<2x10112x128xf32, #tpu.memory_space<hbm>> -> memref<1x632x128xf32, #tpu.memory_space<hbm>>
      %dma_wait3A_29 = tpu.memref_squeeze %dma_wait3A_28 : memref<1x632x128xf32, #tpu.memory_space<hbm>> -> memref<632x128xf32, #tpu.memory_space<hbm>>
      %dma_wait3A_30 = arith.constant 0 : i32
      %dma_wait3A_31 = tpu.memref_slice %arg8[%mul3A_0, %dma_wait3A_30] : memref<10112x128xf32, #tpu.memory_space<vmem_shared>> -> memref<632x128xf32, #tpu.memory_space<vmem_shared>>
      tpu.wait_dma2 semaphore(%run_scoped3A : memref<!tpu.dma_semaphore, #tpu.memory_space<semaphore_mem>>) src(%dma_wait3A_31 : memref<632x128xf32, #tpu.memory_space<vmem_shared>>) dst(%dma_wait3A_29 : memref<632x128xf32, #tpu.memory_space<hbm>>)
      tpu.yield
    }) : () -> ()
    return
  }
}

#map = affine_map<(d0, d1) -> (0, 0, 0)>
#map1 = affine_map<(d0, d1) -> (0, 0)>
module attributes {stable_mosaic.version = 14 : i64} {
  func.func @body(%arg0: i32, %arg1: i32, %arg2: memref<2x10112x128xf32, #tpu.memory_space<hbm>>, %arg3: memref<2560x128xi32, #tpu.memory_space<hbm>>, %arg4: memref<2560x128xi32, #tpu.memory_space<hbm>>, %arg5: memref<2x10112x128xf32, #tpu.memory_space<hbm>>, %arg6: memref<2x16x128xi32, #tpu.memory_space<vmem>>, %arg7: memref<2x16x128xi32, #tpu.memory_space<vmem>>, %arg8: memref<128x128xf32, #tpu.memory_space<vmem>>, %arg9: memref<128x128xf32, #tpu.memory_space<vmem>>, %arg10: memref<10112x128xf32, #tpu.memory_space<vmem_shared>>, %arg11: memref<!tpu.dma_semaphore, #tpu.memory_space<semaphore_mem>>, %arg12: memref<!tpu.dma_semaphore, #tpu.memory_space<semaphore_mem>>, %arg13: memref<!tpu.dma_semaphore, #tpu.memory_space<semaphore_mem>>) attributes {dimension_semantics = [#tpu.dimension_semantics<core_parallel>, #tpu.dimension_semantics<subcore_parallel>], iteration_bounds = array<i64: 2, 16>, scalar_prefetch = 0 : i64, scratch_operands = 8 : i64, tpu.core_type = #tpu.core_type<sc_vector_subcore>, window_params = [{transform_indices = #map}, {transform_indices = #map1}, {transform_indices = #map1}, {transform_indices = #map}]} {
    %mul3A = arith.constant 632 : i32
    %mul3A_0 = arith.muli %arg1, %mul3A : i32
    %mul3A_1 = arith.constant 160 : i32
    %mul3A_2 = arith.muli %arg1, %mul3A_1 : i32
    %dma_start3A = arith.constant 0 : i32
    %dma_start3A_3 = arith.constant 0 : i32
    %dma_start3A_4 = arith.constant 0 : i32
    %dma_start3A_5 = tpu.memref_slice %arg6[%dma_start3A, %dma_start3A_3, %dma_start3A_4] : memref<2x16x128xi32, #tpu.memory_space<vmem>> -> memref<1x16x128xi32, #tpu.memory_space<vmem>>
    %dma_start3A_6 = tpu.memref_squeeze %dma_start3A_5 : memref<1x16x128xi32, #tpu.memory_space<vmem>> -> memref<16x128xi32, #tpu.memory_space<vmem>>
    %dma_start3A_7 = arith.constant 0 : i32
    %dma_start3A_8 = tpu.memref_slice %arg3[%mul3A_2, %dma_start3A_7] : memref<2560x128xi32, #tpu.memory_space<hbm>> -> memref<16x128xi32, #tpu.memory_space<hbm>>
    %dma_start3A_9 = arith.constant 0 : i32
    %dma_start3A_10 = arith.constant 0 : i32
    %dma_start3A_11 = tpu.memref_slice %arg6[%dma_start3A, %dma_start3A_9, %dma_start3A_10] : memref<2x16x128xi32, #tpu.memory_space<vmem>> -> memref<1x16x128xi32, #tpu.memory_space<vmem>>
    %dma_start3A_12 = tpu.memref_squeeze %dma_start3A_11 : memref<1x16x128xi32, #tpu.memory_space<vmem>> -> memref<16x128xi32, #tpu.memory_space<vmem>>
    %dma_start3A_13 = arith.constant 0 : i32
    %dma_start3A_14 = tpu.memref_slice %arg3[%mul3A_2, %dma_start3A_13] : memref<2560x128xi32, #tpu.memory_space<hbm>> -> memref<16x128xi32, #tpu.memory_space<hbm>>
    tpu.enqueue_dma source(%dma_start3A_14 : memref<16x128xi32, #tpu.memory_space<hbm>>) target(%dma_start3A_12 : memref<16x128xi32, #tpu.memory_space<vmem>>) target_semaphore(%arg11 : memref<!tpu.dma_semaphore, #tpu.memory_space<semaphore_mem>>)
    %dma_start3A_15 = arith.constant 0 : i32
    %dma_start3A_16 = arith.constant 0 : i32
    %dma_start3A_17 = arith.constant 0 : i32
    %dma_start3A_18 = tpu.memref_slice %arg7[%dma_start3A_15, %dma_start3A_16, %dma_start3A_17] : memref<2x16x128xi32, #tpu.memory_space<vmem>> -> memref<1x16x128xi32, #tpu.memory_space<vmem>>
    %dma_start3A_19 = tpu.memref_squeeze %dma_start3A_18 : memref<1x16x128xi32, #tpu.memory_space<vmem>> -> memref<16x128xi32, #tpu.memory_space<vmem>>
    %dma_start3A_20 = arith.constant 0 : i32
    %dma_start3A_21 = tpu.memref_slice %arg4[%mul3A_2, %dma_start3A_20] : memref<2560x128xi32, #tpu.memory_space<hbm>> -> memref<16x128xi32, #tpu.memory_space<hbm>>
    %dma_start3A_22 = arith.constant 0 : i32
    %dma_start3A_23 = arith.constant 0 : i32
    %dma_start3A_24 = tpu.memref_slice %arg7[%dma_start3A_15, %dma_start3A_22, %dma_start3A_23] : memref<2x16x128xi32, #tpu.memory_space<vmem>> -> memref<1x16x128xi32, #tpu.memory_space<vmem>>
    %dma_start3A_25 = tpu.memref_squeeze %dma_start3A_24 : memref<1x16x128xi32, #tpu.memory_space<vmem>> -> memref<16x128xi32, #tpu.memory_space<vmem>>
    %dma_start3A_26 = arith.constant 0 : i32
    %dma_start3A_27 = tpu.memref_slice %arg4[%mul3A_2, %dma_start3A_26] : memref<2560x128xi32, #tpu.memory_space<hbm>> -> memref<16x128xi32, #tpu.memory_space<hbm>>
    tpu.enqueue_dma source(%dma_start3A_27 : memref<16x128xi32, #tpu.memory_space<hbm>>) target(%dma_start3A_25 : memref<16x128xi32, #tpu.memory_space<vmem>>) target_semaphore(%arg11 : memref<!tpu.dma_semaphore, #tpu.memory_space<semaphore_mem>>)
    "tpu.region"() ({
      %run_scoped3A = tpu.sem_alloc : memref<!tpu.dma_semaphore, #tpu.memory_space<semaphore_mem>>
      %dma_start3A_34 = arith.constant 0 : i32
      %dma_start3A_35 = tpu.memref_slice %arg10[%mul3A_0, %dma_start3A_34] : memref<10112x128xf32, #tpu.memory_space<vmem_shared>> -> memref<632x128xf32, #tpu.memory_space<vmem_shared>>
      %dma_start3A_36 = arith.constant 0 : i32
      %dma_start3A_37 = tpu.memref_slice %arg2[%arg0, %mul3A_0, %dma_start3A_36] : memref<2x10112x128xf32, #tpu.memory_space<hbm>> -> memref<1x632x128xf32, #tpu.memory_space<hbm>>
      %dma_start3A_38 = tpu.memref_squeeze %dma_start3A_37 : memref<1x632x128xf32, #tpu.memory_space<hbm>> -> memref<632x128xf32, #tpu.memory_space<hbm>>
      tpu.enqueue_dma source(%dma_start3A_38 : memref<632x128xf32, #tpu.memory_space<hbm>>) target(%dma_start3A_35 : memref<632x128xf32, #tpu.memory_space<vmem_shared>>) target_semaphore(%run_scoped3A : memref<!tpu.dma_semaphore, #tpu.memory_space<semaphore_mem>>)
      %dma_wait3A = arith.constant 0 : i32
      %dma_wait3A_39 = tpu.memref_slice %arg10[%mul3A_0, %dma_wait3A] : memref<10112x128xf32, #tpu.memory_space<vmem_shared>> -> memref<632x128xf32, #tpu.memory_space<vmem_shared>>
      %dma_wait3A_40 = arith.constant 0 : i32
      %dma_wait3A_41 = tpu.memref_slice %arg2[%arg0, %mul3A_0, %dma_wait3A_40] : memref<2x10112x128xf32, #tpu.memory_space<hbm>> -> memref<1x632x128xf32, #tpu.memory_space<hbm>>
      %dma_wait3A_42 = tpu.memref_squeeze %dma_wait3A_41 : memref<1x632x128xf32, #tpu.memory_space<hbm>> -> memref<632x128xf32, #tpu.memory_space<hbm>>
      tpu.wait_dma2 semaphore(%run_scoped3A : memref<!tpu.dma_semaphore, #tpu.memory_space<semaphore_mem>>) src(%dma_wait3A_42 : memref<632x128xf32, #tpu.memory_space<hbm>>) dst(%dma_wait3A_39 : memref<632x128xf32, #tpu.memory_space<vmem_shared>>)
      tpu.yield
    }) : () -> ()
    %barrier3A = arith.constant 0 : index
    tpu.barrier barrier_id(%barrier3A)
    %scan3A = arith.constant 0 : i32
    %scan3A_28 = arith.constant 0 : i32
    %scan3A_29 = arith.constant 10 : i32
    %scan3A_30 = arith.addi %scan3A_28, %scan3A_29 : i32
    %scan3A_31 = arith.constant 1 : i32
    scf.for %scan3A_34 = %scan3A_28 to %scan3A_30 step %scan3A_31  : i32 {
      %rem3A = arith.constant 2 : i32
      %rem3A_35 = arith.remsi %scan3A_34, %rem3A : i32
      %dma_wait3A = arith.constant 0 : i32
      %dma_wait3A_36 = arith.constant 0 : i32
      %dma_wait3A_37 = tpu.memref_slice %arg6[%rem3A_35, %dma_wait3A, %dma_wait3A_36] : memref<2x16x128xi32, #tpu.memory_space<vmem>> -> memref<1x16x128xi32, #tpu.memory_space<vmem>>
      %dma_wait3A_38 = tpu.memref_squeeze %dma_wait3A_37 : memref<1x16x128xi32, #tpu.memory_space<vmem>> -> memref<16x128xi32, #tpu.memory_space<vmem>>
      %dma_wait3A_39 = arith.constant 0 : i32
      %dma_wait3A_40 = tpu.memref_slice %arg3[%mul3A_2, %dma_wait3A_39] : memref<2560x128xi32, #tpu.memory_space<hbm>> -> memref<16x128xi32, #tpu.memory_space<hbm>>
      %dma_wait3A_41 = arith.constant 0 : i32
      %dma_wait3A_42 = arith.constant 0 : i32
      %dma_wait3A_43 = tpu.memref_slice %arg6[%rem3A_35, %dma_wait3A_41, %dma_wait3A_42] : memref<2x16x128xi32, #tpu.memory_space<vmem>> -> memref<1x16x128xi32, #tpu.memory_space<vmem>>
      %dma_wait3A_44 = tpu.memref_squeeze %dma_wait3A_43 : memref<1x16x128xi32, #tpu.memory_space<vmem>> -> memref<16x128xi32, #tpu.memory_space<vmem>>
      %dma_wait3A_45 = arith.constant 0 : i32
      %dma_wait3A_46 = tpu.memref_slice %arg3[%mul3A_2, %dma_wait3A_45] : memref<2560x128xi32, #tpu.memory_space<hbm>> -> memref<16x128xi32, #tpu.memory_space<hbm>>
      tpu.wait_dma2 semaphore(%arg11 : memref<!tpu.dma_semaphore, #tpu.memory_space<semaphore_mem>>) src(%dma_wait3A_46 : memref<16x128xi32, #tpu.memory_space<hbm>>) dst(%dma_wait3A_44 : memref<16x128xi32, #tpu.memory_space<vmem>>)
      %dma_wait3A_47 = arith.constant 0 : i32
      %dma_wait3A_48 = arith.constant 0 : i32
      %dma_wait3A_49 = tpu.memref_slice %arg7[%rem3A_35, %dma_wait3A_47, %dma_wait3A_48] : memref<2x16x128xi32, #tpu.memory_space<vmem>> -> memref<1x16x128xi32, #tpu.memory_space<vmem>>
      %dma_wait3A_50 = tpu.memref_squeeze %dma_wait3A_49 : memref<1x16x128xi32, #tpu.memory_space<vmem>> -> memref<16x128xi32, #tpu.memory_space<vmem>>
      %dma_wait3A_51 = arith.constant 0 : i32
      %dma_wait3A_52 = tpu.memref_slice %arg4[%mul3A_2, %dma_wait3A_51] : memref<2560x128xi32, #tpu.memory_space<hbm>> -> memref<16x128xi32, #tpu.memory_space<hbm>>
      %dma_wait3A_53 = arith.constant 0 : i32
      %dma_wait3A_54 = arith.constant 0 : i32
      %dma_wait3A_55 = tpu.memref_slice %arg7[%rem3A_35, %dma_wait3A_53, %dma_wait3A_54] : memref<2x16x128xi32, #tpu.memory_space<vmem>> -> memref<1x16x128xi32, #tpu.memory_space<vmem>>
      %dma_wait3A_56 = tpu.memref_squeeze %dma_wait3A_55 : memref<1x16x128xi32, #tpu.memory_space<vmem>> -> memref<16x128xi32, #tpu.memory_space<vmem>>
      %dma_wait3A_57 = arith.constant 0 : i32
      %dma_wait3A_58 = tpu.memref_slice %arg4[%mul3A_2, %dma_wait3A_57] : memref<2560x128xi32, #tpu.memory_space<hbm>> -> memref<16x128xi32, #tpu.memory_space<hbm>>
      tpu.wait_dma2 semaphore(%arg11 : memref<!tpu.dma_semaphore, #tpu.memory_space<semaphore_mem>>) src(%dma_wait3A_58 : memref<16x128xi32, #tpu.memory_space<hbm>>) dst(%dma_wait3A_56 : memref<16x128xi32, #tpu.memory_space<vmem>>)
      %add3A = arith.constant 1 : i32
      %add3A_59 = arith.addi %scan3A_34, %add3A : i32
      %lt3A = arith.constant 10 : i32
      %lt3A_60 = arith.cmpi slt, %add3A_59, %lt3A : i32
      %convert_element_type3A = arith.extui %lt3A_60 : i1 to i32
      %cond3A = arith.constant 0 : i32
      %cond3A_61 = arith.cmpi ne, %convert_element_type3A, %cond3A : i32
      scf.if %cond3A_61 {
        %add3A_98 = arith.constant 1 : i32
        %add3A_99 = arith.addi %scan3A_34, %add3A_98 : i32
        %mul3A_100 = arith.constant 16 : i32
        %mul3A_101 = arith.muli %add3A_99, %mul3A_100 : i32
        %add3A_102 = arith.addi %mul3A_2, %mul3A_101 : i32
        %sub3A = arith.constant 1 : i32
        %sub3A_103 = arith.subi %sub3A, %rem3A_35 : i32
        %dma_start3A_104 = arith.constant 0 : i32
        %dma_start3A_105 = arith.constant 0 : i32
        %dma_start3A_106 = tpu.memref_slice %arg6[%sub3A_103, %dma_start3A_104, %dma_start3A_105] : memref<2x16x128xi32, #tpu.memory_space<vmem>> -> memref<1x16x128xi32, #tpu.memory_space<vmem>>
        %dma_start3A_107 = tpu.memref_squeeze %dma_start3A_106 : memref<1x16x128xi32, #tpu.memory_space<vmem>> -> memref<16x128xi32, #tpu.memory_space<vmem>>
        %dma_start3A_108 = arith.constant 0 : i32
        %dma_start3A_109 = tpu.memref_slice %arg3[%add3A_102, %dma_start3A_108] : memref<2560x128xi32, #tpu.memory_space<hbm>> -> memref<16x128xi32, #tpu.memory_space<hbm>>
        %dma_start3A_110 = arith.constant 0 : i32
        %dma_start3A_111 = arith.constant 0 : i32
        %dma_start3A_112 = tpu.memref_slice %arg6[%sub3A_103, %dma_start3A_110, %dma_start3A_111] : memref<2x16x128xi32, #tpu.memory_space<vmem>> -> memref<1x16x128xi32, #tpu.memory_space<vmem>>
        %dma_start3A_113 = tpu.memref_squeeze %dma_start3A_112 : memref<1x16x128xi32, #tpu.memory_space<vmem>> -> memref<16x128xi32, #tpu.memory_space<vmem>>
        %dma_start3A_114 = arith.constant 0 : i32
        %dma_start3A_115 = tpu.memref_slice %arg3[%add3A_102, %dma_start3A_114] : memref<2560x128xi32, #tpu.memory_space<hbm>> -> memref<16x128xi32, #tpu.memory_space<hbm>>
        tpu.enqueue_dma source(%dma_start3A_115 : memref<16x128xi32, #tpu.memory_space<hbm>>) target(%dma_start3A_113 : memref<16x128xi32, #tpu.memory_space<vmem>>) target_semaphore(%arg11 : memref<!tpu.dma_semaphore, #tpu.memory_space<semaphore_mem>>)
        %sub3A_116 = arith.constant 1 : i32
        %sub3A_117 = arith.subi %sub3A_116, %rem3A_35 : i32
        %dma_start3A_118 = arith.constant 0 : i32
        %dma_start3A_119 = arith.constant 0 : i32
        %dma_start3A_120 = tpu.memref_slice %arg7[%sub3A_117, %dma_start3A_118, %dma_start3A_119] : memref<2x16x128xi32, #tpu.memory_space<vmem>> -> memref<1x16x128xi32, #tpu.memory_space<vmem>>
        %dma_start3A_121 = tpu.memref_squeeze %dma_start3A_120 : memref<1x16x128xi32, #tpu.memory_space<vmem>> -> memref<16x128xi32, #tpu.memory_space<vmem>>
        %dma_start3A_122 = arith.constant 0 : i32
        %dma_start3A_123 = tpu.memref_slice %arg4[%add3A_102, %dma_start3A_122] : memref<2560x128xi32, #tpu.memory_space<hbm>> -> memref<16x128xi32, #tpu.memory_space<hbm>>
        %dma_start3A_124 = arith.constant 0 : i32
        %dma_start3A_125 = arith.constant 0 : i32
        %dma_start3A_126 = tpu.memref_slice %arg7[%sub3A_117, %dma_start3A_124, %dma_start3A_125] : memref<2x16x128xi32, #tpu.memory_space<vmem>> -> memref<1x16x128xi32, #tpu.memory_space<vmem>>
        %dma_start3A_127 = tpu.memref_squeeze %dma_start3A_126 : memref<1x16x128xi32, #tpu.memory_space<vmem>> -> memref<16x128xi32, #tpu.memory_space<vmem>>
        %dma_start3A_128 = arith.constant 0 : i32
        %dma_start3A_129 = tpu.memref_slice %arg4[%add3A_102, %dma_start3A_128] : memref<2560x128xi32, #tpu.memory_space<hbm>> -> memref<16x128xi32, #tpu.memory_space<hbm>>
        tpu.enqueue_dma source(%dma_start3A_129 : memref<16x128xi32, #tpu.memory_space<hbm>>) target(%dma_start3A_127 : memref<16x128xi32, #tpu.memory_space<vmem>>) target_semaphore(%arg11 : memref<!tpu.dma_semaphore, #tpu.memory_space<semaphore_mem>>)
      } else {
      }
      %dma_start3A_62 = arith.constant 0 : i32
      %dma_start3A_63 = arith.constant 0 : i32
      %dma_start3A_64 = arith.constant 0 : i32
      %dma_start3A_65 = tpu.memref_slice %arg6[%rem3A_35, %dma_start3A_63, %dma_start3A_64] : memref<2x16x128xi32, #tpu.memory_space<vmem>> -> memref<1x16x128xi32, #tpu.memory_space<vmem>>
      %dma_start3A_66 = tpu.memref_squeeze %dma_start3A_65 : memref<1x16x128xi32, #tpu.memory_space<vmem>> -> memref<16x128xi32, #tpu.memory_space<vmem>>
      %dma_start3A_67 = arith.constant 0 : i32
      %dma_start3A_68 = tpu.memref_slice %dma_start3A_66[%dma_start3A_62, %dma_start3A_67] : memref<16x128xi32, #tpu.memory_space<vmem>> -> memref<1x128xi32, #tpu.memory_space<vmem>>
      %dma_start3A_69 = tpu.memref_squeeze %dma_start3A_68 : memref<1x128xi32, #tpu.memory_space<vmem>> -> memref<128xi32, #tpu.memory_space<vmem>>
      %dma_start3A_70 = arith.constant 0 : i32
      %dma_start3A_71 = arith.constant 0 : i32
      %dma_start3A_72 = tpu.memref_slice %arg2[%arg0, %dma_start3A_70, %dma_start3A_71] : memref<2x10112x128xf32, #tpu.memory_space<hbm>> -> memref<1x10112x128xf32, #tpu.memory_space<hbm>>
      %dma_start3A_73 = tpu.memref_squeeze %dma_start3A_72 : memref<1x10112x128xf32, #tpu.memory_space<hbm>> -> memref<10112x128xf32, #tpu.memory_space<hbm>>
      %dma_start3A_74 = arith.constant 0 : i32
      %dma_start3A_75 = arith.constant 0 : i32
      %dma_start3A_76 = tpu.memref_slice %dma_start3A_73[%dma_start3A_74, %dma_start3A_75] : memref<10112x128xf32, #tpu.memory_space<hbm>> -> memref<10112x128xf32, #tpu.memory_space<hbm>>
      tpu.enqueue_indirect_dma source(%dma_start3A_76 : memref<10112x128xf32, #tpu.memory_space<hbm>>) target(%arg8 : memref<128x128xf32, #tpu.memory_space<vmem>>) offsets(%dma_start3A_69 : memref<128xi32, #tpu.memory_space<vmem>>) semaphore(%arg12 : memref<!tpu.dma_semaphore, #tpu.memory_space<semaphore_mem>>)
      %dma_start3A_77 = arith.constant 1 : i32
      %dma_start3A_78 = arith.constant 0 : i32
      %dma_start3A_79 = arith.constant 0 : i32
      %dma_start3A_80 = tpu.memref_slice %arg6[%rem3A_35, %dma_start3A_78, %dma_start3A_79] : memref<2x16x128xi32, #tpu.memory_space<vmem>> -> memref<1x16x128xi32, #tpu.memory_space<vmem>>
      %dma_start3A_81 = tpu.memref_squeeze %dma_start3A_80 : memref<1x16x128xi32, #tpu.memory_space<vmem>> -> memref<16x128xi32, #tpu.memory_space<vmem>>
      %dma_start3A_82 = arith.constant 0 : i32
      %dma_start3A_83 = tpu.memref_slice %dma_start3A_81[%dma_start3A_77, %dma_start3A_82] : memref<16x128xi32, #tpu.memory_space<vmem>> -> memref<1x128xi32, #tpu.memory_space<vmem>>
      %dma_start3A_84 = tpu.memref_squeeze %dma_start3A_83 : memref<1x128xi32, #tpu.memory_space<vmem>> -> memref<128xi32, #tpu.memory_space<vmem>>
      %dma_start3A_85 = arith.constant 0 : i32
      %dma_start3A_86 = arith.constant 0 : i32
      %dma_start3A_87 = tpu.memref_slice %arg2[%arg0, %dma_start3A_85, %dma_start3A_86] : memref<2x10112x128xf32, #tpu.memory_space<hbm>> -> memref<1x10112x128xf32, #tpu.memory_space<hbm>>
      %dma_start3A_88 = tpu.memref_squeeze %dma_start3A_87 : memref<1x10112x128xf32, #tpu.memory_space<hbm>> -> memref<10112x128xf32, #tpu.memory_space<hbm>>
      %dma_start3A_89 = arith.constant 0 : i32
      %dma_start3A_90 = arith.constant 0 : i32
      %dma_start3A_91 = tpu.memref_slice %dma_start3A_88[%dma_start3A_89, %dma_start3A_90] : memref<10112x128xf32, #tpu.memory_space<hbm>> -> memref<10112x128xf32, #tpu.memory_space<hbm>>
      tpu.enqueue_indirect_dma source(%dma_start3A_91 : memref<10112x128xf32, #tpu.memory_space<hbm>>) target(%arg9 : memref<128x128xf32, #tpu.memory_space<vmem>>) offsets(%dma_start3A_84 : memref<128xi32, #tpu.memory_space<vmem>>) semaphore(%arg13 : memref<!tpu.dma_semaphore, #tpu.memory_space<semaphore_mem>>)
      %scan3A_92 = arith.constant 0 : i32
      %scan3A_93 = arith.constant 0 : i32
      %scan3A_94 = arith.constant 8 : i32
      %scan3A_95 = arith.addi %scan3A_93, %scan3A_94 : i32
      %scan3A_96 = arith.constant 1 : i32
      scf.for %scan3A_98 = %scan3A_93 to %scan3A_95 step %scan3A_96  : i32 {
        %mul3A_99 = arith.constant 2 : i32
        %mul3A_100 = arith.muli %mul3A_99, %scan3A_98 : i32
        %dma_wait3A_101 = arith.constant 0 : i32
        %dma_wait3A_102 = arith.constant 0 : i32
        %dma_wait3A_103 = tpu.memref_slice %arg6[%rem3A_35, %dma_wait3A_101, %dma_wait3A_102] : memref<2x16x128xi32, #tpu.memory_space<vmem>> -> memref<1x16x128xi32, #tpu.memory_space<vmem>>
        %dma_wait3A_104 = tpu.memref_squeeze %dma_wait3A_103 : memref<1x16x128xi32, #tpu.memory_space<vmem>> -> memref<16x128xi32, #tpu.memory_space<vmem>>
        %dma_wait3A_105 = arith.constant 0 : i32
        %dma_wait3A_106 = tpu.memref_slice %dma_wait3A_104[%mul3A_100, %dma_wait3A_105] : memref<16x128xi32, #tpu.memory_space<vmem>> -> memref<1x128xi32, #tpu.memory_space<vmem>>
        %dma_wait3A_107 = tpu.memref_squeeze %dma_wait3A_106 : memref<1x128xi32, #tpu.memory_space<vmem>> -> memref<128xi32, #tpu.memory_space<vmem>>
        %dma_wait3A_108 = arith.constant 0 : i32
        %dma_wait3A_109 = arith.constant 0 : i32
        %dma_wait3A_110 = tpu.memref_slice %arg2[%arg0, %dma_wait3A_108, %dma_wait3A_109] : memref<2x10112x128xf32, #tpu.memory_space<hbm>> -> memref<1x10112x128xf32, #tpu.memory_space<hbm>>
        %dma_wait3A_111 = tpu.memref_squeeze %dma_wait3A_110 : memref<1x10112x128xf32, #tpu.memory_space<hbm>> -> memref<10112x128xf32, #tpu.memory_space<hbm>>
        %dma_wait3A_112 = arith.constant 0 : i32
        %dma_wait3A_113 = arith.constant 0 : i32
        %dma_wait3A_114 = tpu.memref_slice %dma_wait3A_111[%dma_wait3A_112, %dma_wait3A_113] : memref<10112x128xf32, #tpu.memory_space<hbm>> -> memref<10112x128xf32, #tpu.memory_space<hbm>>
        tpu.wait_indirect_dma semaphore(%arg12 : memref<!tpu.dma_semaphore, #tpu.memory_space<semaphore_mem>>) src(%dma_wait3A_114 : memref<10112x128xf32, #tpu.memory_space<hbm>>) dst(%arg8 : memref<128x128xf32, #tpu.memory_space<vmem>>)
        "tpu.region"() ({
          %run_scoped3A = tpu.sem_alloc : memref<!tpu.dma_semaphore, #tpu.memory_space<semaphore_mem>>
          %dma_start3A_147 = arith.constant 0 : i32
          %dma_start3A_148 = arith.constant 0 : i32
          %dma_start3A_149 = tpu.memref_slice %arg7[%rem3A_35, %dma_start3A_147, %dma_start3A_148] : memref<2x16x128xi32, #tpu.memory_space<vmem>> -> memref<1x16x128xi32, #tpu.memory_space<vmem>>
          %dma_start3A_150 = tpu.memref_squeeze %dma_start3A_149 : memref<1x16x128xi32, #tpu.memory_space<vmem>> -> memref<16x128xi32, #tpu.memory_space<vmem>>
          %dma_start3A_151 = arith.constant 0 : i32
          %dma_start3A_152 = tpu.memref_slice %dma_start3A_150[%mul3A_100, %dma_start3A_151] : memref<16x128xi32, #tpu.memory_space<vmem>> -> memref<1x128xi32, #tpu.memory_space<vmem>>
          %dma_start3A_153 = tpu.memref_squeeze %dma_start3A_152 : memref<1x128xi32, #tpu.memory_space<vmem>> -> memref<128xi32, #tpu.memory_space<vmem>>
          %dma_start3A_154 = arith.constant 0 : i32
          %dma_start3A_155 = arith.constant 0 : i32
          %dma_start3A_156 = tpu.memref_slice %arg10[%dma_start3A_154, %dma_start3A_155] : memref<10112x128xf32, #tpu.memory_space<vmem_shared>> -> memref<10112x128xf32, #tpu.memory_space<vmem_shared>>
          tpu.enqueue_indirect_dma source(%arg8 : memref<128x128xf32, #tpu.memory_space<vmem>>) target(%dma_start3A_156 : memref<10112x128xf32, #tpu.memory_space<vmem_shared>>) offsets(%dma_start3A_153 : memref<128xi32, #tpu.memory_space<vmem>>) semaphore(%run_scoped3A : memref<!tpu.dma_semaphore, #tpu.memory_space<semaphore_mem>>) {add = true}
          %dma_wait3A_157 = arith.constant 0 : i32
          %dma_wait3A_158 = arith.constant 0 : i32
          %dma_wait3A_159 = tpu.memref_slice %arg7[%rem3A_35, %dma_wait3A_157, %dma_wait3A_158] : memref<2x16x128xi32, #tpu.memory_space<vmem>> -> memref<1x16x128xi32, #tpu.memory_space<vmem>>
          %dma_wait3A_160 = tpu.memref_squeeze %dma_wait3A_159 : memref<1x16x128xi32, #tpu.memory_space<vmem>> -> memref<16x128xi32, #tpu.memory_space<vmem>>
          %dma_wait3A_161 = arith.constant 0 : i32
          %dma_wait3A_162 = tpu.memref_slice %dma_wait3A_160[%mul3A_100, %dma_wait3A_161] : memref<16x128xi32, #tpu.memory_space<vmem>> -> memref<1x128xi32, #tpu.memory_space<vmem>>
          %dma_wait3A_163 = tpu.memref_squeeze %dma_wait3A_162 : memref<1x128xi32, #tpu.memory_space<vmem>> -> memref<128xi32, #tpu.memory_space<vmem>>
          %dma_wait3A_164 = arith.constant 0 : i32
          %dma_wait3A_165 = arith.constant 0 : i32
          %dma_wait3A_166 = tpu.memref_slice %arg10[%dma_wait3A_164, %dma_wait3A_165] : memref<10112x128xf32, #tpu.memory_space<vmem_shared>> -> memref<10112x128xf32, #tpu.memory_space<vmem_shared>>
          tpu.wait_indirect_dma semaphore(%run_scoped3A : memref<!tpu.dma_semaphore, #tpu.memory_space<semaphore_mem>>) src(%arg8 : memref<128x128xf32, #tpu.memory_space<vmem>>) dst(%dma_wait3A_166 : memref<10112x128xf32, #tpu.memory_space<vmem_shared>>)
          tpu.yield
        }) : () -> ()
        %add3A_115 = arith.constant 1 : i32
        %add3A_116 = arith.addi %scan3A_98, %add3A_115 : i32
        %lt3A_117 = arith.constant 8 : i32
        %lt3A_118 = arith.cmpi slt, %add3A_116, %lt3A_117 : i32
        %convert_element_type3A_119 = arith.extui %lt3A_118 : i1 to i32
        %cond3A_120 = arith.constant 0 : i32
        %cond3A_121 = arith.cmpi ne, %convert_element_type3A_119, %cond3A_120 : i32
        scf.if %cond3A_121 {
          %add3A_147 = arith.constant 2 : i32
          %add3A_148 = arith.addi %mul3A_100, %add3A_147 : i32
          %dma_start3A_149 = arith.constant 0 : i32
          %dma_start3A_150 = arith.constant 0 : i32
          %dma_start3A_151 = tpu.memref_slice %arg6[%rem3A_35, %dma_start3A_149, %dma_start3A_150] : memref<2x16x128xi32, #tpu.memory_space<vmem>> -> memref<1x16x128xi32, #tpu.memory_space<vmem>>
          %dma_start3A_152 = tpu.memref_squeeze %dma_start3A_151 : memref<1x16x128xi32, #tpu.memory_space<vmem>> -> memref<16x128xi32, #tpu.memory_space<vmem>>
          %dma_start3A_153 = arith.constant 0 : i32
          %dma_start3A_154 = tpu.memref_slice %dma_start3A_152[%add3A_148, %dma_start3A_153] : memref<16x128xi32, #tpu.memory_space<vmem>> -> memref<1x128xi32, #tpu.memory_space<vmem>>
          %dma_start3A_155 = tpu.memref_squeeze %dma_start3A_154 : memref<1x128xi32, #tpu.memory_space<vmem>> -> memref<128xi32, #tpu.memory_space<vmem>>
          %dma_start3A_156 = arith.constant 0 : i32
          %dma_start3A_157 = arith.constant 0 : i32
          %dma_start3A_158 = tpu.memref_slice %arg2[%arg0, %dma_start3A_156, %dma_start3A_157] : memref<2x10112x128xf32, #tpu.memory_space<hbm>> -> memref<1x10112x128xf32, #tpu.memory_space<hbm>>
          %dma_start3A_159 = tpu.memref_squeeze %dma_start3A_158 : memref<1x10112x128xf32, #tpu.memory_space<hbm>> -> memref<10112x128xf32, #tpu.memory_space<hbm>>
          %dma_start3A_160 = arith.constant 0 : i32
          %dma_start3A_161 = arith.constant 0 : i32
          %dma_start3A_162 = tpu.memref_slice %dma_start3A_159[%dma_start3A_160, %dma_start3A_161] : memref<10112x128xf32, #tpu.memory_space<hbm>> -> memref<10112x128xf32, #tpu.memory_space<hbm>>
          tpu.enqueue_indirect_dma source(%dma_start3A_162 : memref<10112x128xf32, #tpu.memory_space<hbm>>) target(%arg8 : memref<128x128xf32, #tpu.memory_space<vmem>>) offsets(%dma_start3A_155 : memref<128xi32, #tpu.memory_space<vmem>>) semaphore(%arg12 : memref<!tpu.dma_semaphore, #tpu.memory_space<semaphore_mem>>)
        } else {
        }
        %add3A_122 = arith.constant 1 : i32
        %add3A_123 = arith.addi %mul3A_100, %add3A_122 : i32
        %dma_wait3A_124 = arith.constant 0 : i32
        %dma_wait3A_125 = arith.constant 0 : i32
        %dma_wait3A_126 = tpu.memref_slice %arg6[%rem3A_35, %dma_wait3A_124, %dma_wait3A_125] : memref<2x16x128xi32, #tpu.memory_space<vmem>> -> memref<1x16x128xi32, #tpu.memory_space<vmem>>
        %dma_wait3A_127 = tpu.memref_squeeze %dma_wait3A_126 : memref<1x16x128xi32, #tpu.memory_space<vmem>> -> memref<16x128xi32, #tpu.memory_space<vmem>>
        %dma_wait3A_128 = arith.constant 0 : i32
        %dma_wait3A_129 = tpu.memref_slice %dma_wait3A_127[%add3A_123, %dma_wait3A_128] : memref<16x128xi32, #tpu.memory_space<vmem>> -> memref<1x128xi32, #tpu.memory_space<vmem>>
        %dma_wait3A_130 = tpu.memref_squeeze %dma_wait3A_129 : memref<1x128xi32, #tpu.memory_space<vmem>> -> memref<128xi32, #tpu.memory_space<vmem>>
        %dma_wait3A_131 = arith.constant 0 : i32
        %dma_wait3A_132 = arith.constant 0 : i32
        %dma_wait3A_133 = tpu.memref_slice %arg2[%arg0, %dma_wait3A_131, %dma_wait3A_132] : memref<2x10112x128xf32, #tpu.memory_space<hbm>> -> memref<1x10112x128xf32, #tpu.memory_space<hbm>>
        %dma_wait3A_134 = tpu.memref_squeeze %dma_wait3A_133 : memref<1x10112x128xf32, #tpu.memory_space<hbm>> -> memref<10112x128xf32, #tpu.memory_space<hbm>>
        %dma_wait3A_135 = arith.constant 0 : i32
        %dma_wait3A_136 = arith.constant 0 : i32
        %dma_wait3A_137 = tpu.memref_slice %dma_wait3A_134[%dma_wait3A_135, %dma_wait3A_136] : memref<10112x128xf32, #tpu.memory_space<hbm>> -> memref<10112x128xf32, #tpu.memory_space<hbm>>
        tpu.wait_indirect_dma semaphore(%arg13 : memref<!tpu.dma_semaphore, #tpu.memory_space<semaphore_mem>>) src(%dma_wait3A_137 : memref<10112x128xf32, #tpu.memory_space<hbm>>) dst(%arg9 : memref<128x128xf32, #tpu.memory_space<vmem>>)
        %add3A_138 = arith.constant 1 : i32
        %add3A_139 = arith.addi %mul3A_100, %add3A_138 : i32
        "tpu.region"() ({
          %run_scoped3A = tpu.sem_alloc : memref<!tpu.dma_semaphore, #tpu.memory_space<semaphore_mem>>
          %dma_start3A_147 = arith.constant 0 : i32
          %dma_start3A_148 = arith.constant 0 : i32
          %dma_start3A_149 = tpu.memref_slice %arg7[%rem3A_35, %dma_start3A_147, %dma_start3A_148] : memref<2x16x128xi32, #tpu.memory_space<vmem>> -> memref<1x16x128xi32, #tpu.memory_space<vmem>>
          %dma_start3A_150 = tpu.memref_squeeze %dma_start3A_149 : memref<1x16x128xi32, #tpu.memory_space<vmem>> -> memref<16x128xi32, #tpu.memory_space<vmem>>
          %dma_start3A_151 = arith.constant 0 : i32
          %dma_start3A_152 = tpu.memref_slice %dma_start3A_150[%add3A_139, %dma_start3A_151] : memref<16x128xi32, #tpu.memory_space<vmem>> -> memref<1x128xi32, #tpu.memory_space<vmem>>
          %dma_start3A_153 = tpu.memref_squeeze %dma_start3A_152 : memref<1x128xi32, #tpu.memory_space<vmem>> -> memref<128xi32, #tpu.memory_space<vmem>>
          %dma_start3A_154 = arith.constant 0 : i32
          %dma_start3A_155 = arith.constant 0 : i32
          %dma_start3A_156 = tpu.memref_slice %arg10[%dma_start3A_154, %dma_start3A_155] : memref<10112x128xf32, #tpu.memory_space<vmem_shared>> -> memref<10112x128xf32, #tpu.memory_space<vmem_shared>>
          tpu.enqueue_indirect_dma source(%arg9 : memref<128x128xf32, #tpu.memory_space<vmem>>) target(%dma_start3A_156 : memref<10112x128xf32, #tpu.memory_space<vmem_shared>>) offsets(%dma_start3A_153 : memref<128xi32, #tpu.memory_space<vmem>>) semaphore(%run_scoped3A : memref<!tpu.dma_semaphore, #tpu.memory_space<semaphore_mem>>) {add = true}
          %dma_wait3A_157 = arith.constant 0 : i32
          %dma_wait3A_158 = arith.constant 0 : i32
          %dma_wait3A_159 = tpu.memref_slice %arg7[%rem3A_35, %dma_wait3A_157, %dma_wait3A_158] : memref<2x16x128xi32, #tpu.memory_space<vmem>> -> memref<1x16x128xi32, #tpu.memory_space<vmem>>
          %dma_wait3A_160 = tpu.memref_squeeze %dma_wait3A_159 : memref<1x16x128xi32, #tpu.memory_space<vmem>> -> memref<16x128xi32, #tpu.memory_space<vmem>>
          %dma_wait3A_161 = arith.constant 0 : i32
          %dma_wait3A_162 = tpu.memref_slice %dma_wait3A_160[%add3A_139, %dma_wait3A_161] : memref<16x128xi32, #tpu.memory_space<vmem>> -> memref<1x128xi32, #tpu.memory_space<vmem>>
          %dma_wait3A_163 = tpu.memref_squeeze %dma_wait3A_162 : memref<1x128xi32, #tpu.memory_space<vmem>> -> memref<128xi32, #tpu.memory_space<vmem>>
          %dma_wait3A_164 = arith.constant 0 : i32
          %dma_wait3A_165 = arith.constant 0 : i32
          %dma_wait3A_166 = tpu.memref_slice %arg10[%dma_wait3A_164, %dma_wait3A_165] : memref<10112x128xf32, #tpu.memory_space<vmem_shared>> -> memref<10112x128xf32, #tpu.memory_space<vmem_shared>>
          tpu.wait_indirect_dma semaphore(%run_scoped3A : memref<!tpu.dma_semaphore, #tpu.memory_space<semaphore_mem>>) src(%arg9 : memref<128x128xf32, #tpu.memory_space<vmem>>) dst(%dma_wait3A_166 : memref<10112x128xf32, #tpu.memory_space<vmem_shared>>)
          tpu.yield
        }) : () -> ()
        %add3A_140 = arith.constant 1 : i32
        %add3A_141 = arith.addi %scan3A_98, %add3A_140 : i32
        %lt3A_142 = arith.constant 8 : i32
        %lt3A_143 = arith.cmpi slt, %add3A_141, %lt3A_142 : i32
        %convert_element_type3A_144 = arith.extui %lt3A_143 : i1 to i32
        %cond3A_145 = arith.constant 0 : i32
        %cond3A_146 = arith.cmpi ne, %convert_element_type3A_144, %cond3A_145 : i32
        scf.if %cond3A_146 {
          %add3A_147 = arith.constant 3 : i32
          %add3A_148 = arith.addi %mul3A_100, %add3A_147 : i32
          %dma_start3A_149 = arith.constant 0 : i32
          %dma_start3A_150 = arith.constant 0 : i32
          %dma_start3A_151 = tpu.memref_slice %arg6[%rem3A_35, %dma_start3A_149, %dma_start3A_150] : memref<2x16x128xi32, #tpu.memory_space<vmem>> -> memref<1x16x128xi32, #tpu.memory_space<vmem>>
          %dma_start3A_152 = tpu.memref_squeeze %dma_start3A_151 : memref<1x16x128xi32, #tpu.memory_space<vmem>> -> memref<16x128xi32, #tpu.memory_space<vmem>>
          %dma_start3A_153 = arith.constant 0 : i32
          %dma_start3A_154 = tpu.memref_slice %dma_start3A_152[%add3A_148, %dma_start3A_153] : memref<16x128xi32, #tpu.memory_space<vmem>> -> memref<1x128xi32, #tpu.memory_space<vmem>>
          %dma_start3A_155 = tpu.memref_squeeze %dma_start3A_154 : memref<1x128xi32, #tpu.memory_space<vmem>> -> memref<128xi32, #tpu.memory_space<vmem>>
          %dma_start3A_156 = arith.constant 0 : i32
          %dma_start3A_157 = arith.constant 0 : i32
          %dma_start3A_158 = tpu.memref_slice %arg2[%arg0, %dma_start3A_156, %dma_start3A_157] : memref<2x10112x128xf32, #tpu.memory_space<hbm>> -> memref<1x10112x128xf32, #tpu.memory_space<hbm>>
          %dma_start3A_159 = tpu.memref_squeeze %dma_start3A_158 : memref<1x10112x128xf32, #tpu.memory_space<hbm>> -> memref<10112x128xf32, #tpu.memory_space<hbm>>
          %dma_start3A_160 = arith.constant 0 : i32
          %dma_start3A_161 = arith.constant 0 : i32
          %dma_start3A_162 = tpu.memref_slice %dma_start3A_159[%dma_start3A_160, %dma_start3A_161] : memref<10112x128xf32, #tpu.memory_space<hbm>> -> memref<10112x128xf32, #tpu.memory_space<hbm>>
          tpu.enqueue_indirect_dma source(%dma_start3A_162 : memref<10112x128xf32, #tpu.memory_space<hbm>>) target(%arg9 : memref<128x128xf32, #tpu.memory_space<vmem>>) offsets(%dma_start3A_155 : memref<128xi32, #tpu.memory_space<vmem>>) semaphore(%arg13 : memref<!tpu.dma_semaphore, #tpu.memory_space<semaphore_mem>>)
        } else {
        }
      }
      %scan3A_97 = arith.constant 8 : i32
    }
    %scan3A_32 = arith.constant 10 : i32
    %barrier3A_33 = arith.constant 0 : index
    tpu.barrier barrier_id(%barrier3A_33)
    "tpu.region"() ({
      %run_scoped3A = tpu.sem_alloc : memref<!tpu.dma_semaphore, #tpu.memory_space<semaphore_mem>>
      %dma_start3A_34 = arith.constant 0 : i32
      %dma_start3A_35 = tpu.memref_slice %arg5[%arg0, %mul3A_0, %dma_start3A_34] : memref<2x10112x128xf32, #tpu.memory_space<hbm>> -> memref<1x632x128xf32, #tpu.memory_space<hbm>>
      %dma_start3A_36 = tpu.memref_squeeze %dma_start3A_35 : memref<1x632x128xf32, #tpu.memory_space<hbm>> -> memref<632x128xf32, #tpu.memory_space<hbm>>
      %dma_start3A_37 = arith.constant 0 : i32
      %dma_start3A_38 = tpu.memref_slice %arg10[%mul3A_0, %dma_start3A_37] : memref<10112x128xf32, #tpu.memory_space<vmem_shared>> -> memref<632x128xf32, #tpu.memory_space<vmem_shared>>
      tpu.enqueue_dma source(%dma_start3A_38 : memref<632x128xf32, #tpu.memory_space<vmem_shared>>) target(%dma_start3A_36 : memref<632x128xf32, #tpu.memory_space<hbm>>) target_semaphore(%run_scoped3A : memref<!tpu.dma_semaphore, #tpu.memory_space<semaphore_mem>>)
      %dma_wait3A = arith.constant 0 : i32
      %dma_wait3A_39 = tpu.memref_slice %arg5[%arg0, %mul3A_0, %dma_wait3A] : memref<2x10112x128xf32, #tpu.memory_space<hbm>> -> memref<1x632x128xf32, #tpu.memory_space<hbm>>
      %dma_wait3A_40 = tpu.memref_squeeze %dma_wait3A_39 : memref<1x632x128xf32, #tpu.memory_space<hbm>> -> memref<632x128xf32, #tpu.memory_space<hbm>>
      %dma_wait3A_41 = arith.constant 0 : i32
      %dma_wait3A_42 = tpu.memref_slice %arg10[%mul3A_0, %dma_wait3A_41] : memref<10112x128xf32, #tpu.memory_space<vmem_shared>> -> memref<632x128xf32, #tpu.memory_space<vmem_shared>>
      tpu.wait_dma2 semaphore(%run_scoped3A : memref<!tpu.dma_semaphore, #tpu.memory_space<semaphore_mem>>) src(%dma_wait3A_42 : memref<632x128xf32, #tpu.memory_space<vmem_shared>>) dst(%dma_wait3A_40 : memref<632x128xf32, #tpu.memory_space<hbm>>)
      tpu.yield
    }) : () -> ()
    return
  }
}

#map = affine_map<(d0, d1) -> (0, 0, 0)>
#map1 = affine_map<(d0, d1) -> (0, 0)>
module attributes {stable_mosaic.version = 14 : i64} {
  func.func @body(%arg0: i32, %arg1: i32, %arg2: memref<2x10112x128xf32, #tpu.memory_space<hbm>>, %arg3: memref<2560x128xi32, #tpu.memory_space<hbm>>, %arg4: memref<2560x128xi32, #tpu.memory_space<hbm>>, %arg5: memref<2x10112x128xf32, #tpu.memory_space<hbm>>, %arg6: memref<2x16x128xi32, #tpu.memory_space<vmem>>, %arg7: memref<2x16x128xi32, #tpu.memory_space<vmem>>, %arg8: memref<128x128xf32, #tpu.memory_space<vmem>>, %arg9: memref<128x128xf32, #tpu.memory_space<vmem>>, %arg10: memref<10112x128xf32, #tpu.memory_space<vmem_shared>>, %arg11: memref<!tpu.dma_semaphore, #tpu.memory_space<semaphore_mem>>, %arg12: memref<!tpu.dma_semaphore, #tpu.memory_space<semaphore_mem>>, %arg13: memref<!tpu.dma_semaphore, #tpu.memory_space<semaphore_mem>>) attributes {dimension_semantics = [#tpu.dimension_semantics<core_parallel>, #tpu.dimension_semantics<subcore_parallel>], iteration_bounds = array<i64: 2, 16>, scalar_prefetch = 0 : i64, scratch_operands = 8 : i64, tpu.core_type = #tpu.core_type<sc_vector_subcore>, window_params = [{transform_indices = #map}, {transform_indices = #map1}, {transform_indices = #map1}, {transform_indices = #map}]} {
    %mul3A = arith.constant 632 : i32
    %mul3A_0 = arith.muli %arg1, %mul3A : i32
    %mul3A_1 = arith.constant 160 : i32
    %mul3A_2 = arith.muli %arg1, %mul3A_1 : i32
    %dma_start3A = arith.constant 0 : i32
    %dma_start3A_3 = arith.constant 0 : i32
    %dma_start3A_4 = arith.constant 0 : i32
    %dma_start3A_5 = tpu.memref_slice %arg6[%dma_start3A, %dma_start3A_3, %dma_start3A_4] : memref<2x16x128xi32, #tpu.memory_space<vmem>> -> memref<1x16x128xi32, #tpu.memory_space<vmem>>
    %dma_start3A_6 = tpu.memref_squeeze %dma_start3A_5 : memref<1x16x128xi32, #tpu.memory_space<vmem>> -> memref<16x128xi32, #tpu.memory_space<vmem>>
    %dma_start3A_7 = arith.constant 0 : i32
    %dma_start3A_8 = tpu.memref_slice %arg3[%mul3A_2, %dma_start3A_7] : memref<2560x128xi32, #tpu.memory_space<hbm>> -> memref<16x128xi32, #tpu.memory_space<hbm>>
    %dma_start3A_9 = arith.constant 0 : i32
    %dma_start3A_10 = arith.constant 0 : i32
    %dma_start3A_11 = tpu.memref_slice %arg6[%dma_start3A, %dma_start3A_9, %dma_start3A_10] : memref<2x16x128xi32, #tpu.memory_space<vmem>> -> memref<1x16x128xi32, #tpu.memory_space<vmem>>
    %dma_start3A_12 = tpu.memref_squeeze %dma_start3A_11 : memref<1x16x128xi32, #tpu.memory_space<vmem>> -> memref<16x128xi32, #tpu.memory_space<vmem>>
    %dma_start3A_13 = arith.constant 0 : i32
    %dma_start3A_14 = tpu.memref_slice %arg3[%mul3A_2, %dma_start3A_13] : memref<2560x128xi32, #tpu.memory_space<hbm>> -> memref<16x128xi32, #tpu.memory_space<hbm>>
    tpu.enqueue_dma source(%dma_start3A_14 : memref<16x128xi32, #tpu.memory_space<hbm>>) target(%dma_start3A_12 : memref<16x128xi32, #tpu.memory_space<vmem>>) target_semaphore(%arg11 : memref<!tpu.dma_semaphore, #tpu.memory_space<semaphore_mem>>)
    %dma_start3A_15 = arith.constant 0 : i32
    %dma_start3A_16 = arith.constant 0 : i32
    %dma_start3A_17 = arith.constant 0 : i32
    %dma_start3A_18 = tpu.memref_slice %arg7[%dma_start3A_15, %dma_start3A_16, %dma_start3A_17] : memref<2x16x128xi32, #tpu.memory_space<vmem>> -> memref<1x16x128xi32, #tpu.memory_space<vmem>>
    %dma_start3A_19 = tpu.memref_squeeze %dma_start3A_18 : memref<1x16x128xi32, #tpu.memory_space<vmem>> -> memref<16x128xi32, #tpu.memory_space<vmem>>
    %dma_start3A_20 = arith.constant 0 : i32
    %dma_start3A_21 = tpu.memref_slice %arg4[%mul3A_2, %dma_start3A_20] : memref<2560x128xi32, #tpu.memory_space<hbm>> -> memref<16x128xi32, #tpu.memory_space<hbm>>
    %dma_start3A_22 = arith.constant 0 : i32
    %dma_start3A_23 = arith.constant 0 : i32
    %dma_start3A_24 = tpu.memref_slice %arg7[%dma_start3A_15, %dma_start3A_22, %dma_start3A_23] : memref<2x16x128xi32, #tpu.memory_space<vmem>> -> memref<1x16x128xi32, #tpu.memory_space<vmem>>
    %dma_start3A_25 = tpu.memref_squeeze %dma_start3A_24 : memref<1x16x128xi32, #tpu.memory_space<vmem>> -> memref<16x128xi32, #tpu.memory_space<vmem>>
    %dma_start3A_26 = arith.constant 0 : i32
    %dma_start3A_27 = tpu.memref_slice %arg4[%mul3A_2, %dma_start3A_26] : memref<2560x128xi32, #tpu.memory_space<hbm>> -> memref<16x128xi32, #tpu.memory_space<hbm>>
    tpu.enqueue_dma source(%dma_start3A_27 : memref<16x128xi32, #tpu.memory_space<hbm>>) target(%dma_start3A_25 : memref<16x128xi32, #tpu.memory_space<vmem>>) target_semaphore(%arg11 : memref<!tpu.dma_semaphore, #tpu.memory_space<semaphore_mem>>)
    "tpu.region"() ({
      %run_scoped3A = tpu.sem_alloc : memref<!tpu.dma_semaphore, #tpu.memory_space<semaphore_mem>>
      %dma_start3A_34 = arith.constant 0 : i32
      %dma_start3A_35 = tpu.memref_slice %arg10[%mul3A_0, %dma_start3A_34] : memref<10112x128xf32, #tpu.memory_space<vmem_shared>> -> memref<632x128xf32, #tpu.memory_space<vmem_shared>>
      %dma_start3A_36 = arith.constant 0 : i32
      %dma_start3A_37 = tpu.memref_slice %arg2[%arg0, %mul3A_0, %dma_start3A_36] : memref<2x10112x128xf32, #tpu.memory_space<hbm>> -> memref<1x632x128xf32, #tpu.memory_space<hbm>>
      %dma_start3A_38 = tpu.memref_squeeze %dma_start3A_37 : memref<1x632x128xf32, #tpu.memory_space<hbm>> -> memref<632x128xf32, #tpu.memory_space<hbm>>
      tpu.enqueue_dma source(%dma_start3A_38 : memref<632x128xf32, #tpu.memory_space<hbm>>) target(%dma_start3A_35 : memref<632x128xf32, #tpu.memory_space<vmem_shared>>) target_semaphore(%run_scoped3A : memref<!tpu.dma_semaphore, #tpu.memory_space<semaphore_mem>>)
      %dma_wait3A = arith.constant 0 : i32
      %dma_wait3A_39 = tpu.memref_slice %arg10[%mul3A_0, %dma_wait3A] : memref<10112x128xf32, #tpu.memory_space<vmem_shared>> -> memref<632x128xf32, #tpu.memory_space<vmem_shared>>
      %dma_wait3A_40 = arith.constant 0 : i32
      %dma_wait3A_41 = tpu.memref_slice %arg2[%arg0, %mul3A_0, %dma_wait3A_40] : memref<2x10112x128xf32, #tpu.memory_space<hbm>> -> memref<1x632x128xf32, #tpu.memory_space<hbm>>
      %dma_wait3A_42 = tpu.memref_squeeze %dma_wait3A_41 : memref<1x632x128xf32, #tpu.memory_space<hbm>> -> memref<632x128xf32, #tpu.memory_space<hbm>>
      tpu.wait_dma2 semaphore(%run_scoped3A : memref<!tpu.dma_semaphore, #tpu.memory_space<semaphore_mem>>) src(%dma_wait3A_42 : memref<632x128xf32, #tpu.memory_space<hbm>>) dst(%dma_wait3A_39 : memref<632x128xf32, #tpu.memory_space<vmem_shared>>)
      tpu.yield
    }) : () -> ()
    %barrier3A = arith.constant 0 : index
    tpu.barrier barrier_id(%barrier3A)
    %scan3A = arith.constant 0 : i32
    %scan3A_28 = arith.constant 0 : i32
    %scan3A_29 = arith.constant 10 : i32
    %scan3A_30 = arith.addi %scan3A_28, %scan3A_29 : i32
    %scan3A_31 = arith.constant 1 : i32
    scf.for %scan3A_34 = %scan3A_28 to %scan3A_30 step %scan3A_31  : i32 {
      %rem3A = arith.constant 2 : i32
      %rem3A_35 = arith.remsi %scan3A_34, %rem3A : i32
      %dma_wait3A = arith.constant 0 : i32
      %dma_wait3A_36 = arith.constant 0 : i32
      %dma_wait3A_37 = tpu.memref_slice %arg6[%rem3A_35, %dma_wait3A, %dma_wait3A_36] : memref<2x16x128xi32, #tpu.memory_space<vmem>> -> memref<1x16x128xi32, #tpu.memory_space<vmem>>
      %dma_wait3A_38 = tpu.memref_squeeze %dma_wait3A_37 : memref<1x16x128xi32, #tpu.memory_space<vmem>> -> memref<16x128xi32, #tpu.memory_space<vmem>>
      %dma_wait3A_39 = arith.constant 0 : i32
      %dma_wait3A_40 = tpu.memref_slice %arg3[%mul3A_2, %dma_wait3A_39] : memref<2560x128xi32, #tpu.memory_space<hbm>> -> memref<16x128xi32, #tpu.memory_space<hbm>>
      %dma_wait3A_41 = arith.constant 0 : i32
      %dma_wait3A_42 = arith.constant 0 : i32
      %dma_wait3A_43 = tpu.memref_slice %arg6[%rem3A_35, %dma_wait3A_41, %dma_wait3A_42] : memref<2x16x128xi32, #tpu.memory_space<vmem>> -> memref<1x16x128xi32, #tpu.memory_space<vmem>>
      %dma_wait3A_44 = tpu.memref_squeeze %dma_wait3A_43 : memref<1x16x128xi32, #tpu.memory_space<vmem>> -> memref<16x128xi32, #tpu.memory_space<vmem>>
      %dma_wait3A_45 = arith.constant 0 : i32
      %dma_wait3A_46 = tpu.memref_slice %arg3[%mul3A_2, %dma_wait3A_45] : memref<2560x128xi32, #tpu.memory_space<hbm>> -> memref<16x128xi32, #tpu.memory_space<hbm>>
      tpu.wait_dma2 semaphore(%arg11 : memref<!tpu.dma_semaphore, #tpu.memory_space<semaphore_mem>>) src(%dma_wait3A_46 : memref<16x128xi32, #tpu.memory_space<hbm>>) dst(%dma_wait3A_44 : memref<16x128xi32, #tpu.memory_space<vmem>>)
      %dma_wait3A_47 = arith.constant 0 : i32
      %dma_wait3A_48 = arith.constant 0 : i32
      %dma_wait3A_49 = tpu.memref_slice %arg7[%rem3A_35, %dma_wait3A_47, %dma_wait3A_48] : memref<2x16x128xi32, #tpu.memory_space<vmem>> -> memref<1x16x128xi32, #tpu.memory_space<vmem>>
      %dma_wait3A_50 = tpu.memref_squeeze %dma_wait3A_49 : memref<1x16x128xi32, #tpu.memory_space<vmem>> -> memref<16x128xi32, #tpu.memory_space<vmem>>
      %dma_wait3A_51 = arith.constant 0 : i32
      %dma_wait3A_52 = tpu.memref_slice %arg4[%mul3A_2, %dma_wait3A_51] : memref<2560x128xi32, #tpu.memory_space<hbm>> -> memref<16x128xi32, #tpu.memory_space<hbm>>
      %dma_wait3A_53 = arith.constant 0 : i32
      %dma_wait3A_54 = arith.constant 0 : i32
      %dma_wait3A_55 = tpu.memref_slice %arg7[%rem3A_35, %dma_wait3A_53, %dma_wait3A_54] : memref<2x16x128xi32, #tpu.memory_space<vmem>> -> memref<1x16x128xi32, #tpu.memory_space<vmem>>
      %dma_wait3A_56 = tpu.memref_squeeze %dma_wait3A_55 : memref<1x16x128xi32, #tpu.memory_space<vmem>> -> memref<16x128xi32, #tpu.memory_space<vmem>>
      %dma_wait3A_57 = arith.constant 0 : i32
      %dma_wait3A_58 = tpu.memref_slice %arg4[%mul3A_2, %dma_wait3A_57] : memref<2560x128xi32, #tpu.memory_space<hbm>> -> memref<16x128xi32, #tpu.memory_space<hbm>>
      tpu.wait_dma2 semaphore(%arg11 : memref<!tpu.dma_semaphore, #tpu.memory_space<semaphore_mem>>) src(%dma_wait3A_58 : memref<16x128xi32, #tpu.memory_space<hbm>>) dst(%dma_wait3A_56 : memref<16x128xi32, #tpu.memory_space<vmem>>)
      %add3A = arith.constant 1 : i32
      %add3A_59 = arith.addi %scan3A_34, %add3A : i32
      %lt3A = arith.constant 10 : i32
      %lt3A_60 = arith.cmpi slt, %add3A_59, %lt3A : i32
      %convert_element_type3A = arith.extui %lt3A_60 : i1 to i32
      %cond3A = arith.constant 0 : i32
      %cond3A_61 = arith.cmpi ne, %convert_element_type3A, %cond3A : i32
      scf.if %cond3A_61 {
        %add3A_98 = arith.constant 1 : i32
        %add3A_99 = arith.addi %scan3A_34, %add3A_98 : i32
        %mul3A_100 = arith.constant 16 : i32
        %mul3A_101 = arith.muli %add3A_99, %mul3A_100 : i32
        %add3A_102 = arith.addi %mul3A_2, %mul3A_101 : i32
        %sub3A = arith.constant 1 : i32
        %sub3A_103 = arith.subi %sub3A, %rem3A_35 : i32
        %dma_start3A_104 = arith.constant 0 : i32
        %dma_start3A_105 = arith.constant 0 : i32
        %dma_start3A_106 = tpu.memref_slice %arg6[%sub3A_103, %dma_start3A_104, %dma_start3A_105] : memref<2x16x128xi32, #tpu.memory_space<vmem>> -> memref<1x16x128xi32, #tpu.memory_space<vmem>>
        %dma_start3A_107 = tpu.memref_squeeze %dma_start3A_106 : memref<1x16x128xi32, #tpu.memory_space<vmem>> -> memref<16x128xi32, #tpu.memory_space<vmem>>
        %dma_start3A_108 = arith.constant 0 : i32
        %dma_start3A_109 = tpu.memref_slice %arg3[%add3A_102, %dma_start3A_108] : memref<2560x128xi32, #tpu.memory_space<hbm>> -> memref<16x128xi32, #tpu.memory_space<hbm>>
        %dma_start3A_110 = arith.constant 0 : i32
        %dma_start3A_111 = arith.constant 0 : i32
        %dma_start3A_112 = tpu.memref_slice %arg6[%sub3A_103, %dma_start3A_110, %dma_start3A_111] : memref<2x16x128xi32, #tpu.memory_space<vmem>> -> memref<1x16x128xi32, #tpu.memory_space<vmem>>
        %dma_start3A_113 = tpu.memref_squeeze %dma_start3A_112 : memref<1x16x128xi32, #tpu.memory_space<vmem>> -> memref<16x128xi32, #tpu.memory_space<vmem>>
        %dma_start3A_114 = arith.constant 0 : i32
        %dma_start3A_115 = tpu.memref_slice %arg3[%add3A_102, %dma_start3A_114] : memref<2560x128xi32, #tpu.memory_space<hbm>> -> memref<16x128xi32, #tpu.memory_space<hbm>>
        tpu.enqueue_dma source(%dma_start3A_115 : memref<16x128xi32, #tpu.memory_space<hbm>>) target(%dma_start3A_113 : memref<16x128xi32, #tpu.memory_space<vmem>>) target_semaphore(%arg11 : memref<!tpu.dma_semaphore, #tpu.memory_space<semaphore_mem>>)
        %sub3A_116 = arith.constant 1 : i32
        %sub3A_117 = arith.subi %sub3A_116, %rem3A_35 : i32
        %dma_start3A_118 = arith.constant 0 : i32
        %dma_start3A_119 = arith.constant 0 : i32
        %dma_start3A_120 = tpu.memref_slice %arg7[%sub3A_117, %dma_start3A_118, %dma_start3A_119] : memref<2x16x128xi32, #tpu.memory_space<vmem>> -> memref<1x16x128xi32, #tpu.memory_space<vmem>>
        %dma_start3A_121 = tpu.memref_squeeze %dma_start3A_120 : memref<1x16x128xi32, #tpu.memory_space<vmem>> -> memref<16x128xi32, #tpu.memory_space<vmem>>
        %dma_start3A_122 = arith.constant 0 : i32
        %dma_start3A_123 = tpu.memref_slice %arg4[%add3A_102, %dma_start3A_122] : memref<2560x128xi32, #tpu.memory_space<hbm>> -> memref<16x128xi32, #tpu.memory_space<hbm>>
        %dma_start3A_124 = arith.constant 0 : i32
        %dma_start3A_125 = arith.constant 0 : i32
        %dma_start3A_126 = tpu.memref_slice %arg7[%sub3A_117, %dma_start3A_124, %dma_start3A_125] : memref<2x16x128xi32, #tpu.memory_space<vmem>> -> memref<1x16x128xi32, #tpu.memory_space<vmem>>
        %dma_start3A_127 = tpu.memref_squeeze %dma_start3A_126 : memref<1x16x128xi32, #tpu.memory_space<vmem>> -> memref<16x128xi32, #tpu.memory_space<vmem>>
        %dma_start3A_128 = arith.constant 0 : i32
        %dma_start3A_129 = tpu.memref_slice %arg4[%add3A_102, %dma_start3A_128] : memref<2560x128xi32, #tpu.memory_space<hbm>> -> memref<16x128xi32, #tpu.memory_space<hbm>>
        tpu.enqueue_dma source(%dma_start3A_129 : memref<16x128xi32, #tpu.memory_space<hbm>>) target(%dma_start3A_127 : memref<16x128xi32, #tpu.memory_space<vmem>>) target_semaphore(%arg11 : memref<!tpu.dma_semaphore, #tpu.memory_space<semaphore_mem>>)
      } else {
      }
      %dma_start3A_62 = arith.constant 0 : i32
      %dma_start3A_63 = arith.constant 0 : i32
      %dma_start3A_64 = arith.constant 0 : i32
      %dma_start3A_65 = tpu.memref_slice %arg6[%rem3A_35, %dma_start3A_63, %dma_start3A_64] : memref<2x16x128xi32, #tpu.memory_space<vmem>> -> memref<1x16x128xi32, #tpu.memory_space<vmem>>
      %dma_start3A_66 = tpu.memref_squeeze %dma_start3A_65 : memref<1x16x128xi32, #tpu.memory_space<vmem>> -> memref<16x128xi32, #tpu.memory_space<vmem>>
      %dma_start3A_67 = arith.constant 0 : i32
      %dma_start3A_68 = tpu.memref_slice %dma_start3A_66[%dma_start3A_62, %dma_start3A_67] : memref<16x128xi32, #tpu.memory_space<vmem>> -> memref<1x128xi32, #tpu.memory_space<vmem>>
      %dma_start3A_69 = tpu.memref_squeeze %dma_start3A_68 : memref<1x128xi32, #tpu.memory_space<vmem>> -> memref<128xi32, #tpu.memory_space<vmem>>
      %dma_start3A_70 = arith.constant 0 : i32
      %dma_start3A_71 = arith.constant 0 : i32
      %dma_start3A_72 = tpu.memref_slice %arg2[%arg0, %dma_start3A_70, %dma_start3A_71] : memref<2x10112x128xf32, #tpu.memory_space<hbm>> -> memref<1x10112x128xf32, #tpu.memory_space<hbm>>
      %dma_start3A_73 = tpu.memref_squeeze %dma_start3A_72 : memref<1x10112x128xf32, #tpu.memory_space<hbm>> -> memref<10112x128xf32, #tpu.memory_space<hbm>>
      %dma_start3A_74 = arith.constant 0 : i32
      %dma_start3A_75 = arith.constant 0 : i32
      %dma_start3A_76 = tpu.memref_slice %dma_start3A_73[%dma_start3A_74, %dma_start3A_75] : memref<10112x128xf32, #tpu.memory_space<hbm>> -> memref<10112x128xf32, #tpu.memory_space<hbm>>
      tpu.enqueue_indirect_dma source(%dma_start3A_76 : memref<10112x128xf32, #tpu.memory_space<hbm>>) target(%arg8 : memref<128x128xf32, #tpu.memory_space<vmem>>) offsets(%dma_start3A_69 : memref<128xi32, #tpu.memory_space<vmem>>) semaphore(%arg12 : memref<!tpu.dma_semaphore, #tpu.memory_space<semaphore_mem>>)
      %dma_start3A_77 = arith.constant 1 : i32
      %dma_start3A_78 = arith.constant 0 : i32
      %dma_start3A_79 = arith.constant 0 : i32
      %dma_start3A_80 = tpu.memref_slice %arg6[%rem3A_35, %dma_start3A_78, %dma_start3A_79] : memref<2x16x128xi32, #tpu.memory_space<vmem>> -> memref<1x16x128xi32, #tpu.memory_space<vmem>>
      %dma_start3A_81 = tpu.memref_squeeze %dma_start3A_80 : memref<1x16x128xi32, #tpu.memory_space<vmem>> -> memref<16x128xi32, #tpu.memory_space<vmem>>
      %dma_start3A_82 = arith.constant 0 : i32
      %dma_start3A_83 = tpu.memref_slice %dma_start3A_81[%dma_start3A_77, %dma_start3A_82] : memref<16x128xi32, #tpu.memory_space<vmem>> -> memref<1x128xi32, #tpu.memory_space<vmem>>
      %dma_start3A_84 = tpu.memref_squeeze %dma_start3A_83 : memref<1x128xi32, #tpu.memory_space<vmem>> -> memref<128xi32, #tpu.memory_space<vmem>>
      %dma_start3A_85 = arith.constant 0 : i32
      %dma_start3A_86 = arith.constant 0 : i32
      %dma_start3A_87 = tpu.memref_slice %arg2[%arg0, %dma_start3A_85, %dma_start3A_86] : memref<2x10112x128xf32, #tpu.memory_space<hbm>> -> memref<1x10112x128xf32, #tpu.memory_space<hbm>>
      %dma_start3A_88 = tpu.memref_squeeze %dma_start3A_87 : memref<1x10112x128xf32, #tpu.memory_space<hbm>> -> memref<10112x128xf32, #tpu.memory_space<hbm>>
      %dma_start3A_89 = arith.constant 0 : i32
      %dma_start3A_90 = arith.constant 0 : i32
      %dma_start3A_91 = tpu.memref_slice %dma_start3A_88[%dma_start3A_89, %dma_start3A_90] : memref<10112x128xf32, #tpu.memory_space<hbm>> -> memref<10112x128xf32, #tpu.memory_space<hbm>>
      tpu.enqueue_indirect_dma source(%dma_start3A_91 : memref<10112x128xf32, #tpu.memory_space<hbm>>) target(%arg9 : memref<128x128xf32, #tpu.memory_space<vmem>>) offsets(%dma_start3A_84 : memref<128xi32, #tpu.memory_space<vmem>>) semaphore(%arg13 : memref<!tpu.dma_semaphore, #tpu.memory_space<semaphore_mem>>)
      %scan3A_92 = arith.constant 0 : i32
      %scan3A_93 = arith.constant 0 : i32
      %scan3A_94 = arith.constant 8 : i32
      %scan3A_95 = arith.addi %scan3A_93, %scan3A_94 : i32
      %scan3A_96 = arith.constant 1 : i32
      scf.for %scan3A_98 = %scan3A_93 to %scan3A_95 step %scan3A_96  : i32 {
        %mul3A_99 = arith.constant 2 : i32
        %mul3A_100 = arith.muli %mul3A_99, %scan3A_98 : i32
        %dma_wait3A_101 = arith.constant 0 : i32
        %dma_wait3A_102 = arith.constant 0 : i32
        %dma_wait3A_103 = tpu.memref_slice %arg6[%rem3A_35, %dma_wait3A_101, %dma_wait3A_102] : memref<2x16x128xi32, #tpu.memory_space<vmem>> -> memref<1x16x128xi32, #tpu.memory_space<vmem>>
        %dma_wait3A_104 = tpu.memref_squeeze %dma_wait3A_103 : memref<1x16x128xi32, #tpu.memory_space<vmem>> -> memref<16x128xi32, #tpu.memory_space<vmem>>
        %dma_wait3A_105 = arith.constant 0 : i32
        %dma_wait3A_106 = tpu.memref_slice %dma_wait3A_104[%mul3A_100, %dma_wait3A_105] : memref<16x128xi32, #tpu.memory_space<vmem>> -> memref<1x128xi32, #tpu.memory_space<vmem>>
        %dma_wait3A_107 = tpu.memref_squeeze %dma_wait3A_106 : memref<1x128xi32, #tpu.memory_space<vmem>> -> memref<128xi32, #tpu.memory_space<vmem>>
        %dma_wait3A_108 = arith.constant 0 : i32
        %dma_wait3A_109 = arith.constant 0 : i32
        %dma_wait3A_110 = tpu.memref_slice %arg2[%arg0, %dma_wait3A_108, %dma_wait3A_109] : memref<2x10112x128xf32, #tpu.memory_space<hbm>> -> memref<1x10112x128xf32, #tpu.memory_space<hbm>>
        %dma_wait3A_111 = tpu.memref_squeeze %dma_wait3A_110 : memref<1x10112x128xf32, #tpu.memory_space<hbm>> -> memref<10112x128xf32, #tpu.memory_space<hbm>>
        %dma_wait3A_112 = arith.constant 0 : i32
        %dma_wait3A_113 = arith.constant 0 : i32
        %dma_wait3A_114 = tpu.memref_slice %dma_wait3A_111[%dma_wait3A_112, %dma_wait3A_113] : memref<10112x128xf32, #tpu.memory_space<hbm>> -> memref<10112x128xf32, #tpu.memory_space<hbm>>
        tpu.wait_indirect_dma semaphore(%arg12 : memref<!tpu.dma_semaphore, #tpu.memory_space<semaphore_mem>>) src(%dma_wait3A_114 : memref<10112x128xf32, #tpu.memory_space<hbm>>) dst(%arg8 : memref<128x128xf32, #tpu.memory_space<vmem>>)
        "tpu.region"() ({
          %run_scoped3A = tpu.sem_alloc : memref<!tpu.dma_semaphore, #tpu.memory_space<semaphore_mem>>
          %dma_start3A_147 = arith.constant 0 : i32
          %dma_start3A_148 = arith.constant 0 : i32
          %dma_start3A_149 = tpu.memref_slice %arg7[%rem3A_35, %dma_start3A_147, %dma_start3A_148] : memref<2x16x128xi32, #tpu.memory_space<vmem>> -> memref<1x16x128xi32, #tpu.memory_space<vmem>>
          %dma_start3A_150 = tpu.memref_squeeze %dma_start3A_149 : memref<1x16x128xi32, #tpu.memory_space<vmem>> -> memref<16x128xi32, #tpu.memory_space<vmem>>
          %dma_start3A_151 = arith.constant 0 : i32
          %dma_start3A_152 = tpu.memref_slice %dma_start3A_150[%mul3A_100, %dma_start3A_151] : memref<16x128xi32, #tpu.memory_space<vmem>> -> memref<1x128xi32, #tpu.memory_space<vmem>>
          %dma_start3A_153 = tpu.memref_squeeze %dma_start3A_152 : memref<1x128xi32, #tpu.memory_space<vmem>> -> memref<128xi32, #tpu.memory_space<vmem>>
          %dma_start3A_154 = arith.constant 0 : i32
          %dma_start3A_155 = arith.constant 0 : i32
          %dma_start3A_156 = tpu.memref_slice %arg10[%dma_start3A_154, %dma_start3A_155] : memref<10112x128xf32, #tpu.memory_space<vmem_shared>> -> memref<10112x128xf32, #tpu.memory_space<vmem_shared>>
          tpu.enqueue_indirect_dma source(%arg8 : memref<128x128xf32, #tpu.memory_space<vmem>>) target(%dma_start3A_156 : memref<10112x128xf32, #tpu.memory_space<vmem_shared>>) offsets(%dma_start3A_153 : memref<128xi32, #tpu.memory_space<vmem>>) semaphore(%run_scoped3A : memref<!tpu.dma_semaphore, #tpu.memory_space<semaphore_mem>>) {add = true}
          %dma_wait3A_157 = arith.constant 0 : i32
          %dma_wait3A_158 = arith.constant 0 : i32
          %dma_wait3A_159 = tpu.memref_slice %arg7[%rem3A_35, %dma_wait3A_157, %dma_wait3A_158] : memref<2x16x128xi32, #tpu.memory_space<vmem>> -> memref<1x16x128xi32, #tpu.memory_space<vmem>>
          %dma_wait3A_160 = tpu.memref_squeeze %dma_wait3A_159 : memref<1x16x128xi32, #tpu.memory_space<vmem>> -> memref<16x128xi32, #tpu.memory_space<vmem>>
          %dma_wait3A_161 = arith.constant 0 : i32
          %dma_wait3A_162 = tpu.memref_slice %dma_wait3A_160[%mul3A_100, %dma_wait3A_161] : memref<16x128xi32, #tpu.memory_space<vmem>> -> memref<1x128xi32, #tpu.memory_space<vmem>>
          %dma_wait3A_163 = tpu.memref_squeeze %dma_wait3A_162 : memref<1x128xi32, #tpu.memory_space<vmem>> -> memref<128xi32, #tpu.memory_space<vmem>>
          %dma_wait3A_164 = arith.constant 0 : i32
          %dma_wait3A_165 = arith.constant 0 : i32
          %dma_wait3A_166 = tpu.memref_slice %arg10[%dma_wait3A_164, %dma_wait3A_165] : memref<10112x128xf32, #tpu.memory_space<vmem_shared>> -> memref<10112x128xf32, #tpu.memory_space<vmem_shared>>
          tpu.wait_indirect_dma semaphore(%run_scoped3A : memref<!tpu.dma_semaphore, #tpu.memory_space<semaphore_mem>>) src(%arg8 : memref<128x128xf32, #tpu.memory_space<vmem>>) dst(%dma_wait3A_166 : memref<10112x128xf32, #tpu.memory_space<vmem_shared>>)
          tpu.yield
        }) : () -> ()
        %add3A_115 = arith.constant 1 : i32
        %add3A_116 = arith.addi %scan3A_98, %add3A_115 : i32
        %lt3A_117 = arith.constant 8 : i32
        %lt3A_118 = arith.cmpi slt, %add3A_116, %lt3A_117 : i32
        %convert_element_type3A_119 = arith.extui %lt3A_118 : i1 to i32
        %cond3A_120 = arith.constant 0 : i32
        %cond3A_121 = arith.cmpi ne, %convert_element_type3A_119, %cond3A_120 : i32
        scf.if %cond3A_121 {
          %add3A_147 = arith.constant 2 : i32
          %add3A_148 = arith.addi %mul3A_100, %add3A_147 : i32
          %dma_start3A_149 = arith.constant 0 : i32
          %dma_start3A_150 = arith.constant 0 : i32
          %dma_start3A_151 = tpu.memref_slice %arg6[%rem3A_35, %dma_start3A_149, %dma_start3A_150] : memref<2x16x128xi32, #tpu.memory_space<vmem>> -> memref<1x16x128xi32, #tpu.memory_space<vmem>>
          %dma_start3A_152 = tpu.memref_squeeze %dma_start3A_151 : memref<1x16x128xi32, #tpu.memory_space<vmem>> -> memref<16x128xi32, #tpu.memory_space<vmem>>
          %dma_start3A_153 = arith.constant 0 : i32
          %dma_start3A_154 = tpu.memref_slice %dma_start3A_152[%add3A_148, %dma_start3A_153] : memref<16x128xi32, #tpu.memory_space<vmem>> -> memref<1x128xi32, #tpu.memory_space<vmem>>
          %dma_start3A_155 = tpu.memref_squeeze %dma_start3A_154 : memref<1x128xi32, #tpu.memory_space<vmem>> -> memref<128xi32, #tpu.memory_space<vmem>>
          %dma_start3A_156 = arith.constant 0 : i32
          %dma_start3A_157 = arith.constant 0 : i32
          %dma_start3A_158 = tpu.memref_slice %arg2[%arg0, %dma_start3A_156, %dma_start3A_157] : memref<2x10112x128xf32, #tpu.memory_space<hbm>> -> memref<1x10112x128xf32, #tpu.memory_space<hbm>>
          %dma_start3A_159 = tpu.memref_squeeze %dma_start3A_158 : memref<1x10112x128xf32, #tpu.memory_space<hbm>> -> memref<10112x128xf32, #tpu.memory_space<hbm>>
          %dma_start3A_160 = arith.constant 0 : i32
          %dma_start3A_161 = arith.constant 0 : i32
          %dma_start3A_162 = tpu.memref_slice %dma_start3A_159[%dma_start3A_160, %dma_start3A_161] : memref<10112x128xf32, #tpu.memory_space<hbm>> -> memref<10112x128xf32, #tpu.memory_space<hbm>>
          tpu.enqueue_indirect_dma source(%dma_start3A_162 : memref<10112x128xf32, #tpu.memory_space<hbm>>) target(%arg8 : memref<128x128xf32, #tpu.memory_space<vmem>>) offsets(%dma_start3A_155 : memref<128xi32, #tpu.memory_space<vmem>>) semaphore(%arg12 : memref<!tpu.dma_semaphore, #tpu.memory_space<semaphore_mem>>)
        } else {
        }
        %add3A_122 = arith.constant 1 : i32
        %add3A_123 = arith.addi %mul3A_100, %add3A_122 : i32
        %dma_wait3A_124 = arith.constant 0 : i32
        %dma_wait3A_125 = arith.constant 0 : i32
        %dma_wait3A_126 = tpu.memref_slice %arg6[%rem3A_35, %dma_wait3A_124, %dma_wait3A_125] : memref<2x16x128xi32, #tpu.memory_space<vmem>> -> memref<1x16x128xi32, #tpu.memory_space<vmem>>
        %dma_wait3A_127 = tpu.memref_squeeze %dma_wait3A_126 : memref<1x16x128xi32, #tpu.memory_space<vmem>> -> memref<16x128xi32, #tpu.memory_space<vmem>>
        %dma_wait3A_128 = arith.constant 0 : i32
        %dma_wait3A_129 = tpu.memref_slice %dma_wait3A_127[%add3A_123, %dma_wait3A_128] : memref<16x128xi32, #tpu.memory_space<vmem>> -> memref<1x128xi32, #tpu.memory_space<vmem>>
        %dma_wait3A_130 = tpu.memref_squeeze %dma_wait3A_129 : memref<1x128xi32, #tpu.memory_space<vmem>> -> memref<128xi32, #tpu.memory_space<vmem>>
        %dma_wait3A_131 = arith.constant 0 : i32
        %dma_wait3A_132 = arith.constant 0 : i32
        %dma_wait3A_133 = tpu.memref_slice %arg2[%arg0, %dma_wait3A_131, %dma_wait3A_132] : memref<2x10112x128xf32, #tpu.memory_space<hbm>> -> memref<1x10112x128xf32, #tpu.memory_space<hbm>>
        %dma_wait3A_134 = tpu.memref_squeeze %dma_wait3A_133 : memref<1x10112x128xf32, #tpu.memory_space<hbm>> -> memref<10112x128xf32, #tpu.memory_space<hbm>>
        %dma_wait3A_135 = arith.constant 0 : i32
        %dma_wait3A_136 = arith.constant 0 : i32
        %dma_wait3A_137 = tpu.memref_slice %dma_wait3A_134[%dma_wait3A_135, %dma_wait3A_136] : memref<10112x128xf32, #tpu.memory_space<hbm>> -> memref<10112x128xf32, #tpu.memory_space<hbm>>
        tpu.wait_indirect_dma semaphore(%arg13 : memref<!tpu.dma_semaphore, #tpu.memory_space<semaphore_mem>>) src(%dma_wait3A_137 : memref<10112x128xf32, #tpu.memory_space<hbm>>) dst(%arg9 : memref<128x128xf32, #tpu.memory_space<vmem>>)
        %add3A_138 = arith.constant 1 : i32
        %add3A_139 = arith.addi %mul3A_100, %add3A_138 : i32
        "tpu.region"() ({
          %run_scoped3A = tpu.sem_alloc : memref<!tpu.dma_semaphore, #tpu.memory_space<semaphore_mem>>
          %dma_start3A_147 = arith.constant 0 : i32
          %dma_start3A_148 = arith.constant 0 : i32
          %dma_start3A_149 = tpu.memref_slice %arg7[%rem3A_35, %dma_start3A_147, %dma_start3A_148] : memref<2x16x128xi32, #tpu.memory_space<vmem>> -> memref<1x16x128xi32, #tpu.memory_space<vmem>>
          %dma_start3A_150 = tpu.memref_squeeze %dma_start3A_149 : memref<1x16x128xi32, #tpu.memory_space<vmem>> -> memref<16x128xi32, #tpu.memory_space<vmem>>
          %dma_start3A_151 = arith.constant 0 : i32
          %dma_start3A_152 = tpu.memref_slice %dma_start3A_150[%add3A_139, %dma_start3A_151] : memref<16x128xi32, #tpu.memory_space<vmem>> -> memref<1x128xi32, #tpu.memory_space<vmem>>
          %dma_start3A_153 = tpu.memref_squeeze %dma_start3A_152 : memref<1x128xi32, #tpu.memory_space<vmem>> -> memref<128xi32, #tpu.memory_space<vmem>>
          %dma_start3A_154 = arith.constant 0 : i32
          %dma_start3A_155 = arith.constant 0 : i32
          %dma_start3A_156 = tpu.memref_slice %arg10[%dma_start3A_154, %dma_start3A_155] : memref<10112x128xf32, #tpu.memory_space<vmem_shared>> -> memref<10112x128xf32, #tpu.memory_space<vmem_shared>>
          tpu.enqueue_indirect_dma source(%arg9 : memref<128x128xf32, #tpu.memory_space<vmem>>) target(%dma_start3A_156 : memref<10112x128xf32, #tpu.memory_space<vmem_shared>>) offsets(%dma_start3A_153 : memref<128xi32, #tpu.memory_space<vmem>>) semaphore(%run_scoped3A : memref<!tpu.dma_semaphore, #tpu.memory_space<semaphore_mem>>) {add = true}
          %dma_wait3A_157 = arith.constant 0 : i32
          %dma_wait3A_158 = arith.constant 0 : i32
          %dma_wait3A_159 = tpu.memref_slice %arg7[%rem3A_35, %dma_wait3A_157, %dma_wait3A_158] : memref<2x16x128xi32, #tpu.memory_space<vmem>> -> memref<1x16x128xi32, #tpu.memory_space<vmem>>
          %dma_wait3A_160 = tpu.memref_squeeze %dma_wait3A_159 : memref<1x16x128xi32, #tpu.memory_space<vmem>> -> memref<16x128xi32, #tpu.memory_space<vmem>>
          %dma_wait3A_161 = arith.constant 0 : i32
          %dma_wait3A_162 = tpu.memref_slice %dma_wait3A_160[%add3A_139, %dma_wait3A_161] : memref<16x128xi32, #tpu.memory_space<vmem>> -> memref<1x128xi32, #tpu.memory_space<vmem>>
          %dma_wait3A_163 = tpu.memref_squeeze %dma_wait3A_162 : memref<1x128xi32, #tpu.memory_space<vmem>> -> memref<128xi32, #tpu.memory_space<vmem>>
          %dma_wait3A_164 = arith.constant 0 : i32
          %dma_wait3A_165 = arith.constant 0 : i32
          %dma_wait3A_166 = tpu.memref_slice %arg10[%dma_wait3A_164, %dma_wait3A_165] : memref<10112x128xf32, #tpu.memory_space<vmem_shared>> -> memref<10112x128xf32, #tpu.memory_space<vmem_shared>>
          tpu.wait_indirect_dma semaphore(%run_scoped3A : memref<!tpu.dma_semaphore, #tpu.memory_space<semaphore_mem>>) src(%arg9 : memref<128x128xf32, #tpu.memory_space<vmem>>) dst(%dma_wait3A_166 : memref<10112x128xf32, #tpu.memory_space<vmem_shared>>)
          tpu.yield
        }) : () -> ()
        %add3A_140 = arith.constant 1 : i32
        %add3A_141 = arith.addi %scan3A_98, %add3A_140 : i32
        %lt3A_142 = arith.constant 8 : i32
        %lt3A_143 = arith.cmpi slt, %add3A_141, %lt3A_142 : i32
        %convert_element_type3A_144 = arith.extui %lt3A_143 : i1 to i32
        %cond3A_145 = arith.constant 0 : i32
        %cond3A_146 = arith.cmpi ne, %convert_element_type3A_144, %cond3A_145 : i32
        scf.if %cond3A_146 {
          %add3A_147 = arith.constant 3 : i32
          %add3A_148 = arith.addi %mul3A_100, %add3A_147 : i32
          %dma_start3A_149 = arith.constant 0 : i32
          %dma_start3A_150 = arith.constant 0 : i32
          %dma_start3A_151 = tpu.memref_slice %arg6[%rem3A_35, %dma_start3A_149, %dma_start3A_150] : memref<2x16x128xi32, #tpu.memory_space<vmem>> -> memref<1x16x128xi32, #tpu.memory_space<vmem>>
          %dma_start3A_152 = tpu.memref_squeeze %dma_start3A_151 : memref<1x16x128xi32, #tpu.memory_space<vmem>> -> memref<16x128xi32, #tpu.memory_space<vmem>>
          %dma_start3A_153 = arith.constant 0 : i32
          %dma_start3A_154 = tpu.memref_slice %dma_start3A_152[%add3A_148, %dma_start3A_153] : memref<16x128xi32, #tpu.memory_space<vmem>> -> memref<1x128xi32, #tpu.memory_space<vmem>>
          %dma_start3A_155 = tpu.memref_squeeze %dma_start3A_154 : memref<1x128xi32, #tpu.memory_space<vmem>> -> memref<128xi32, #tpu.memory_space<vmem>>
          %dma_start3A_156 = arith.constant 0 : i32
          %dma_start3A_157 = arith.constant 0 : i32
          %dma_start3A_158 = tpu.memref_slice %arg2[%arg0, %dma_start3A_156, %dma_start3A_157] : memref<2x10112x128xf32, #tpu.memory_space<hbm>> -> memref<1x10112x128xf32, #tpu.memory_space<hbm>>
          %dma_start3A_159 = tpu.memref_squeeze %dma_start3A_158 : memref<1x10112x128xf32, #tpu.memory_space<hbm>> -> memref<10112x128xf32, #tpu.memory_space<hbm>>
          %dma_start3A_160 = arith.constant 0 : i32
          %dma_start3A_161 = arith.constant 0 : i32
          %dma_start3A_162 = tpu.memref_slice %dma_start3A_159[%dma_start3A_160, %dma_start3A_161] : memref<10112x128xf32, #tpu.memory_space<hbm>> -> memref<10112x128xf32, #tpu.memory_space<hbm>>
          tpu.enqueue_indirect_dma source(%dma_start3A_162 : memref<10112x128xf32, #tpu.memory_space<hbm>>) target(%arg9 : memref<128x128xf32, #tpu.memory_space<vmem>>) offsets(%dma_start3A_155 : memref<128xi32, #tpu.memory_space<vmem>>) semaphore(%arg13 : memref<!tpu.dma_semaphore, #tpu.memory_space<semaphore_mem>>)
        } else {
        }
      }
      %scan3A_97 = arith.constant 8 : i32
    }
    %scan3A_32 = arith.constant 10 : i32
    %barrier3A_33 = arith.constant 0 : index
    tpu.barrier barrier_id(%barrier3A_33)
    "tpu.region"() ({
      %run_scoped3A = tpu.sem_alloc : memref<!tpu.dma_semaphore, #tpu.memory_space<semaphore_mem>>
      %dma_start3A_34 = arith.constant 0 : i32
      %dma_start3A_35 = tpu.memref_slice %arg5[%arg0, %mul3A_0, %dma_start3A_34] : memref<2x10112x128xf32, #tpu.memory_space<hbm>> -> memref<1x632x128xf32, #tpu.memory_space<hbm>>
      %dma_start3A_36 = tpu.memref_squeeze %dma_start3A_35 : memref<1x632x128xf32, #tpu.memory_space<hbm>> -> memref<632x128xf32, #tpu.memory_space<hbm>>
      %dma_start3A_37 = arith.constant 0 : i32
      %dma_start3A_38 = tpu.memref_slice %arg10[%mul3A_0, %dma_start3A_37] : memref<10112x128xf32, #tpu.memory_space<vmem_shared>> -> memref<632x128xf32, #tpu.memory_space<vmem_shared>>
      tpu.enqueue_dma source(%dma_start3A_38 : memref<632x128xf32, #tpu.memory_space<vmem_shared>>) target(%dma_start3A_36 : memref<632x128xf32, #tpu.memory_space<hbm>>) target_semaphore(%run_scoped3A : memref<!tpu.dma_semaphore, #tpu.memory_space<semaphore_mem>>)
      %dma_wait3A = arith.constant 0 : i32
      %dma_wait3A_39 = tpu.memref_slice %arg5[%arg0, %mul3A_0, %dma_wait3A] : memref<2x10112x128xf32, #tpu.memory_space<hbm>> -> memref<1x632x128xf32, #tpu.memory_space<hbm>>
      %dma_wait3A_40 = tpu.memref_squeeze %dma_wait3A_39 : memref<1x632x128xf32, #tpu.memory_space<hbm>> -> memref<632x128xf32, #tpu.memory_space<hbm>>
      %dma_wait3A_41 = arith.constant 0 : i32
      %dma_wait3A_42 = tpu.memref_slice %arg10[%mul3A_0, %dma_wait3A_41] : memref<10112x128xf32, #tpu.memory_space<vmem_shared>> -> memref<632x128xf32, #tpu.memory_space<vmem_shared>>
      tpu.wait_dma2 semaphore(%run_scoped3A : memref<!tpu.dma_semaphore, #tpu.memory_space<semaphore_mem>>) src(%dma_wait3A_42 : memref<632x128xf32, #tpu.memory_space<vmem_shared>>) dst(%dma_wait3A_40 : memref<632x128xf32, #tpu.memory_space<hbm>>)
      tpu.yield
    }) : () -> ()
    return
  }
}

#map = affine_map<(d0, d1) -> (0, 0, 0)>
#map1 = affine_map<(d0, d1) -> (0, 0)>
module attributes {stable_mosaic.version = 14 : i64} {
  func.func @body(%arg0: i32, %arg1: i32, %arg2: memref<2x10112x128xf32, #tpu.memory_space<hbm>>, %arg3: memref<2560x128xi32, #tpu.memory_space<hbm>>, %arg4: memref<2560x128xi32, #tpu.memory_space<hbm>>, %arg5: memref<2x10112x128xf32, #tpu.memory_space<hbm>>, %arg6: memref<2x16x128xi32, #tpu.memory_space<vmem>>, %arg7: memref<2x16x128xi32, #tpu.memory_space<vmem>>, %arg8: memref<128x128xf32, #tpu.memory_space<vmem>>, %arg9: memref<128x128xf32, #tpu.memory_space<vmem>>, %arg10: memref<10112x128xf32, #tpu.memory_space<vmem_shared>>, %arg11: memref<!tpu.dma_semaphore, #tpu.memory_space<semaphore_mem>>, %arg12: memref<!tpu.dma_semaphore, #tpu.memory_space<semaphore_mem>>, %arg13: memref<!tpu.dma_semaphore, #tpu.memory_space<semaphore_mem>>) attributes {dimension_semantics = [#tpu.dimension_semantics<core_parallel>, #tpu.dimension_semantics<subcore_parallel>], iteration_bounds = array<i64: 2, 16>, scalar_prefetch = 0 : i64, scratch_operands = 8 : i64, tpu.core_type = #tpu.core_type<sc_vector_subcore>, window_params = [{transform_indices = #map}, {transform_indices = #map1}, {transform_indices = #map1}, {transform_indices = #map}]} {
    %mul3A = arith.constant 632 : i32
    %mul3A_0 = arith.muli %arg1, %mul3A : i32
    %mul3A_1 = arith.constant 160 : i32
    %mul3A_2 = arith.muli %arg1, %mul3A_1 : i32
    %dma_start3A = arith.constant 0 : i32
    %dma_start3A_3 = arith.constant 0 : i32
    %dma_start3A_4 = arith.constant 0 : i32
    %dma_start3A_5 = tpu.memref_slice %arg6[%dma_start3A, %dma_start3A_3, %dma_start3A_4] : memref<2x16x128xi32, #tpu.memory_space<vmem>> -> memref<1x16x128xi32, #tpu.memory_space<vmem>>
    %dma_start3A_6 = tpu.memref_squeeze %dma_start3A_5 : memref<1x16x128xi32, #tpu.memory_space<vmem>> -> memref<16x128xi32, #tpu.memory_space<vmem>>
    %dma_start3A_7 = arith.constant 0 : i32
    %dma_start3A_8 = tpu.memref_slice %arg3[%mul3A_2, %dma_start3A_7] : memref<2560x128xi32, #tpu.memory_space<hbm>> -> memref<16x128xi32, #tpu.memory_space<hbm>>
    %dma_start3A_9 = arith.constant 0 : i32
    %dma_start3A_10 = arith.constant 0 : i32
    %dma_start3A_11 = tpu.memref_slice %arg6[%dma_start3A, %dma_start3A_9, %dma_start3A_10] : memref<2x16x128xi32, #tpu.memory_space<vmem>> -> memref<1x16x128xi32, #tpu.memory_space<vmem>>
    %dma_start3A_12 = tpu.memref_squeeze %dma_start3A_11 : memref<1x16x128xi32, #tpu.memory_space<vmem>> -> memref<16x128xi32, #tpu.memory_space<vmem>>
    %dma_start3A_13 = arith.constant 0 : i32
    %dma_start3A_14 = tpu.memref_slice %arg3[%mul3A_2, %dma_start3A_13] : memref<2560x128xi32, #tpu.memory_space<hbm>> -> memref<16x128xi32, #tpu.memory_space<hbm>>
    tpu.enqueue_dma source(%dma_start3A_14 : memref<16x128xi32, #tpu.memory_space<hbm>>) target(%dma_start3A_12 : memref<16x128xi32, #tpu.memory_space<vmem>>) target_semaphore(%arg11 : memref<!tpu.dma_semaphore, #tpu.memory_space<semaphore_mem>>)
    %dma_start3A_15 = arith.constant 0 : i32
    %dma_start3A_16 = arith.constant 0 : i32
    %dma_start3A_17 = arith.constant 0 : i32
    %dma_start3A_18 = tpu.memref_slice %arg7[%dma_start3A_15, %dma_start3A_16, %dma_start3A_17] : memref<2x16x128xi32, #tpu.memory_space<vmem>> -> memref<1x16x128xi32, #tpu.memory_space<vmem>>
    %dma_start3A_19 = tpu.memref_squeeze %dma_start3A_18 : memref<1x16x128xi32, #tpu.memory_space<vmem>> -> memref<16x128xi32, #tpu.memory_space<vmem>>
    %dma_start3A_20 = arith.constant 0 : i32
    %dma_start3A_21 = tpu.memref_slice %arg4[%mul3A_2, %dma_start3A_20] : memref<2560x128xi32, #tpu.memory_space<hbm>> -> memref<16x128xi32, #tpu.memory_space<hbm>>
    %dma_start3A_22 = arith.constant 0 : i32
    %dma_start3A_23 = arith.constant 0 : i32
    %dma_start3A_24 = tpu.memref_slice %arg7[%dma_start3A_15, %dma_start3A_22, %dma_start3A_23] : memref<2x16x128xi32, #tpu.memory_space<vmem>> -> memref<1x16x128xi32, #tpu.memory_space<vmem>>
    %dma_start3A_25 = tpu.memref_squeeze %dma_start3A_24 : memref<1x16x128xi32, #tpu.memory_space<vmem>> -> memref<16x128xi32, #tpu.memory_space<vmem>>
    %dma_start3A_26 = arith.constant 0 : i32
    %dma_start3A_27 = tpu.memref_slice %arg4[%mul3A_2, %dma_start3A_26] : memref<2560x128xi32, #tpu.memory_space<hbm>> -> memref<16x128xi32, #tpu.memory_space<hbm>>
    tpu.enqueue_dma source(%dma_start3A_27 : memref<16x128xi32, #tpu.memory_space<hbm>>) target(%dma_start3A_25 : memref<16x128xi32, #tpu.memory_space<vmem>>) target_semaphore(%arg11 : memref<!tpu.dma_semaphore, #tpu.memory_space<semaphore_mem>>)
    "tpu.region"() ({
      %run_scoped3A = tpu.sem_alloc : memref<!tpu.dma_semaphore, #tpu.memory_space<semaphore_mem>>
      %dma_start3A_34 = arith.constant 0 : i32
      %dma_start3A_35 = tpu.memref_slice %arg10[%mul3A_0, %dma_start3A_34] : memref<10112x128xf32, #tpu.memory_space<vmem_shared>> -> memref<632x128xf32, #tpu.memory_space<vmem_shared>>
      %dma_start3A_36 = arith.constant 0 : i32
      %dma_start3A_37 = tpu.memref_slice %arg2[%arg0, %mul3A_0, %dma_start3A_36] : memref<2x10112x128xf32, #tpu.memory_space<hbm>> -> memref<1x632x128xf32, #tpu.memory_space<hbm>>
      %dma_start3A_38 = tpu.memref_squeeze %dma_start3A_37 : memref<1x632x128xf32, #tpu.memory_space<hbm>> -> memref<632x128xf32, #tpu.memory_space<hbm>>
      tpu.enqueue_dma source(%dma_start3A_38 : memref<632x128xf32, #tpu.memory_space<hbm>>) target(%dma_start3A_35 : memref<632x128xf32, #tpu.memory_space<vmem_shared>>) target_semaphore(%run_scoped3A : memref<!tpu.dma_semaphore, #tpu.memory_space<semaphore_mem>>)
      %dma_wait3A = arith.constant 0 : i32
      %dma_wait3A_39 = tpu.memref_slice %arg10[%mul3A_0, %dma_wait3A] : memref<10112x128xf32, #tpu.memory_space<vmem_shared>> -> memref<632x128xf32, #tpu.memory_space<vmem_shared>>
      %dma_wait3A_40 = arith.constant 0 : i32
      %dma_wait3A_41 = tpu.memref_slice %arg2[%arg0, %mul3A_0, %dma_wait3A_40] : memref<2x10112x128xf32, #tpu.memory_space<hbm>> -> memref<1x632x128xf32, #tpu.memory_space<hbm>>
      %dma_wait3A_42 = tpu.memref_squeeze %dma_wait3A_41 : memref<1x632x128xf32, #tpu.memory_space<hbm>> -> memref<632x128xf32, #tpu.memory_space<hbm>>
      tpu.wait_dma2 semaphore(%run_scoped3A : memref<!tpu.dma_semaphore, #tpu.memory_space<semaphore_mem>>) src(%dma_wait3A_42 : memref<632x128xf32, #tpu.memory_space<hbm>>) dst(%dma_wait3A_39 : memref<632x128xf32, #tpu.memory_space<vmem_shared>>)
      tpu.yield
    }) : () -> ()
    %barrier3A = arith.constant 0 : index
    tpu.barrier barrier_id(%barrier3A)
    %scan3A = arith.constant 0 : i32
    %scan3A_28 = arith.constant 0 : i32
    %scan3A_29 = arith.constant 10 : i32
    %scan3A_30 = arith.addi %scan3A_28, %scan3A_29 : i32
    %scan3A_31 = arith.constant 1 : i32
    scf.for %scan3A_34 = %scan3A_28 to %scan3A_30 step %scan3A_31  : i32 {
      %rem3A = arith.constant 2 : i32
      %rem3A_35 = arith.remsi %scan3A_34, %rem3A : i32
      %dma_wait3A = arith.constant 0 : i32
      %dma_wait3A_36 = arith.constant 0 : i32
      %dma_wait3A_37 = tpu.memref_slice %arg6[%rem3A_35, %dma_wait3A, %dma_wait3A_36] : memref<2x16x128xi32, #tpu.memory_space<vmem>> -> memref<1x16x128xi32, #tpu.memory_space<vmem>>
      %dma_wait3A_38 = tpu.memref_squeeze %dma_wait3A_37 : memref<1x16x128xi32, #tpu.memory_space<vmem>> -> memref<16x128xi32, #tpu.memory_space<vmem>>
      %dma_wait3A_39 = arith.constant 0 : i32
      %dma_wait3A_40 = tpu.memref_slice %arg3[%mul3A_2, %dma_wait3A_39] : memref<2560x128xi32, #tpu.memory_space<hbm>> -> memref<16x128xi32, #tpu.memory_space<hbm>>
      %dma_wait3A_41 = arith.constant 0 : i32
      %dma_wait3A_42 = arith.constant 0 : i32
      %dma_wait3A_43 = tpu.memref_slice %arg6[%rem3A_35, %dma_wait3A_41, %dma_wait3A_42] : memref<2x16x128xi32, #tpu.memory_space<vmem>> -> memref<1x16x128xi32, #tpu.memory_space<vmem>>
      %dma_wait3A_44 = tpu.memref_squeeze %dma_wait3A_43 : memref<1x16x128xi32, #tpu.memory_space<vmem>> -> memref<16x128xi32, #tpu.memory_space<vmem>>
      %dma_wait3A_45 = arith.constant 0 : i32
      %dma_wait3A_46 = tpu.memref_slice %arg3[%mul3A_2, %dma_wait3A_45] : memref<2560x128xi32, #tpu.memory_space<hbm>> -> memref<16x128xi32, #tpu.memory_space<hbm>>
      tpu.wait_dma2 semaphore(%arg11 : memref<!tpu.dma_semaphore, #tpu.memory_space<semaphore_mem>>) src(%dma_wait3A_46 : memref<16x128xi32, #tpu.memory_space<hbm>>) dst(%dma_wait3A_44 : memref<16x128xi32, #tpu.memory_space<vmem>>)
      %dma_wait3A_47 = arith.constant 0 : i32
      %dma_wait3A_48 = arith.constant 0 : i32
      %dma_wait3A_49 = tpu.memref_slice %arg7[%rem3A_35, %dma_wait3A_47, %dma_wait3A_48] : memref<2x16x128xi32, #tpu.memory_space<vmem>> -> memref<1x16x128xi32, #tpu.memory_space<vmem>>
      %dma_wait3A_50 = tpu.memref_squeeze %dma_wait3A_49 : memref<1x16x128xi32, #tpu.memory_space<vmem>> -> memref<16x128xi32, #tpu.memory_space<vmem>>
      %dma_wait3A_51 = arith.constant 0 : i32
      %dma_wait3A_52 = tpu.memref_slice %arg4[%mul3A_2, %dma_wait3A_51] : memref<2560x128xi32, #tpu.memory_space<hbm>> -> memref<16x128xi32, #tpu.memory_space<hbm>>
      %dma_wait3A_53 = arith.constant 0 : i32
      %dma_wait3A_54 = arith.constant 0 : i32
      %dma_wait3A_55 = tpu.memref_slice %arg7[%rem3A_35, %dma_wait3A_53, %dma_wait3A_54] : memref<2x16x128xi32, #tpu.memory_space<vmem>> -> memref<1x16x128xi32, #tpu.memory_space<vmem>>
      %dma_wait3A_56 = tpu.memref_squeeze %dma_wait3A_55 : memref<1x16x128xi32, #tpu.memory_space<vmem>> -> memref<16x128xi32, #tpu.memory_space<vmem>>
      %dma_wait3A_57 = arith.constant 0 : i32
      %dma_wait3A_58 = tpu.memref_slice %arg4[%mul3A_2, %dma_wait3A_57] : memref<2560x128xi32, #tpu.memory_space<hbm>> -> memref<16x128xi32, #tpu.memory_space<hbm>>
      tpu.wait_dma2 semaphore(%arg11 : memref<!tpu.dma_semaphore, #tpu.memory_space<semaphore_mem>>) src(%dma_wait3A_58 : memref<16x128xi32, #tpu.memory_space<hbm>>) dst(%dma_wait3A_56 : memref<16x128xi32, #tpu.memory_space<vmem>>)
      %add3A = arith.constant 1 : i32
      %add3A_59 = arith.addi %scan3A_34, %add3A : i32
      %lt3A = arith.constant 10 : i32
      %lt3A_60 = arith.cmpi slt, %add3A_59, %lt3A : i32
      %convert_element_type3A = arith.extui %lt3A_60 : i1 to i32
      %cond3A = arith.constant 0 : i32
      %cond3A_61 = arith.cmpi ne, %convert_element_type3A, %cond3A : i32
      scf.if %cond3A_61 {
        %add3A_98 = arith.constant 1 : i32
        %add3A_99 = arith.addi %scan3A_34, %add3A_98 : i32
        %mul3A_100 = arith.constant 16 : i32
        %mul3A_101 = arith.muli %add3A_99, %mul3A_100 : i32
        %add3A_102 = arith.addi %mul3A_2, %mul3A_101 : i32
        %sub3A = arith.constant 1 : i32
        %sub3A_103 = arith.subi %sub3A, %rem3A_35 : i32
        %dma_start3A_104 = arith.constant 0 : i32
        %dma_start3A_105 = arith.constant 0 : i32
        %dma_start3A_106 = tpu.memref_slice %arg6[%sub3A_103, %dma_start3A_104, %dma_start3A_105] : memref<2x16x128xi32, #tpu.memory_space<vmem>> -> memref<1x16x128xi32, #tpu.memory_space<vmem>>
        %dma_start3A_107 = tpu.memref_squeeze %dma_start3A_106 : memref<1x16x128xi32, #tpu.memory_space<vmem>> -> memref<16x128xi32, #tpu.memory_space<vmem>>
        %dma_start3A_108 = arith.constant 0 : i32
        %dma_start3A_109 = tpu.memref_slice %arg3[%add3A_102, %dma_start3A_108] : memref<2560x128xi32, #tpu.memory_space<hbm>> -> memref<16x128xi32, #tpu.memory_space<hbm>>
        %dma_start3A_110 = arith.constant 0 : i32
        %dma_start3A_111 = arith.constant 0 : i32
        %dma_start3A_112 = tpu.memref_slice %arg6[%sub3A_103, %dma_start3A_110, %dma_start3A_111] : memref<2x16x128xi32, #tpu.memory_space<vmem>> -> memref<1x16x128xi32, #tpu.memory_space<vmem>>
        %dma_start3A_113 = tpu.memref_squeeze %dma_start3A_112 : memref<1x16x128xi32, #tpu.memory_space<vmem>> -> memref<16x128xi32, #tpu.memory_space<vmem>>
        %dma_start3A_114 = arith.constant 0 : i32
        %dma_start3A_115 = tpu.memref_slice %arg3[%add3A_102, %dma_start3A_114] : memref<2560x128xi32, #tpu.memory_space<hbm>> -> memref<16x128xi32, #tpu.memory_space<hbm>>
        tpu.enqueue_dma source(%dma_start3A_115 : memref<16x128xi32, #tpu.memory_space<hbm>>) target(%dma_start3A_113 : memref<16x128xi32, #tpu.memory_space<vmem>>) target_semaphore(%arg11 : memref<!tpu.dma_semaphore, #tpu.memory_space<semaphore_mem>>)
        %sub3A_116 = arith.constant 1 : i32
        %sub3A_117 = arith.subi %sub3A_116, %rem3A_35 : i32
        %dma_start3A_118 = arith.constant 0 : i32
        %dma_start3A_119 = arith.constant 0 : i32
        %dma_start3A_120 = tpu.memref_slice %arg7[%sub3A_117, %dma_start3A_118, %dma_start3A_119] : memref<2x16x128xi32, #tpu.memory_space<vmem>> -> memref<1x16x128xi32, #tpu.memory_space<vmem>>
        %dma_start3A_121 = tpu.memref_squeeze %dma_start3A_120 : memref<1x16x128xi32, #tpu.memory_space<vmem>> -> memref<16x128xi32, #tpu.memory_space<vmem>>
        %dma_start3A_122 = arith.constant 0 : i32
        %dma_start3A_123 = tpu.memref_slice %arg4[%add3A_102, %dma_start3A_122] : memref<2560x128xi32, #tpu.memory_space<hbm>> -> memref<16x128xi32, #tpu.memory_space<hbm>>
        %dma_start3A_124 = arith.constant 0 : i32
        %dma_start3A_125 = arith.constant 0 : i32
        %dma_start3A_126 = tpu.memref_slice %arg7[%sub3A_117, %dma_start3A_124, %dma_start3A_125] : memref<2x16x128xi32, #tpu.memory_space<vmem>> -> memref<1x16x128xi32, #tpu.memory_space<vmem>>
        %dma_start3A_127 = tpu.memref_squeeze %dma_start3A_126 : memref<1x16x128xi32, #tpu.memory_space<vmem>> -> memref<16x128xi32, #tpu.memory_space<vmem>>
        %dma_start3A_128 = arith.constant 0 : i32
        %dma_start3A_129 = tpu.memref_slice %arg4[%add3A_102, %dma_start3A_128] : memref<2560x128xi32, #tpu.memory_space<hbm>> -> memref<16x128xi32, #tpu.memory_space<hbm>>
        tpu.enqueue_dma source(%dma_start3A_129 : memref<16x128xi32, #tpu.memory_space<hbm>>) target(%dma_start3A_127 : memref<16x128xi32, #tpu.memory_space<vmem>>) target_semaphore(%arg11 : memref<!tpu.dma_semaphore, #tpu.memory_space<semaphore_mem>>)
      } else {
      }
      %dma_start3A_62 = arith.constant 0 : i32
      %dma_start3A_63 = arith.constant 0 : i32
      %dma_start3A_64 = arith.constant 0 : i32
      %dma_start3A_65 = tpu.memref_slice %arg6[%rem3A_35, %dma_start3A_63, %dma_start3A_64] : memref<2x16x128xi32, #tpu.memory_space<vmem>> -> memref<1x16x128xi32, #tpu.memory_space<vmem>>
      %dma_start3A_66 = tpu.memref_squeeze %dma_start3A_65 : memref<1x16x128xi32, #tpu.memory_space<vmem>> -> memref<16x128xi32, #tpu.memory_space<vmem>>
      %dma_start3A_67 = arith.constant 0 : i32
      %dma_start3A_68 = tpu.memref_slice %dma_start3A_66[%dma_start3A_62, %dma_start3A_67] : memref<16x128xi32, #tpu.memory_space<vmem>> -> memref<1x128xi32, #tpu.memory_space<vmem>>
      %dma_start3A_69 = tpu.memref_squeeze %dma_start3A_68 : memref<1x128xi32, #tpu.memory_space<vmem>> -> memref<128xi32, #tpu.memory_space<vmem>>
      %dma_start3A_70 = arith.constant 0 : i32
      %dma_start3A_71 = arith.constant 0 : i32
      %dma_start3A_72 = tpu.memref_slice %arg2[%arg0, %dma_start3A_70, %dma_start3A_71] : memref<2x10112x128xf32, #tpu.memory_space<hbm>> -> memref<1x10112x128xf32, #tpu.memory_space<hbm>>
      %dma_start3A_73 = tpu.memref_squeeze %dma_start3A_72 : memref<1x10112x128xf32, #tpu.memory_space<hbm>> -> memref<10112x128xf32, #tpu.memory_space<hbm>>
      %dma_start3A_74 = arith.constant 0 : i32
      %dma_start3A_75 = arith.constant 0 : i32
      %dma_start3A_76 = tpu.memref_slice %dma_start3A_73[%dma_start3A_74, %dma_start3A_75] : memref<10112x128xf32, #tpu.memory_space<hbm>> -> memref<10112x128xf32, #tpu.memory_space<hbm>>
      tpu.enqueue_indirect_dma source(%dma_start3A_76 : memref<10112x128xf32, #tpu.memory_space<hbm>>) target(%arg8 : memref<128x128xf32, #tpu.memory_space<vmem>>) offsets(%dma_start3A_69 : memref<128xi32, #tpu.memory_space<vmem>>) semaphore(%arg12 : memref<!tpu.dma_semaphore, #tpu.memory_space<semaphore_mem>>)
      %dma_start3A_77 = arith.constant 1 : i32
      %dma_start3A_78 = arith.constant 0 : i32
      %dma_start3A_79 = arith.constant 0 : i32
      %dma_start3A_80 = tpu.memref_slice %arg6[%rem3A_35, %dma_start3A_78, %dma_start3A_79] : memref<2x16x128xi32, #tpu.memory_space<vmem>> -> memref<1x16x128xi32, #tpu.memory_space<vmem>>
      %dma_start3A_81 = tpu.memref_squeeze %dma_start3A_80 : memref<1x16x128xi32, #tpu.memory_space<vmem>> -> memref<16x128xi32, #tpu.memory_space<vmem>>
      %dma_start3A_82 = arith.constant 0 : i32
      %dma_start3A_83 = tpu.memref_slice %dma_start3A_81[%dma_start3A_77, %dma_start3A_82] : memref<16x128xi32, #tpu.memory_space<vmem>> -> memref<1x128xi32, #tpu.memory_space<vmem>>
      %dma_start3A_84 = tpu.memref_squeeze %dma_start3A_83 : memref<1x128xi32, #tpu.memory_space<vmem>> -> memref<128xi32, #tpu.memory_space<vmem>>
      %dma_start3A_85 = arith.constant 0 : i32
      %dma_start3A_86 = arith.constant 0 : i32
      %dma_start3A_87 = tpu.memref_slice %arg2[%arg0, %dma_start3A_85, %dma_start3A_86] : memref<2x10112x128xf32, #tpu.memory_space<hbm>> -> memref<1x10112x128xf32, #tpu.memory_space<hbm>>
      %dma_start3A_88 = tpu.memref_squeeze %dma_start3A_87 : memref<1x10112x128xf32, #tpu.memory_space<hbm>> -> memref<10112x128xf32, #tpu.memory_space<hbm>>
      %dma_start3A_89 = arith.constant 0 : i32
      %dma_start3A_90 = arith.constant 0 : i32
      %dma_start3A_91 = tpu.memref_slice %dma_start3A_88[%dma_start3A_89, %dma_start3A_90] : memref<10112x128xf32, #tpu.memory_space<hbm>> -> memref<10112x128xf32, #tpu.memory_space<hbm>>
      tpu.enqueue_indirect_dma source(%dma_start3A_91 : memref<10112x128xf32, #tpu.memory_space<hbm>>) target(%arg9 : memref<128x128xf32, #tpu.memory_space<vmem>>) offsets(%dma_start3A_84 : memref<128xi32, #tpu.memory_space<vmem>>) semaphore(%arg13 : memref<!tpu.dma_semaphore, #tpu.memory_space<semaphore_mem>>)
      %scan3A_92 = arith.constant 0 : i32
      %scan3A_93 = arith.constant 0 : i32
      %scan3A_94 = arith.constant 8 : i32
      %scan3A_95 = arith.addi %scan3A_93, %scan3A_94 : i32
      %scan3A_96 = arith.constant 1 : i32
      scf.for %scan3A_98 = %scan3A_93 to %scan3A_95 step %scan3A_96  : i32 {
        %mul3A_99 = arith.constant 2 : i32
        %mul3A_100 = arith.muli %mul3A_99, %scan3A_98 : i32
        %dma_wait3A_101 = arith.constant 0 : i32
        %dma_wait3A_102 = arith.constant 0 : i32
        %dma_wait3A_103 = tpu.memref_slice %arg6[%rem3A_35, %dma_wait3A_101, %dma_wait3A_102] : memref<2x16x128xi32, #tpu.memory_space<vmem>> -> memref<1x16x128xi32, #tpu.memory_space<vmem>>
        %dma_wait3A_104 = tpu.memref_squeeze %dma_wait3A_103 : memref<1x16x128xi32, #tpu.memory_space<vmem>> -> memref<16x128xi32, #tpu.memory_space<vmem>>
        %dma_wait3A_105 = arith.constant 0 : i32
        %dma_wait3A_106 = tpu.memref_slice %dma_wait3A_104[%mul3A_100, %dma_wait3A_105] : memref<16x128xi32, #tpu.memory_space<vmem>> -> memref<1x128xi32, #tpu.memory_space<vmem>>
        %dma_wait3A_107 = tpu.memref_squeeze %dma_wait3A_106 : memref<1x128xi32, #tpu.memory_space<vmem>> -> memref<128xi32, #tpu.memory_space<vmem>>
        %dma_wait3A_108 = arith.constant 0 : i32
        %dma_wait3A_109 = arith.constant 0 : i32
        %dma_wait3A_110 = tpu.memref_slice %arg2[%arg0, %dma_wait3A_108, %dma_wait3A_109] : memref<2x10112x128xf32, #tpu.memory_space<hbm>> -> memref<1x10112x128xf32, #tpu.memory_space<hbm>>
        %dma_wait3A_111 = tpu.memref_squeeze %dma_wait3A_110 : memref<1x10112x128xf32, #tpu.memory_space<hbm>> -> memref<10112x128xf32, #tpu.memory_space<hbm>>
        %dma_wait3A_112 = arith.constant 0 : i32
        %dma_wait3A_113 = arith.constant 0 : i32
        %dma_wait3A_114 = tpu.memref_slice %dma_wait3A_111[%dma_wait3A_112, %dma_wait3A_113] : memref<10112x128xf32, #tpu.memory_space<hbm>> -> memref<10112x128xf32, #tpu.memory_space<hbm>>
        tpu.wait_indirect_dma semaphore(%arg12 : memref<!tpu.dma_semaphore, #tpu.memory_space<semaphore_mem>>) src(%dma_wait3A_114 : memref<10112x128xf32, #tpu.memory_space<hbm>>) dst(%arg8 : memref<128x128xf32, #tpu.memory_space<vmem>>)
        "tpu.region"() ({
          %run_scoped3A = tpu.sem_alloc : memref<!tpu.dma_semaphore, #tpu.memory_space<semaphore_mem>>
          %dma_start3A_147 = arith.constant 0 : i32
          %dma_start3A_148 = arith.constant 0 : i32
          %dma_start3A_149 = tpu.memref_slice %arg7[%rem3A_35, %dma_start3A_147, %dma_start3A_148] : memref<2x16x128xi32, #tpu.memory_space<vmem>> -> memref<1x16x128xi32, #tpu.memory_space<vmem>>
          %dma_start3A_150 = tpu.memref_squeeze %dma_start3A_149 : memref<1x16x128xi32, #tpu.memory_space<vmem>> -> memref<16x128xi32, #tpu.memory_space<vmem>>
          %dma_start3A_151 = arith.constant 0 : i32
          %dma_start3A_152 = tpu.memref_slice %dma_start3A_150[%mul3A_100, %dma_start3A_151] : memref<16x128xi32, #tpu.memory_space<vmem>> -> memref<1x128xi32, #tpu.memory_space<vmem>>
          %dma_start3A_153 = tpu.memref_squeeze %dma_start3A_152 : memref<1x128xi32, #tpu.memory_space<vmem>> -> memref<128xi32, #tpu.memory_space<vmem>>
          %dma_start3A_154 = arith.constant 0 : i32
          %dma_start3A_155 = arith.constant 0 : i32
          %dma_start3A_156 = tpu.memref_slice %arg10[%dma_start3A_154, %dma_start3A_155] : memref<10112x128xf32, #tpu.memory_space<vmem_shared>> -> memref<10112x128xf32, #tpu.memory_space<vmem_shared>>
          tpu.enqueue_indirect_dma source(%arg8 : memref<128x128xf32, #tpu.memory_space<vmem>>) target(%dma_start3A_156 : memref<10112x128xf32, #tpu.memory_space<vmem_shared>>) offsets(%dma_start3A_153 : memref<128xi32, #tpu.memory_space<vmem>>) semaphore(%run_scoped3A : memref<!tpu.dma_semaphore, #tpu.memory_space<semaphore_mem>>) {add = true}
          %dma_wait3A_157 = arith.constant 0 : i32
          %dma_wait3A_158 = arith.constant 0 : i32
          %dma_wait3A_159 = tpu.memref_slice %arg7[%rem3A_35, %dma_wait3A_157, %dma_wait3A_158] : memref<2x16x128xi32, #tpu.memory_space<vmem>> -> memref<1x16x128xi32, #tpu.memory_space<vmem>>
          %dma_wait3A_160 = tpu.memref_squeeze %dma_wait3A_159 : memref<1x16x128xi32, #tpu.memory_space<vmem>> -> memref<16x128xi32, #tpu.memory_space<vmem>>
          %dma_wait3A_161 = arith.constant 0 : i32
          %dma_wait3A_162 = tpu.memref_slice %dma_wait3A_160[%mul3A_100, %dma_wait3A_161] : memref<16x128xi32, #tpu.memory_space<vmem>> -> memref<1x128xi32, #tpu.memory_space<vmem>>
          %dma_wait3A_163 = tpu.memref_squeeze %dma_wait3A_162 : memref<1x128xi32, #tpu.memory_space<vmem>> -> memref<128xi32, #tpu.memory_space<vmem>>
          %dma_wait3A_164 = arith.constant 0 : i32
          %dma_wait3A_165 = arith.constant 0 : i32
          %dma_wait3A_166 = tpu.memref_slice %arg10[%dma_wait3A_164, %dma_wait3A_165] : memref<10112x128xf32, #tpu.memory_space<vmem_shared>> -> memref<10112x128xf32, #tpu.memory_space<vmem_shared>>
          tpu.wait_indirect_dma semaphore(%run_scoped3A : memref<!tpu.dma_semaphore, #tpu.memory_space<semaphore_mem>>) src(%arg8 : memref<128x128xf32, #tpu.memory_space<vmem>>) dst(%dma_wait3A_166 : memref<10112x128xf32, #tpu.memory_space<vmem_shared>>)
          tpu.yield
        }) : () -> ()
        %add3A_115 = arith.constant 1 : i32
        %add3A_116 = arith.addi %scan3A_98, %add3A_115 : i32
        %lt3A_117 = arith.constant 8 : i32
        %lt3A_118 = arith.cmpi slt, %add3A_116, %lt3A_117 : i32
        %convert_element_type3A_119 = arith.extui %lt3A_118 : i1 to i32
        %cond3A_120 = arith.constant 0 : i32
        %cond3A_121 = arith.cmpi ne, %convert_element_type3A_119, %cond3A_120 : i32
        scf.if %cond3A_121 {
          %add3A_147 = arith.constant 2 : i32
          %add3A_148 = arith.addi %mul3A_100, %add3A_147 : i32
          %dma_start3A_149 = arith.constant 0 : i32
          %dma_start3A_150 = arith.constant 0 : i32
          %dma_start3A_151 = tpu.memref_slice %arg6[%rem3A_35, %dma_start3A_149, %dma_start3A_150] : memref<2x16x128xi32, #tpu.memory_space<vmem>> -> memref<1x16x128xi32, #tpu.memory_space<vmem>>
          %dma_start3A_152 = tpu.memref_squeeze %dma_start3A_151 : memref<1x16x128xi32, #tpu.memory_space<vmem>> -> memref<16x128xi32, #tpu.memory_space<vmem>>
          %dma_start3A_153 = arith.constant 0 : i32
          %dma_start3A_154 = tpu.memref_slice %dma_start3A_152[%add3A_148, %dma_start3A_153] : memref<16x128xi32, #tpu.memory_space<vmem>> -> memref<1x128xi32, #tpu.memory_space<vmem>>
          %dma_start3A_155 = tpu.memref_squeeze %dma_start3A_154 : memref<1x128xi32, #tpu.memory_space<vmem>> -> memref<128xi32, #tpu.memory_space<vmem>>
          %dma_start3A_156 = arith.constant 0 : i32
          %dma_start3A_157 = arith.constant 0 : i32
          %dma_start3A_158 = tpu.memref_slice %arg2[%arg0, %dma_start3A_156, %dma_start3A_157] : memref<2x10112x128xf32, #tpu.memory_space<hbm>> -> memref<1x10112x128xf32, #tpu.memory_space<hbm>>
          %dma_start3A_159 = tpu.memref_squeeze %dma_start3A_158 : memref<1x10112x128xf32, #tpu.memory_space<hbm>> -> memref<10112x128xf32, #tpu.memory_space<hbm>>
          %dma_start3A_160 = arith.constant 0 : i32
          %dma_start3A_161 = arith.constant 0 : i32
          %dma_start3A_162 = tpu.memref_slice %dma_start3A_159[%dma_start3A_160, %dma_start3A_161] : memref<10112x128xf32, #tpu.memory_space<hbm>> -> memref<10112x128xf32, #tpu.memory_space<hbm>>
          tpu.enqueue_indirect_dma source(%dma_start3A_162 : memref<10112x128xf32, #tpu.memory_space<hbm>>) target(%arg8 : memref<128x128xf32, #tpu.memory_space<vmem>>) offsets(%dma_start3A_155 : memref<128xi32, #tpu.memory_space<vmem>>) semaphore(%arg12 : memref<!tpu.dma_semaphore, #tpu.memory_space<semaphore_mem>>)
        } else {
        }
        %add3A_122 = arith.constant 1 : i32
        %add3A_123 = arith.addi %mul3A_100, %add3A_122 : i32
        %dma_wait3A_124 = arith.constant 0 : i32
        %dma_wait3A_125 = arith.constant 0 : i32
        %dma_wait3A_126 = tpu.memref_slice %arg6[%rem3A_35, %dma_wait3A_124, %dma_wait3A_125] : memref<2x16x128xi32, #tpu.memory_space<vmem>> -> memref<1x16x128xi32, #tpu.memory_space<vmem>>
        %dma_wait3A_127 = tpu.memref_squeeze %dma_wait3A_126 : memref<1x16x128xi32, #tpu.memory_space<vmem>> -> memref<16x128xi32, #tpu.memory_space<vmem>>
        %dma_wait3A_128 = arith.constant 0 : i32
        %dma_wait3A_129 = tpu.memref_slice %dma_wait3A_127[%add3A_123, %dma_wait3A_128] : memref<16x128xi32, #tpu.memory_space<vmem>> -> memref<1x128xi32, #tpu.memory_space<vmem>>
        %dma_wait3A_130 = tpu.memref_squeeze %dma_wait3A_129 : memref<1x128xi32, #tpu.memory_space<vmem>> -> memref<128xi32, #tpu.memory_space<vmem>>
        %dma_wait3A_131 = arith.constant 0 : i32
        %dma_wait3A_132 = arith.constant 0 : i32
        %dma_wait3A_133 = tpu.memref_slice %arg2[%arg0, %dma_wait3A_131, %dma_wait3A_132] : memref<2x10112x128xf32, #tpu.memory_space<hbm>> -> memref<1x10112x128xf32, #tpu.memory_space<hbm>>
        %dma_wait3A_134 = tpu.memref_squeeze %dma_wait3A_133 : memref<1x10112x128xf32, #tpu.memory_space<hbm>> -> memref<10112x128xf32, #tpu.memory_space<hbm>>
        %dma_wait3A_135 = arith.constant 0 : i32
        %dma_wait3A_136 = arith.constant 0 : i32
        %dma_wait3A_137 = tpu.memref_slice %dma_wait3A_134[%dma_wait3A_135, %dma_wait3A_136] : memref<10112x128xf32, #tpu.memory_space<hbm>> -> memref<10112x128xf32, #tpu.memory_space<hbm>>
        tpu.wait_indirect_dma semaphore(%arg13 : memref<!tpu.dma_semaphore, #tpu.memory_space<semaphore_mem>>) src(%dma_wait3A_137 : memref<10112x128xf32, #tpu.memory_space<hbm>>) dst(%arg9 : memref<128x128xf32, #tpu.memory_space<vmem>>)
        %add3A_138 = arith.constant 1 : i32
        %add3A_139 = arith.addi %mul3A_100, %add3A_138 : i32
        "tpu.region"() ({
          %run_scoped3A = tpu.sem_alloc : memref<!tpu.dma_semaphore, #tpu.memory_space<semaphore_mem>>
          %dma_start3A_147 = arith.constant 0 : i32
          %dma_start3A_148 = arith.constant 0 : i32
          %dma_start3A_149 = tpu.memref_slice %arg7[%rem3A_35, %dma_start3A_147, %dma_start3A_148] : memref<2x16x128xi32, #tpu.memory_space<vmem>> -> memref<1x16x128xi32, #tpu.memory_space<vmem>>
          %dma_start3A_150 = tpu.memref_squeeze %dma_start3A_149 : memref<1x16x128xi32, #tpu.memory_space<vmem>> -> memref<16x128xi32, #tpu.memory_space<vmem>>
          %dma_start3A_151 = arith.constant 0 : i32
          %dma_start3A_152 = tpu.memref_slice %dma_start3A_150[%add3A_139, %dma_start3A_151] : memref<16x128xi32, #tpu.memory_space<vmem>> -> memref<1x128xi32, #tpu.memory_space<vmem>>
          %dma_start3A_153 = tpu.memref_squeeze %dma_start3A_152 : memref<1x128xi32, #tpu.memory_space<vmem>> -> memref<128xi32, #tpu.memory_space<vmem>>
          %dma_start3A_154 = arith.constant 0 : i32
          %dma_start3A_155 = arith.constant 0 : i32
          %dma_start3A_156 = tpu.memref_slice %arg10[%dma_start3A_154, %dma_start3A_155] : memref<10112x128xf32, #tpu.memory_space<vmem_shared>> -> memref<10112x128xf32, #tpu.memory_space<vmem_shared>>
          tpu.enqueue_indirect_dma source(%arg9 : memref<128x128xf32, #tpu.memory_space<vmem>>) target(%dma_start3A_156 : memref<10112x128xf32, #tpu.memory_space<vmem_shared>>) offsets(%dma_start3A_153 : memref<128xi32, #tpu.memory_space<vmem>>) semaphore(%run_scoped3A : memref<!tpu.dma_semaphore, #tpu.memory_space<semaphore_mem>>) {add = true}
          %dma_wait3A_157 = arith.constant 0 : i32
          %dma_wait3A_158 = arith.constant 0 : i32
          %dma_wait3A_159 = tpu.memref_slice %arg7[%rem3A_35, %dma_wait3A_157, %dma_wait3A_158] : memref<2x16x128xi32, #tpu.memory_space<vmem>> -> memref<1x16x128xi32, #tpu.memory_space<vmem>>
          %dma_wait3A_160 = tpu.memref_squeeze %dma_wait3A_159 : memref<1x16x128xi32, #tpu.memory_space<vmem>> -> memref<16x128xi32, #tpu.memory_space<vmem>>
          %dma_wait3A_161 = arith.constant 0 : i32
          %dma_wait3A_162 = tpu.memref_slice %dma_wait3A_160[%add3A_139, %dma_wait3A_161] : memref<16x128xi32, #tpu.memory_space<vmem>> -> memref<1x128xi32, #tpu.memory_space<vmem>>
          %dma_wait3A_163 = tpu.memref_squeeze %dma_wait3A_162 : memref<1x128xi32, #tpu.memory_space<vmem>> -> memref<128xi32, #tpu.memory_space<vmem>>
          %dma_wait3A_164 = arith.constant 0 : i32
          %dma_wait3A_165 = arith.constant 0 : i32
          %dma_wait3A_166 = tpu.memref_slice %arg10[%dma_wait3A_164, %dma_wait3A_165] : memref<10112x128xf32, #tpu.memory_space<vmem_shared>> -> memref<10112x128xf32, #tpu.memory_space<vmem_shared>>
          tpu.wait_indirect_dma semaphore(%run_scoped3A : memref<!tpu.dma_semaphore, #tpu.memory_space<semaphore_mem>>) src(%arg9 : memref<128x128xf32, #tpu.memory_space<vmem>>) dst(%dma_wait3A_166 : memref<10112x128xf32, #tpu.memory_space<vmem_shared>>)
          tpu.yield
        }) : () -> ()
        %add3A_140 = arith.constant 1 : i32
        %add3A_141 = arith.addi %scan3A_98, %add3A_140 : i32
        %lt3A_142 = arith.constant 8 : i32
        %lt3A_143 = arith.cmpi slt, %add3A_141, %lt3A_142 : i32
        %convert_element_type3A_144 = arith.extui %lt3A_143 : i1 to i32
        %cond3A_145 = arith.constant 0 : i32
        %cond3A_146 = arith.cmpi ne, %convert_element_type3A_144, %cond3A_145 : i32
        scf.if %cond3A_146 {
          %add3A_147 = arith.constant 3 : i32
          %add3A_148 = arith.addi %mul3A_100, %add3A_147 : i32
          %dma_start3A_149 = arith.constant 0 : i32
          %dma_start3A_150 = arith.constant 0 : i32
          %dma_start3A_151 = tpu.memref_slice %arg6[%rem3A_35, %dma_start3A_149, %dma_start3A_150] : memref<2x16x128xi32, #tpu.memory_space<vmem>> -> memref<1x16x128xi32, #tpu.memory_space<vmem>>
          %dma_start3A_152 = tpu.memref_squeeze %dma_start3A_151 : memref<1x16x128xi32, #tpu.memory_space<vmem>> -> memref<16x128xi32, #tpu.memory_space<vmem>>
          %dma_start3A_153 = arith.constant 0 : i32
          %dma_start3A_154 = tpu.memref_slice %dma_start3A_152[%add3A_148, %dma_start3A_153] : memref<16x128xi32, #tpu.memory_space<vmem>> -> memref<1x128xi32, #tpu.memory_space<vmem>>
          %dma_start3A_155 = tpu.memref_squeeze %dma_start3A_154 : memref<1x128xi32, #tpu.memory_space<vmem>> -> memref<128xi32, #tpu.memory_space<vmem>>
          %dma_start3A_156 = arith.constant 0 : i32
          %dma_start3A_157 = arith.constant 0 : i32
          %dma_start3A_158 = tpu.memref_slice %arg2[%arg0, %dma_start3A_156, %dma_start3A_157] : memref<2x10112x128xf32, #tpu.memory_space<hbm>> -> memref<1x10112x128xf32, #tpu.memory_space<hbm>>
          %dma_start3A_159 = tpu.memref_squeeze %dma_start3A_158 : memref<1x10112x128xf32, #tpu.memory_space<hbm>> -> memref<10112x128xf32, #tpu.memory_space<hbm>>
          %dma_start3A_160 = arith.constant 0 : i32
          %dma_start3A_161 = arith.constant 0 : i32
          %dma_start3A_162 = tpu.memref_slice %dma_start3A_159[%dma_start3A_160, %dma_start3A_161] : memref<10112x128xf32, #tpu.memory_space<hbm>> -> memref<10112x128xf32, #tpu.memory_space<hbm>>
          tpu.enqueue_indirect_dma source(%dma_start3A_162 : memref<10112x128xf32, #tpu.memory_space<hbm>>) target(%arg9 : memref<128x128xf32, #tpu.memory_space<vmem>>) offsets(%dma_start3A_155 : memref<128xi32, #tpu.memory_space<vmem>>) semaphore(%arg13 : memref<!tpu.dma_semaphore, #tpu.memory_space<semaphore_mem>>)
        } else {
        }
      }
      %scan3A_97 = arith.constant 8 : i32
    }
    %scan3A_32 = arith.constant 10 : i32
    %barrier3A_33 = arith.constant 0 : index
    tpu.barrier barrier_id(%barrier3A_33)
    "tpu.region"() ({
      %run_scoped3A = tpu.sem_alloc : memref<!tpu.dma_semaphore, #tpu.memory_space<semaphore_mem>>
      %dma_start3A_34 = arith.constant 0 : i32
      %dma_start3A_35 = tpu.memref_slice %arg5[%arg0, %mul3A_0, %dma_start3A_34] : memref<2x10112x128xf32, #tpu.memory_space<hbm>> -> memref<1x632x128xf32, #tpu.memory_space<hbm>>
      %dma_start3A_36 = tpu.memref_squeeze %dma_start3A_35 : memref<1x632x128xf32, #tpu.memory_space<hbm>> -> memref<632x128xf32, #tpu.memory_space<hbm>>
      %dma_start3A_37 = arith.constant 0 : i32
      %dma_start3A_38 = tpu.memref_slice %arg10[%mul3A_0, %dma_start3A_37] : memref<10112x128xf32, #tpu.memory_space<vmem_shared>> -> memref<632x128xf32, #tpu.memory_space<vmem_shared>>
      tpu.enqueue_dma source(%dma_start3A_38 : memref<632x128xf32, #tpu.memory_space<vmem_shared>>) target(%dma_start3A_36 : memref<632x128xf32, #tpu.memory_space<hbm>>) target_semaphore(%run_scoped3A : memref<!tpu.dma_semaphore, #tpu.memory_space<semaphore_mem>>)
      %dma_wait3A = arith.constant 0 : i32
      %dma_wait3A_39 = tpu.memref_slice %arg5[%arg0, %mul3A_0, %dma_wait3A] : memref<2x10112x128xf32, #tpu.memory_space<hbm>> -> memref<1x632x128xf32, #tpu.memory_space<hbm>>
      %dma_wait3A_40 = tpu.memref_squeeze %dma_wait3A_39 : memref<1x632x128xf32, #tpu.memory_space<hbm>> -> memref<632x128xf32, #tpu.memory_space<hbm>>
      %dma_wait3A_41 = arith.constant 0 : i32
      %dma_wait3A_42 = tpu.memref_slice %arg10[%mul3A_0, %dma_wait3A_41] : memref<10112x128xf32, #tpu.memory_space<vmem_shared>> -> memref<632x128xf32, #tpu.memory_space<vmem_shared>>
      tpu.wait_dma2 semaphore(%run_scoped3A : memref<!tpu.dma_semaphore, #tpu.memory_space<semaphore_mem>>) src(%dma_wait3A_42 : memref<632x128xf32, #tpu.memory_space<vmem_shared>>) dst(%dma_wait3A_40 : memref<632x128xf32, #tpu.memory_space<hbm>>)
      tpu.yield
    }) : () -> ()
    return
  }
}

module attributes {stable_mosaic.version = 14 : i64} {
  func.func @_enc_body(%arg0: memref<10112x128xf32, #tpu.memory_space<vmem>>, %arg1: memref<128x256xf32, #tpu.memory_space<vmem>>, %arg2: memref<1x256xf32, #tpu.memory_space<vmem>>, %arg3: memref<256x256xf32, #tpu.memory_space<vmem>>, %arg4: memref<2x10112x128xf32, #tpu.memory_space<vmem>>, %arg5: memref<2x10112x128xf32, #tpu.memory_space<vmem>>) attributes {dimension_semantics = [], scalar_prefetch = 0 : i64, scratch_operands = 0 : i64, tpu.core_type = #tpu.core_type<tc>} {
    %get3A = arith.constant 0 : index
    %get3A_0 = arith.constant 0 : index
    %get3A_1 = arith.constant 0 : index
    %get3A_2 = vector.load %arg4[%get3A, %get3A_0, %get3A_1] : memref<2x10112x128xf32, #tpu.memory_space<vmem>>, vector<1x10112x1xf32>
    %get3A_3 = vector.shape_cast %get3A_2 : vector<1x10112x1xf32> to vector<10112x1xf32>
    %get3A_4 = arith.constant 1 : index
    %get3A_5 = arith.constant 0 : index
    %get3A_6 = arith.constant 0 : index
    %get3A_7 = vector.load %arg4[%get3A_4, %get3A_5, %get3A_6] : memref<2x10112x128xf32, #tpu.memory_space<vmem>>, vector<1x10112x1xf32>
    %get3A_8 = vector.shape_cast %get3A_7 : vector<1x10112x1xf32> to vector<10112x1xf32>
    %add3A = arith.addf %get3A_3, %get3A_8 : vector<10112x1xf32>
    %add3A_9 = arith.constant 1.000000e+00 : f32
    %add3A_10 = vector.broadcast %add3A_9 : f32 to vector<10112x1xf32>
    %add3A_11 = arith.addf %add3A, %add3A_10 : vector<10112x1xf32>
    %rsqrt3A = math.rsqrt %add3A_11 : vector<10112x1xf32>
    %get3A_12 = arith.constant 0 : index
    %get3A_13 = arith.constant 0 : index
    %get3A_14 = vector.load %arg0[%get3A_12, %get3A_13] : memref<10112x128xf32, #tpu.memory_space<vmem>>, vector<10112x128xf32>
    %get3A_15 = arith.constant 0 : index
    %get3A_16 = arith.constant 0 : index
    %get3A_17 = vector.load %arg1[%get3A_15, %get3A_16] : memref<128x256xf32, #tpu.memory_space<vmem>>, vector<128x256xf32>
    %dot_general3A = arith.constant dense<0.000000e+00> : vector<10112x256xf32>
    %dot_general3A_18 = tpu.matmul %get3A_14, %get3A_17, %dot_general3A {dimension_numbers = #tpu.dot_dimension_numbers<[1], [0], [0], [1], [0, 0, 1, 1], [], []>, transpose_lhs_hint = false} : vector<10112x128xf32>, vector<128x256xf32>, vector<10112x256xf32> -> vector<10112x256xf32>
    %get3A_19 = arith.constant 0 : index
    %get3A_20 = arith.constant 0 : index
    %get3A_21 = vector.load %arg2[%get3A_19, %get3A_20] : memref<1x256xf32, #tpu.memory_space<vmem>>, vector<1x256xf32>
    %add3A_22 = vector.broadcast %get3A_21 : vector<1x256xf32> to vector<10112x256xf32>
    %add3A_23 = arith.addf %dot_general3A_18, %add3A_22 : vector<10112x256xf32>
    %get3A_24 = arith.constant 0 : index
    %get3A_25 = arith.constant 0 : index
    %get3A_26 = vector.load %arg3[%get3A_24, %get3A_25] : memref<256x256xf32, #tpu.memory_space<vmem>>, vector<256x256xf32>
    %dot_general3A_27 = arith.constant dense<0.000000e+00> : vector<10112x256xf32>
    %dot_general3A_28 = tpu.matmul %add3A_23, %get3A_26, %dot_general3A_27 {dimension_numbers = #tpu.dot_dimension_numbers<[1], [0], [0], [1], [0, 0, 1, 1], [], []>, transpose_lhs_hint = false} : vector<10112x256xf32>, vector<256x256xf32>, vector<10112x256xf32> -> vector<10112x256xf32>
    %mul3A = vector.broadcast %rsqrt3A : vector<10112x1xf32> to vector<10112x256xf32>
    %mul3A_29 = arith.mulf %mul3A, %dot_general3A_28 : vector<10112x256xf32>
    %slice3A = vector.extract_strided_slice %mul3A_29 {offsets = [0, 0], sizes = [10112, 128], strides = [1, 1]} : vector<10112x256xf32> to vector<10112x128xf32>
    %swap3A = arith.constant 0 : index
    %swap3A_30 = arith.constant 0 : index
    %swap3A_31 = arith.constant 0 : index
    %swap3A_32 = vector.load %arg5[%swap3A, %swap3A_30, %swap3A_31] : memref<2x10112x128xf32, #tpu.memory_space<vmem>>, vector<1x10112x128xf32>
    %swap3A_33 = vector.shape_cast %swap3A_32 : vector<1x10112x128xf32> to vector<10112x128xf32>
    %swap3A_34 = vector.shape_cast %slice3A : vector<10112x128xf32> to vector<1x10112x128xf32>
    tpu.vector_store %arg5[%swap3A, %swap3A_30, %swap3A_31], %swap3A_34 {strides = array<i32>} : memref<2x10112x128xf32, #tpu.memory_space<vmem>>, vector<1x10112x128xf32>,
    %slice3A_35 = vector.extract_strided_slice %mul3A_29 {offsets = [0, 128], sizes = [10112, 128], strides = [1, 1]} : vector<10112x256xf32> to vector<10112x128xf32>
    %swap3A_36 = arith.constant 1 : index
    %swap3A_37 = arith.constant 0 : index
    %swap3A_38 = arith.constant 0 : index
    %swap3A_39 = vector.load %arg5[%swap3A_36, %swap3A_37, %swap3A_38] : memref<2x10112x128xf32, #tpu.memory_space<vmem>>, vector<1x10112x128xf32>
    %swap3A_40 = vector.shape_cast %swap3A_39 : vector<1x10112x128xf32> to vector<10112x128xf32>
    %swap3A_41 = vector.shape_cast %slice3A_35 : vector<10112x128xf32> to vector<1x10112x128xf32>
    tpu.vector_store %arg5[%swap3A_36, %swap3A_37, %swap3A_38], %swap3A_41 {strides = array<i32>} : memref<2x10112x128xf32, #tpu.memory_space<vmem>>, vector<1x10112x128xf32>,
    return
  }
}

module attributes {stable_mosaic.version = 14 : i64} {
  func.func @_mid_body(%arg0: memref<2x10112x128xf32, #tpu.memory_space<vmem>>, %arg1: memref<2x10112x128xf32, #tpu.memory_space<vmem>>, %arg2: memref<1x256xf32, #tpu.memory_space<vmem>>, %arg3: memref<256x256xf32, #tpu.memory_space<vmem>>, %arg4: memref<2x10112x128xf32, #tpu.memory_space<vmem>>) attributes {dimension_semantics = [], scalar_prefetch = 0 : i64, scratch_operands = 0 : i64, tpu.core_type = #tpu.core_type<tc>} {
    %get3A = arith.constant 0 : index
    %get3A_0 = arith.constant 0 : index
    %get3A_1 = arith.constant 0 : index
    %get3A_2 = vector.load %arg1[%get3A, %get3A_0, %get3A_1] : memref<2x10112x128xf32, #tpu.memory_space<vmem>>, vector<1x10112x1xf32>
    %get3A_3 = vector.shape_cast %get3A_2 : vector<1x10112x1xf32> to vector<10112x1xf32>
    %get3A_4 = arith.constant 1 : index
    %get3A_5 = arith.constant 0 : index
    %get3A_6 = arith.constant 0 : index
    %get3A_7 = vector.load %arg1[%get3A_4, %get3A_5, %get3A_6] : memref<2x10112x128xf32, #tpu.memory_space<vmem>>, vector<1x10112x1xf32>
    %get3A_8 = vector.shape_cast %get3A_7 : vector<1x10112x1xf32> to vector<10112x1xf32>
    %add3A = arith.addf %get3A_3, %get3A_8 : vector<10112x1xf32>
    %add3A_9 = arith.constant 1.000000e+00 : f32
    %add3A_10 = vector.broadcast %add3A_9 : f32 to vector<10112x1xf32>
    %add3A_11 = arith.addf %add3A, %add3A_10 : vector<10112x1xf32>
    %rsqrt3A = math.rsqrt %add3A_11 : vector<10112x1xf32>
    %get3A_12 = arith.constant 0 : index
    %get3A_13 = arith.constant 0 : index
    %get3A_14 = arith.constant 0 : index
    %get3A_15 = vector.load %arg0[%get3A_12, %get3A_13, %get3A_14] : memref<2x10112x128xf32, #tpu.memory_space<vmem>>, vector<1x10112x128xf32>
    %get3A_16 = vector.shape_cast %get3A_15 : vector<1x10112x128xf32> to vector<10112x128xf32>
    %mul3A = vector.broadcast %rsqrt3A : vector<10112x1xf32> to vector<10112x128xf32>
    %mul3A_17 = arith.mulf %mul3A, %get3A_16 : vector<10112x128xf32>
    %get3A_18 = arith.constant 0 : index
    %get3A_19 = arith.constant 0 : index
    %get3A_20 = vector.load %arg2[%get3A_18, %get3A_19] : memref<1x256xf32, #tpu.memory_space<vmem>>, vector<1x128xf32>
    %add3A_21 = vector.broadcast %get3A_20 : vector<1x128xf32> to vector<10112x128xf32>
    %add3A_22 = arith.addf %mul3A_17, %add3A_21 : vector<10112x128xf32>
    %max3A = arith.constant 0.000000e+00 : f32
    %max3A_23 = vector.broadcast %max3A : f32 to vector<10112x128xf32>
    %max3A_24 = arith.maximumf %add3A_22, %max3A_23 : vector<10112x128xf32>
    %get3A_25 = arith.constant 1 : index
    %get3A_26 = arith.constant 0 : index
    %get3A_27 = arith.constant 0 : index
    %get3A_28 = vector.load %arg0[%get3A_25, %get3A_26, %get3A_27] : memref<2x10112x128xf32, #tpu.memory_space<vmem>>, vector<1x10112x128xf32>
    %get3A_29 = vector.shape_cast %get3A_28 : vector<1x10112x128xf32> to vector<10112x128xf32>
    %mul3A_30 = vector.broadcast %rsqrt3A : vector<10112x1xf32> to vector<10112x128xf32>
    %mul3A_31 = arith.mulf %mul3A_30, %get3A_29 : vector<10112x128xf32>
    %get3A_32 = arith.constant 0 : index
    %get3A_33 = arith.constant 128 : index
    %get3A_34 = vector.load %arg2[%get3A_32, %get3A_33] : memref<1x256xf32, #tpu.memory_space<vmem>>, vector<1x128xf32>
    %add3A_35 = vector.broadcast %get3A_34 : vector<1x128xf32> to vector<10112x128xf32>
    %add3A_36 = arith.addf %mul3A_31, %add3A_35 : vector<10112x128xf32>
    %max3A_37 = arith.constant 0.000000e+00 : f32
    %max3A_38 = vector.broadcast %max3A_37 : f32 to vector<10112x128xf32>
    %max3A_39 = arith.maximumf %add3A_36, %max3A_38 : vector<10112x128xf32>
    %concatenate3A = tpu.concatenate %max3A_24, %max3A_39 in 1 : vector<10112x128xf32>, vector<10112x128xf32> -> vector<10112x256xf32>
    %get3A_40 = arith.constant 0 : index
    %get3A_41 = arith.constant 0 : index
    %get3A_42 = vector.load %arg3[%get3A_40, %get3A_41] : memref<256x256xf32, #tpu.memory_space<vmem>>, vector<256x256xf32>
    %dot_general3A = arith.constant dense<0.000000e+00> : vector<10112x256xf32>
    %dot_general3A_43 = tpu.matmul %concatenate3A, %get3A_42, %dot_general3A {dimension_numbers = #tpu.dot_dimension_numbers<[1], [0], [0], [1], [0, 0, 1, 1], [], []>, transpose_lhs_hint = false} : vector<10112x256xf32>, vector<256x256xf32>, vector<10112x256xf32> -> vector<10112x256xf32>
    %mul3A_44 = vector.broadcast %rsqrt3A : vector<10112x1xf32> to vector<10112x256xf32>
    %mul3A_45 = arith.mulf %mul3A_44, %dot_general3A_43 : vector<10112x256xf32>
    %slice3A = vector.extract_strided_slice %mul3A_45 {offsets = [0, 0], sizes = [10112, 128], strides = [1, 1]} : vector<10112x256xf32> to vector<10112x128xf32>
    %swap3A = arith.constant 0 : index
    %swap3A_46 = arith.constant 0 : index
    %swap3A_47 = arith.constant 0 : index
    %swap3A_48 = vector.load %arg4[%swap3A, %swap3A_46, %swap3A_47] : memref<2x10112x128xf32, #tpu.memory_space<vmem>>, vector<1x10112x128xf32>
    %swap3A_49 = vector.shape_cast %swap3A_48 : vector<1x10112x128xf32> to vector<10112x128xf32>
    %swap3A_50 = vector.shape_cast %slice3A : vector<10112x128xf32> to vector<1x10112x128xf32>
    tpu.vector_store %arg4[%swap3A, %swap3A_46, %swap3A_47], %swap3A_50 {strides = array<i32>} : memref<2x10112x128xf32, #tpu.memory_space<vmem>>, vector<1x10112x128xf32>,
    %slice3A_51 = vector.extract_strided_slice %mul3A_45 {offsets = [0, 128], sizes = [10112, 128], strides = [1, 1]} : vector<10112x256xf32> to vector<10112x128xf32>
    %swap3A_52 = arith.constant 1 : index
    %swap3A_53 = arith.constant 0 : index
    %swap3A_54 = arith.constant 0 : index
    %swap3A_55 = vector.load %arg4[%swap3A_52, %swap3A_53, %swap3A_54] : memref<2x10112x128xf32, #tpu.memory_space<vmem>>, vector<1x10112x128xf32>
    %swap3A_56 = vector.shape_cast %swap3A_55 : vector<1x10112x128xf32> to vector<10112x128xf32>
    %swap3A_57 = vector.shape_cast %slice3A_51 : vector<10112x128xf32> to vector<1x10112x128xf32>
    tpu.vector_store %arg4[%swap3A_52, %swap3A_53, %swap3A_54], %swap3A_57 {strides = array<i32>} : memref<2x10112x128xf32, #tpu.memory_space<vmem>>, vector<1x10112x128xf32>,
    return
  }
}

module attributes {stable_mosaic.version = 14 : i64} {
  func.func @body(%arg0: memref<2x10112x128xf32, #tpu.memory_space<vmem>>, %arg1: memref<2x10112x128xf32, #tpu.memory_space<vmem>>, %arg2: memref<1x256xf32, #tpu.memory_space<vmem>>, %arg3: memref<10000x256xf32, #tpu.memory_space<vmem>>) attributes {dimension_semantics = [], scalar_prefetch = 0 : i64, scratch_operands = 0 : i64, tpu.core_type = #tpu.core_type<tc>} {
    %get3A = arith.constant 0 : index
    %get3A_0 = arith.constant 0 : index
    %get3A_1 = arith.constant 0 : index
    %get3A_2 = vector.load %arg1[%get3A, %get3A_0, %get3A_1] : memref<2x10112x128xf32, #tpu.memory_space<vmem>>, vector<1x10112x1xf32>
    %get3A_3 = vector.shape_cast %get3A_2 : vector<1x10112x1xf32> to vector<10112x1xf32>
    %get3A_4 = arith.constant 1 : index
    %get3A_5 = arith.constant 0 : index
    %get3A_6 = arith.constant 0 : index
    %get3A_7 = vector.load %arg1[%get3A_4, %get3A_5, %get3A_6] : memref<2x10112x128xf32, #tpu.memory_space<vmem>>, vector<1x10112x1xf32>
    %get3A_8 = vector.shape_cast %get3A_7 : vector<1x10112x1xf32> to vector<10112x1xf32>
    %add3A = arith.addf %get3A_3, %get3A_8 : vector<10112x1xf32>
    %add3A_9 = arith.constant 1.000000e+00 : f32
    %add3A_10 = vector.broadcast %add3A_9 : f32 to vector<10112x1xf32>
    %add3A_11 = arith.addf %add3A, %add3A_10 : vector<10112x1xf32>
    %rsqrt3A = math.rsqrt %add3A_11 : vector<10112x1xf32>
    %get3A_12 = arith.constant 0 : index
    %get3A_13 = arith.constant 0 : index
    %get3A_14 = arith.constant 0 : index
    %get3A_15 = vector.load %arg0[%get3A_12, %get3A_13, %get3A_14] : memref<2x10112x128xf32, #tpu.memory_space<vmem>>, vector<1x10112x128xf32>
    %get3A_16 = vector.shape_cast %get3A_15 : vector<1x10112x128xf32> to vector<10112x128xf32>
    %mul3A = vector.broadcast %rsqrt3A : vector<10112x1xf32> to vector<10112x128xf32>
    %mul3A_17 = arith.mulf %mul3A, %get3A_16 : vector<10112x128xf32>
    %get3A_18 = arith.constant 0 : index
    %get3A_19 = arith.constant 0 : index
    %get3A_20 = vector.load %arg2[%get3A_18, %get3A_19] : memref<1x256xf32, #tpu.memory_space<vmem>>, vector<1x128xf32>
    %add3A_21 = vector.broadcast %get3A_20 : vector<1x128xf32> to vector<10112x128xf32>
    %add3A_22 = arith.addf %mul3A_17, %add3A_21 : vector<10112x128xf32>
    %max3A = arith.constant 0.000000e+00 : f32
    %max3A_23 = vector.broadcast %max3A : f32 to vector<10112x128xf32>
    %max3A_24 = arith.maximumf %add3A_22, %max3A_23 : vector<10112x128xf32>
    %get3A_25 = arith.constant 1 : index
    %get3A_26 = arith.constant 0 : index
    %get3A_27 = arith.constant 0 : index
    %get3A_28 = vector.load %arg0[%get3A_25, %get3A_26, %get3A_27] : memref<2x10112x128xf32, #tpu.memory_space<vmem>>, vector<1x10112x128xf32>
    %get3A_29 = vector.shape_cast %get3A_28 : vector<1x10112x128xf32> to vector<10112x128xf32>
    %mul3A_30 = vector.broadcast %rsqrt3A : vector<10112x1xf32> to vector<10112x128xf32>
    %mul3A_31 = arith.mulf %mul3A_30, %get3A_29 : vector<10112x128xf32>
    %get3A_32 = arith.constant 0 : index
    %get3A_33 = arith.constant 128 : index
    %get3A_34 = vector.load %arg2[%get3A_32, %get3A_33] : memref<1x256xf32, #tpu.memory_space<vmem>>, vector<1x128xf32>
    %add3A_35 = vector.broadcast %get3A_34 : vector<1x128xf32> to vector<10112x128xf32>
    %add3A_36 = arith.addf %mul3A_31, %add3A_35 : vector<10112x128xf32>
    %max3A_37 = arith.constant 0.000000e+00 : f32
    %max3A_38 = vector.broadcast %max3A_37 : f32 to vector<10112x128xf32>
    %max3A_39 = arith.maximumf %add3A_36, %max3A_38 : vector<10112x128xf32>
    %concatenate3A = tpu.concatenate %max3A_24, %max3A_39 in 1 : vector<10112x128xf32>, vector<10112x128xf32> -> vector<10112x256xf32>
    %slice3A = vector.extract_strided_slice %concatenate3A {offsets = [0, 0], sizes = [10000, 256], strides = [1, 1]} : vector<10112x256xf32> to vector<10000x256xf32>
    %swap3A = arith.constant 0 : index
    %swap3A_40 = arith.constant 0 : index
    %swap3A_41 = vector.load %arg3[%swap3A, %swap3A_40] : memref<10000x256xf32, #tpu.memory_space<vmem>>, vector<10000x256xf32>
    tpu.vector_store %arg3[%swap3A, %swap3A_40], %slice3A {strides = array<i32>} : memref<10000x256xf32, #tpu.memory_space<vmem>>, vector<10000x256xf32>,
    return
  }
}

</mosaic_0001>

<sc_bundles>
// kernel: kernel.12.cloned.1.call-start
scs
__scs_entry_jumppad:
0x0: {  	(pc) =	sbr.rel $0x88, $3  }
0x1: {  	(tag) =	ssettag $0x0;
	lr =	simm.s32 $0x1  }
0x2: {  	[smem:$0x3F95] =	sst lr;
	_ =	strace $0xD0000000  }
0x3: {  	_ = 	snop  }
0x4: {  	_ = 	snop  }
0x5: {  	_ = 	snop  }
0x6: {  	_ = 	snop  }
0x7: {  	_ = 	snop  }
__scs_overlays_trampoline_lowered:
0x8: {  	[smem:$0x3FA4] =	sst s0  }
0x9: {  	[smem:$0x3FA5] =	sst s1  }
0xa: {  	[smem:$0x3FA6] =	sst s2  }
0xb: {  	[smem:$0x3FA7] =	sst s3  }
0xc: {  	[smem:$0x3FA8] =	sst s4  }
0xd: {  	[smem:$0x3FA9] =	sst s5  }
0xe: {  	[smem:$0x3FAA] =	sst s6  }
0xf: {  	[smem:$0x3FAB] =	sst s7  }
0x10: {  	[smem:$0x3FAC] =	sst s8  }
0x11: {  	[smem:$0x3FAD] =	sst s9;
	s0 =	simm.s32 @!p0 $0x0  }
0x12: {  	s1 =	sld [smem:$0x3F93];
	s0 =	simm.s32 @p0 $0x1  }
0x13: {  	[smem:$0x3FAE] =	sst s0;
	s0 =	simm.s32 @!p1 $0x0  }
0x14: {  	s2 =	sld [smem:$0x3F92];
	s0 =	simm.s32 @p1 $0x1  }
0x15: {  	[smem:$0x3FAF] =	sst s0;
	s0 =	simm.s32 @!p2 $0x0  }
0x16: {  	s3 =	sld [smem:$0x3FDB];
	s0 =	simm.s32 @p2 $0x1  }
0x17: {  	s4 =	simm.s32 $0x1BF5;
	[smem:$0x3FB1] =	sst s0  }
0x18: {  	s0 =	sld [smem:$0x3F94];
	_ =	swait.ge [sflag:s4], $0x0  }
0x19: {  	s7 =	sld [smem:$0x3F95]  }
0x1a: {  	s8 =	sadd.s32 $0xFFFFE003, lr  }
0x1b: {  	s9 =	sadd.s32 $0xFFFFFEF7, lr;
	s5 =	simm.s32 $0xFFFFFFFF;
	p2 =	slt.u32 s8, $0xFFFFF086  }
0x1c: {  	p1 =	slt.u32 s9, $0xF7A;
	s5 =	simm.s32 @!p2 $0x0  }
0x1d: {  	s5 =	simm.s32 @p1 $0x1;
	p0 =	seq.s32 s7, s2  }
0x1e: {  	s7 =	smul.u32 @!p0 $0xF7A, s2;
	p2 =	seq.s32 @!p0 s5, $0x0  }
0x1f: {  	s9 =	smul.u32 $0xF7A, s1;
	s8 =	simm.s32 @!p0 $0x1BF5;
	p2 =	por !p2, p0  }
0x20: {  	[sflag:s8] =	ssyncset.s32 @!p0 $0xFFFFF086;
	s6 =	sadd.s32 @!p0 s3, s7;
	s7 =	simm.s32 @!p0 $0x108  }
0x21: {  	s3 =	sadd.s32 s3, s9;
	s6 =	sadd.s32 @!p0 $0x88, s6;
	s7 =	simm.s32 @p2 $0x1082  }
0x22: {  	[simem:s7], [sflag:s8] =	dma.local @!p0 [hbm:s6], $0xF7A  }
0x23: {  	s9 =	sor.u32 $0xD0000000, s2;
	s6 =	simm.s32 $0x108;
	_ =	swait.ge @!p0 [sflag:s8], $0x0  }
0x24: {  	s3 =	sadd.s32 $0x88, s3;
	s6 =	simm.s32 @!p1 $0x1082;
	[sflag:s4] =	ssyncset.s32 $0xFFFFF086  }
0x25: {  	[simem:s6], [sflag:s4] =	dma.local [hbm:s3], $0xF7A  }
0x26: {  	[smem:$0x3F95] =	sst s1;
	(tag) =	ssettag s2;
	_ =	strace s9  }
0x27: {  	s1 =	sld [smem:$0x3FA5]  }
0x28: {  	s2 =	sld [smem:$0x3FA6]  }
0x29: {  	s4 =	sld [smem:$0x3FA8]  }
0x2a: {  	p0 =	seq.s32 s5, $0x0;
	s5 =	sld [smem:$0x3FA9]  }
0x2b: {  	s6 =	sld [smem:$0x3FAA]  }
0x2c: {  	s7 =	sld [smem:$0x3FAB]  }
0x2d: {  	s3 =	simm.s32 $0x108;
	s8 =	sld [smem:$0x3FAC]  }
0x2e: {  	s3 =	simm.s32 @!p0 $0x1082;
	s9 =	sld [smem:$0x3FAD]  }
0x2f: {  	lr =	sadd.s32 s0, s3;
	s0 =	sld [smem:$0x3FA4]  }
0x30: {  	s3 =	sld [smem:$0x3FA7]  }
0x31: {  	[smem:$0x3FB0] =	sst s10  }
0x32: {  	s10 =	sld [smem:$0x3FAE];
	_ =	sdelay $0x3  }
0x33: {  	p0 =	seq.s32 s10, $0x1;
	s10 =	sld [smem:$0x3FB0];
	_ =	sdelay $0x3  }
0x34: {  	[smem:$0x3FB0] =	sst s10  }
0x35: {  	s10 =	sld [smem:$0x3FAF];
	_ =	sdelay $0x3  }
0x36: {  	p1 =	seq.s32 s10, $0x1;
	s10 =	sld [smem:$0x3FB0];
	_ =	sdelay $0x3  }
0x37: {  	[smem:$0x3FB0] =	sst s10  }
0x38: {  	s10 =	sld [smem:$0x3FB1]  }
0x39: {  	_ = 	snop;
	(pc) =	sbr.ind lr, $3  }
0x3a: {  	_ = 	snop  }
0x3b: {  	_ = 	snop  }
0x3c: {  	p2 =	seq.s32 s10, $0x1;
	s10 =	sld [smem:$0x3FB0]  }
0x3d: {  	_ =	shalt  }
0x3e: {  	_ =	shalt  }
0x3f: {  	_ =	shalt  }
0x40: {  	_ =	shalt  }
0x41: {  	_ =	shalt  }
0x42: {  	_ =	shalt  }
0x43: {  	_ =	shalt  }
0x44: {  	_ =	shalt  }
0x45: {  	_ =	shalt  }
0x46: {  	_ =	shalt  }
0x47: {  	_ =	shalt  }
0x48: {  	_ =	shalt  }
0x49: {  	_ =	shalt  }
0x4a: {  	_ =	shalt  }
0x4b: {  	_ =	shalt  }
0x4c: {  	_ =	shalt  }
0x4d: {  	_ =	shalt  }
0x4e: {  	_ =	shalt  }
0x4f: {  	_ =	shalt  }
0x50: {  	_ =	shalt  }
0x51: {  	_ =	shalt  }
0x52: {  	_ =	shalt  }
0x53: {  	_ =	shalt  }
0x54: {  	_ =	shalt  }
0x55: {  	_ =	shalt  }
0x56: {  	_ =	shalt  }
0x57: {  	_ =	shalt  }
0x58: {  	_ =	shalt  }
0x59: {  	_ =	shalt  }
0x5a: {  	_ =	shalt  }
0x5b: {  	_ =	shalt  }
0x5c: {  	_ =	shalt  }
0x5d: {  	_ =	shalt  }
0x5e: {  	_ =	shalt  }
0x5f: {  	_ =	shalt  }
0x60: {  	_ =	shalt  }
0x61: {  	_ =	shalt  }
0x62: {  	_ =	shalt  }
0x63: {  	_ =	shalt  }
0x64: {  	_ =	shalt  }
0x65: {  	_ =	shalt  }
0x66: {  	_ =	shalt  }
0x67: {  	_ =	shalt  }
0x68: {  	_ =	shalt  }
0x69: {  	_ =	shalt  }
0x6a: {  	_ =	shalt  }
0x6b: {  	_ =	shalt  }
0x6c: {  	_ =	shalt  }
0x6d: {  	_ =	shalt  }
0x6e: {  	_ =	shalt  }
0x6f: {  	_ =	shalt  }
0x70: {  	_ =	shalt  }
0x71: {  	_ =	shalt  }
0x72: {  	_ =	shalt  }
0x73: {  	_ =	shalt  }
0x74: {  	_ =	shalt  }
0x75: {  	_ =	shalt  }
0x76: {  	_ =	shalt  }
0x77: {  	_ =	shalt  }
0x78: {  	_ =	shalt  }
0x79: {  	_ =	shalt  }
0x7a: {  	_ =	shalt  }
0x7b: {  	_ =	shalt  }
0x7c: {  	_ =	shalt  }
0x7d: {  	_ =	shalt  }
0x7e: {  	_ =	shalt  }
0x7f: {  	_ =	shalt  }
0x80: {  	_ =	shalt  }
0x81: {  	_ =	shalt  }
0x82: {  	_ =	shalt  }
0x83: {  	_ =	shalt  }
0x84: {  	_ =	shalt  }
0x85: {  	_ =	shalt  }
0x86: {  	_ =	shalt  }
0x87: {  	_ =	shalt  }
.Lfunc_end0:
.L_simem_size_0:
called_computation_lowered:
.L_overlay_start_0:
0x88: {  	s2 =	sld [smem:$0x3FD9]  }
0x89: {  	s3 =	sld [smem:$0x3FFE];
	_ =	sdelay $0x1  }
0x8a: {  	s1 =	srdreg.scid  }
0x8b: {  	s0 =	sand.u32 $0x1, s1  }
0x8c: {  	s17 =	sshll.u32 s0, $0xA;
	s2 =	sadd.s32 s3, s2  }
0x8d: {  	s2 =	sadd.s32 s2, s17  }
0x8e: {  	[smem:$0x3FBC] =	sst s2  }
0x8f: {  	_ = 	snop  }
0x90: {  	s2 =	sld [smem:$0x3FD0];
	(tm) =	ssettm $0x1  }
0x91: {  	s18 =	sld [smem:$0x3FFB];
	_ =	sdelay $0x3  }
0x92: {  	_ =	strace s18  }
0x93: {  	s3 =	sld [smem:$0x3FFC];
	_ =	sdelay $0x3  }
0x94: {  	_ =	strace s3  }
0x95: {  	s3 =	sld [smem:$0x3FFD];
	_ =	sdelay $0x3  }
0x96: {  	_ =	strace s3  }
0x97: {  	_ =	strace $0x8FFFFFFF  }
0x98: {  	s19 =	sld [smem:$0x3FDB];
	_ =	sdelay $0x1  }
0x99: {  	s4 =	simm.s32 $_scs_section_size  }
0x9a: {  	s5 =	simm.s32 $_size__tile_overlayer_lowered;
	s6 =	simm.s32 $_tile_overlayer_lowered  }
0x9b: {  	s22 =	simm.s32 $0x1BFF;
	s21 =	sshll.u32 s6, $0x1;
	s3 =	sadd.s32 s4, s19  }
0x9c: {  	s7 =	simm.s32 $0x0;
	s20 =	sshll.u32 s5, $0x1;
	s5 =	sadd.s32 s21, s3  }
0x9d: {  	[timem:s7], [sflag:s22] =	dma.local [hbm:s5], s20  }
0x9e: {  	_ =	swait.ge [sflag:s22], s20  }
0x9f: {  	s4 =	ssub.s32 $0x0, s20;
	[sflag:s22] =	ssyncset.done $0x0  }
0xa0: {  	[sflag:s22] =	ssyncadd.s32 s4;
	_ =	sdelay $0x1  }
0xa1: {  	s23 =	simm.s32 $0x1B8B  }
0xa2: {  	_ =	swait.ge [sflag:s23], $0x1  }
0xa3: {  	[sflag:s23] =	ssyncset.done $0x0  }
0xa4: {  	s25 =	simm.s32 $0x1B8E;
	s24 =	sld [smem:$0x3FFE];
	[sflag:s23] =	ssyncadd.s32 $0xFFFFFFFF  }
0xa5: {  	s26 =	simm.s32 $execute0_lowered;
	[smem:$0x3FD2] =	sst s25  }
0xa6: {  	s5 =	sshll.u32 s26, $0x1;
	_ =	strace $0x80000046;
	[dreg:$0x1] =	wrdreg $0xFFFFFFFF  }
0xa7: {  	s28 =	simm.s32 $_size_execute0_lowered;
	s3 =	sadd.s32 s3, s5;
	[dreg:$0x0] =	wrdreg $0x0  }
0xa8: {  	s5 =	sshll.u32 s28, $0x1;
	[dreg:$0x2] =	wrdreg s3  }
0xa9: {  	[dreg:$0x3] =	wrdreg s5  }
0xaa: {  	[dreg:$0x4] =	wrdreg $0xC0  }
0xab: {  	_ =	task [dreg:s7], $0x5FFFF  }
0xac: {  	[dreg:$0x1] =	wrdreg $0xFFFFFFFF  }
0xad: {  	[dreg:$0x0] =	wrdreg $0x60  }
0xae: {  	[dreg:$0x2] =	wrdreg s24  }
0xaf: {  	[dreg:$0x3] =	wrdreg s2  }
0xb0: {  	[dreg:$0x4] =	wrdreg $0x50000  }
0xb1: {  	[dreg:$0x5] =	wrdreg $0x9  }
0xb2: {  	_ =	task.clear_ibuf [dreg:s7], $0x6FFFF;
	_ =	strace $0x90000046  }
0xb3: {  	s29 =	simm.s32 $0x9;
	_ =	strace $0x80000048  }
0xb4: {  	_ =	swait.ge [sflag:s29], $0x1  }
0xb5: {  	[sflag:s29] =	ssyncadd.s32 $0xFFFFFFFF  }
0xb6: {  	_ =	strace $0x90000048  }
0xb7: {  	_ =	sfence  }
0xb8: {  	s30 =	sld [smem:$0x0];
	_ =	sdelay $0x2  }
0xb9: {  	s31 =	sshll.u32 s1, $0xD;
	s1 =	sshrl.u32 s1, $0x2  }
0xba: {  	s3 =	sand.u32 $0x4000, s31;
	s1 =	sadd.s32 s1, s30  }
0xbb: {  	s0 =	sor.u32 s3, s0;
	s1 =	sshll.u32 s1, $0x11  }
0xbc: {  	s0 =	sor.u32 s1, s0  }
0xbd: {  	s0 =	sadd.s32 $0x8F2B, s0  }
0xbe: {  	[sflag:s0] =	ssyncadd.remote.s32 $0x1  }
0xbf: {  	_ =	sfence.sel $0xFFFF  }
0xc0: {  	[dreg:$0x0] =	wrdreg $0xFFFFFFFF;
	(pc) =	sbr.abs _section_cstart, $3  }
0xc1: {  	[dreg:$0x1] =	wrdreg $0xFFFFFFFF  }
0xc2: {  	_ =	task.clear_ibuf [dreg:s7], $0x2FFFF;
	_ =	strace $0x9FFFFFFF  }
0xc3: {  	(tm) =	ssettm $0x7FFFFFFF  }
tec
execute0_lowered:
.L_overlay_start_1:
0x0: {  	(tag) =	ssettag $0x1  }
0x1: {  	s5 =	rddreg [dreg:$0x0]  }
0x2: {  	s6 =	rddreg [dreg:$0x1]  }
0x3: {  	s2 =	rddreg [dreg:$0x2];
	s1 =	stileid.u32  }
0x4: {  	s0 =	rddreg [dreg:$0x3];
	s8 =	smul.u32 $0x13C00, s1  }
0x5: {  	s3 =	simm.s32 $0x0;
	s4 =	srdreg.scid;
	s13 =	smul.u32 $0x50, s1  }
0x6: {  	s16 =	simm.s32 $0x0;
	[smem:$0x7FF] =	sst s3;
	s15 =	smul.u32 $0x4F000, s1  }
0x7: {  	s7 =	sand.u32 $0x1, s4;
	s10 =	sadd.s32 $0xE600, s5;
	s30 =	smul.u32 $0x500, s1  }
0x8: {  	s4 =	sadd.s32 $0x18600, s5;
	s31 =	sshll.u32 s1, $0x6;
	s9 =	smul.u32 $0x13C000, s7  }
0x9: {  	_ =	strace $0x80000047;
	s11 =	smul.u32 $0x500, s7;
	s12 =	ssub.s32 $0x2, s7  }
0xa: {  	s7 =	smul.u32 $0x5000, s7;
	s14 =	sshrl.u32 s12, $0x1;
	s28 =	sshrl.u32 s15, $0x2  }
0xb: {  	s15 =	simm.s32 $0x80;
	s9 =	sadd.s32 s8, s9;
	s12 =	ssub.s32 s12, s14  }
0xc: {  	s26 =	sadd.s32 s13, s11;
	s29 =	sadd.s32 s28, s2;
	s8 =	sshrl.u32 s8, $0x3  }
0xd: {  	s11 =	simm.s32 $0x4000;
	s13 =	simm.s32 $0x2;
	s9 =	sshrl.u32 s9, $0x3  }
0xe: {  	s14 =	simm.s32 $0x1;
	s9 =	sadd.s32 s9, s5;
	s5 =	sshll.u32 s26, $0x4  }
0xf: {  	s6 =	sadd.s32 s6, s8;
	s5 =	sadd.s32 s10, s5;
	s10 =	sadd.s32 s7, s10  }
0x10: {  	s7 =	sor.u32 $0x1C02, s31;
	s8 =	sadd.s32 $0x18E00, s9;
	s10 =	sadd.s32 s30, s10  }
0x11: {  	s9 =	smax.u32 s12, $0x1;
	s12 =	sshrl.u32 s29, $0x3;
	s10 =	sadd.s32 $0x100, s10  }
.LBB2_1:
0x12: {  	[tilespmem:s11], [sflag:$0x1] =	stream.linear.gather [hbm4b:s5+s3], $0x800, $0x38;
	[tilespmem:$0x18C00] =	vst v63  }
0x13: {  	[spmem:s12], [sflag:s7] =	dma.local [hbm:s6], $0x2780  }
0x14: {  	_ =	swait.ge [sflag:s13], $0x2780  }
0x15: {  	[sflag:s13] =	ssyncset.done $0x0  }
0x16: {  	[sflag:s13] =	ssyncadd.s32 $0xFFFFD880  }
0x17: {  	[tilespmem:s3], [sflag:$0x2] =	stream.linear.gather [hbm4b:s4+s3], $0x4000, $0x38;
	[tilespmem:$0x18C00] =	vst v63  }
0x18: {  	_ =	swait.ge [sflag:s13], $0x4000  }
0x19: {  	[sflag:s13] =	ssyncset.done $0x0  }
0x1a: {  	[sflag:s13] =	ssyncadd.s32 $0xFFFFC000  }
0x1b: {  	[bflag:$0x0] =	sbarrier.arrive $0xFFFF  }
0x1c: {  	s18 =	sand.u32 $0x1, s3;
	p0 =	por $0x0, $0x0;
	_ =	swait.ge [sflag:s14], $0x800  }
0x1d: {  	s17 =	sshll.u32 s18, $0xB;
	s18 =	sshll.u32 @!p0 s18, $0xB;
	[sflag:s14] =	ssyncset.done $0x0  }
0x1e: {  	s19 =	simm.s32 @!p0 $0x0;
	s18 =	sxor.u32 @!p0 $0x4800, s18;
	[sflag:s14] =	ssyncadd.s32 $0xFFFFF800  }
0x1f: {  	[tilespmem:s18], [sflag:$0x1] =	stream.linear.gather @!p0 [hbm4b:s10+s19], $0x800, $0x38;
	[tilespmem:$0x18C00] =	vst v63  }
0x20: {  	s29 =	sor.u32 $0x4000, s17  }
0x21: {  	[spmem:s2] =	stream.indirect.scatter.add.f32 [tilespmem:s3], [sflag:$0x2], $0x80, s29, s15, $0xb8;
	[tilespmem:$0x18C00] =	vst v63  }
0x22: {  	_ =	swait.ge [sflag:s13], $0x4000  }
0x23: {  	[sflag:s13] =	ssyncset.done $0x0  }
0x24: {  	s30 =	sadd.s32 $0x4080, s17;
	[sflag:s13] =	ssyncadd.s32 $0xFFFFC000  }
0x25: {  	[spmem:s2] =	stream.indirect.scatter.add.f32 [tilespmem:s3], [sflag:$0x2], $0x80, s30, s15, $0xb8;
	[tilespmem:$0x18C00] =	vst v63  }
0x26: {  	_ =	swait.ge [sflag:s13], $0x4000  }
0x27: {  	[sflag:s13] =	ssyncset.done $0x0  }
0x28: {  	s31 =	sadd.s32 $0x4100, s17;
	[sflag:s13] =	ssyncadd.s32 $0xFFFFC000  }
0x29: {  	[spmem:s2] =	stream.indirect.scatter.add.f32 [tilespmem:s3], [sflag:$0x2], $0x80, s31, s15, $0xb8;
	[tilespmem:$0x18C00] =	vst v63  }
0x2a: {  	_ =	swait.ge [sflag:s13], $0x4000  }
0x2b: {  	[sflag:s13] =	ssyncset.done $0x0  }
0x2c: {  	s19 =	sadd.s32 $0x4180, s17;
	[sflag:s13] =	ssyncadd.s32 $0xFFFFC000  }
0x2d: {  	[spmem:s2] =	stream.indirect.scatter.add.f32 [tilespmem:s3], [sflag:$0x2], $0x80, s19, s15, $0xb8;
	[tilespmem:$0x18C00] =	vst v63  }
0x2e: {  	_ =	swait.ge [sflag:s13], $0x4000  }
0x2f: {  	[sflag:s13] =	ssyncset.done $0x0  }
0x30: {  	s20 =	sadd.s32 $0x4200, s17;
	[sflag:s13] =	ssyncadd.s32 $0xFFFFC000  }
0x31: {  	[spmem:s2] =	stream.indirect.scatter.add.f32 [tilespmem:s3], [sflag:$0x2], $0x80, s20, s15, $0xb8;
	[tilespmem:$0x18C00] =	vst v63  }
0x32: {  	_ =	swait.ge [sflag:s13], $0x4000  }
0x33: {  	[sflag:s13] =	ssyncset.done $0x0  }
0x34: {  	s21 =	sadd.s32 $0x4280, s17;
	[sflag:s13] =	ssyncadd.s32 $0xFFFFC000  }
0x35: {  	[spmem:s2] =	stream.indirect.scatter.add.f32 [tilespmem:s3], [sflag:$0x2], $0x80, s21, s15, $0xb8;
	[tilespmem:$0x18C00] =	vst v63  }
0x36: {  	_ =	swait.ge [sflag:s13], $0x4000  }
0x37: {  	[sflag:s13] =	ssyncset.done $0x0  }
0x38: {  	s22 =	sadd.s32 $0x4300, s17;
	[sflag:s13] =	ssyncadd.s32 $0xFFFFC000  }
0x39: {  	[spmem:s2] =	stream.indirect.scatter.add.f32 [tilespmem:s3], [sflag:$0x2], $0x80, s22, s15, $0xb8;
	[tilespmem:$0x18C00] =	vst v63  }
0x3a: {  	_ =	swait.ge [sflag:s13], $0x4000  }
0x3b: {  	[sflag:s13] =	ssyncset.done $0x0  }
0x3c: {  	s23 =	sadd.s32 $0x4380, s17;
	[sflag:s13] =	ssyncadd.s32 $0xFFFFC000  }
0x3d: {  	[spmem:s2] =	stream.indirect.scatter.add.f32 [tilespmem:s3], [sflag:$0x2], $0x80, s23, s15, $0xb8;
	[tilespmem:$0x18C00] =	vst v63  }
0x3e: {  	_ =	swait.ge [sflag:s13], $0x4000  }
0x3f: {  	[sflag:s13] =	ssyncset.done $0x0  }
0x40: {  	s24 =	sadd.s32 $0x4400, s17;
	[sflag:s13] =	ssyncadd.s32 $0xFFFFC000  }
0x41: {  	[spmem:s2] =	stream.indirect.scatter.add.f32 [tilespmem:s3], [sflag:$0x2], $0x80, s24, s15, $0xb8;
	[tilespmem:$0x18C00] =	vst v63  }
0x42: {  	_ =	swait.ge [sflag:s13], $0x4000  }
0x43: {  	[sflag:s13] =	ssyncset.done $0x0  }
0x44: {  	s25 =	sadd.s32 $0x4480, s17;
	[sflag:s13] =	ssyncadd.s32 $0xFFFFC000  }
0x45: {  	[spmem:s2] =	stream.indirect.scatter.add.f32 [tilespmem:s3], [sflag:$0x2], $0x80, s25, s15, $0xb8;
	[tilespmem:$0x18C00] =	vst v63  }
0x46: {  	_ =	swait.ge [sflag:s13], $0x4000  }
0x47: {  	[sflag:s13] =	ssyncset.done $0x0  }
0x48: {  	s26 =	sadd.s32 $0x4500, s17;
	[sflag:s13] =	ssyncadd.s32 $0xFFFFC000  }
0x49: {  	[spmem:s2] =	stream.indirect.scatter.add.f32 [tilespmem:s3], [sflag:$0x2], $0x80, s26, s15, $0xb8;
	[tilespmem:$0x18C00] =	vst v63  }
0x4a: {  	_ =	swait.ge [sflag:s13], $0x4000  }
0x4b: {  	[sflag:s13] =	ssyncset.done $0x0  }
0x4c: {  	s28 =	sadd.s32 $0x4580, s17;
	[sflag:s13] =	ssyncadd.s32 $0xFFFFC000  }
0x4d: {  	[spmem:s2] =	stream.indirect.scatter.add.f32 [tilespmem:s3], [sflag:$0x2], $0x80, s28, s15, $0xb8;
	[tilespmem:$0x18C00] =	vst v63  }
0x4e: {  	_ =	swait.ge [sflag:s13], $0x4000  }
0x4f: {  	[sflag:s13] =	ssyncset.done $0x0  }
0x50: {  	s29 =	sadd.s32 $0x4600, s17;
	[sflag:s13] =	ssyncadd.s32 $0xFFFFC000  }
0x51: {  	[spmem:s2] =	stream.indirect.scatter.add.f32 [tilespmem:s3], [sflag:$0x2], $0x80, s29, s15, $0xb8;
	[tilespmem:$0x18C00] =	vst v63  }
0x52: {  	_ =	swait.ge [sflag:s13], $0x4000  }
0x53: {  	[sflag:s13] =	ssyncset.done $0x0  }
0x54: {  	s30 =	sadd.s32 $0x4680, s17;
	[sflag:s13] =	ssyncadd.s32 $0xFFFFC000  }
0x55: {  	[spmem:s2] =	stream.indirect.scatter.add.f32 [tilespmem:s3], [sflag:$0x2], $0x80, s30, s15, $0xb8;
	[tilespmem:$0x18C00] =	vst v63  }
0x56: {  	_ =	swait.ge [sflag:s13], $0x4000  }
0x57: {  	[sflag:s13] =	ssyncset.done $0x0  }
0x58: {  	s31 =	sadd.s32 $0x4700, s17;
	[sflag:s13] =	ssyncadd.s32 $0xFFFFC000  }
0x59: {  	[spmem:s2] =	stream.indirect.scatter.add.f32 [tilespmem:s3], [sflag:$0x2], $0x80, s31, s15, $0xb8;
	[tilespmem:$0x18C00] =	vst v63  }
0x5a: {  	_ =	swait.ge [sflag:s13], $0x4000  }
0x5b: {  	[sflag:s13] =	ssyncset.done $0x0  }
0x5c: {  	s17 =	sadd.s32 $0x4780, s17;
	[sflag:s13] =	ssyncadd.s32 $0xFFFFC000  }
0x5d: {  	[spmem:s2] =	stream.indirect.scatter.add.f32 [tilespmem:s3], [sflag:$0x2], $0x80, s17, s15, $0xb8;
	[tilespmem:$0x18C00] =	vst v63  }
0x5e: {  	_ =	swait.ge [sflag:s13], $0x4000  }
0x5f: {  	s18 =	smov.u32 s10;
	s17 =	simm.s32 $0x1;
	[sflag:s13] =	ssyncset.done $0x0  }
.LBB2_2:
0x60: {  	[sflag:s13] =	ssyncadd.s32 $0xFFFFC000  }
0x61: {  	s18 =	sadd.s32 $0x100, s18;
	s19 =	smov.u32 s17;
	s17 =	sadd.s32 $0x1, s17  }
0x62: {  	s20 =	sand.u32 $0x1, s19;
	_ =	swait.ge [sflag:s14], $0x800;
	p0 =	seq.s32 s19, $0x4  }
0x63: {  	s19 =	sshll.u32 s20, $0xB;
	[sflag:s14] =	ssyncset.done $0x0;
	s20 =	sshll.u32 @!p0 s20, $0xB  }
0x64: {  	s21 =	simm.s32 @!p0 $0x0;
	[sflag:s14] =	ssyncadd.s32 $0xFFFFF800;
	s20 =	sxor.u32 @!p0 $0x4800, s20  }
0x65: {  	[tilespmem:s20], [sflag:$0x1] =	stream.linear.gather @!p0 [hbm4b:s18+s21], $0x800, $0x38;
	[tilespmem:$0x18C00] =	vst v63  }
0x66: {  	s20 =	sor.u32 $0x4000, s19;
	p0 =	sne.s32 s17, $0x5  }
0x67: {  	[spmem:s2] =	stream.indirect.scatter.add.f32 [tilespmem:s3], [sflag:$0x2], $0x80, s20, s15, $0xb8;
	[tilespmem:$0x18C00] =	vst v63  }
0x68: {  	_ =	swait.ge [sflag:s13], $0x4000  }
0x69: {  	[sflag:s13] =	ssyncset.done $0x0  }
0x6a: {  	s20 =	sadd.s32 $0x4080, s19;
	[sflag:s13] =	ssyncadd.s32 $0xFFFFC000  }
0x6b: {  	[spmem:s2] =	stream.indirect.scatter.add.f32 [tilespmem:s3], [sflag:$0x2], $0x80, s20, s15, $0xb8;
	[tilespmem:$0x18C00] =	vst v63  }
0x6c: {  	_ =	swait.ge [sflag:s13], $0x4000  }
0x6d: {  	[sflag:s13] =	ssyncset.done $0x0  }
0x6e: {  	s20 =	sadd.s32 $0x4100, s19;
	[sflag:s13] =	ssyncadd.s32 $0xFFFFC000  }
0x6f: {  	[spmem:s2] =	stream.indirect.scatter.add.f32 [tilespmem:s3], [sflag:$0x2], $0x80, s20, s15, $0xb8;
	[tilespmem:$0x18C00] =	vst v63  }
0x70: {  	_ =	swait.ge [sflag:s13], $0x4000  }
0x71: {  	[sflag:s13] =	ssyncset.done $0x0  }
0x72: {  	s20 =	sadd.s32 $0x4180, s19;
	[sflag:s13] =	ssyncadd.s32 $0xFFFFC000  }
0x73: {  	[spmem:s2] =	stream.indirect.scatter.add.f32 [tilespmem:s3], [sflag:$0x2], $0x80, s20, s15, $0xb8;
	[tilespmem:$0x18C00] =	vst v63  }
0x74: {  	_ =	swait.ge [sflag:s13], $0x4000  }
0x75: {  	[sflag:s13] =	ssyncset.done $0x0  }
0x76: {  	s20 =	sadd.s32 $0x4200, s19;
	[sflag:s13] =	ssyncadd.s32 $0xFFFFC000  }
0x77: {  	[spmem:s2] =	stream.indirect.scatter.add.f32 [tilespmem:s3], [sflag:$0x2], $0x80, s20, s15, $0xb8;
	[tilespmem:$0x18C00] =	vst v63  }
0x78: {  	_ =	swait.ge [sflag:s13], $0x4000  }
0x79: {  	[sflag:s13] =	ssyncset.done $0x0  }
0x7a: {  	s20 =	sadd.s32 $0x4280, s19;
	[sflag:s13] =	ssyncadd.s32 $0xFFFFC000  }
0x7b: {  	[spmem:s2] =	stream.indirect.scatter.add.f32 [tilespmem:s3], [sflag:$0x2], $0x80, s20, s15, $0xb8;
	[tilespmem:$0x18C00] =	vst v63  }
0x7c: {  	_ =	swait.ge [sflag:s13], $0x4000  }
0x7d: {  	[sflag:s13] =	ssyncset.done $0x0  }
0x7e: {  	s20 =	sadd.s32 $0x4300, s19;
	[sflag:s13] =	ssyncadd.s32 $0xFFFFC000  }
0x7f: {  	[spmem:s2] =	stream.indirect.scatter.add.f32 [tilespmem:s3], [sflag:$0x2], $0x80, s20, s15, $0xb8;
	[tilespmem:$0x18C00] =	vst v63  }
0x80: {  	_ =	swait.ge [sflag:s13], $0x4000  }
0x81: {  	[sflag:s13] =	ssyncset.done $0x0  }
0x82: {  	s20 =	sadd.s32 $0x4380, s19;
	[sflag:s13] =	ssyncadd.s32 $0xFFFFC000  }
0x83: {  	[spmem:s2] =	stream.indirect.scatter.add.f32 [tilespmem:s3], [sflag:$0x2], $0x80, s20, s15, $0xb8;
	[tilespmem:$0x18C00] =	vst v63  }
0x84: {  	_ =	swait.ge [sflag:s13], $0x4000  }
0x85: {  	[sflag:s13] =	ssyncset.done $0x0  }
0x86: {  	s20 =	sadd.s32 $0x4400, s19;
	[sflag:s13] =	ssyncadd.s32 $0xFFFFC000  }
0x87: {  	[spmem:s2] =	stream.indirect.scatter.add.f32 [tilespmem:s3], [sflag:$0x2], $0x80, s20, s15, $0xb8;
	[tilespmem:$0x18C00] =	vst v63  }
0x88: {  	_ =	swait.ge [sflag:s13], $0x4000  }
0x89: {  	[sflag:s13] =	ssyncset.done $0x0  }
0x8a: {  	s20 =	sadd.s32 $0x4480, s19;
	[sflag:s13] =	ssyncadd.s32 $0xFFFFC000  }
0x8b: {  	[spmem:s2] =	stream.indirect.scatter.add.f32 [tilespmem:s3], [sflag:$0x2], $0x80, s20, s15, $0xb8;
	[tilespmem:$0x18C00] =	vst v63  }
0x8c: {  	_ =	swait.ge [sflag:s13], $0x4000  }
0x8d: {  	[sflag:s13] =	ssyncset.done $0x0  }
0x8e: {  	s20 =	sadd.s32 $0x4500, s19;
	[sflag:s13] =	ssyncadd.s32 $0xFFFFC000  }
0x8f: {  	[spmem:s2] =	stream.indirect.scatter.add.f32 [tilespmem:s3], [sflag:$0x2], $0x80, s20, s15, $0xb8;
	[tilespmem:$0x18C00] =	vst v63  }
0x90: {  	_ =	swait.ge [sflag:s13], $0x4000  }
0x91: {  	[sflag:s13] =	ssyncset.done $0x0  }
0x92: {  	s20 =	sadd.s32 $0x4580, s19;
	[sflag:s13] =	ssyncadd.s32 $0xFFFFC000  }
0x93: {  	[spmem:s2] =	stream.indirect.scatter.add.f32 [tilespmem:s3], [sflag:$0x2], $0x80, s20, s15, $0xb8;
	[tilespmem:$0x18C00] =	vst v63  }
0x94: {  	_ =	swait.ge [sflag:s13], $0x4000  }
0x95: {  	[sflag:s13] =	ssyncset.done $0x0  }
0x96: {  	s20 =	sadd.s32 $0x4600, s19;
	[sflag:s13] =	ssyncadd.s32 $0xFFFFC000  }
0x97: {  	[spmem:s2] =	stream.indirect.scatter.add.f32 [tilespmem:s3], [sflag:$0x2], $0x80, s20, s15, $0xb8;
	[tilespmem:$0x18C00] =	vst v63  }
0x98: {  	_ =	swait.ge [sflag:s13], $0x4000  }
0x99: {  	[sflag:s13] =	ssyncset.done $0x0  }
0x9a: {  	s20 =	sadd.s32 $0x4680, s19;
	[sflag:s13] =	ssyncadd.s32 $0xFFFFC000  }
0x9b: {  	[spmem:s2] =	stream.indirect.scatter.add.f32 [tilespmem:s3], [sflag:$0x2], $0x80, s20, s15, $0xb8;
	[tilespmem:$0x18C00] =	vst v63  }
0x9c: {  	_ =	swait.ge [sflag:s13], $0x4000  }
0x9d: {  	[sflag:s13] =	ssyncset.done $0x0  }
0x9e: {  	s20 =	sadd.s32 $0x4700, s19;
	[sflag:s13] =	ssyncadd.s32 $0xFFFFC000  }
0x9f: {  	[spmem:s2] =	stream.indirect.scatter.add.f32 [tilespmem:s3], [sflag:$0x2], $0x80, s20, s15, $0xb8;
	[tilespmem:$0x18C00] =	vst v63  }
0xa0: {  	_ =	swait.ge [sflag:s13], $0x4000  }
.Ltmp0:
0xa1: {  	[sflag:s13] =	ssyncset.done $0x0;
	(pc) =	sbr.rel @p0 .LBB2_2-.Ltmp0, $4  }
0xa2: {  	s19 =	sadd.s32 $0x4780, s19;
	[sflag:s13] =	ssyncadd.s32 $0xFFFFC000  }
0xa3: {  	[spmem:s2] =	stream.indirect.scatter.add.f32 [tilespmem:s3], [sflag:$0x2], $0x80, s19, s15, $0xb8;
	[tilespmem:$0x18C00] =	vst v63  }
0xa4: {  	_ =	swait.ge [sflag:s13], $0x4000  }
0xa5: {  	[sflag:s13] =	ssyncset.done $0x0  }
0xa6: {  	s16 =	sadd.s32 $0x1, s16  }
0xa7: {  	[sflag:s13] =	ssyncadd.s32 $0xFFFFC000;
	p0 =	sne.s32 s16, s9  }
.Ltmp1:
0xa8: {  	[bflag:$0x0] =	sbarrier.arrive $0xFFFF;
	(pc) =	sbr.rel @p0 .LBB2_1-.Ltmp1, $4  }
0xa9: {  	[hbm:s8], [sflag:s7] =	dma.local [spmem:s12], $0x2780  }
0xaa: {  	_ =	swait.ge [sflag:s13], $0x2780  }
0xab: {  	[sflag:s13] =	ssyncset.done $0x0  }
0xac: {  	[sflag:s13] =	ssyncadd.s32 $0xFFFFD880  }
0xad: {  	_ =	sfence.sel $0x180000  }
0xae: {  	[bflag:$0x0] =	sbarrier.arrive $0xFFFF  }
0xaf: {  	p0 =	sne.s32 s1, $0x0;
	_ =	strace $0x90000047  }
0xb0: {  	s0 =	sadd.s32 @!p0 $0x100000, s0;
	[bflag:$0x2] =	sbarrier.arrive $0xFFFF  }
0xb1: {  	[sflag:s0] =	ssyncadd.tile.s32 @!p0 $0x1;
	_ =	shalt  }
.Lfunc_end2:
_tile_overlayer_lowered:
.L_overlay_start_2:
0xb2: {  	(tag) =	ssettag $0x2  }
0xb3: {  	s0 =	rddreg [dreg:$0x0];
	s2 =	stileid.u32  }
0xb4: {  	s1 =	rddreg [dreg:$0x1];
	p0 =	sne.s32 s2, $0x0  }
0xb5: {  	s3 =	rddreg [dreg:$0x2];
	[bflag:$0x3] =	sbarrier.arrive $0xFFFF;
	s2 =	simm.s32 @!p0 $0x1C02  }
0xb6: {  	[timem:s3], [sflag:s2] =	dma.local @!p0 [hbm:s0], s1  }
0xb7: {  	s0 =	simm.s32 @!p0 $0x2  }
0xb8: {  	_ =	swait.ge @!p0 [sflag:s0], s1  }
0xb9: {  	s1 =	ssub.s32 @!p0 $0x0, s1;
	[sflag:s0] =	ssyncset.done @!p0 $0x0  }
0xba: {  	[sflag:s0] =	ssyncadd.s32 @!p0 s1  }
0xbb: {  	[bflag:$0x3] =	sbarrier.arrive $0xFFFF  }
0xbc: {  	_ =	shalt  }

// kernel: kernel.15.cloned.1.call-start
scs
__scs_entry_jumppad:
0x0: {  	(pc) =	sbr.rel $0x88, $3  }
0x1: {  	(tag) =	ssettag $0x0;
	lr =	simm.s32 $0x1  }
0x2: {  	[smem:$0x3F95] =	sst lr;
	_ =	strace $0xD0000000  }
0x3: {  	_ = 	snop  }
0x4: {  	_ = 	snop  }
0x5: {  	_ = 	snop  }
0x6: {  	_ = 	snop  }
0x7: {  	_ = 	snop  }
__scs_overlays_trampoline_lowered:
0x8: {  	[smem:$0x3FA4] =	sst s0  }
0x9: {  	[smem:$0x3FA5] =	sst s1  }
0xa: {  	[smem:$0x3FA6] =	sst s2  }
0xb: {  	[smem:$0x3FA7] =	sst s3  }
0xc: {  	[smem:$0x3FA8] =	sst s4  }
0xd: {  	[smem:$0x3FA9] =	sst s5  }
0xe: {  	[smem:$0x3FAA] =	sst s6  }
0xf: {  	[smem:$0x3FAB] =	sst s7  }
0x10: {  	[smem:$0x3FAC] =	sst s8  }
0x11: {  	[smem:$0x3FAD] =	sst s9;
	s0 =	simm.s32 @!p0 $0x0  }
0x12: {  	s1 =	sld [smem:$0x3F93];
	s0 =	simm.s32 @p0 $0x1  }
0x13: {  	[smem:$0x3FAE] =	sst s0;
	s0 =	simm.s32 @!p1 $0x0  }
0x14: {  	s2 =	sld [smem:$0x3F92];
	s0 =	simm.s32 @p1 $0x1  }
0x15: {  	[smem:$0x3FAF] =	sst s0;
	s0 =	simm.s32 @!p2 $0x0  }
0x16: {  	s3 =	sld [smem:$0x3FDB];
	s0 =	simm.s32 @p2 $0x1  }
0x17: {  	s4 =	simm.s32 $0x1BF5;
	[smem:$0x3FB1] =	sst s0  }
0x18: {  	s0 =	sld [smem:$0x3F94];
	_ =	swait.ge [sflag:s4], $0x0  }
0x19: {  	s7 =	sld [smem:$0x3F95]  }
0x1a: {  	s8 =	sadd.s32 $0xFFFFE003, lr  }
0x1b: {  	s9 =	sadd.s32 $0xFFFFFEF7, lr;
	s5 =	simm.s32 $0xFFFFFFFF;
	p2 =	slt.u32 s8, $0xFFFFF086  }
0x1c: {  	p1 =	slt.u32 s9, $0xF7A;
	s5 =	simm.s32 @!p2 $0x0  }
0x1d: {  	s5 =	simm.s32 @p1 $0x1;
	p0 =	seq.s32 s7, s2  }
0x1e: {  	s7 =	smul.u32 @!p0 $0xF7A, s2;
	p2 =	seq.s32 @!p0 s5, $0x0  }
0x1f: {  	s9 =	smul.u32 $0xF7A, s1;
	s8 =	simm.s32 @!p0 $0x1BF5;
	p2 =	por !p2, p0  }
0x20: {  	[sflag:s8] =	ssyncset.s32 @!p0 $0xFFFFF086;
	s6 =	sadd.s32 @!p0 s3, s7;
	s7 =	simm.s32 @!p0 $0x108  }
0x21: {  	s3 =	sadd.s32 s3, s9;
	s6 =	sadd.s32 @!p0 $0x88, s6;
	s7 =	simm.s32 @p2 $0x1082  }
0x22: {  	[simem:s7], [sflag:s8] =	dma.local @!p0 [hbm:s6], $0xF7A  }
0x23: {  	s9 =	sor.u32 $0xD0000000, s2;
	s6 =	simm.s32 $0x108;
	_ =	swait.ge @!p0 [sflag:s8], $0x0  }
0x24: {  	s3 =	sadd.s32 $0x88, s3;
	s6 =	simm.s32 @!p1 $0x1082;
	[sflag:s4] =	ssyncset.s32 $0xFFFFF086  }
0x25: {  	[simem:s6], [sflag:s4] =	dma.local [hbm:s3], $0xF7A  }
0x26: {  	[smem:$0x3F95] =	sst s1;
	(tag) =	ssettag s2;
	_ =	strace s9  }
0x27: {  	s1 =	sld [smem:$0x3FA5]  }
0x28: {  	s2 =	sld [smem:$0x3FA6]  }
0x29: {  	s4 =	sld [smem:$0x3FA8]  }
0x2a: {  	p0 =	seq.s32 s5, $0x0;
	s5 =	sld [smem:$0x3FA9]  }
0x2b: {  	s6 =	sld [smem:$0x3FAA]  }
0x2c: {  	s7 =	sld [smem:$0x3FAB]  }
0x2d: {  	s3 =	simm.s32 $0x108;
	s8 =	sld [smem:$0x3FAC]  }
0x2e: {  	s3 =	simm.s32 @!p0 $0x1082;
	s9 =	sld [smem:$0x3FAD]  }
0x2f: {  	lr =	sadd.s32 s0, s3;
	s0 =	sld [smem:$0x3FA4]  }
0x30: {  	s3 =	sld [smem:$0x3FA7]  }
0x31: {  	[smem:$0x3FB0] =	sst s10  }
0x32: {  	s10 =	sld [smem:$0x3FAE];
	_ =	sdelay $0x3  }
0x33: {  	p0 =	seq.s32 s10, $0x1;
	s10 =	sld [smem:$0x3FB0];
	_ =	sdelay $0x3  }
0x34: {  	[smem:$0x3FB0] =	sst s10  }
0x35: {  	s10 =	sld [smem:$0x3FAF];
	_ =	sdelay $0x3  }
0x36: {  	p1 =	seq.s32 s10, $0x1;
	s10 =	sld [smem:$0x3FB0];
	_ =	sdelay $0x3  }
0x37: {  	[smem:$0x3FB0] =	sst s10  }
0x38: {  	s10 =	sld [smem:$0x3FB1]  }
0x39: {  	_ = 	snop;
	(pc) =	sbr.ind lr, $3  }
0x3a: {  	_ = 	snop  }
0x3b: {  	_ = 	snop  }
0x3c: {  	p2 =	seq.s32 s10, $0x1;
	s10 =	sld [smem:$0x3FB0]  }
0x3d: {  	_ =	shalt  }
0x3e: {  	_ =	shalt  }
0x3f: {  	_ =	shalt  }
0x40: {  	_ =	shalt  }
0x41: {  	_ =	shalt  }
0x42: {  	_ =	shalt  }
0x43: {  	_ =	shalt  }
0x44: {  	_ =	shalt  }
0x45: {  	_ =	shalt  }
0x46: {  	_ =	shalt  }
0x47: {  	_ =	shalt  }
0x48: {  	_ =	shalt  }
0x49: {  	_ =	shalt  }
0x4a: {  	_ =	shalt  }
0x4b: {  	_ =	shalt  }
0x4c: {  	_ =	shalt  }
0x4d: {  	_ =	shalt  }
0x4e: {  	_ =	shalt  }
0x4f: {  	_ =	shalt  }
0x50: {  	_ =	shalt  }
0x51: {  	_ =	shalt  }
0x52: {  	_ =	shalt  }
0x53: {  	_ =	shalt  }
0x54: {  	_ =	shalt  }
0x55: {  	_ =	shalt  }
0x56: {  	_ =	shalt  }
0x57: {  	_ =	shalt  }
0x58: {  	_ =	shalt  }
0x59: {  	_ =	shalt  }
0x5a: {  	_ =	shalt  }
0x5b: {  	_ =	shalt  }
0x5c: {  	_ =	shalt  }
0x5d: {  	_ =	shalt  }
0x5e: {  	_ =	shalt  }
0x5f: {  	_ =	shalt  }
0x60: {  	_ =	shalt  }
0x61: {  	_ =	shalt  }
0x62: {  	_ =	shalt  }
0x63: {  	_ =	shalt  }
0x64: {  	_ =	shalt  }
0x65: {  	_ =	shalt  }
0x66: {  	_ =	shalt  }
0x67: {  	_ =	shalt  }
0x68: {  	_ =	shalt  }
0x69: {  	_ =	shalt  }
0x6a: {  	_ =	shalt  }
0x6b: {  	_ =	shalt  }
0x6c: {  	_ =	shalt  }
0x6d: {  	_ =	shalt  }
0x6e: {  	_ =	shalt  }
0x6f: {  	_ =	shalt  }
0x70: {  	_ =	shalt  }
0x71: {  	_ =	shalt  }
0x72: {  	_ =	shalt  }
0x73: {  	_ =	shalt  }
0x74: {  	_ =	shalt  }
0x75: {  	_ =	shalt  }
0x76: {  	_ =	shalt  }
0x77: {  	_ =	shalt  }
0x78: {  	_ =	shalt  }
0x79: {  	_ =	shalt  }
0x7a: {  	_ =	shalt  }
0x7b: {  	_ =	shalt  }
0x7c: {  	_ =	shalt  }
0x7d: {  	_ =	shalt  }
0x7e: {  	_ =	shalt  }
0x7f: {  	_ =	shalt  }
0x80: {  	_ =	shalt  }
0x81: {  	_ =	shalt  }
0x82: {  	_ =	shalt  }
0x83: {  	_ =	shalt  }
0x84: {  	_ =	shalt  }
0x85: {  	_ =	shalt  }
0x86: {  	_ =	shalt  }
0x87: {  	_ =	shalt  }
.Lfunc_end0:
.L_simem_size_0:
called_computation.1_lowered:
.L_overlay_start_0:
0x88: {  	s2 =	sld [smem:$0x3FD9]  }
0x89: {  	s3 =	sld [smem:$0x3FFE];
	_ =	sdelay $0x1  }
0x8a: {  	s1 =	srdreg.scid  }
0x8b: {  	s0 =	sand.u32 $0x1, s1  }
0x8c: {  	s16 =	sshll.u32 s0, $0xA;
	s2 =	sadd.s32 s3, s2  }
0x8d: {  	s2 =	sadd.s32 s2, s16  }
0x8e: {  	[smem:$0x3FBC] =	sst s2  }
0x8f: {  	_ = 	snop  }
0x90: {  	(tm) =	ssettm $0x1  }
0x91: {  	s17 =	sld [smem:$0x3FFB];
	_ =	sdelay $0x3  }
0x92: {  	_ =	strace s17  }
0x93: {  	s2 =	sld [smem:$0x3FFC];
	_ =	sdelay $0x3  }
0x94: {  	_ =	strace s2  }
0x95: {  	s2 =	sld [smem:$0x3FFD];
	_ =	sdelay $0x3  }
0x96: {  	_ =	strace s2  }
0x97: {  	_ =	strace $0x8FFFFFFF  }
0x98: {  	s18 =	sld [smem:$0x3FDB];
	_ =	sdelay $0x1  }
0x99: {  	s19 =	simm.s32 $_scs_section_size  }
0x9a: {  	s4 =	simm.s32 $_size__tile_overlayer_lowered;
	s5 =	simm.s32 $_tile_overlayer_lowered  }
0x9b: {  	s22 =	simm.s32 $0x1BFF;
	s21 =	sshll.u32 s5, $0x1;
	s2 =	sadd.s32 s19, s18  }
0x9c: {  	s6 =	simm.s32 $0x0;
	s20 =	sshll.u32 s4, $0x1;
	s4 =	sadd.s32 s21, s2  }
0x9d: {  	[timem:s6], [sflag:s22] =	dma.local [hbm:s4], s20  }
0x9e: {  	_ =	swait.ge [sflag:s22], s20  }
0x9f: {  	s3 =	ssub.s32 $0x0, s20;
	[sflag:s22] =	ssyncset.done $0x0  }
0xa0: {  	[sflag:s22] =	ssyncadd.s32 s3;
	_ =	sdelay $0x1  }
0xa1: {  	s23 =	simm.s32 $0x1B8B  }
0xa2: {  	_ =	swait.ge [sflag:s23], $0x1  }
0xa3: {  	[sflag:s23] =	ssyncset.done $0x0  }
0xa4: {  	s25 =	simm.s32 $0x1B8E;
	s24 =	sld [smem:$0x3FFE];
	[sflag:s23] =	ssyncadd.s32 $0xFFFFFFFF  }
0xa5: {  	s26 =	simm.s32 $execute0_lowered;
	[smem:$0x3FD2] =	sst s25  }
0xa6: {  	s4 =	sshll.u32 s26, $0x1;
	_ =	strace $0x80000049;
	[dreg:$0x1] =	wrdreg $0xFFFFFFFF  }
0xa7: {  	s28 =	simm.s32 $_size_execute0_lowered;
	s2 =	sadd.s32 s2, s4;
	[dreg:$0x0] =	wrdreg $0x0  }
0xa8: {  	s4 =	sshll.u32 s28, $0x1;
	[dreg:$0x2] =	wrdreg s2  }
0xa9: {  	[dreg:$0x3] =	wrdreg s4  }
0xaa: {  	[dreg:$0x4] =	wrdreg $0xC0  }
0xab: {  	_ =	task [dreg:s6], $0x5FFFF  }
0xac: {  	[dreg:$0x1] =	wrdreg $0xFFFFFFFF  }
0xad: {  	[dreg:$0x0] =	wrdreg $0x60  }
0xae: {  	[dreg:$0x2] =	wrdreg s24  }
0xaf: {  	[dreg:$0x3] =	wrdreg $0xA0000  }
0xb0: {  	[dreg:$0x4] =	wrdreg $0x9  }
0xb1: {  	_ =	task.clear_ibuf [dreg:s6], $0x5FFFF;
	_ =	strace $0x90000049  }
0xb2: {  	s29 =	simm.s32 $0x9;
	_ =	strace $0x8000004B  }
0xb3: {  	_ =	swait.ge [sflag:s29], $0x1  }
0xb4: {  	[sflag:s29] =	ssyncadd.s32 $0xFFFFFFFF  }
0xb5: {  	_ =	strace $0x9000004B  }
0xb6: {  	_ =	sfence  }
0xb7: {  	s30 =	sld [smem:$0x0];
	_ =	sdelay $0x2  }
0xb8: {  	s31 =	sshll.u32 s1, $0xD;
	s1 =	sshrl.u32 s1, $0x2  }
0xb9: {  	s3 =	sand.u32 $0x4000, s31;
	s1 =	sadd.s32 s1, s30  }
0xba: {  	s0 =	sor.u32 s3, s0;
	s1 =	sshll.u32 s1, $0x11  }
0xbb: {  	s0 =	sor.u32 s1, s0  }
0xbc: {  	s0 =	sadd.s32 $0x8F2B, s0  }
0xbd: {  	[sflag:s0] =	ssyncadd.remote.s32 $0x1  }
0xbe: {  	_ =	sfence.sel $0xFFFF  }
0xbf: {  	[dreg:$0x0] =	wrdreg $0xFFFFFFFF;
	(pc) =	sbr.abs _section_cstart, $3  }
0xc0: {  	[dreg:$0x1] =	wrdreg $0xFFFFFFFF  }
0xc1: {  	_ =	task.clear_ibuf [dreg:s6], $0x2FFFF;
	_ =	strace $0x9FFFFFFF  }
0xc2: {  	(tm) =	ssettm $0x7FFFFFFF  }
0xc3: {  	_ =	shalt  }
tec
execute0_lowered:
.L_overlay_start_1:
0x0: {  	(tag) =	ssettag $0x1  }
0x1: {  	s4 =	rddreg [dreg:$0x0]  }
0x2: {  	s1 =	rddreg [dreg:$0x1]  }
0x3: {  	s2 =	srdreg.scid;
	s0 =	rddreg [dreg:$0x2];
	s3 =	simm.s32 $0x0  }
0x4: {  	s15 =	simm.s32 $0x4;
	s16 =	simm.s32 $0x1;
	s17 =	simm.s32 $0x80  }
0x5: {  	s18 =	simm.s32 $0x2000;
	s19 =	simm.s32 $0x6000;
	s5 =	sand.u32 $0x1, s2  }
0x6: {  	s20 =	simm.s32 $0x2;
	s2 =	stileid.u32;
	s8 =	smul.u32 $0x13C000, s5  }
0x7: {  	s21 =	simm.s32 $0x3;
	s22 =	simm.s32 $0x0;
	s6 =	smul.u32 $0x13C00, s2  }
0x8: {  	[smem:$0x7FF] =	sst s3;
	s9 =	sadd.s32 $0x67E00, s4;
	s7 =	smul.u32 $0xA00, s2  }
0x9: {  	_ =	strace $0x8000004A;
	s5 =	ssub.s32 $0x2, s5;
	s10 =	smul.u32 $0x4F000, s2  }
0xa: {  	s31 =	sshll.u32 s2, $0x6;
	s29 =	sshrl.u32 s5, $0x1;
	s6 =	sadd.s32 s6, s8  }
0xb: {  	s12 =	sadd.s32 s7, s4;
	s13 =	ssub.s32 s5, s29;
	s30 =	sshrl.u32 s10, $0x2  }
0xc: {  	s7 =	sor.u32 $0x1C04, s31;
	s8 =	sshrl.u32 s8, $0x3;
	s6 =	sshrl.u32 s6, $0x3  }
0xd: {  	s5 =	sadd.s32 $0xE600, s12;
	s14 =	sadd.s32 s30, s1;
	s8 =	sadd.s32 s9, s8  }
0xe: {  	s10 =	smax.u32 s13, $0x1;
	s13 =	simm.s32 $0x1000;
	s11 =	sadd.s32 s6, s4  }
0xf: {  	s4 =	sadd.s32 $0x4600, s12;
	s6 =	sadd.s32 s9, s6;
	s14 =	sshrl.u32 s14, $0x3  }
0x10: {  	s9 =	sadd.s32 $0xB6E00, s11;
	s11 =	sadd.s32 $0xE700, s12;
	s12 =	sadd.s32 $0x4700, s12  }
.LBB2_1:
0x11: {  	[tilespmem:s3], [sflag:$0x1] =	stream.linear.gather [hbm4b:s4+s3], $0x800, $0x38;
	[tilespmem:$0x1DC00] =	vst v63  }
0x12: {  	_ = 	snop  }
0x13: {  	[tilespmem:s13], [sflag:$0x1] =	stream.linear.gather [hbm4b:s5+s3], $0x800, $0x38;
	[tilespmem:$0x1DC00] =	vst v63  }
0x14: {  	[spmem:s14], [sflag:s7] =	dma.local [hbm:s6], $0x2780  }
0x15: {  	_ =	swait.ge [sflag:s15], $0x2780  }
0x16: {  	[sflag:s15] =	ssyncset.done $0x0  }
0x17: {  	[sflag:s15] =	ssyncadd.s32 $0xFFFFD880  }
0x18: {  	[bflag:$0x0] =	sbarrier.arrive $0xFFFF  }
0x19: {  	_ =	swait.ge [sflag:s16], $0x800  }
0x1a: {  	[sflag:s16] =	ssyncset.done $0x0  }
0x1b: {  	[sflag:s16] =	ssyncadd.s32 $0xFFFFF800  }
0x1c: {  	_ =	swait.ge [sflag:s16], $0x800  }
0x1d: {  	s23 =	sand.u32 $0x800, s3;
	p0 =	por $0x0, $0x0;
	[sflag:s16] =	ssyncset.done $0x0  }
0x1e: {  	s24 =	ssub.s32 @!p0 $0x800, s23;
	s25 =	simm.s32 @!p0 $0x0;
	[sflag:s16] =	ssyncadd.s32 $0xFFFFF800  }
0x1f: {  	[tilespmem:s24], [sflag:$0x1] =	stream.linear.gather @!p0 [hbm4b:s12+s25], $0x800, $0x38;
	[tilespmem:$0x1DC00] =	vst v63  }
0x20: {  	s24 =	ssub.s32 @!p0 $0x1800, s23  }
0x21: {  	[tilespmem:s24], [sflag:$0x1] =	stream.linear.gather @!p0 [hbm4b:s11+s25], $0x800, $0x38;
	[tilespmem:$0x1DC00] =	vst v63  }
0x22: {  	_ = 	snop  }
0x23: {  	[tilespmem:s18], [sflag:$0x2] =	stream.indirect.gather [hbm4b:s8+s17], $0x80, s23, s17, $0xb8;
	[tilespmem:$0x1DC00] =	vst v63  }
0x24: {  	s25 =	sadd.s32 $0x80, s23  }
0x25: {  	[tilespmem:s19], [sflag:$0x3] =	stream.indirect.gather [hbm4b:s8+s17], $0x80, s25, s17, $0xb8;
	[tilespmem:$0x1DC00] =	vst v63  }
0x26: {  	_ =	swait.ge [sflag:s20], $0x4000  }
0x27: {  	[sflag:s20] =	ssyncset.done $0x0  }
0x28: {  	s26 =	sor.u32 $0x1000, s23;
	[sflag:s20] =	ssyncadd.s32 $0xFFFFC000  }
0x29: {  	[spmem:s1] =	stream.indirect.scatter.add.f32 [tilespmem:s18], [sflag:$0x4], $0x80, s26, s17, $0xb8;
	[tilespmem:$0x1DC00] =	vst v63  }
0x2a: {  	_ =	swait.ge [sflag:s15], $0x4000  }
0x2b: {  	[sflag:s15] =	ssyncset.done $0x0  }
0x2c: {  	s28 =	sadd.s32 $0x100, s23;
	[sflag:s15] =	ssyncadd.s32 $0xFFFFC000  }
0x2d: {  	[tilespmem:s18], [sflag:$0x2] =	stream.indirect.gather [hbm4b:s8+s17], $0x80, s28, s17, $0xb8;
	[tilespmem:$0x1DC00] =	vst v63  }
0x2e: {  	_ =	swait.ge [sflag:s21], $0x4000  }
0x2f: {  	[sflag:s21] =	ssyncset.done $0x0  }
0x30: {  	s29 =	sadd.s32 $0x1080, s23;
	[sflag:s21] =	ssyncadd.s32 $0xFFFFC000  }
0x31: {  	[spmem:s1] =	stream.indirect.scatter.add.f32 [tilespmem:s19], [sflag:$0x4], $0x80, s29, s17, $0xb8;
	[tilespmem:$0x1DC00] =	vst v63  }
0x32: {  	_ =	swait.ge [sflag:s15], $0x4000  }
0x33: {  	[sflag:s15] =	ssyncset.done $0x0  }
0x34: {  	s30 =	sadd.s32 $0x180, s23;
	[sflag:s15] =	ssyncadd.s32 $0xFFFFC000  }
0x35: {  	[tilespmem:s19], [sflag:$0x3] =	stream.indirect.gather [hbm4b:s8+s17], $0x80, s30, s17, $0xb8;
	[tilespmem:$0x1DC00] =	vst v63  }
0x36: {  	_ =	swait.ge [sflag:s20], $0x4000  }
0x37: {  	[sflag:s20] =	ssyncset.done $0x0  }
0x38: {  	s31 =	sadd.s32 $0x1100, s23;
	[sflag:s20] =	ssyncadd.s32 $0xFFFFC000  }
0x39: {  	[spmem:s1] =	stream.indirect.scatter.add.f32 [tilespmem:s18], [sflag:$0x4], $0x80, s31, s17, $0xb8;
	[tilespmem:$0x1DC00] =	vst v63  }
0x3a: {  	_ =	swait.ge [sflag:s15], $0x4000  }
0x3b: {  	[sflag:s15] =	ssyncset.done $0x0  }
0x3c: {  	s25 =	sadd.s32 $0x200, s23;
	[sflag:s15] =	ssyncadd.s32 $0xFFFFC000  }
0x3d: {  	[tilespmem:s18], [sflag:$0x2] =	stream.indirect.gather [hbm4b:s8+s17], $0x80, s25, s17, $0xb8;
	[tilespmem:$0x1DC00] =	vst v63  }
0x3e: {  	_ =	swait.ge [sflag:s21], $0x4000  }
0x3f: {  	[sflag:s21] =	ssyncset.done $0x0  }
0x40: {  	s26 =	sadd.s32 $0x1180, s23;
	[sflag:s21] =	ssyncadd.s32 $0xFFFFC000  }
0x41: {  	[spmem:s1] =	stream.indirect.scatter.add.f32 [tilespmem:s19], [sflag:$0x4], $0x80, s26, s17, $0xb8;
	[tilespmem:$0x1DC00] =	vst v63  }
0x42: {  	_ =	swait.ge [sflag:s15], $0x4000  }
0x43: {  	[sflag:s15] =	ssyncset.done $0x0  }
0x44: {  	s28 =	sadd.s32 $0x280, s23;
	[sflag:s15] =	ssyncadd.s32 $0xFFFFC000  }
0x45: {  	[tilespmem:s19], [sflag:$0x3] =	stream.indirect.gather [hbm4b:s8+s17], $0x80, s28, s17, $0xb8;
	[tilespmem:$0x1DC00] =	vst v63  }
0x46: {  	_ =	swait.ge [sflag:s20], $0x4000  }
0x47: {  	[sflag:s20] =	ssyncset.done $0x0  }
0x48: {  	s29 =	sadd.s32 $0x1200, s23;
	[sflag:s20] =	ssyncadd.s32 $0xFFFFC000  }
0x49: {  	[spmem:s1] =	stream.indirect.scatter.add.f32 [tilespmem:s18], [sflag:$0x4], $0x80, s29, s17, $0xb8;
	[tilespmem:$0x1DC00] =	vst v63  }
0x4a: {  	_ =	swait.ge [sflag:s15], $0x4000  }
0x4b: {  	[sflag:s15] =	ssyncset.done $0x0  }
0x4c: {  	s30 =	sadd.s32 $0x300, s23;
	[sflag:s15] =	ssyncadd.s32 $0xFFFFC000  }
0x4d: {  	[tilespmem:s18], [sflag:$0x2] =	stream.indirect.gather [hbm4b:s8+s17], $0x80, s30, s17, $0xb8;
	[tilespmem:$0x1DC00] =	vst v63  }
0x4e: {  	_ =	swait.ge [sflag:s21], $0x4000  }
0x4f: {  	[sflag:s21] =	ssyncset.done $0x0  }
0x50: {  	s31 =	sadd.s32 $0x1280, s23;
	[sflag:s21] =	ssyncadd.s32 $0xFFFFC000  }
0x51: {  	[spmem:s1] =	stream.indirect.scatter.add.f32 [tilespmem:s19], [sflag:$0x4], $0x80, s31, s17, $0xb8;
	[tilespmem:$0x1DC00] =	vst v63  }
0x52: {  	_ =	swait.ge [sflag:s15], $0x4000  }
0x53: {  	[sflag:s15] =	ssyncset.done $0x0  }
0x54: {  	s25 =	sadd.s32 $0x380, s23;
	[sflag:s15] =	ssyncadd.s32 $0xFFFFC000  }
0x55: {  	[tilespmem:s19], [sflag:$0x3] =	stream.indirect.gather [hbm4b:s8+s17], $0x80, s25, s17, $0xb8;
	[tilespmem:$0x1DC00] =	vst v63  }
0x56: {  	_ =	swait.ge [sflag:s20], $0x4000  }
0x57: {  	[sflag:s20] =	ssyncset.done $0x0  }
0x58: {  	s26 =	sadd.s32 $0x1300, s23;
	[sflag:s20] =	ssyncadd.s32 $0xFFFFC000  }
0x59: {  	[spmem:s1] =	stream.indirect.scatter.add.f32 [tilespmem:s18], [sflag:$0x4], $0x80, s26, s17, $0xb8;
	[tilespmem:$0x1DC00] =	vst v63  }
0x5a: {  	_ =	swait.ge [sflag:s15], $0x4000  }
0x5b: {  	[sflag:s15] =	ssyncset.done $0x0  }
0x5c: {  	s28 =	sadd.s32 $0x400, s23;
	[sflag:s15] =	ssyncadd.s32 $0xFFFFC000  }
0x5d: {  	[tilespmem:s18], [sflag:$0x2] =	stream.indirect.gather [hbm4b:s8+s17], $0x80, s28, s17, $0xb8;
	[tilespmem:$0x1DC00] =	vst v63  }
0x5e: {  	_ =	swait.ge [sflag:s21], $0x4000  }
0x5f: {  	[sflag:s21] =	ssyncset.done $0x0  }
0x60: {  	s29 =	sadd.s32 $0x1380, s23;
	[sflag:s21] =	ssyncadd.s32 $0xFFFFC000  }
0x61: {  	[spmem:s1] =	stream.indirect.scatter.add.f32 [tilespmem:s19], [sflag:$0x4], $0x80, s29, s17, $0xb8;
	[tilespmem:$0x1DC00] =	vst v63  }
0x62: {  	_ =	swait.ge [sflag:s15], $0x4000  }
0x63: {  	[sflag:s15] =	ssyncset.done $0x0  }
0x64: {  	s30 =	sadd.s32 $0x480, s23;
	[sflag:s15] =	ssyncadd.s32 $0xFFFFC000  }
0x65: {  	[tilespmem:s19], [sflag:$0x3] =	stream.indirect.gather [hbm4b:s8+s17], $0x80, s30, s17, $0xb8;
	[tilespmem:$0x1DC00] =	vst v63  }
0x66: {  	_ =	swait.ge [sflag:s20], $0x4000  }
0x67: {  	[sflag:s20] =	ssyncset.done $0x0  }
0x68: {  	s31 =	sadd.s32 $0x1400, s23;
	[sflag:s20] =	ssyncadd.s32 $0xFFFFC000  }
0x69: {  	[spmem:s1] =	stream.indirect.scatter.add.f32 [tilespmem:s18], [sflag:$0x4], $0x80, s31, s17, $0xb8;
	[tilespmem:$0x1DC00] =	vst v63  }
0x6a: {  	_ =	swait.ge [sflag:s15], $0x4000  }
0x6b: {  	[sflag:s15] =	ssyncset.done $0x0  }
0x6c: {  	s25 =	sadd.s32 $0x500, s23;
	[sflag:s15] =	ssyncadd.s32 $0xFFFFC000  }
0x6d: {  	[tilespmem:s18], [sflag:$0x2] =	stream.indirect.gather [hbm4b:s8+s17], $0x80, s25, s17, $0xb8;
	[tilespmem:$0x1DC00] =	vst v63  }
0x6e: {  	_ =	swait.ge [sflag:s21], $0x4000  }
0x6f: {  	[sflag:s21] =	ssyncset.done $0x0  }
0x70: {  	s26 =	sadd.s32 $0x1480, s23;
	[sflag:s21] =	ssyncadd.s32 $0xFFFFC000  }
0x71: {  	[spmem:s1] =	stream.indirect.scatter.add.f32 [tilespmem:s19], [sflag:$0x4], $0x80, s26, s17, $0xb8;
	[tilespmem:$0x1DC00] =	vst v63  }
0x72: {  	_ =	swait.ge [sflag:s15], $0x4000  }
0x73: {  	[sflag:s15] =	ssyncset.done $0x0  }
0x74: {  	s28 =	sadd.s32 $0x580, s23;
	[sflag:s15] =	ssyncadd.s32 $0xFFFFC000  }
0x75: {  	[tilespmem:s19], [sflag:$0x3] =	stream.indirect.gather [hbm4b:s8+s17], $0x80, s28, s17, $0xb8;
	[tilespmem:$0x1DC00] =	vst v63  }
0x76: {  	_ =	swait.ge [sflag:s20], $0x4000  }
0x77: {  	[sflag:s20] =	ssyncset.done $0x0  }
0x78: {  	s29 =	sadd.s32 $0x1500, s23;
	[sflag:s20] =	ssyncadd.s32 $0xFFFFC000  }
0x79: {  	[spmem:s1] =	stream.indirect.scatter.add.f32 [tilespmem:s18], [sflag:$0x4], $0x80, s29, s17, $0xb8;
	[tilespmem:$0x1DC00] =	vst v63  }
0x7a: {  	_ =	swait.ge [sflag:s15], $0x4000  }
0x7b: {  	[sflag:s15] =	ssyncset.done $0x0  }
0x7c: {  	s30 =	sadd.s32 $0x600, s23;
	[sflag:s15] =	ssyncadd.s32 $0xFFFFC000  }
0x7d: {  	[tilespmem:s18], [sflag:$0x2] =	stream.indirect.gather [hbm4b:s8+s17], $0x80, s30, s17, $0xb8;
	[tilespmem:$0x1DC00] =	vst v63  }
0x7e: {  	_ =	swait.ge [sflag:s21], $0x4000  }
0x7f: {  	[sflag:s21] =	ssyncset.done $0x0  }
0x80: {  	s31 =	sadd.s32 $0x1580, s23;
	[sflag:s21] =	ssyncadd.s32 $0xFFFFC000  }
0x81: {  	[spmem:s1] =	stream.indirect.scatter.add.f32 [tilespmem:s19], [sflag:$0x4], $0x80, s31, s17, $0xb8;
	[tilespmem:$0x1DC00] =	vst v63  }
0x82: {  	_ =	swait.ge [sflag:s15], $0x4000  }
0x83: {  	[sflag:s15] =	ssyncset.done $0x0  }
0x84: {  	s25 =	sadd.s32 $0x680, s23;
	[sflag:s15] =	ssyncadd.s32 $0xFFFFC000  }
0x85: {  	[tilespmem:s19], [sflag:$0x3] =	stream.indirect.gather [hbm4b:s8+s17], $0x80, s25, s17, $0xb8;
	[tilespmem:$0x1DC00] =	vst v63  }
0x86: {  	_ =	swait.ge [sflag:s20], $0x4000  }
0x87: {  	[sflag:s20] =	ssyncset.done $0x0  }
0x88: {  	s26 =	sadd.s32 $0x1600, s23;
	[sflag:s20] =	ssyncadd.s32 $0xFFFFC000  }
0x89: {  	[spmem:s1] =	stream.indirect.scatter.add.f32 [tilespmem:s18], [sflag:$0x4], $0x80, s26, s17, $0xb8;
	[tilespmem:$0x1DC00] =	vst v63  }
0x8a: {  	_ =	swait.ge [sflag:s15], $0x4000  }
0x8b: {  	[sflag:s15] =	ssyncset.done $0x0  }
0x8c: {  	s28 =	sadd.s32 $0x700, s23;
	[sflag:s15] =	ssyncadd.s32 $0xFFFFC000  }
0x8d: {  	[tilespmem:s18], [sflag:$0x2] =	stream.indirect.gather [hbm4b:s8+s17], $0x80, s28, s17, $0xb8;
	[tilespmem:$0x1DC00] =	vst v63  }
0x8e: {  	_ =	swait.ge [sflag:s21], $0x4000  }
0x8f: {  	[sflag:s21] =	ssyncset.done $0x0  }
0x90: {  	s29 =	sadd.s32 $0x1680, s23;
	[sflag:s21] =	ssyncadd.s32 $0xFFFFC000  }
0x91: {  	[spmem:s1] =	stream.indirect.scatter.add.f32 [tilespmem:s19], [sflag:$0x4], $0x80, s29, s17, $0xb8;
	[tilespmem:$0x1DC00] =	vst v63  }
0x92: {  	_ =	swait.ge [sflag:s15], $0x4000  }
0x93: {  	[sflag:s15] =	ssyncset.done $0x0  }
0x94: {  	s30 =	sadd.s32 $0x780, s23;
	[sflag:s15] =	ssyncadd.s32 $0xFFFFC000  }
0x95: {  	[tilespmem:s19], [sflag:$0x3] =	stream.indirect.gather [hbm4b:s8+s17], $0x80, s30, s17, $0xb8;
	[tilespmem:$0x1DC00] =	vst v63  }
0x96: {  	_ =	swait.ge [sflag:s20], $0x4000  }
0x97: {  	[sflag:s20] =	ssyncset.done $0x0  }
0x98: {  	s31 =	sadd.s32 $0x1700, s23;
	[sflag:s20] =	ssyncadd.s32 $0xFFFFC000  }
0x99: {  	[spmem:s1] =	stream.indirect.scatter.add.f32 [tilespmem:s18], [sflag:$0x4], $0x80, s31, s17, $0xb8;
	[tilespmem:$0x1DC00] =	vst v63  }
0x9a: {  	_ =	swait.ge [sflag:s15], $0x4000  }
0x9b: {  	[sflag:s15] =	ssyncset.done $0x0  }
0x9c: {  	[sflag:s15] =	ssyncadd.s32 $0xFFFFC000  }
0x9d: {  	_ =	swait.ge [sflag:s21], $0x4000  }
0x9e: {  	[sflag:s21] =	ssyncset.done $0x0  }
0x9f: {  	s23 =	sadd.s32 $0x1780, s23;
	[sflag:s21] =	ssyncadd.s32 $0xFFFFC000  }
0xa0: {  	[spmem:s1] =	stream.indirect.scatter.add.f32 [tilespmem:s19], [sflag:$0x4], $0x80, s23, s17, $0xb8;
	[tilespmem:$0x1DC00] =	vst v63  }
0xa1: {  	s24 =	sadd.s32 $0x100, s12;
	_ =	swait.ge [sflag:s15], $0x4000  }
0xa2: {  	s25 =	smov.u32 s11;
	s23 =	simm.s32 $0x800;
	[sflag:s15] =	ssyncset.done $0x0  }
.LBB2_2:
0xa3: {  	[sflag:s15] =	ssyncadd.s32 $0xFFFFC000  }
0xa4: {  	s25 =	sadd.s32 $0x100, s25;
	s28 =	smov.u32 s23;
	s23 =	sadd.s32 $0x800, s23  }
0xa5: {  	_ =	swait.ge [sflag:s16], $0x800;
	p0 =	sne.s32 s23, $0x5000  }
0xa6: {  	[sflag:s16] =	ssyncset.done $0x0  }
0xa7: {  	[sflag:s16] =	ssyncadd.s32 $0xFFFFF800  }
0xa8: {  	_ =	swait.ge [sflag:s16], $0x800  }
0xa9: {  	s26 =	sand.u32 $0x800, s28;
	p1 =	seq.s32 s28, $0x4800;
	[sflag:s16] =	ssyncset.done $0x0  }
0xaa: {  	s28 =	ssub.s32 @!p1 $0x800, s26;
	s29 =	simm.s32 @!p1 $0x0;
	[sflag:s16] =	ssyncadd.s32 $0xFFFFF800  }
0xab: {  	[tilespmem:s28], [sflag:$0x1] =	stream.linear.gather @!p1 [hbm4b:s24+s29], $0x800, $0x38;
	[tilespmem:$0x1DC00] =	vst v63  }
0xac: {  	s28 =	ssub.s32 @!p1 $0x1800, s26  }
0xad: {  	[tilespmem:s28], [sflag:$0x1] =	stream.linear.gather @!p1 [hbm4b:s25+s29], $0x800, $0x38;
	[tilespmem:$0x1DC00] =	vst v63  }
0xae: {  	_ = 	snop  }
0xaf: {  	[tilespmem:s18], [sflag:$0x2] =	stream.indirect.gather [hbm4b:s8+s17], $0x80, s26, s17, $0xb8;
	[tilespmem:$0x1DC00] =	vst v63  }
0xb0: {  	s28 =	sadd.s32 $0x80, s26  }
0xb1: {  	[tilespmem:s19], [sflag:$0x3] =	stream.indirect.gather [hbm4b:s8+s17], $0x80, s28, s17, $0xb8;
	[tilespmem:$0x1DC00] =	vst v63  }
0xb2: {  	_ =	swait.ge [sflag:s20], $0x4000  }
0xb3: {  	[sflag:s20] =	ssyncset.done $0x0  }
0xb4: {  	s28 =	sor.u32 $0x1000, s26;
	[sflag:s20] =	ssyncadd.s32 $0xFFFFC000  }
0xb5: {  	[spmem:s1] =	stream.indirect.scatter.add.f32 [tilespmem:s18], [sflag:$0x4], $0x80, s28, s17, $0xb8;
	[tilespmem:$0x1DC00] =	vst v63  }
0xb6: {  	_ =	swait.ge [sflag:s15], $0x4000  }
0xb7: {  	[sflag:s15] =	ssyncset.done $0x0  }
0xb8: {  	s28 =	sadd.s32 $0x100, s26;
	[sflag:s15] =	ssyncadd.s32 $0xFFFFC000  }
0xb9: {  	[tilespmem:s18], [sflag:$0x2] =	stream.indirect.gather [hbm4b:s8+s17], $0x80, s28, s17, $0xb8;
	[tilespmem:$0x1DC00] =	vst v63  }
0xba: {  	_ =	swait.ge [sflag:s21], $0x4000  }
0xbb: {  	[sflag:s21] =	ssyncset.done $0x0  }
0xbc: {  	s28 =	sadd.s32 $0x1080, s26;
	[sflag:s21] =	ssyncadd.s32 $0xFFFFC000  }
0xbd: {  	[spmem:s1] =	stream.indirect.scatter.add.f32 [tilespmem:s19], [sflag:$0x4], $0x80, s28, s17, $0xb8;
	[tilespmem:$0x1DC00] =	vst v63  }
0xbe: {  	_ =	swait.ge [sflag:s15], $0x4000  }
0xbf: {  	[sflag:s15] =	ssyncset.done $0x0  }
0xc0: {  	s28 =	sadd.s32 $0x180, s26;
	[sflag:s15] =	ssyncadd.s32 $0xFFFFC000  }
0xc1: {  	[tilespmem:s19], [sflag:$0x3] =	stream.indirect.gather [hbm4b:s8+s17], $0x80, s28, s17, $0xb8;
	[tilespmem:$0x1DC00] =	vst v63  }
0xc2: {  	_ =	swait.ge [sflag:s20], $0x4000  }
0xc3: {  	[sflag:s20] =	ssyncset.done $0x0  }
0xc4: {  	s28 =	sadd.s32 $0x1100, s26;
	[sflag:s20] =	ssyncadd.s32 $0xFFFFC000  }
0xc5: {  	[spmem:s1] =	stream.indirect.scatter.add.f32 [tilespmem:s18], [sflag:$0x4], $0x80, s28, s17, $0xb8;
	[tilespmem:$0x1DC00] =	vst v63  }
0xc6: {  	_ =	swait.ge [sflag:s15], $0x4000  }
0xc7: {  	[sflag:s15] =	ssyncset.done $0x0  }
0xc8: {  	s28 =	sadd.s32 $0x200, s26;
	[sflag:s15] =	ssyncadd.s32 $0xFFFFC000  }
0xc9: {  	[tilespmem:s18], [sflag:$0x2] =	stream.indirect.gather [hbm4b:s8+s17], $0x80, s28, s17, $0xb8;
	[tilespmem:$0x1DC00] =	vst v63  }
0xca: {  	_ =	swait.ge [sflag:s21], $0x4000  }
0xcb: {  	[sflag:s21] =	ssyncset.done $0x0  }
0xcc: {  	s28 =	sadd.s32 $0x1180, s26;
	[sflag:s21] =	ssyncadd.s32 $0xFFFFC000  }
0xcd: {  	[spmem:s1] =	stream.indirect.scatter.add.f32 [tilespmem:s19], [sflag:$0x4], $0x80, s28, s17, $0xb8;
	[tilespmem:$0x1DC00] =	vst v63  }
0xce: {  	_ =	swait.ge [sflag:s15], $0x4000  }
0xcf: {  	[sflag:s15] =	ssyncset.done $0x0  }
0xd0: {  	s28 =	sadd.s32 $0x280, s26;
	[sflag:s15] =	ssyncadd.s32 $0xFFFFC000  }
0xd1: {  	[tilespmem:s19], [sflag:$0x3] =	stream.indirect.gather [hbm4b:s8+s17], $0x80, s28, s17, $0xb8;
	[tilespmem:$0x1DC00] =	vst v63  }
0xd2: {  	_ =	swait.ge [sflag:s20], $0x4000  }
0xd3: {  	[sflag:s20] =	ssyncset.done $0x0  }
0xd4: {  	s28 =	sadd.s32 $0x1200, s26;
	[sflag:s20] =	ssyncadd.s32 $0xFFFFC000  }
0xd5: {  	[spmem:s1] =	stream.indirect.scatter.add.f32 [tilespmem:s18], [sflag:$0x4], $0x80, s28, s17, $0xb8;
	[tilespmem:$0x1DC00] =	vst v63  }
0xd6: {  	_ =	swait.ge [sflag:s15], $0x4000  }
0xd7: {  	[sflag:s15] =	ssyncset.done $0x0  }
0xd8: {  	s28 =	sadd.s32 $0x300, s26;
	[sflag:s15] =	ssyncadd.s32 $0xFFFFC000  }
0xd9: {  	[tilespmem:s18], [sflag:$0x2] =	stream.indirect.gather [hbm4b:s8+s17], $0x80, s28, s17, $0xb8;
	[tilespmem:$0x1DC00] =	vst v63  }
0xda: {  	_ =	swait.ge [sflag:s21], $0x4000  }
0xdb: {  	[sflag:s21] =	ssyncset.done $0x0  }
0xdc: {  	s28 =	sadd.s32 $0x1280, s26;
	[sflag:s21] =	ssyncadd.s32 $0xFFFFC000  }
0xdd: {  	[spmem:s1] =	stream.indirect.scatter.add.f32 [tilespmem:s19], [sflag:$0x4], $0x80, s28, s17, $0xb8;
	[tilespmem:$0x1DC00] =	vst v63  }
0xde: {  	_ =	swait.ge [sflag:s15], $0x4000  }
0xdf: {  	[sflag:s15] =	ssyncset.done $0x0  }
0xe0: {  	s28 =	sadd.s32 $0x380, s26;
	[sflag:s15] =	ssyncadd.s32 $0xFFFFC000  }
0xe1: {  	[tilespmem:s19], [sflag:$0x3] =	stream.indirect.gather [hbm4b:s8+s17], $0x80, s28, s17, $0xb8;
	[tilespmem:$0x1DC00] =	vst v63  }
0xe2: {  	_ =	swait.ge [sflag:s20], $0x4000  }
0xe3: {  	[sflag:s20] =	ssyncset.done $0x0  }
0xe4: {  	s28 =	sadd.s32 $0x1300, s26;
	[sflag:s20] =	ssyncadd.s32 $0xFFFFC000  }
0xe5: {  	[spmem:s1] =	stream.indirect.scatter.add.f32 [tilespmem:s18], [sflag:$0x4], $0x80, s28, s17, $0xb8;
	[tilespmem:$0x1DC00] =	vst v63  }
0xe6: {  	_ =	swait.ge [sflag:s15], $0x4000  }
0xe7: {  	[sflag:s15] =	ssyncset.done $0x0  }
0xe8: {  	s28 =	sadd.s32 $0x400, s26;
	[sflag:s15] =	ssyncadd.s32 $0xFFFFC000  }
0xe9: {  	[tilespmem:s18], [sflag:$0x2] =	stream.indirect.gather [hbm4b:s8+s17], $0x80, s28, s17, $0xb8;
	[tilespmem:$0x1DC00] =	vst v63  }
0xea: {  	_ =	swait.ge [sflag:s21], $0x4000  }
0xeb: {  	[sflag:s21] =	ssyncset.done $0x0  }
0xec: {  	s28 =	sadd.s32 $0x1380, s26;
	[sflag:s21] =	ssyncadd.s32 $0xFFFFC000  }
0xed: {  	[spmem:s1] =	stream.indirect.scatter.add.f32 [tilespmem:s19], [sflag:$0x4], $0x80, s28, s17, $0xb8;
	[tilespmem:$0x1DC00] =	vst v63  }
0xee: {  	_ =	swait.ge [sflag:s15], $0x4000  }
0xef: {  	[sflag:s15] =	ssyncset.done $0x0  }
0xf0: {  	s28 =	sadd.s32 $0x480, s26;
	[sflag:s15] =	ssyncadd.s32 $0xFFFFC000  }
0xf1: {  	[tilespmem:s19], [sflag:$0x3] =	stream.indirect.gather [hbm4b:s8+s17], $0x80, s28, s17, $0xb8;
	[tilespmem:$0x1DC00] =	vst v63  }
0xf2: {  	_ =	swait.ge [sflag:s20], $0x4000  }
0xf3: {  	[sflag:s20] =	ssyncset.done $0x0  }
0xf4: {  	s28 =	sadd.s32 $0x1400, s26;
	[sflag:s20] =	ssyncadd.s32 $0xFFFFC000  }
0xf5: {  	[spmem:s1] =	stream.indirect.scatter.add.f32 [tilespmem:s18], [sflag:$0x4], $0x80, s28, s17, $0xb8;
	[tilespmem:$0x1DC00] =	vst v63  }
0xf6: {  	_ =	swait.ge [sflag:s15], $0x4000  }
0xf7: {  	[sflag:s15] =	ssyncset.done $0x0  }
0xf8: {  	s28 =	sadd.s32 $0x500, s26;
	[sflag:s15] =	ssyncadd.s32 $0xFFFFC000  }
0xf9: {  	[tilespmem:s18], [sflag:$0x2] =	stream.indirect.gather [hbm4b:s8+s17], $0x80, s28, s17, $0xb8;
	[tilespmem:$0x1DC00] =	vst v63  }
0xfa: {  	_ =	swait.ge [sflag:s21], $0x4000  }
0xfb: {  	[sflag:s21] =	ssyncset.done $0x0  }
0xfc: {  	s28 =	sadd.s32 $0x1480, s26;
	[sflag:s21] =	ssyncadd.s32 $0xFFFFC000  }
0xfd: {  	[spmem:s1] =	stream.indirect.scatter.add.f32 [tilespmem:s19], [sflag:$0x4], $0x80, s28, s17, $0xb8;
	[tilespmem:$0x1DC00] =	vst v63  }
0xfe: {  	_ =	swait.ge [sflag:s15], $0x4000  }
0xff: {  	[sflag:s15] =	ssyncset.done $0x0  }
0x100: {  	s28 =	sadd.s32 $0x580, s26;
	[sflag:s15] =	ssyncadd.s32 $0xFFFFC000  }
0x101: {  	[tilespmem:s19], [sflag:$0x3] =	stream.indirect.gather [hbm4b:s8+s17], $0x80, s28, s17, $0xb8;
	[tilespmem:$0x1DC00] =	vst v63  }
0x102: {  	_ =	swait.ge [sflag:s20], $0x4000  }
0x103: {  	[sflag:s20] =	ssyncset.done $0x0  }
0x104: {  	s28 =	sadd.s32 $0x1500, s26;
	[sflag:s20] =	ssyncadd.s32 $0xFFFFC000  }
0x105: {  	[spmem:s1] =	stream.indirect.scatter.add.f32 [tilespmem:s18], [sflag:$0x4], $0x80, s28, s17, $0xb8;
	[tilespmem:$0x1DC00] =	vst v63  }
0x106: {  	_ =	swait.ge [sflag:s15], $0x4000  }
0x107: {  	[sflag:s15] =	ssyncset.done $0x0  }
0x108: {  	s28 =	sadd.s32 $0x600, s26;
	[sflag:s15] =	ssyncadd.s32 $0xFFFFC000  }
0x109: {  	[tilespmem:s18], [sflag:$0x2] =	stream.indirect.gather [hbm4b:s8+s17], $0x80, s28, s17, $0xb8;
	[tilespmem:$0x1DC00] =	vst v63  }
0x10a: {  	_ =	swait.ge [sflag:s21], $0x4000  }
0x10b: {  	[sflag:s21] =	ssyncset.done $0x0  }
0x10c: {  	s28 =	sadd.s32 $0x1580, s26;
	[sflag:s21] =	ssyncadd.s32 $0xFFFFC000  }
0x10d: {  	[spmem:s1] =	stream.indirect.scatter.add.f32 [tilespmem:s19], [sflag:$0x4], $0x80, s28, s17, $0xb8;
	[tilespmem:$0x1DC00] =	vst v63  }
0x10e: {  	_ =	swait.ge [sflag:s15], $0x4000  }
0x10f: {  	[sflag:s15] =	ssyncset.done $0x0  }
0x110: {  	s28 =	sadd.s32 $0x680, s26;
	[sflag:s15] =	ssyncadd.s32 $0xFFFFC000  }
0x111: {  	[tilespmem:s19], [sflag:$0x3] =	stream.indirect.gather [hbm4b:s8+s17], $0x80, s28, s17, $0xb8;
	[tilespmem:$0x1DC00] =	vst v63  }
0x112: {  	_ =	swait.ge [sflag:s20], $0x4000  }
0x113: {  	[sflag:s20] =	ssyncset.done $0x0  }
0x114: {  	s28 =	sadd.s32 $0x1600, s26;
	[sflag:s20] =	ssyncadd.s32 $0xFFFFC000  }
0x115: {  	[spmem:s1] =	stream.indirect.scatter.add.f32 [tilespmem:s18], [sflag:$0x4], $0x80, s28, s17, $0xb8;
	[tilespmem:$0x1DC00] =	vst v63  }
0x116: {  	_ =	swait.ge [sflag:s15], $0x4000  }
0x117: {  	[sflag:s15] =	ssyncset.done $0x0  }
0x118: {  	s28 =	sadd.s32 $0x700, s26;
	[sflag:s15] =	ssyncadd.s32 $0xFFFFC000  }
0x119: {  	[tilespmem:s18], [sflag:$0x2] =	stream.indirect.gather [hbm4b:s8+s17], $0x80, s28, s17, $0xb8;
	[tilespmem:$0x1DC00] =	vst v63  }
0x11a: {  	_ =	swait.ge [sflag:s21], $0x4000  }
0x11b: {  	[sflag:s21] =	ssyncset.done $0x0  }
0x11c: {  	s28 =	sadd.s32 $0x1680, s26;
	[sflag:s21] =	ssyncadd.s32 $0xFFFFC000  }
0x11d: {  	[spmem:s1] =	stream.indirect.scatter.add.f32 [tilespmem:s19], [sflag:$0x4], $0x80, s28, s17, $0xb8;
	[tilespmem:$0x1DC00] =	vst v63  }
0x11e: {  	_ =	swait.ge [sflag:s15], $0x4000  }
0x11f: {  	[sflag:s15] =	ssyncset.done $0x0  }
0x120: {  	s28 =	sadd.s32 $0x780, s26;
	[sflag:s15] =	ssyncadd.s32 $0xFFFFC000  }
0x121: {  	[tilespmem:s19], [sflag:$0x3] =	stream.indirect.gather [hbm4b:s8+s17], $0x80, s28, s17, $0xb8;
	[tilespmem:$0x1DC00] =	vst v63  }
0x122: {  	_ =	swait.ge [sflag:s20], $0x4000  }
0x123: {  	[sflag:s20] =	ssyncset.done $0x0  }
0x124: {  	s28 =	sadd.s32 $0x1700, s26;
	[sflag:s20] =	ssyncadd.s32 $0xFFFFC000  }
0x125: {  	[spmem:s1] =	stream.indirect.scatter.add.f32 [tilespmem:s18], [sflag:$0x4], $0x80, s28, s17, $0xb8;
	[tilespmem:$0x1DC00] =	vst v63  }
0x126: {  	_ =	swait.ge [sflag:s15], $0x4000  }
0x127: {  	[sflag:s15] =	ssyncset.done $0x0  }
0x128: {  	[sflag:s15] =	ssyncadd.s32 $0xFFFFC000  }
0x129: {  	_ =	swait.ge [sflag:s21], $0x4000  }
.Ltmp0:
0x12a: {  	[sflag:s21] =	ssyncset.done $0x0;
	(pc) =	sbr.rel @p0 .LBB2_2-.Ltmp0, $4  }
0x12b: {  	s26 =	sadd.s32 $0x1780, s26;
	[sflag:s21] =	ssyncadd.s32 $0xFFFFC000  }
0x12c: {  	[spmem:s1] =	stream.indirect.scatter.add.f32 [tilespmem:s19], [sflag:$0x4], $0x80, s26, s17, $0xb8;
	[tilespmem:$0x1DC00] =	vst v63  }
0x12d: {  	_ =	swait.ge [sflag:s15], $0x4000  }
0x12e: {  	s24 =	sadd.s32 $0x100, s24;
	[sflag:s15] =	ssyncset.done $0x0  }
0x12f: {  	s22 =	sadd.s32 $0x1, s22  }
0x130: {  	[sflag:s15] =	ssyncadd.s32 $0xFFFFC000;
	p0 =	sne.s32 s22, s10  }
.Ltmp1:
0x131: {  	[bflag:$0x0] =	sbarrier.arrive $0xFFFF;
	(pc) =	sbr.rel @p0 .LBB2_1-.Ltmp1, $4  }
0x132: {  	[hbm:s9], [sflag:s7] =	dma.local [spmem:s14], $0x2780  }
0x133: {  	_ =	swait.ge [sflag:s15], $0x2780  }
0x134: {  	[sflag:s15] =	ssyncset.done $0x0  }
0x135: {  	[sflag:s15] =	ssyncadd.s32 $0xFFFFD880  }
0x136: {  	_ =	sfence.sel $0x180000  }
0x137: {  	[bflag:$0x0] =	sbarrier.arrive $0xFFFF  }
0x138: {  	p0 =	sne.s32 s2, $0x0;
	_ =	strace $0x9000004A  }
0x139: {  	s0 =	sadd.s32 @!p0 $0x100000, s0;
	[bflag:$0x2] =	sbarrier.arrive $0xFFFF  }
0x13a: {  	[sflag:s0] =	ssyncadd.tile.s32 @!p0 $0x1;
	_ =	shalt  }
.Lfunc_end2:
_tile_overlayer_lowered:
.L_overlay_start_2:
0x13b: {  	(tag) =	ssettag $0x2  }
0x13c: {  	s0 =	rddreg [dreg:$0x0];
	s2 =	stileid.u32  }
0x13d: {  	s1 =	rddreg [dreg:$0x1];
	p0 =	sne.s32 s2, $0x0  }
0x13e: {  	s3 =	rddreg [dreg:$0x2];
	[bflag:$0x3] =	sbarrier.arrive $0xFFFF;
	s2 =	simm.s32 @!p0 $0x1C04  }
0x13f: {  	[timem:s3], [sflag:s2] =	dma.local @!p0 [hbm:s0], s1  }
0x140: {  	s0 =	simm.s32 @!p0 $0x4  }
0x141: {  	_ =	swait.ge @!p0 [sflag:s0], s1  }
0x142: {  	s1 =	ssub.s32 @!p0 $0x0, s1;
	[sflag:s0] =	ssyncset.done @!p0 $0x0  }
0x143: {  	[sflag:s0] =	ssyncadd.s32 @!p0 s1  }
0x144: {  	[bflag:$0x3] =	sbarrier.arrive $0xFFFF  }
0x145: {  	_ =	shalt  }

// kernel: kernel.18.cloned.1.call-start
scs
__scs_entry_jumppad:
0x0: {  	(pc) =	sbr.rel $0x88, $3  }
0x1: {  	(tag) =	ssettag $0x0;
	lr =	simm.s32 $0x1  }
0x2: {  	[smem:$0x3F95] =	sst lr;
	_ =	strace $0xD0000000  }
0x3: {  	_ = 	snop  }
0x4: {  	_ = 	snop  }
0x5: {  	_ = 	snop  }
0x6: {  	_ = 	snop  }
0x7: {  	_ = 	snop  }
__scs_overlays_trampoline_lowered:
0x8: {  	[smem:$0x3FA4] =	sst s0  }
0x9: {  	[smem:$0x3FA5] =	sst s1  }
0xa: {  	[smem:$0x3FA6] =	sst s2  }
0xb: {  	[smem:$0x3FA7] =	sst s3  }
0xc: {  	[smem:$0x3FA8] =	sst s4  }
0xd: {  	[smem:$0x3FA9] =	sst s5  }
0xe: {  	[smem:$0x3FAA] =	sst s6  }
0xf: {  	[smem:$0x3FAB] =	sst s7  }
0x10: {  	[smem:$0x3FAC] =	sst s8  }
0x11: {  	[smem:$0x3FAD] =	sst s9;
	s0 =	simm.s32 @!p0 $0x0  }
0x12: {  	s1 =	sld [smem:$0x3F93];
	s0 =	simm.s32 @p0 $0x1  }
0x13: {  	[smem:$0x3FAE] =	sst s0;
	s0 =	simm.s32 @!p1 $0x0  }
0x14: {  	s2 =	sld [smem:$0x3F92];
	s0 =	simm.s32 @p1 $0x1  }
0x15: {  	[smem:$0x3FAF] =	sst s0;
	s0 =	simm.s32 @!p2 $0x0  }
0x16: {  	s3 =	sld [smem:$0x3FDB];
	s0 =	simm.s32 @p2 $0x1  }
0x17: {  	s4 =	simm.s32 $0x1BF5;
	[smem:$0x3FB1] =	sst s0  }
0x18: {  	s0 =	sld [smem:$0x3F94];
	_ =	swait.ge [sflag:s4], $0x0  }
0x19: {  	s7 =	sld [smem:$0x3F95]  }
0x1a: {  	s8 =	sadd.s32 $0xFFFFE003, lr  }
0x1b: {  	s9 =	sadd.s32 $0xFFFFFEF7, lr;
	s5 =	simm.s32 $0xFFFFFFFF;
	p2 =	slt.u32 s8, $0xFFFFF086  }
0x1c: {  	p1 =	slt.u32 s9, $0xF7A;
	s5 =	simm.s32 @!p2 $0x0  }
0x1d: {  	s5 =	simm.s32 @p1 $0x1;
	p0 =	seq.s32 s7, s2  }
0x1e: {  	s7 =	smul.u32 @!p0 $0xF7A, s2;
	p2 =	seq.s32 @!p0 s5, $0x0  }
0x1f: {  	s9 =	smul.u32 $0xF7A, s1;
	s8 =	simm.s32 @!p0 $0x1BF5;
	p2 =	por !p2, p0  }
0x20: {  	[sflag:s8] =	ssyncset.s32 @!p0 $0xFFFFF086;
	s6 =	sadd.s32 @!p0 s3, s7;
	s7 =	simm.s32 @!p0 $0x108  }
0x21: {  	s3 =	sadd.s32 s3, s9;
	s6 =	sadd.s32 @!p0 $0x88, s6;
	s7 =	simm.s32 @p2 $0x1082  }
0x22: {  	[simem:s7], [sflag:s8] =	dma.local @!p0 [hbm:s6], $0xF7A  }
0x23: {  	s9 =	sor.u32 $0xD0000000, s2;
	s6 =	simm.s32 $0x108;
	_ =	swait.ge @!p0 [sflag:s8], $0x0  }
0x24: {  	s3 =	sadd.s32 $0x88, s3;
	s6 =	simm.s32 @!p1 $0x1082;
	[sflag:s4] =	ssyncset.s32 $0xFFFFF086  }
0x25: {  	[simem:s6], [sflag:s4] =	dma.local [hbm:s3], $0xF7A  }
0x26: {  	[smem:$0x3F95] =	sst s1;
	(tag) =	ssettag s2;
	_ =	strace s9  }
0x27: {  	s1 =	sld [smem:$0x3FA5]  }
0x28: {  	s2 =	sld [smem:$0x3FA6]  }
0x29: {  	s4 =	sld [smem:$0x3FA8]  }
0x2a: {  	p0 =	seq.s32 s5, $0x0;
	s5 =	sld [smem:$0x3FA9]  }
0x2b: {  	s6 =	sld [smem:$0x3FAA]  }
0x2c: {  	s7 =	sld [smem:$0x3FAB]  }
0x2d: {  	s3 =	simm.s32 $0x108;
	s8 =	sld [smem:$0x3FAC]  }
0x2e: {  	s3 =	simm.s32 @!p0 $0x1082;
	s9 =	sld [smem:$0x3FAD]  }
0x2f: {  	lr =	sadd.s32 s0, s3;
	s0 =	sld [smem:$0x3FA4]  }
0x30: {  	s3 =	sld [smem:$0x3FA7]  }
0x31: {  	[smem:$0x3FB0] =	sst s10  }
0x32: {  	s10 =	sld [smem:$0x3FAE];
	_ =	sdelay $0x3  }
0x33: {  	p0 =	seq.s32 s10, $0x1;
	s10 =	sld [smem:$0x3FB0];
	_ =	sdelay $0x3  }
0x34: {  	[smem:$0x3FB0] =	sst s10  }
0x35: {  	s10 =	sld [smem:$0x3FAF];
	_ =	sdelay $0x3  }
0x36: {  	p1 =	seq.s32 s10, $0x1;
	s10 =	sld [smem:$0x3FB0];
	_ =	sdelay $0x3  }
0x37: {  	[smem:$0x3FB0] =	sst s10  }
0x38: {  	s10 =	sld [smem:$0x3FB1]  }
0x39: {  	_ = 	snop;
	(pc) =	sbr.ind lr, $3  }
0x3a: {  	_ = 	snop  }
0x3b: {  	_ = 	snop  }
0x3c: {  	p2 =	seq.s32 s10, $0x1;
	s10 =	sld [smem:$0x3FB0]  }
0x3d: {  	_ =	shalt  }
0x3e: {  	_ =	shalt  }
0x3f: {  	_ =	shalt  }
0x40: {  	_ =	shalt  }
0x41: {  	_ =	shalt  }
0x42: {  	_ =	shalt  }
0x43: {  	_ =	shalt  }
0x44: {  	_ =	shalt  }
0x45: {  	_ =	shalt  }
0x46: {  	_ =	shalt  }
0x47: {  	_ =	shalt  }
0x48: {  	_ =	shalt  }
0x49: {  	_ =	shalt  }
0x4a: {  	_ =	shalt  }
0x4b: {  	_ =	shalt  }
0x4c: {  	_ =	shalt  }
0x4d: {  	_ =	shalt  }
0x4e: {  	_ =	shalt  }
0x4f: {  	_ =	shalt  }
0x50: {  	_ =	shalt  }
0x51: {  	_ =	shalt  }
0x52: {  	_ =	shalt  }
0x53: {  	_ =	shalt  }
0x54: {  	_ =	shalt  }
0x55: {  	_ =	shalt  }
0x56: {  	_ =	shalt  }
0x57: {  	_ =	shalt  }
0x58: {  	_ =	shalt  }
0x59: {  	_ =	shalt  }
0x5a: {  	_ =	shalt  }
0x5b: {  	_ =	shalt  }
0x5c: {  	_ =	shalt  }
0x5d: {  	_ =	shalt  }
0x5e: {  	_ =	shalt  }
0x5f: {  	_ =	shalt  }
0x60: {  	_ =	shalt  }
0x61: {  	_ =	shalt  }
0x62: {  	_ =	shalt  }
0x63: {  	_ =	shalt  }
0x64: {  	_ =	shalt  }
0x65: {  	_ =	shalt  }
0x66: {  	_ =	shalt  }
0x67: {  	_ =	shalt  }
0x68: {  	_ =	shalt  }
0x69: {  	_ =	shalt  }
0x6a: {  	_ =	shalt  }
0x6b: {  	_ =	shalt  }
0x6c: {  	_ =	shalt  }
0x6d: {  	_ =	shalt  }
0x6e: {  	_ =	shalt  }
0x6f: {  	_ =	shalt  }
0x70: {  	_ =	shalt  }
0x71: {  	_ =	shalt  }
0x72: {  	_ =	shalt  }
0x73: {  	_ =	shalt  }
0x74: {  	_ =	shalt  }
0x75: {  	_ =	shalt  }
0x76: {  	_ =	shalt  }
0x77: {  	_ =	shalt  }
0x78: {  	_ =	shalt  }
0x79: {  	_ =	shalt  }
0x7a: {  	_ =	shalt  }
0x7b: {  	_ =	shalt  }
0x7c: {  	_ =	shalt  }
0x7d: {  	_ =	shalt  }
0x7e: {  	_ =	shalt  }
0x7f: {  	_ =	shalt  }
0x80: {  	_ =	shalt  }
0x81: {  	_ =	shalt  }
0x82: {  	_ =	shalt  }
0x83: {  	_ =	shalt  }
0x84: {  	_ =	shalt  }
0x85: {  	_ =	shalt  }
0x86: {  	_ =	shalt  }
0x87: {  	_ =	shalt  }
.Lfunc_end0:
.L_simem_size_0:
called_computation.2_lowered:
.L_overlay_start_0:
0x88: {  	s2 =	sld [smem:$0x3FD9]  }
0x89: {  	s3 =	sld [smem:$0x3FFE];
	_ =	sdelay $0x1  }
0x8a: {  	s1 =	srdreg.scid  }
0x8b: {  	s0 =	sand.u32 $0x1, s1  }
0x8c: {  	s16 =	sshll.u32 s0, $0xA;
	s2 =	sadd.s32 s3, s2  }
0x8d: {  	s2 =	sadd.s32 s2, s16  }
0x8e: {  	[smem:$0x3FBC] =	sst s2  }
0x8f: {  	_ = 	snop  }
0x90: {  	(tm) =	ssettm $0x1  }
0x91: {  	s17 =	sld [smem:$0x3FFB];
	_ =	sdelay $0x3  }
0x92: {  	_ =	strace s17  }
0x93: {  	s2 =	sld [smem:$0x3FFC];
	_ =	sdelay $0x3  }
0x94: {  	_ =	strace s2  }
0x95: {  	s2 =	sld [smem:$0x3FFD];
	_ =	sdelay $0x3  }
0x96: {  	_ =	strace s2  }
0x97: {  	_ =	strace $0x8FFFFFFF  }
0x98: {  	s18 =	sld [smem:$0x3FDB];
	_ =	sdelay $0x1  }
0x99: {  	s19 =	simm.s32 $_scs_section_size  }
0x9a: {  	s4 =	simm.s32 $_size__tile_overlayer_lowered;
	s5 =	simm.s32 $_tile_overlayer_lowered  }
0x9b: {  	s22 =	simm.s32 $0x1BFF;
	s21 =	sshll.u32 s5, $0x1;
	s2 =	sadd.s32 s19, s18  }
0x9c: {  	s6 =	simm.s32 $0x0;
	s20 =	sshll.u32 s4, $0x1;
	s4 =	sadd.s32 s21, s2  }
0x9d: {  	[timem:s6], [sflag:s22] =	dma.local [hbm:s4], s20  }
0x9e: {  	_ =	swait.ge [sflag:s22], s20  }
0x9f: {  	s3 =	ssub.s32 $0x0, s20;
	[sflag:s22] =	ssyncset.done $0x0  }
0xa0: {  	[sflag:s22] =	ssyncadd.s32 s3;
	_ =	sdelay $0x1  }
0xa1: {  	s23 =	simm.s32 $0x1B8B  }
0xa2: {  	_ =	swait.ge [sflag:s23], $0x1  }
0xa3: {  	[sflag:s23] =	ssyncset.done $0x0  }
0xa4: {  	s25 =	simm.s32 $0x1B8E;
	s24 =	sld [smem:$0x3FFE];
	[sflag:s23] =	ssyncadd.s32 $0xFFFFFFFF  }
0xa5: {  	s26 =	simm.s32 $execute0_lowered;
	[smem:$0x3FD2] =	sst s25  }
0xa6: {  	s4 =	sshll.u32 s26, $0x1;
	_ =	strace $0x8000004C;
	[dreg:$0x1] =	wrdreg $0xFFFFFFFF  }
0xa7: {  	s28 =	simm.s32 $_size_execute0_lowered;
	s2 =	sadd.s32 s2, s4;
	[dreg:$0x0] =	wrdreg $0x0  }
0xa8: {  	s4 =	sshll.u32 s28, $0x1;
	[dreg:$0x2] =	wrdreg s2  }
0xa9: {  	[dreg:$0x3] =	wrdreg s4  }
0xaa: {  	[dreg:$0x4] =	wrdreg $0xC0  }
0xab: {  	_ =	task [dreg:s6], $0x5FFFF  }
0xac: {  	[dreg:$0x1] =	wrdreg $0xFFFFFFFF  }
0xad: {  	[dreg:$0x0] =	wrdreg $0x60  }
0xae: {  	[dreg:$0x2] =	wrdreg s24  }
0xaf: {  	[dreg:$0x3] =	wrdreg $0xA0000  }
0xb0: {  	[dreg:$0x4] =	wrdreg $0x9  }
0xb1: {  	_ =	task.clear_ibuf [dreg:s6], $0x5FFFF;
	_ =	strace $0x9000004C  }
0xb2: {  	s29 =	simm.s32 $0x9;
	_ =	strace $0x8000004E  }
0xb3: {  	_ =	swait.ge [sflag:s29], $0x1  }
0xb4: {  	[sflag:s29] =	ssyncadd.s32 $0xFFFFFFFF  }
0xb5: {  	_ =	strace $0x9000004E  }
0xb6: {  	_ =	sfence  }
0xb7: {  	s30 =	sld [smem:$0x0];
	_ =	sdelay $0x2  }
0xb8: {  	s31 =	sshll.u32 s1, $0xD;
	s1 =	sshrl.u32 s1, $0x2  }
0xb9: {  	s3 =	sand.u32 $0x4000, s31;
	s1 =	sadd.s32 s1, s30  }
0xba: {  	s0 =	sor.u32 s3, s0;
	s1 =	sshll.u32 s1, $0x11  }
0xbb: {  	s0 =	sor.u32 s1, s0  }
0xbc: {  	s0 =	sadd.s32 $0x8F2B, s0  }
0xbd: {  	[sflag:s0] =	ssyncadd.remote.s32 $0x1  }
0xbe: {  	_ =	sfence.sel $0xFFFF  }
0xbf: {  	[dreg:$0x0] =	wrdreg $0xFFFFFFFF;
	(pc) =	sbr.abs _section_cstart, $3  }
0xc0: {  	[dreg:$0x1] =	wrdreg $0xFFFFFFFF  }
0xc1: {  	_ =	task.clear_ibuf [dreg:s6], $0x2FFFF;
	_ =	strace $0x9FFFFFFF  }
0xc2: {  	(tm) =	ssettm $0x7FFFFFFF  }
0xc3: {  	_ =	shalt  }
tec
execute0_lowered:
.L_overlay_start_1:
0x0: {  	(tag) =	ssettag $0x1  }
0x1: {  	s4 =	rddreg [dreg:$0x0]  }
0x2: {  	s1 =	rddreg [dreg:$0x1]  }
0x3: {  	s2 =	srdreg.scid;
	s0 =	rddreg [dreg:$0x2];
	s3 =	simm.s32 $0x0  }
0x4: {  	s15 =	simm.s32 $0x4;
	s16 =	simm.s32 $0x1;
	s17 =	simm.s32 $0x80  }
0x5: {  	s18 =	simm.s32 $0x2000;
	s19 =	simm.s32 $0x6000;
	s5 =	sand.u32 $0x1, s2  }
0x6: {  	s20 =	simm.s32 $0x2;
	s2 =	stileid.u32;
	s8 =	smul.u32 $0x13C000, s5  }
0x7: {  	s21 =	simm.s32 $0x3;
	s22 =	simm.s32 $0x0;
	s6 =	smul.u32 $0x13C00, s2  }
0x8: {  	[smem:$0x7FF] =	sst s3;
	s9 =	sadd.s32 $0x67E00, s4;
	s7 =	smul.u32 $0xA00, s2  }
0x9: {  	_ =	strace $0x8000004D;
	s5 =	ssub.s32 $0x2, s5;
	s10 =	smul.u32 $0x4F000, s2  }
0xa: {  	s31 =	sshll.u32 s2, $0x6;
	s29 =	sshrl.u32 s5, $0x1;
	s6 =	sadd.s32 s6, s8  }
0xb: {  	s12 =	sadd.s32 s7, s4;
	s13 =	ssub.s32 s5, s29;
	s30 =	sshrl.u32 s10, $0x2  }
0xc: {  	s7 =	sor.u32 $0x1C04, s31;
	s8 =	sshrl.u32 s8, $0x3;
	s6 =	sshrl.u32 s6, $0x3  }
0xd: {  	s5 =	sadd.s32 $0xE600, s12;
	s14 =	sadd.s32 s30, s1;
	s8 =	sadd.s32 s9, s8  }
0xe: {  	s10 =	smax.u32 s13, $0x1;
	s13 =	simm.s32 $0x1000;
	s11 =	sadd.s32 s6, s4  }
0xf: {  	s4 =	sadd.s32 $0x4600, s12;
	s6 =	sadd.s32 s9, s6;
	s14 =	sshrl.u32 s14, $0x3  }
0x10: {  	s9 =	sadd.s32 $0xB6E00, s11;
	s11 =	sadd.s32 $0xE700, s12;
	s12 =	sadd.s32 $0x4700, s12  }
.LBB2_1:
0x11: {  	[tilespmem:s3], [sflag:$0x1] =	stream.linear.gather [hbm4b:s4+s3], $0x800, $0x38;
	[tilespmem:$0x1DC00] =	vst v63  }
0x12: {  	_ = 	snop  }
0x13: {  	[tilespmem:s13], [sflag:$0x1] =	stream.linear.gather [hbm4b:s5+s3], $0x800, $0x38;
	[tilespmem:$0x1DC00] =	vst v63  }
0x14: {  	[spmem:s14], [sflag:s7] =	dma.local [hbm:s6], $0x2780  }
0x15: {  	_ =	swait.ge [sflag:s15], $0x2780  }
0x16: {  	[sflag:s15] =	ssyncset.done $0x0  }
0x17: {  	[sflag:s15] =	ssyncadd.s32 $0xFFFFD880  }
0x18: {  	[bflag:$0x0] =	sbarrier.arrive $0xFFFF  }
0x19: {  	_ =	swait.ge [sflag:s16], $0x800  }
0x1a: {  	[sflag:s16] =	ssyncset.done $0x0  }
0x1b: {  	[sflag:s16] =	ssyncadd.s32 $0xFFFFF800  }
0x1c: {  	_ =	swait.ge [sflag:s16], $0x800  }
0x1d: {  	s23 =	sand.u32 $0x800, s3;
	p0 =	por $0x0, $0x0;
	[sflag:s16] =	ssyncset.done $0x0  }
0x1e: {  	s24 =	ssub.s32 @!p0 $0x800, s23;
	s25 =	simm.s32 @!p0 $0x0;
	[sflag:s16] =	ssyncadd.s32 $0xFFFFF800  }
0x1f: {  	[tilespmem:s24], [sflag:$0x1] =	stream.linear.gather @!p0 [hbm4b:s12+s25], $0x800, $0x38;
	[tilespmem:$0x1DC00] =	vst v63  }
0x20: {  	s24 =	ssub.s32 @!p0 $0x1800, s23  }
0x21: {  	[tilespmem:s24], [sflag:$0x1] =	stream.linear.gather @!p0 [hbm4b:s11+s25], $0x800, $0x38;
	[tilespmem:$0x1DC00] =	vst v63  }
0x22: {  	_ = 	snop  }
0x23: {  	[tilespmem:s18], [sflag:$0x2] =	stream.indirect.gather [hbm4b:s8+s17], $0x80, s23, s17, $0xb8;
	[tilespmem:$0x1DC00] =	vst v63  }
0x24: {  	s25 =	sadd.s32 $0x80, s23  }
0x25: {  	[tilespmem:s19], [sflag:$0x3] =	stream.indirect.gather [hbm4b:s8+s17], $0x80, s25, s17, $0xb8;
	[tilespmem:$0x1DC00] =	vst v63  }
0x26: {  	_ =	swait.ge [sflag:s20], $0x4000  }
0x27: {  	[sflag:s20] =	ssyncset.done $0x0  }
0x28: {  	s26 =	sor.u32 $0x1000, s23;
	[sflag:s20] =	ssyncadd.s32 $0xFFFFC000  }
0x29: {  	[spmem:s1] =	stream.indirect.scatter.add.f32 [tilespmem:s18], [sflag:$0x4], $0x80, s26, s17, $0xb8;
	[tilespmem:$0x1DC00] =	vst v63  }
0x2a: {  	_ =	swait.ge [sflag:s15], $0x4000  }
0x2b: {  	[sflag:s15] =	ssyncset.done $0x0  }
0x2c: {  	s28 =	sadd.s32 $0x100, s23;
	[sflag:s15] =	ssyncadd.s32 $0xFFFFC000  }
0x2d: {  	[tilespmem:s18], [sflag:$0x2] =	stream.indirect.gather [hbm4b:s8+s17], $0x80, s28, s17, $0xb8;
	[tilespmem:$0x1DC00] =	vst v63  }
0x2e: {  	_ =	swait.ge [sflag:s21], $0x4000  }
0x2f: {  	[sflag:s21] =	ssyncset.done $0x0  }
0x30: {  	s29 =	sadd.s32 $0x1080, s23;
	[sflag:s21] =	ssyncadd.s32 $0xFFFFC000  }
0x31: {  	[spmem:s1] =	stream.indirect.scatter.add.f32 [tilespmem:s19], [sflag:$0x4], $0x80, s29, s17, $0xb8;
	[tilespmem:$0x1DC00] =	vst v63  }
0x32: {  	_ =	swait.ge [sflag:s15], $0x4000  }
0x33: {  	[sflag:s15] =	ssyncset.done $0x0  }
0x34: {  	s30 =	sadd.s32 $0x180, s23;
	[sflag:s15] =	ssyncadd.s32 $0xFFFFC000  }
0x35: {  	[tilespmem:s19], [sflag:$0x3] =	stream.indirect.gather [hbm4b:s8+s17], $0x80, s30, s17, $0xb8;
	[tilespmem:$0x1DC00] =	vst v63  }
0x36: {  	_ =	swait.ge [sflag:s20], $0x4000  }
0x37: {  	[sflag:s20] =	ssyncset.done $0x0  }
0x38: {  	s31 =	sadd.s32 $0x1100, s23;
	[sflag:s20] =	ssyncadd.s32 $0xFFFFC000  }
0x39: {  	[spmem:s1] =	stream.indirect.scatter.add.f32 [tilespmem:s18], [sflag:$0x4], $0x80, s31, s17, $0xb8;
	[tilespmem:$0x1DC00] =	vst v63  }
0x3a: {  	_ =	swait.ge [sflag:s15], $0x4000  }
0x3b: {  	[sflag:s15] =	ssyncset.done $0x0  }
0x3c: {  	s25 =	sadd.s32 $0x200, s23;
	[sflag:s15] =	ssyncadd.s32 $0xFFFFC000  }
0x3d: {  	[tilespmem:s18], [sflag:$0x2] =	stream.indirect.gather [hbm4b:s8+s17], $0x80, s25, s17, $0xb8;
	[tilespmem:$0x1DC00] =	vst v63  }
0x3e: {  	_ =	swait.ge [sflag:s21], $0x4000  }
0x3f: {  	[sflag:s21] =	ssyncset.done $0x0  }
0x40: {  	s26 =	sadd.s32 $0x1180, s23;
	[sflag:s21] =	ssyncadd.s32 $0xFFFFC000  }
0x41: {  	[spmem:s1] =	stream.indirect.scatter.add.f32 [tilespmem:s19], [sflag:$0x4], $0x80, s26, s17, $0xb8;
	[tilespmem:$0x1DC00] =	vst v63  }
0x42: {  	_ =	swait.ge [sflag:s15], $0x4000  }
0x43: {  	[sflag:s15] =	ssyncset.done $0x0  }
0x44: {  	s28 =	sadd.s32 $0x280, s23;
	[sflag:s15] =	ssyncadd.s32 $0xFFFFC000  }
0x45: {  	[tilespmem:s19], [sflag:$0x3] =	stream.indirect.gather [hbm4b:s8+s17], $0x80, s28, s17, $0xb8;
	[tilespmem:$0x1DC00] =	vst v63  }
0x46: {  	_ =	swait.ge [sflag:s20], $0x4000  }
0x47: {  	[sflag:s20] =	ssyncset.done $0x0  }
0x48: {  	s29 =	sadd.s32 $0x1200, s23;
	[sflag:s20] =	ssyncadd.s32 $0xFFFFC000  }
0x49: {  	[spmem:s1] =	stream.indirect.scatter.add.f32 [tilespmem:s18], [sflag:$0x4], $0x80, s29, s17, $0xb8;
	[tilespmem:$0x1DC00] =	vst v63  }
0x4a: {  	_ =	swait.ge [sflag:s15], $0x4000  }
0x4b: {  	[sflag:s15] =	ssyncset.done $0x0  }
0x4c: {  	s30 =	sadd.s32 $0x300, s23;
	[sflag:s15] =	ssyncadd.s32 $0xFFFFC000  }
0x4d: {  	[tilespmem:s18], [sflag:$0x2] =	stream.indirect.gather [hbm4b:s8+s17], $0x80, s30, s17, $0xb8;
	[tilespmem:$0x1DC00] =	vst v63  }
0x4e: {  	_ =	swait.ge [sflag:s21], $0x4000  }
0x4f: {  	[sflag:s21] =	ssyncset.done $0x0  }
0x50: {  	s31 =	sadd.s32 $0x1280, s23;
	[sflag:s21] =	ssyncadd.s32 $0xFFFFC000  }
0x51: {  	[spmem:s1] =	stream.indirect.scatter.add.f32 [tilespmem:s19], [sflag:$0x4], $0x80, s31, s17, $0xb8;
	[tilespmem:$0x1DC00] =	vst v63  }
0x52: {  	_ =	swait.ge [sflag:s15], $0x4000  }
0x53: {  	[sflag:s15] =	ssyncset.done $0x0  }
0x54: {  	s25 =	sadd.s32 $0x380, s23;
	[sflag:s15] =	ssyncadd.s32 $0xFFFFC000  }
0x55: {  	[tilespmem:s19], [sflag:$0x3] =	stream.indirect.gather [hbm4b:s8+s17], $0x80, s25, s17, $0xb8;
	[tilespmem:$0x1DC00] =	vst v63  }
0x56: {  	_ =	swait.ge [sflag:s20], $0x4000  }
0x57: {  	[sflag:s20] =	ssyncset.done $0x0  }
0x58: {  	s26 =	sadd.s32 $0x1300, s23;
	[sflag:s20] =	ssyncadd.s32 $0xFFFFC000  }
0x59: {  	[spmem:s1] =	stream.indirect.scatter.add.f32 [tilespmem:s18], [sflag:$0x4], $0x80, s26, s17, $0xb8;
	[tilespmem:$0x1DC00] =	vst v63  }
0x5a: {  	_ =	swait.ge [sflag:s15], $0x4000  }
0x5b: {  	[sflag:s15] =	ssyncset.done $0x0  }
0x5c: {  	s28 =	sadd.s32 $0x400, s23;
	[sflag:s15] =	ssyncadd.s32 $0xFFFFC000  }
0x5d: {  	[tilespmem:s18], [sflag:$0x2] =	stream.indirect.gather [hbm4b:s8+s17], $0x80, s28, s17, $0xb8;
	[tilespmem:$0x1DC00] =	vst v63  }
0x5e: {  	_ =	swait.ge [sflag:s21], $0x4000  }
0x5f: {  	[sflag:s21] =	ssyncset.done $0x0  }
0x60: {  	s29 =	sadd.s32 $0x1380, s23;
	[sflag:s21] =	ssyncadd.s32 $0xFFFFC000  }
0x61: {  	[spmem:s1] =	stream.indirect.scatter.add.f32 [tilespmem:s19], [sflag:$0x4], $0x80, s29, s17, $0xb8;
	[tilespmem:$0x1DC00] =	vst v63  }
0x62: {  	_ =	swait.ge [sflag:s15], $0x4000  }
0x63: {  	[sflag:s15] =	ssyncset.done $0x0  }
0x64: {  	s30 =	sadd.s32 $0x480, s23;
	[sflag:s15] =	ssyncadd.s32 $0xFFFFC000  }
0x65: {  	[tilespmem:s19], [sflag:$0x3] =	stream.indirect.gather [hbm4b:s8+s17], $0x80, s30, s17, $0xb8;
	[tilespmem:$0x1DC00] =	vst v63  }
0x66: {  	_ =	swait.ge [sflag:s20], $0x4000  }
0x67: {  	[sflag:s20] =	ssyncset.done $0x0  }
0x68: {  	s31 =	sadd.s32 $0x1400, s23;
	[sflag:s20] =	ssyncadd.s32 $0xFFFFC000  }
0x69: {  	[spmem:s1] =	stream.indirect.scatter.add.f32 [tilespmem:s18], [sflag:$0x4], $0x80, s31, s17, $0xb8;
	[tilespmem:$0x1DC00] =	vst v63  }
0x6a: {  	_ =	swait.ge [sflag:s15], $0x4000  }
0x6b: {  	[sflag:s15] =	ssyncset.done $0x0  }
0x6c: {  	s25 =	sadd.s32 $0x500, s23;
	[sflag:s15] =	ssyncadd.s32 $0xFFFFC000  }
0x6d: {  	[tilespmem:s18], [sflag:$0x2] =	stream.indirect.gather [hbm4b:s8+s17], $0x80, s25, s17, $0xb8;
	[tilespmem:$0x1DC00] =	vst v63  }
0x6e: {  	_ =	swait.ge [sflag:s21], $0x4000  }
0x6f: {  	[sflag:s21] =	ssyncset.done $0x0  }
0x70: {  	s26 =	sadd.s32 $0x1480, s23;
	[sflag:s21] =	ssyncadd.s32 $0xFFFFC000  }
0x71: {  	[spmem:s1] =	stream.indirect.scatter.add.f32 [tilespmem:s19], [sflag:$0x4], $0x80, s26, s17, $0xb8;
	[tilespmem:$0x1DC00] =	vst v63  }
0x72: {  	_ =	swait.ge [sflag:s15], $0x4000  }
0x73: {  	[sflag:s15] =	ssyncset.done $0x0  }
0x74: {  	s28 =	sadd.s32 $0x580, s23;
	[sflag:s15] =	ssyncadd.s32 $0xFFFFC000  }
0x75: {  	[tilespmem:s19], [sflag:$0x3] =	stream.indirect.gather [hbm4b:s8+s17], $0x80, s28, s17, $0xb8;
	[tilespmem:$0x1DC00] =	vst v63  }
0x76: {  	_ =	swait.ge [sflag:s20], $0x4000  }
0x77: {  	[sflag:s20] =	ssyncset.done $0x0  }
0x78: {  	s29 =	sadd.s32 $0x1500, s23;
	[sflag:s20] =	ssyncadd.s32 $0xFFFFC000  }
0x79: {  	[spmem:s1] =	stream.indirect.scatter.add.f32 [tilespmem:s18], [sflag:$0x4], $0x80, s29, s17, $0xb8;
	[tilespmem:$0x1DC00] =	vst v63  }
0x7a: {  	_ =	swait.ge [sflag:s15], $0x4000  }
0x7b: {  	[sflag:s15] =	ssyncset.done $0x0  }
0x7c: {  	s30 =	sadd.s32 $0x600, s23;
	[sflag:s15] =	ssyncadd.s32 $0xFFFFC000  }
0x7d: {  	[tilespmem:s18], [sflag:$0x2] =	stream.indirect.gather [hbm4b:s8+s17], $0x80, s30, s17, $0xb8;
	[tilespmem:$0x1DC00] =	vst v63  }
0x7e: {  	_ =	swait.ge [sflag:s21], $0x4000  }
0x7f: {  	[sflag:s21] =	ssyncset.done $0x0  }
0x80: {  	s31 =	sadd.s32 $0x1580, s23;
	[sflag:s21] =	ssyncadd.s32 $0xFFFFC000  }
0x81: {  	[spmem:s1] =	stream.indirect.scatter.add.f32 [tilespmem:s19], [sflag:$0x4], $0x80, s31, s17, $0xb8;
	[tilespmem:$0x1DC00] =	vst v63  }
0x82: {  	_ =	swait.ge [sflag:s15], $0x4000  }
0x83: {  	[sflag:s15] =	ssyncset.done $0x0  }
0x84: {  	s25 =	sadd.s32 $0x680, s23;
	[sflag:s15] =	ssyncadd.s32 $0xFFFFC000  }
0x85: {  	[tilespmem:s19], [sflag:$0x3] =	stream.indirect.gather [hbm4b:s8+s17], $0x80, s25, s17, $0xb8;
	[tilespmem:$0x1DC00] =	vst v63  }
0x86: {  	_ =	swait.ge [sflag:s20], $0x4000  }
0x87: {  	[sflag:s20] =	ssyncset.done $0x0  }
0x88: {  	s26 =	sadd.s32 $0x1600, s23;
	[sflag:s20] =	ssyncadd.s32 $0xFFFFC000  }
0x89: {  	[spmem:s1] =	stream.indirect.scatter.add.f32 [tilespmem:s18], [sflag:$0x4], $0x80, s26, s17, $0xb8;
	[tilespmem:$0x1DC00] =	vst v63  }
0x8a: {  	_ =	swait.ge [sflag:s15], $0x4000  }
0x8b: {  	[sflag:s15] =	ssyncset.done $0x0  }
0x8c: {  	s28 =	sadd.s32 $0x700, s23;
	[sflag:s15] =	ssyncadd.s32 $0xFFFFC000  }
0x8d: {  	[tilespmem:s18], [sflag:$0x2] =	stream.indirect.gather [hbm4b:s8+s17], $0x80, s28, s17, $0xb8;
	[tilespmem:$0x1DC00] =	vst v63  }
0x8e: {  	_ =	swait.ge [sflag:s21], $0x4000  }
0x8f: {  	[sflag:s21] =	ssyncset.done $0x0  }
0x90: {  	s29 =	sadd.s32 $0x1680, s23;
	[sflag:s21] =	ssyncadd.s32 $0xFFFFC000  }
0x91: {  	[spmem:s1] =	stream.indirect.scatter.add.f32 [tilespmem:s19], [sflag:$0x4], $0x80, s29, s17, $0xb8;
	[tilespmem:$0x1DC00] =	vst v63  }
0x92: {  	_ =	swait.ge [sflag:s15], $0x4000  }
0x93: {  	[sflag:s15] =	ssyncset.done $0x0  }
0x94: {  	s30 =	sadd.s32 $0x780, s23;
	[sflag:s15] =	ssyncadd.s32 $0xFFFFC000  }
0x95: {  	[tilespmem:s19], [sflag:$0x3] =	stream.indirect.gather [hbm4b:s8+s17], $0x80, s30, s17, $0xb8;
	[tilespmem:$0x1DC00] =	vst v63  }
0x96: {  	_ =	swait.ge [sflag:s20], $0x4000  }
0x97: {  	[sflag:s20] =	ssyncset.done $0x0  }
0x98: {  	s31 =	sadd.s32 $0x1700, s23;
	[sflag:s20] =	ssyncadd.s32 $0xFFFFC000  }
0x99: {  	[spmem:s1] =	stream.indirect.scatter.add.f32 [tilespmem:s18], [sflag:$0x4], $0x80, s31, s17, $0xb8;
	[tilespmem:$0x1DC00] =	vst v63  }
0x9a: {  	_ =	swait.ge [sflag:s15], $0x4000  }
0x9b: {  	[sflag:s15] =	ssyncset.done $0x0  }
0x9c: {  	[sflag:s15] =	ssyncadd.s32 $0xFFFFC000  }
0x9d: {  	_ =	swait.ge [sflag:s21], $0x4000  }
0x9e: {  	[sflag:s21] =	ssyncset.done $0x0  }
0x9f: {  	s23 =	sadd.s32 $0x1780, s23;
	[sflag:s21] =	ssyncadd.s32 $0xFFFFC000  }
0xa0: {  	[spmem:s1] =	stream.indirect.scatter.add.f32 [tilespmem:s19], [sflag:$0x4], $0x80, s23, s17, $0xb8;
	[tilespmem:$0x1DC00] =	vst v63  }
0xa1: {  	s24 =	sadd.s32 $0x100, s12;
	_ =	swait.ge [sflag:s15], $0x4000  }
0xa2: {  	s25 =	smov.u32 s11;
	s23 =	simm.s32 $0x800;
	[sflag:s15] =	ssyncset.done $0x0  }
.LBB2_2:
0xa3: {  	[sflag:s15] =	ssyncadd.s32 $0xFFFFC000  }
0xa4: {  	s25 =	sadd.s32 $0x100, s25;
	s28 =	smov.u32 s23;
	s23 =	sadd.s32 $0x800, s23  }
0xa5: {  	_ =	swait.ge [sflag:s16], $0x800;
	p0 =	sne.s32 s23, $0x5000  }
0xa6: {  	[sflag:s16] =	ssyncset.done $0x0  }
0xa7: {  	[sflag:s16] =	ssyncadd.s32 $0xFFFFF800  }
0xa8: {  	_ =	swait.ge [sflag:s16], $0x800  }
0xa9: {  	s26 =	sand.u32 $0x800, s28;
	p1 =	seq.s32 s28, $0x4800;
	[sflag:s16] =	ssyncset.done $0x0  }
0xaa: {  	s28 =	ssub.s32 @!p1 $0x800, s26;
	s29 =	simm.s32 @!p1 $0x0;
	[sflag:s16] =	ssyncadd.s32 $0xFFFFF800  }
0xab: {  	[tilespmem:s28], [sflag:$0x1] =	stream.linear.gather @!p1 [hbm4b:s24+s29], $0x800, $0x38;
	[tilespmem:$0x1DC00] =	vst v63  }
0xac: {  	s28 =	ssub.s32 @!p1 $0x1800, s26  }
0xad: {  	[tilespmem:s28], [sflag:$0x1] =	stream.linear.gather @!p1 [hbm4b:s25+s29], $0x800, $0x38;
	[tilespmem:$0x1DC00] =	vst v63  }
0xae: {  	_ = 	snop  }
0xaf: {  	[tilespmem:s18], [sflag:$0x2] =	stream.indirect.gather [hbm4b:s8+s17], $0x80, s26, s17, $0xb8;
	[tilespmem:$0x1DC00] =	vst v63  }
0xb0: {  	s28 =	sadd.s32 $0x80, s26  }
0xb1: {  	[tilespmem:s19], [sflag:$0x3] =	stream.indirect.gather [hbm4b:s8+s17], $0x80, s28, s17, $0xb8;
	[tilespmem:$0x1DC00] =	vst v63  }
0xb2: {  	_ =	swait.ge [sflag:s20], $0x4000  }
0xb3: {  	[sflag:s20] =	ssyncset.done $0x0  }
0xb4: {  	s28 =	sor.u32 $0x1000, s26;
	[sflag:s20] =	ssyncadd.s32 $0xFFFFC000  }
0xb5: {  	[spmem:s1] =	stream.indirect.scatter.add.f32 [tilespmem:s18], [sflag:$0x4], $0x80, s28, s17, $0xb8;
	[tilespmem:$0x1DC00] =	vst v63  }
0xb6: {  	_ =	swait.ge [sflag:s15], $0x4000  }
0xb7: {  	[sflag:s15] =	ssyncset.done $0x0  }
0xb8: {  	s28 =	sadd.s32 $0x100, s26;
	[sflag:s15] =	ssyncadd.s32 $0xFFFFC000  }
0xb9: {  	[tilespmem:s18], [sflag:$0x2] =	stream.indirect.gather [hbm4b:s8+s17], $0x80, s28, s17, $0xb8;
	[tilespmem:$0x1DC00] =	vst v63  }
0xba: {  	_ =	swait.ge [sflag:s21], $0x4000  }
0xbb: {  	[sflag:s21] =	ssyncset.done $0x0  }
0xbc: {  	s28 =	sadd.s32 $0x1080, s26;
	[sflag:s21] =	ssyncadd.s32 $0xFFFFC000  }
0xbd: {  	[spmem:s1] =	stream.indirect.scatter.add.f32 [tilespmem:s19], [sflag:$0x4], $0x80, s28, s17, $0xb8;
	[tilespmem:$0x1DC00] =	vst v63  }
0xbe: {  	_ =	swait.ge [sflag:s15], $0x4000  }
0xbf: {  	[sflag:s15] =	ssyncset.done $0x0  }
0xc0: {  	s28 =	sadd.s32 $0x180, s26;
	[sflag:s15] =	ssyncadd.s32 $0xFFFFC000  }
0xc1: {  	[tilespmem:s19], [sflag:$0x3] =	stream.indirect.gather [hbm4b:s8+s17], $0x80, s28, s17, $0xb8;
	[tilespmem:$0x1DC00] =	vst v63  }
0xc2: {  	_ =	swait.ge [sflag:s20], $0x4000  }
0xc3: {  	[sflag:s20] =	ssyncset.done $0x0  }
0xc4: {  	s28 =	sadd.s32 $0x1100, s26;
	[sflag:s20] =	ssyncadd.s32 $0xFFFFC000  }
0xc5: {  	[spmem:s1] =	stream.indirect.scatter.add.f32 [tilespmem:s18], [sflag:$0x4], $0x80, s28, s17, $0xb8;
	[tilespmem:$0x1DC00] =	vst v63  }
0xc6: {  	_ =	swait.ge [sflag:s15], $0x4000  }
0xc7: {  	[sflag:s15] =	ssyncset.done $0x0  }
0xc8: {  	s28 =	sadd.s32 $0x200, s26;
	[sflag:s15] =	ssyncadd.s32 $0xFFFFC000  }
0xc9: {  	[tilespmem:s18], [sflag:$0x2] =	stream.indirect.gather [hbm4b:s8+s17], $0x80, s28, s17, $0xb8;
	[tilespmem:$0x1DC00] =	vst v63  }
0xca: {  	_ =	swait.ge [sflag:s21], $0x4000  }
0xcb: {  	[sflag:s21] =	ssyncset.done $0x0  }
0xcc: {  	s28 =	sadd.s32 $0x1180, s26;
	[sflag:s21] =	ssyncadd.s32 $0xFFFFC000  }
0xcd: {  	[spmem:s1] =	stream.indirect.scatter.add.f32 [tilespmem:s19], [sflag:$0x4], $0x80, s28, s17, $0xb8;
	[tilespmem:$0x1DC00] =	vst v63  }
0xce: {  	_ =	swait.ge [sflag:s15], $0x4000  }
0xcf: {  	[sflag:s15] =	ssyncset.done $0x0  }
0xd0: {  	s28 =	sadd.s32 $0x280, s26;
	[sflag:s15] =	ssyncadd.s32 $0xFFFFC000  }
0xd1: {  	[tilespmem:s19], [sflag:$0x3] =	stream.indirect.gather [hbm4b:s8+s17], $0x80, s28, s17, $0xb8;
	[tilespmem:$0x1DC00] =	vst v63  }
0xd2: {  	_ =	swait.ge [sflag:s20], $0x4000  }
0xd3: {  	[sflag:s20] =	ssyncset.done $0x0  }
0xd4: {  	s28 =	sadd.s32 $0x1200, s26;
	[sflag:s20] =	ssyncadd.s32 $0xFFFFC000  }
0xd5: {  	[spmem:s1] =	stream.indirect.scatter.add.f32 [tilespmem:s18], [sflag:$0x4], $0x80, s28, s17, $0xb8;
	[tilespmem:$0x1DC00] =	vst v63  }
0xd6: {  	_ =	swait.ge [sflag:s15], $0x4000  }
0xd7: {  	[sflag:s15] =	ssyncset.done $0x0  }
0xd8: {  	s28 =	sadd.s32 $0x300, s26;
	[sflag:s15] =	ssyncadd.s32 $0xFFFFC000  }
0xd9: {  	[tilespmem:s18], [sflag:$0x2] =	stream.indirect.gather [hbm4b:s8+s17], $0x80, s28, s17, $0xb8;
	[tilespmem:$0x1DC00] =	vst v63  }
0xda: {  	_ =	swait.ge [sflag:s21], $0x4000  }
0xdb: {  	[sflag:s21] =	ssyncset.done $0x0  }
0xdc: {  	s28 =	sadd.s32 $0x1280, s26;
	[sflag:s21] =	ssyncadd.s32 $0xFFFFC000  }
0xdd: {  	[spmem:s1] =	stream.indirect.scatter.add.f32 [tilespmem:s19], [sflag:$0x4], $0x80, s28, s17, $0xb8;
	[tilespmem:$0x1DC00] =	vst v63  }
0xde: {  	_ =	swait.ge [sflag:s15], $0x4000  }
0xdf: {  	[sflag:s15] =	ssyncset.done $0x0  }
0xe0: {  	s28 =	sadd.s32 $0x380, s26;
	[sflag:s15] =	ssyncadd.s32 $0xFFFFC000  }
0xe1: {  	[tilespmem:s19], [sflag:$0x3] =	stream.indirect.gather [hbm4b:s8+s17], $0x80, s28, s17, $0xb8;
	[tilespmem:$0x1DC00] =	vst v63  }
0xe2: {  	_ =	swait.ge [sflag:s20], $0x4000  }
0xe3: {  	[sflag:s20] =	ssyncset.done $0x0  }
0xe4: {  	s28 =	sadd.s32 $0x1300, s26;
	[sflag:s20] =	ssyncadd.s32 $0xFFFFC000  }
0xe5: {  	[spmem:s1] =	stream.indirect.scatter.add.f32 [tilespmem:s18], [sflag:$0x4], $0x80, s28, s17, $0xb8;
	[tilespmem:$0x1DC00] =	vst v63  }
0xe6: {  	_ =	swait.ge [sflag:s15], $0x4000  }
0xe7: {  	[sflag:s15] =	ssyncset.done $0x0  }
0xe8: {  	s28 =	sadd.s32 $0x400, s26;
	[sflag:s15] =	ssyncadd.s32 $0xFFFFC000  }
0xe9: {  	[tilespmem:s18], [sflag:$0x2] =	stream.indirect.gather [hbm4b:s8+s17], $0x80, s28, s17, $0xb8;
	[tilespmem:$0x1DC00] =	vst v63  }
0xea: {  	_ =	swait.ge [sflag:s21], $0x4000  }
0xeb: {  	[sflag:s21] =	ssyncset.done $0x0  }
0xec: {  	s28 =	sadd.s32 $0x1380, s26;
	[sflag:s21] =	ssyncadd.s32 $0xFFFFC000  }
0xed: {  	[spmem:s1] =	stream.indirect.scatter.add.f32 [tilespmem:s19], [sflag:$0x4], $0x80, s28, s17, $0xb8;
	[tilespmem:$0x1DC00] =	vst v63  }
0xee: {  	_ =	swait.ge [sflag:s15], $0x4000  }
0xef: {  	[sflag:s15] =	ssyncset.done $0x0  }
0xf0: {  	s28 =	sadd.s32 $0x480, s26;
	[sflag:s15] =	ssyncadd.s32 $0xFFFFC000  }
0xf1: {  	[tilespmem:s19], [sflag:$0x3] =	stream.indirect.gather [hbm4b:s8+s17], $0x80, s28, s17, $0xb8;
	[tilespmem:$0x1DC00] =	vst v63  }
0xf2: {  	_ =	swait.ge [sflag:s20], $0x4000  }
0xf3: {  	[sflag:s20] =	ssyncset.done $0x0  }
0xf4: {  	s28 =	sadd.s32 $0x1400, s26;
	[sflag:s20] =	ssyncadd.s32 $0xFFFFC000  }
0xf5: {  	[spmem:s1] =	stream.indirect.scatter.add.f32 [tilespmem:s18], [sflag:$0x4], $0x80, s28, s17, $0xb8;
	[tilespmem:$0x1DC00] =	vst v63  }
0xf6: {  	_ =	swait.ge [sflag:s15], $0x4000  }
0xf7: {  	[sflag:s15] =	ssyncset.done $0x0  }
0xf8: {  	s28 =	sadd.s32 $0x500, s26;
	[sflag:s15] =	ssyncadd.s32 $0xFFFFC000  }
0xf9: {  	[tilespmem:s18], [sflag:$0x2] =	stream.indirect.gather [hbm4b:s8+s17], $0x80, s28, s17, $0xb8;
	[tilespmem:$0x1DC00] =	vst v63  }
0xfa: {  	_ =	swait.ge [sflag:s21], $0x4000  }
0xfb: {  	[sflag:s21] =	ssyncset.done $0x0  }
0xfc: {  	s28 =	sadd.s32 $0x1480, s26;
	[sflag:s21] =	ssyncadd.s32 $0xFFFFC000  }
0xfd: {  	[spmem:s1] =	stream.indirect.scatter.add.f32 [tilespmem:s19], [sflag:$0x4], $0x80, s28, s17, $0xb8;
	[tilespmem:$0x1DC00] =	vst v63  }
0xfe: {  	_ =	swait.ge [sflag:s15], $0x4000  }
0xff: {  	[sflag:s15] =	ssyncset.done $0x0  }
0x100: {  	s28 =	sadd.s32 $0x580, s26;
	[sflag:s15] =	ssyncadd.s32 $0xFFFFC000  }
0x101: {  	[tilespmem:s19], [sflag:$0x3] =	stream.indirect.gather [hbm4b:s8+s17], $0x80, s28, s17, $0xb8;
	[tilespmem:$0x1DC00] =	vst v63  }
0x102: {  	_ =	swait.ge [sflag:s20], $0x4000  }
0x103: {  	[sflag:s20] =	ssyncset.done $0x0  }
0x104: {  	s28 =	sadd.s32 $0x1500, s26;
	[sflag:s20] =	ssyncadd.s32 $0xFFFFC000  }
0x105: {  	[spmem:s1] =	stream.indirect.scatter.add.f32 [tilespmem:s18], [sflag:$0x4], $0x80, s28, s17, $0xb8;
	[tilespmem:$0x1DC00] =	vst v63  }
0x106: {  	_ =	swait.ge [sflag:s15], $0x4000  }
0x107: {  	[sflag:s15] =	ssyncset.done $0x0  }
0x108: {  	s28 =	sadd.s32 $0x600, s26;
	[sflag:s15] =	ssyncadd.s32 $0xFFFFC000  }
0x109: {  	[tilespmem:s18], [sflag:$0x2] =	stream.indirect.gather [hbm4b:s8+s17], $0x80, s28, s17, $0xb8;
	[tilespmem:$0x1DC00] =	vst v63  }
0x10a: {  	_ =	swait.ge [sflag:s21], $0x4000  }
0x10b: {  	[sflag:s21] =	ssyncset.done $0x0  }
0x10c: {  	s28 =	sadd.s32 $0x1580, s26;
	[sflag:s21] =	ssyncadd.s32 $0xFFFFC000  }
0x10d: {  	[spmem:s1] =	stream.indirect.scatter.add.f32 [tilespmem:s19], [sflag:$0x4], $0x80, s28, s17, $0xb8;
	[tilespmem:$0x1DC00] =	vst v63  }
0x10e: {  	_ =	swait.ge [sflag:s15], $0x4000  }
0x10f: {  	[sflag:s15] =	ssyncset.done $0x0  }
0x110: {  	s28 =	sadd.s32 $0x680, s26;
	[sflag:s15] =	ssyncadd.s32 $0xFFFFC000  }
0x111: {  	[tilespmem:s19], [sflag:$0x3] =	stream.indirect.gather [hbm4b:s8+s17], $0x80, s28, s17, $0xb8;
	[tilespmem:$0x1DC00] =	vst v63  }
0x112: {  	_ =	swait.ge [sflag:s20], $0x4000  }
0x113: {  	[sflag:s20] =	ssyncset.done $0x0  }
0x114: {  	s28 =	sadd.s32 $0x1600, s26;
	[sflag:s20] =	ssyncadd.s32 $0xFFFFC000  }
0x115: {  	[spmem:s1] =	stream.indirect.scatter.add.f32 [tilespmem:s18], [sflag:$0x4], $0x80, s28, s17, $0xb8;
	[tilespmem:$0x1DC00] =	vst v63  }
0x116: {  	_ =	swait.ge [sflag:s15], $0x4000  }
0x117: {  	[sflag:s15] =	ssyncset.done $0x0  }
0x118: {  	s28 =	sadd.s32 $0x700, s26;
	[sflag:s15] =	ssyncadd.s32 $0xFFFFC000  }
0x119: {  	[tilespmem:s18], [sflag:$0x2] =	stream.indirect.gather [hbm4b:s8+s17], $0x80, s28, s17, $0xb8;
	[tilespmem:$0x1DC00] =	vst v63  }
0x11a: {  	_ =	swait.ge [sflag:s21], $0x4000  }
0x11b: {  	[sflag:s21] =	ssyncset.done $0x0  }
0x11c: {  	s28 =	sadd.s32 $0x1680, s26;
	[sflag:s21] =	ssyncadd.s32 $0xFFFFC000  }
0x11d: {  	[spmem:s1] =	stream.indirect.scatter.add.f32 [tilespmem:s19], [sflag:$0x4], $0x80, s28, s17, $0xb8;
	[tilespmem:$0x1DC00] =	vst v63  }
0x11e: {  	_ =	swait.ge [sflag:s15], $0x4000  }
0x11f: {  	[sflag:s15] =	ssyncset.done $0x0  }
0x120: {  	s28 =	sadd.s32 $0x780, s26;
	[sflag:s15] =	ssyncadd.s32 $0xFFFFC000  }
0x121: {  	[tilespmem:s19], [sflag:$0x3] =	stream.indirect.gather [hbm4b:s8+s17], $0x80, s28, s17, $0xb8;
	[tilespmem:$0x1DC00] =	vst v63  }
0x122: {  	_ =	swait.ge [sflag:s20], $0x4000  }
0x123: {  	[sflag:s20] =	ssyncset.done $0x0  }
0x124: {  	s28 =	sadd.s32 $0x1700, s26;
	[sflag:s20] =	ssyncadd.s32 $0xFFFFC000  }
0x125: {  	[spmem:s1] =	stream.indirect.scatter.add.f32 [tilespmem:s18], [sflag:$0x4], $0x80, s28, s17, $0xb8;
	[tilespmem:$0x1DC00] =	vst v63  }
0x126: {  	_ =	swait.ge [sflag:s15], $0x4000  }
0x127: {  	[sflag:s15] =	ssyncset.done $0x0  }
0x128: {  	[sflag:s15] =	ssyncadd.s32 $0xFFFFC000  }
0x129: {  	_ =	swait.ge [sflag:s21], $0x4000  }
.Ltmp0:
0x12a: {  	[sflag:s21] =	ssyncset.done $0x0;
	(pc) =	sbr.rel @p0 .LBB2_2-.Ltmp0, $4  }
0x12b: {  	s26 =	sadd.s32 $0x1780, s26;
	[sflag:s21] =	ssyncadd.s32 $0xFFFFC000  }
0x12c: {  	[spmem:s1] =	stream.indirect.scatter.add.f32 [tilespmem:s19], [sflag:$0x4], $0x80, s26, s17, $0xb8;
	[tilespmem:$0x1DC00] =	vst v63  }
0x12d: {  	_ =	swait.ge [sflag:s15], $0x4000  }
0x12e: {  	s24 =	sadd.s32 $0x100, s24;
	[sflag:s15] =	ssyncset.done $0x0  }
0x12f: {  	s22 =	sadd.s32 $0x1, s22  }
0x130: {  	[sflag:s15] =	ssyncadd.s32 $0xFFFFC000;
	p0 =	sne.s32 s22, s10  }
.Ltmp1:
0x131: {  	[bflag:$0x0] =	sbarrier.arrive $0xFFFF;
	(pc) =	sbr.rel @p0 .LBB2_1-.Ltmp1, $4  }
0x132: {  	[hbm:s9], [sflag:s7] =	dma.local [spmem:s14], $0x2780  }
0x133: {  	_ =	swait.ge [sflag:s15], $0x2780  }
0x134: {  	[sflag:s15] =	ssyncset.done $0x0  }
0x135: {  	[sflag:s15] =	ssyncadd.s32 $0xFFFFD880  }
0x136: {  	_ =	sfence.sel $0x180000  }
0x137: {  	[bflag:$0x0] =	sbarrier.arrive $0xFFFF  }
0x138: {  	p0 =	sne.s32 s2, $0x0;
	_ =	strace $0x9000004D  }
0x139: {  	s0 =	sadd.s32 @!p0 $0x100000, s0;
	[bflag:$0x2] =	sbarrier.arrive $0xFFFF  }
0x13a: {  	[sflag:s0] =	ssyncadd.tile.s32 @!p0 $0x1;
	_ =	shalt  }
.Lfunc_end2:
_tile_overlayer_lowered:
.L_overlay_start_2:
0x13b: {  	(tag) =	ssettag $0x2  }
0x13c: {  	s0 =	rddreg [dreg:$0x0];
	s2 =	stileid.u32  }
0x13d: {  	s1 =	rddreg [dreg:$0x1];
	p0 =	sne.s32 s2, $0x0  }
0x13e: {  	s3 =	rddreg [dreg:$0x2];
	[bflag:$0x3] =	sbarrier.arrive $0xFFFF;
	s2 =	simm.s32 @!p0 $0x1C04  }
0x13f: {  	[timem:s3], [sflag:s2] =	dma.local @!p0 [hbm:s0], s1  }
0x140: {  	s0 =	simm.s32 @!p0 $0x4  }
0x141: {  	_ =	swait.ge @!p0 [sflag:s0], s1  }
0x142: {  	s1 =	ssub.s32 @!p0 $0x0, s1;
	[sflag:s0] =	ssyncset.done @!p0 $0x0  }
0x143: {  	[sflag:s0] =	ssyncadd.s32 @!p0 s1  }
0x144: {  	[bflag:$0x3] =	sbarrier.arrive $0xFFFF  }
0x145: {  	_ =	shalt  }

// kernel: kernel.21.cloned.1.call-start
scs
__scs_entry_jumppad:
0x0: {  	(pc) =	sbr.rel $0x88, $3  }
0x1: {  	(tag) =	ssettag $0x0;
	lr =	simm.s32 $0x1  }
0x2: {  	[smem:$0x3F95] =	sst lr;
	_ =	strace $0xD0000000  }
0x3: {  	_ = 	snop  }
0x4: {  	_ = 	snop  }
0x5: {  	_ = 	snop  }
0x6: {  	_ = 	snop  }
0x7: {  	_ = 	snop  }
__scs_overlays_trampoline_lowered:
0x8: {  	[smem:$0x3FA4] =	sst s0  }
0x9: {  	[smem:$0x3FA5] =	sst s1  }
0xa: {  	[smem:$0x3FA6] =	sst s2  }
0xb: {  	[smem:$0x3FA7] =	sst s3  }
0xc: {  	[smem:$0x3FA8] =	sst s4  }
0xd: {  	[smem:$0x3FA9] =	sst s5  }
0xe: {  	[smem:$0x3FAA] =	sst s6  }
0xf: {  	[smem:$0x3FAB] =	sst s7  }
0x10: {  	[smem:$0x3FAC] =	sst s8  }
0x11: {  	[smem:$0x3FAD] =	sst s9;
	s0 =	simm.s32 @!p0 $0x0  }
0x12: {  	s1 =	sld [smem:$0x3F93];
	s0 =	simm.s32 @p0 $0x1  }
0x13: {  	[smem:$0x3FAE] =	sst s0;
	s0 =	simm.s32 @!p1 $0x0  }
0x14: {  	s2 =	sld [smem:$0x3F92];
	s0 =	simm.s32 @p1 $0x1  }
0x15: {  	[smem:$0x3FAF] =	sst s0;
	s0 =	simm.s32 @!p2 $0x0  }
0x16: {  	s3 =	sld [smem:$0x3FDB];
	s0 =	simm.s32 @p2 $0x1  }
0x17: {  	s4 =	simm.s32 $0x1BF5;
	[smem:$0x3FB1] =	sst s0  }
0x18: {  	s0 =	sld [smem:$0x3F94];
	_ =	swait.ge [sflag:s4], $0x0  }
0x19: {  	s7 =	sld [smem:$0x3F95]  }
0x1a: {  	s8 =	sadd.s32 $0xFFFFE003, lr  }
0x1b: {  	s9 =	sadd.s32 $0xFFFFFEF7, lr;
	s5 =	simm.s32 $0xFFFFFFFF;
	p2 =	slt.u32 s8, $0xFFFFF086  }
0x1c: {  	p1 =	slt.u32 s9, $0xF7A;
	s5 =	simm.s32 @!p2 $0x0  }
0x1d: {  	s5 =	simm.s32 @p1 $0x1;
	p0 =	seq.s32 s7, s2  }
0x1e: {  	s7 =	smul.u32 @!p0 $0xF7A, s2;
	p2 =	seq.s32 @!p0 s5, $0x0  }
0x1f: {  	s9 =	smul.u32 $0xF7A, s1;
	s8 =	simm.s32 @!p0 $0x1BF5;
	p2 =	por !p2, p0  }
0x20: {  	[sflag:s8] =	ssyncset.s32 @!p0 $0xFFFFF086;
	s6 =	sadd.s32 @!p0 s3, s7;
	s7 =	simm.s32 @!p0 $0x108  }
0x21: {  	s3 =	sadd.s32 s3, s9;
	s6 =	sadd.s32 @!p0 $0x88, s6;
	s7 =	simm.s32 @p2 $0x1082  }
0x22: {  	[simem:s7], [sflag:s8] =	dma.local @!p0 [hbm:s6], $0xF7A  }
0x23: {  	s9 =	sor.u32 $0xD0000000, s2;
	s6 =	simm.s32 $0x108;
	_ =	swait.ge @!p0 [sflag:s8], $0x0  }
0x24: {  	s3 =	sadd.s32 $0x88, s3;
	s6 =	simm.s32 @!p1 $0x1082;
	[sflag:s4] =	ssyncset.s32 $0xFFFFF086  }
0x25: {  	[simem:s6], [sflag:s4] =	dma.local [hbm:s3], $0xF7A  }
0x26: {  	[smem:$0x3F95] =	sst s1;
	(tag) =	ssettag s2;
	_ =	strace s9  }
0x27: {  	s1 =	sld [smem:$0x3FA5]  }
0x28: {  	s2 =	sld [smem:$0x3FA6]  }
0x29: {  	s4 =	sld [smem:$0x3FA8]  }
0x2a: {  	p0 =	seq.s32 s5, $0x0;
	s5 =	sld [smem:$0x3FA9]  }
0x2b: {  	s6 =	sld [smem:$0x3FAA]  }
0x2c: {  	s7 =	sld [smem:$0x3FAB]  }
0x2d: {  	s3 =	simm.s32 $0x108;
	s8 =	sld [smem:$0x3FAC]  }
0x2e: {  	s3 =	simm.s32 @!p0 $0x1082;
	s9 =	sld [smem:$0x3FAD]  }
0x2f: {  	lr =	sadd.s32 s0, s3;
	s0 =	sld [smem:$0x3FA4]  }
0x30: {  	s3 =	sld [smem:$0x3FA7]  }
0x31: {  	[smem:$0x3FB0] =	sst s10  }
0x32: {  	s10 =	sld [smem:$0x3FAE];
	_ =	sdelay $0x3  }
0x33: {  	p0 =	seq.s32 s10, $0x1;
	s10 =	sld [smem:$0x3FB0];
	_ =	sdelay $0x3  }
0x34: {  	[smem:$0x3FB0] =	sst s10  }
0x35: {  	s10 =	sld [smem:$0x3FAF];
	_ =	sdelay $0x3  }
0x36: {  	p1 =	seq.s32 s10, $0x1;
	s10 =	sld [smem:$0x3FB0];
	_ =	sdelay $0x3  }
0x37: {  	[smem:$0x3FB0] =	sst s10  }
0x38: {  	s10 =	sld [smem:$0x3FB1]  }
0x39: {  	_ = 	snop;
	(pc) =	sbr.ind lr, $3  }
0x3a: {  	_ = 	snop  }
0x3b: {  	_ = 	snop  }
0x3c: {  	p2 =	seq.s32 s10, $0x1;
	s10 =	sld [smem:$0x3FB0]  }
0x3d: {  	_ =	shalt  }
0x3e: {  	_ =	shalt  }
0x3f: {  	_ =	shalt  }
0x40: {  	_ =	shalt  }
0x41: {  	_ =	shalt  }
0x42: {  	_ =	shalt  }
0x43: {  	_ =	shalt  }
0x44: {  	_ =	shalt  }
0x45: {  	_ =	shalt  }
0x46: {  	_ =	shalt  }
0x47: {  	_ =	shalt  }
0x48: {  	_ =	shalt  }
0x49: {  	_ =	shalt  }
0x4a: {  	_ =	shalt  }
0x4b: {  	_ =	shalt  }
0x4c: {  	_ =	shalt  }
0x4d: {  	_ =	shalt  }
0x4e: {  	_ =	shalt  }
0x4f: {  	_ =	shalt  }
0x50: {  	_ =	shalt  }
0x51: {  	_ =	shalt  }
0x52: {  	_ =	shalt  }
0x53: {  	_ =	shalt  }
0x54: {  	_ =	shalt  }
0x55: {  	_ =	shalt  }
0x56: {  	_ =	shalt  }
0x57: {  	_ =	shalt  }
0x58: {  	_ =	shalt  }
0x59: {  	_ =	shalt  }
0x5a: {  	_ =	shalt  }
0x5b: {  	_ =	shalt  }
0x5c: {  	_ =	shalt  }
0x5d: {  	_ =	shalt  }
0x5e: {  	_ =	shalt  }
0x5f: {  	_ =	shalt  }
0x60: {  	_ =	shalt  }
0x61: {  	_ =	shalt  }
0x62: {  	_ =	shalt  }
0x63: {  	_ =	shalt  }
0x64: {  	_ =	shalt  }
0x65: {  	_ =	shalt  }
0x66: {  	_ =	shalt  }
0x67: {  	_ =	shalt  }
0x68: {  	_ =	shalt  }
0x69: {  	_ =	shalt  }
0x6a: {  	_ =	shalt  }
0x6b: {  	_ =	shalt  }
0x6c: {  	_ =	shalt  }
0x6d: {  	_ =	shalt  }
0x6e: {  	_ =	shalt  }
0x6f: {  	_ =	shalt  }
0x70: {  	_ =	shalt  }
0x71: {  	_ =	shalt  }
0x72: {  	_ =	shalt  }
0x73: {  	_ =	shalt  }
0x74: {  	_ =	shalt  }
0x75: {  	_ =	shalt  }
0x76: {  	_ =	shalt  }
0x77: {  	_ =	shalt  }
0x78: {  	_ =	shalt  }
0x79: {  	_ =	shalt  }
0x7a: {  	_ =	shalt  }
0x7b: {  	_ =	shalt  }
0x7c: {  	_ =	shalt  }
0x7d: {  	_ =	shalt  }
0x7e: {  	_ =	shalt  }
0x7f: {  	_ =	shalt  }
0x80: {  	_ =	shalt  }
0x81: {  	_ =	shalt  }
0x82: {  	_ =	shalt  }
0x83: {  	_ =	shalt  }
0x84: {  	_ =	shalt  }
0x85: {  	_ =	shalt  }
0x86: {  	_ =	shalt  }
0x87: {  	_ =	shalt  }
.Lfunc_end0:
.L_simem_size_0:
called_computation.3_lowered:
.L_overlay_start_0:
0x88: {  	s2 =	sld [smem:$0x3FD9]  }
0x89: {  	s3 =	sld [smem:$0x3FFE];
	_ =	sdelay $0x1  }
0x8a: {  	s1 =	srdreg.scid  }
0x8b: {  	s0 =	sand.u32 $0x1, s1  }
0x8c: {  	s16 =	sshll.u32 s0, $0xA;
	s2 =	sadd.s32 s3, s2  }
0x8d: {  	s2 =	sadd.s32 s2, s16  }
0x8e: {  	[smem:$0x3FBC] =	sst s2  }
0x8f: {  	_ = 	snop  }
0x90: {  	(tm) =	ssettm $0x1  }
0x91: {  	s17 =	sld [smem:$0x3FFB];
	_ =	sdelay $0x3  }
0x92: {  	_ =	strace s17  }
0x93: {  	s2 =	sld [smem:$0x3FFC];
	_ =	sdelay $0x3  }
0x94: {  	_ =	strace s2  }
0x95: {  	s2 =	sld [smem:$0x3FFD];
	_ =	sdelay $0x3  }
0x96: {  	_ =	strace s2  }
0x97: {  	_ =	strace $0x8FFFFFFF  }
0x98: {  	s18 =	sld [smem:$0x3FDB];
	_ =	sdelay $0x1  }
0x99: {  	s19 =	simm.s32 $_scs_section_size  }
0x9a: {  	s4 =	simm.s32 $_size__tile_overlayer_lowered;
	s5 =	simm.s32 $_tile_overlayer_lowered  }
0x9b: {  	s22 =	simm.s32 $0x1BFF;
	s21 =	sshll.u32 s5, $0x1;
	s2 =	sadd.s32 s19, s18  }
0x9c: {  	s6 =	simm.s32 $0x0;
	s20 =	sshll.u32 s4, $0x1;
	s4 =	sadd.s32 s21, s2  }
0x9d: {  	[timem:s6], [sflag:s22] =	dma.local [hbm:s4], s20  }
0x9e: {  	_ =	swait.ge [sflag:s22], s20  }
0x9f: {  	s3 =	ssub.s32 $0x0, s20;
	[sflag:s22] =	ssyncset.done $0x0  }
0xa0: {  	[sflag:s22] =	ssyncadd.s32 s3;
	_ =	sdelay $0x1  }
0xa1: {  	s23 =	simm.s32 $0x1B8B  }
0xa2: {  	_ =	swait.ge [sflag:s23], $0x1  }
0xa3: {  	[sflag:s23] =	ssyncset.done $0x0  }
0xa4: {  	s25 =	simm.s32 $0x1B8E;
	s24 =	sld [smem:$0x3FFE];
	[sflag:s23] =	ssyncadd.s32 $0xFFFFFFFF  }
0xa5: {  	s26 =	simm.s32 $execute0_lowered;
	[smem:$0x3FD2] =	sst s25  }
0xa6: {  	s4 =	sshll.u32 s26, $0x1;
	_ =	strace $0x8000004F;
	[dreg:$0x1] =	wrdreg $0xFFFFFFFF  }
0xa7: {  	s28 =	simm.s32 $_size_execute0_lowered;
	s2 =	sadd.s32 s2, s4;
	[dreg:$0x0] =	wrdreg $0x0  }
0xa8: {  	s4 =	sshll.u32 s28, $0x1;
	[dreg:$0x2] =	wrdreg s2  }
0xa9: {  	[dreg:$0x3] =	wrdreg s4  }
0xaa: {  	[dreg:$0x4] =	wrdreg $0xC0  }
0xab: {  	_ =	task [dreg:s6], $0x5FFFF  }
0xac: {  	[dreg:$0x1] =	wrdreg $0xFFFFFFFF  }
0xad: {  	[dreg:$0x0] =	wrdreg $0x60  }
0xae: {  	[dreg:$0x2] =	wrdreg s24  }
0xaf: {  	[dreg:$0x3] =	wrdreg $0xA0000  }
0xb0: {  	[dreg:$0x4] =	wrdreg $0x9  }
0xb1: {  	_ =	task.clear_ibuf [dreg:s6], $0x5FFFF;
	_ =	strace $0x9000004F  }
0xb2: {  	s29 =	simm.s32 $0x9;
	_ =	strace $0x80000051  }
0xb3: {  	_ =	swait.ge [sflag:s29], $0x1  }
0xb4: {  	[sflag:s29] =	ssyncadd.s32 $0xFFFFFFFF  }
0xb5: {  	_ =	strace $0x90000051  }
0xb6: {  	_ =	sfence  }
0xb7: {  	s30 =	sld [smem:$0x0];
	_ =	sdelay $0x2  }
0xb8: {  	s31 =	sshll.u32 s1, $0xD;
	s1 =	sshrl.u32 s1, $0x2  }
0xb9: {  	s3 =	sand.u32 $0x4000, s31;
	s1 =	sadd.s32 s1, s30  }
0xba: {  	s0 =	sor.u32 s3, s0;
	s1 =	sshll.u32 s1, $0x11  }
0xbb: {  	s0 =	sor.u32 s1, s0  }
0xbc: {  	s0 =	sadd.s32 $0x8F2B, s0  }
0xbd: {  	[sflag:s0] =	ssyncadd.remote.s32 $0x1  }
0xbe: {  	_ =	sfence.sel $0xFFFF  }
0xbf: {  	[dreg:$0x0] =	wrdreg $0xFFFFFFFF;
	(pc) =	sbr.abs _section_cstart, $3  }
0xc0: {  	[dreg:$0x1] =	wrdreg $0xFFFFFFFF  }
0xc1: {  	_ =	task.clear_ibuf [dreg:s6], $0x2FFFF;
	_ =	strace $0x9FFFFFFF  }
0xc2: {  	(tm) =	ssettm $0x7FFFFFFF  }
0xc3: {  	_ =	shalt  }
tec
execute0_lowered:
.L_overlay_start_1:
0x0: {  	(tag) =	ssettag $0x1  }
0x1: {  	s4 =	rddreg [dreg:$0x0]  }
0x2: {  	s1 =	rddreg [dreg:$0x1]  }
0x3: {  	s2 =	srdreg.scid;
	s0 =	rddreg [dreg:$0x2];
	s3 =	simm.s32 $0x0  }
0x4: {  	s15 =	simm.s32 $0x4;
	s16 =	simm.s32 $0x1;
	s17 =	simm.s32 $0x80  }
0x5: {  	s18 =	simm.s32 $0x2000;
	s19 =	simm.s32 $0x6000;
	s5 =	sand.u32 $0x1, s2  }
0x6: {  	s20 =	simm.s32 $0x2;
	s2 =	stileid.u32;
	s8 =	smul.u32 $0x13C000, s5  }
0x7: {  	s21 =	simm.s32 $0x3;
	s22 =	simm.s32 $0x0;
	s6 =	smul.u32 $0x13C00, s2  }
0x8: {  	[smem:$0x7FF] =	sst s3;
	s9 =	sadd.s32 $0x67E00, s4;
	s7 =	smul.u32 $0xA00, s2  }
0x9: {  	_ =	strace $0x80000050;
	s5 =	ssub.s32 $0x2, s5;
	s10 =	smul.u32 $0x4F000, s2  }
0xa: {  	s31 =	sshll.u32 s2, $0x6;
	s29 =	sshrl.u32 s5, $0x1;
	s6 =	sadd.s32 s6, s8  }
0xb: {  	s12 =	sadd.s32 s7, s4;
	s13 =	ssub.s32 s5, s29;
	s30 =	sshrl.u32 s10, $0x2  }
0xc: {  	s7 =	sor.u32 $0x1C04, s31;
	s8 =	sshrl.u32 s8, $0x3;
	s6 =	sshrl.u32 s6, $0x3  }
0xd: {  	s5 =	sadd.s32 $0xE600, s12;
	s14 =	sadd.s32 s30, s1;
	s8 =	sadd.s32 s9, s8  }
0xe: {  	s10 =	smax.u32 s13, $0x1;
	s13 =	simm.s32 $0x1000;
	s11 =	sadd.s32 s6, s4  }
0xf: {  	s4 =	sadd.s32 $0x4600, s12;
	s6 =	sadd.s32 s9, s6;
	s14 =	sshrl.u32 s14, $0x3  }
0x10: {  	s9 =	sadd.s32 $0xB6E00, s11;
	s11 =	sadd.s32 $0xE700, s12;
	s12 =	sadd.s32 $0x4700, s12  }
.LBB2_1:
0x11: {  	[tilespmem:s3], [sflag:$0x1] =	stream.linear.gather [hbm4b:s4+s3], $0x800, $0x38;
	[tilespmem:$0x1DC00] =	vst v63  }
0x12: {  	_ = 	snop  }
0x13: {  	[tilespmem:s13], [sflag:$0x1] =	stream.linear.gather [hbm4b:s5+s3], $0x800, $0x38;
	[tilespmem:$0x1DC00] =	vst v63  }
0x14: {  	[spmem:s14], [sflag:s7] =	dma.local [hbm:s6], $0x2780  }
0x15: {  	_ =	swait.ge [sflag:s15], $0x2780  }
0x16: {  	[sflag:s15] =	ssyncset.done $0x0  }
0x17: {  	[sflag:s15] =	ssyncadd.s32 $0xFFFFD880  }
0x18: {  	[bflag:$0x0] =	sbarrier.arrive $0xFFFF  }
0x19: {  	_ =	swait.ge [sflag:s16], $0x800  }
0x1a: {  	[sflag:s16] =	ssyncset.done $0x0  }
0x1b: {  	[sflag:s16] =	ssyncadd.s32 $0xFFFFF800  }
0x1c: {  	_ =	swait.ge [sflag:s16], $0x800  }
0x1d: {  	s23 =	sand.u32 $0x800, s3;
	p0 =	por $0x0, $0x0;
	[sflag:s16] =	ssyncset.done $0x0  }
0x1e: {  	s24 =	ssub.s32 @!p0 $0x800, s23;
	s25 =	simm.s32 @!p0 $0x0;
	[sflag:s16] =	ssyncadd.s32 $0xFFFFF800  }
0x1f: {  	[tilespmem:s24], [sflag:$0x1] =	stream.linear.gather @!p0 [hbm4b:s12+s25], $0x800, $0x38;
	[tilespmem:$0x1DC00] =	vst v63  }
0x20: {  	s24 =	ssub.s32 @!p0 $0x1800, s23  }
0x21: {  	[tilespmem:s24], [sflag:$0x1] =	stream.linear.gather @!p0 [hbm4b:s11+s25], $0x800, $0x38;
	[tilespmem:$0x1DC00] =	vst v63  }
0x22: {  	_ = 	snop  }
0x23: {  	[tilespmem:s18], [sflag:$0x2] =	stream.indirect.gather [hbm4b:s8+s17], $0x80, s23, s17, $0xb8;
	[tilespmem:$0x1DC00] =	vst v63  }
0x24: {  	s25 =	sadd.s32 $0x80, s23  }
0x25: {  	[tilespmem:s19], [sflag:$0x3] =	stream.indirect.gather [hbm4b:s8+s17], $0x80, s25, s17, $0xb8;
	[tilespmem:$0x1DC00] =	vst v63  }
0x26: {  	_ =	swait.ge [sflag:s20], $0x4000  }
0x27: {  	[sflag:s20] =	ssyncset.done $0x0  }
0x28: {  	s26 =	sor.u32 $0x1000, s23;
	[sflag:s20] =	ssyncadd.s32 $0xFFFFC000  }
0x29: {  	[spmem:s1] =	stream.indirect.scatter.add.f32 [tilespmem:s18], [sflag:$0x4], $0x80, s26, s17, $0xb8;
	[tilespmem:$0x1DC00] =	vst v63  }
0x2a: {  	_ =	swait.ge [sflag:s15], $0x4000  }
0x2b: {  	[sflag:s15] =	ssyncset.done $0x0  }
0x2c: {  	s28 =	sadd.s32 $0x100, s23;
	[sflag:s15] =	ssyncadd.s32 $0xFFFFC000  }
0x2d: {  	[tilespmem:s18], [sflag:$0x2] =	stream.indirect.gather [hbm4b:s8+s17], $0x80, s28, s17, $0xb8;
	[tilespmem:$0x1DC00] =	vst v63  }
0x2e: {  	_ =	swait.ge [sflag:s21], $0x4000  }
0x2f: {  	[sflag:s21] =	ssyncset.done $0x0  }
0x30: {  	s29 =	sadd.s32 $0x1080, s23;
	[sflag:s21] =	ssyncadd.s32 $0xFFFFC000  }
0x31: {  	[spmem:s1] =	stream.indirect.scatter.add.f32 [tilespmem:s19], [sflag:$0x4], $0x80, s29, s17, $0xb8;
	[tilespmem:$0x1DC00] =	vst v63  }
0x32: {  	_ =	swait.ge [sflag:s15], $0x4000  }
0x33: {  	[sflag:s15] =	ssyncset.done $0x0  }
0x34: {  	s30 =	sadd.s32 $0x180, s23;
	[sflag:s15] =	ssyncadd.s32 $0xFFFFC000  }
0x35: {  	[tilespmem:s19], [sflag:$0x3] =	stream.indirect.gather [hbm4b:s8+s17], $0x80, s30, s17, $0xb8;
	[tilespmem:$0x1DC00] =	vst v63  }
0x36: {  	_ =	swait.ge [sflag:s20], $0x4000  }
0x37: {  	[sflag:s20] =	ssyncset.done $0x0  }
0x38: {  	s31 =	sadd.s32 $0x1100, s23;
	[sflag:s20] =	ssyncadd.s32 $0xFFFFC000  }
0x39: {  	[spmem:s1] =	stream.indirect.scatter.add.f32 [tilespmem:s18], [sflag:$0x4], $0x80, s31, s17, $0xb8;
	[tilespmem:$0x1DC00] =	vst v63  }
0x3a: {  	_ =	swait.ge [sflag:s15], $0x4000  }
0x3b: {  	[sflag:s15] =	ssyncset.done $0x0  }
0x3c: {  	s25 =	sadd.s32 $0x200, s23;
	[sflag:s15] =	ssyncadd.s32 $0xFFFFC000  }
0x3d: {  	[tilespmem:s18], [sflag:$0x2] =	stream.indirect.gather [hbm4b:s8+s17], $0x80, s25, s17, $0xb8;
	[tilespmem:$0x1DC00] =	vst v63  }
0x3e: {  	_ =	swait.ge [sflag:s21], $0x4000  }
0x3f: {  	[sflag:s21] =	ssyncset.done $0x0  }
0x40: {  	s26 =	sadd.s32 $0x1180, s23;
	[sflag:s21] =	ssyncadd.s32 $0xFFFFC000  }
0x41: {  	[spmem:s1] =	stream.indirect.scatter.add.f32 [tilespmem:s19], [sflag:$0x4], $0x80, s26, s17, $0xb8;
	[tilespmem:$0x1DC00] =	vst v63  }
0x42: {  	_ =	swait.ge [sflag:s15], $0x4000  }
0x43: {  	[sflag:s15] =	ssyncset.done $0x0  }
0x44: {  	s28 =	sadd.s32 $0x280, s23;
	[sflag:s15] =	ssyncadd.s32 $0xFFFFC000  }
0x45: {  	[tilespmem:s19], [sflag:$0x3] =	stream.indirect.gather [hbm4b:s8+s17], $0x80, s28, s17, $0xb8;
	[tilespmem:$0x1DC00] =	vst v63  }
0x46: {  	_ =	swait.ge [sflag:s20], $0x4000  }
0x47: {  	[sflag:s20] =	ssyncset.done $0x0  }
0x48: {  	s29 =	sadd.s32 $0x1200, s23;
	[sflag:s20] =	ssyncadd.s32 $0xFFFFC000  }
0x49: {  	[spmem:s1] =	stream.indirect.scatter.add.f32 [tilespmem:s18], [sflag:$0x4], $0x80, s29, s17, $0xb8;
	[tilespmem:$0x1DC00] =	vst v63  }
0x4a: {  	_ =	swait.ge [sflag:s15], $0x4000  }
0x4b: {  	[sflag:s15] =	ssyncset.done $0x0  }
0x4c: {  	s30 =	sadd.s32 $0x300, s23;
	[sflag:s15] =	ssyncadd.s32 $0xFFFFC000  }
0x4d: {  	[tilespmem:s18], [sflag:$0x2] =	stream.indirect.gather [hbm4b:s8+s17], $0x80, s30, s17, $0xb8;
	[tilespmem:$0x1DC00] =	vst v63  }
0x4e: {  	_ =	swait.ge [sflag:s21], $0x4000  }
0x4f: {  	[sflag:s21] =	ssyncset.done $0x0  }
0x50: {  	s31 =	sadd.s32 $0x1280, s23;
	[sflag:s21] =	ssyncadd.s32 $0xFFFFC000  }
0x51: {  	[spmem:s1] =	stream.indirect.scatter.add.f32 [tilespmem:s19], [sflag:$0x4], $0x80, s31, s17, $0xb8;
	[tilespmem:$0x1DC00] =	vst v63  }
0x52: {  	_ =	swait.ge [sflag:s15], $0x4000  }
0x53: {  	[sflag:s15] =	ssyncset.done $0x0  }
0x54: {  	s25 =	sadd.s32 $0x380, s23;
	[sflag:s15] =	ssyncadd.s32 $0xFFFFC000  }
0x55: {  	[tilespmem:s19], [sflag:$0x3] =	stream.indirect.gather [hbm4b:s8+s17], $0x80, s25, s17, $0xb8;
	[tilespmem:$0x1DC00] =	vst v63  }
0x56: {  	_ =	swait.ge [sflag:s20], $0x4000  }
0x57: {  	[sflag:s20] =	ssyncset.done $0x0  }
0x58: {  	s26 =	sadd.s32 $0x1300, s23;
	[sflag:s20] =	ssyncadd.s32 $0xFFFFC000  }
0x59: {  	[spmem:s1] =	stream.indirect.scatter.add.f32 [tilespmem:s18], [sflag:$0x4], $0x80, s26, s17, $0xb8;
	[tilespmem:$0x1DC00] =	vst v63  }
0x5a: {  	_ =	swait.ge [sflag:s15], $0x4000  }
0x5b: {  	[sflag:s15] =	ssyncset.done $0x0  }
0x5c: {  	s28 =	sadd.s32 $0x400, s23;
	[sflag:s15] =	ssyncadd.s32 $0xFFFFC000  }
0x5d: {  	[tilespmem:s18], [sflag:$0x2] =	stream.indirect.gather [hbm4b:s8+s17], $0x80, s28, s17, $0xb8;
	[tilespmem:$0x1DC00] =	vst v63  }
0x5e: {  	_ =	swait.ge [sflag:s21], $0x4000  }
0x5f: {  	[sflag:s21] =	ssyncset.done $0x0  }
0x60: {  	s29 =	sadd.s32 $0x1380, s23;
	[sflag:s21] =	ssyncadd.s32 $0xFFFFC000  }
0x61: {  	[spmem:s1] =	stream.indirect.scatter.add.f32 [tilespmem:s19], [sflag:$0x4], $0x80, s29, s17, $0xb8;
	[tilespmem:$0x1DC00] =	vst v63  }
0x62: {  	_ =	swait.ge [sflag:s15], $0x4000  }
0x63: {  	[sflag:s15] =	ssyncset.done $0x0  }
0x64: {  	s30 =	sadd.s32 $0x480, s23;
	[sflag:s15] =	ssyncadd.s32 $0xFFFFC000  }
0x65: {  	[tilespmem:s19], [sflag:$0x3] =	stream.indirect.gather [hbm4b:s8+s17], $0x80, s30, s17, $0xb8;
	[tilespmem:$0x1DC00] =	vst v63  }
0x66: {  	_ =	swait.ge [sflag:s20], $0x4000  }
0x67: {  	[sflag:s20] =	ssyncset.done $0x0  }
0x68: {  	s31 =	sadd.s32 $0x1400, s23;
	[sflag:s20] =	ssyncadd.s32 $0xFFFFC000  }
0x69: {  	[spmem:s1] =	stream.indirect.scatter.add.f32 [tilespmem:s18], [sflag:$0x4], $0x80, s31, s17, $0xb8;
	[tilespmem:$0x1DC00] =	vst v63  }
0x6a: {  	_ =	swait.ge [sflag:s15], $0x4000  }
0x6b: {  	[sflag:s15] =	ssyncset.done $0x0  }
0x6c: {  	s25 =	sadd.s32 $0x500, s23;
	[sflag:s15] =	ssyncadd.s32 $0xFFFFC000  }
0x6d: {  	[tilespmem:s18], [sflag:$0x2] =	stream.indirect.gather [hbm4b:s8+s17], $0x80, s25, s17, $0xb8;
	[tilespmem:$0x1DC00] =	vst v63  }
0x6e: {  	_ =	swait.ge [sflag:s21], $0x4000  }
0x6f: {  	[sflag:s21] =	ssyncset.done $0x0  }
0x70: {  	s26 =	sadd.s32 $0x1480, s23;
	[sflag:s21] =	ssyncadd.s32 $0xFFFFC000  }
0x71: {  	[spmem:s1] =	stream.indirect.scatter.add.f32 [tilespmem:s19], [sflag:$0x4], $0x80, s26, s17, $0xb8;
	[tilespmem:$0x1DC00] =	vst v63  }
0x72: {  	_ =	swait.ge [sflag:s15], $0x4000  }
0x73: {  	[sflag:s15] =	ssyncset.done $0x0  }
0x74: {  	s28 =	sadd.s32 $0x580, s23;
	[sflag:s15] =	ssyncadd.s32 $0xFFFFC000  }
0x75: {  	[tilespmem:s19], [sflag:$0x3] =	stream.indirect.gather [hbm4b:s8+s17], $0x80, s28, s17, $0xb8;
	[tilespmem:$0x1DC00] =	vst v63  }
0x76: {  	_ =	swait.ge [sflag:s20], $0x4000  }
0x77: {  	[sflag:s20] =	ssyncset.done $0x0  }
0x78: {  	s29 =	sadd.s32 $0x1500, s23;
	[sflag:s20] =	ssyncadd.s32 $0xFFFFC000  }
0x79: {  	[spmem:s1] =	stream.indirect.scatter.add.f32 [tilespmem:s18], [sflag:$0x4], $0x80, s29, s17, $0xb8;
	[tilespmem:$0x1DC00] =	vst v63  }
0x7a: {  	_ =	swait.ge [sflag:s15], $0x4000  }
0x7b: {  	[sflag:s15] =	ssyncset.done $0x0  }
0x7c: {  	s30 =	sadd.s32 $0x600, s23;
	[sflag:s15] =	ssyncadd.s32 $0xFFFFC000  }
0x7d: {  	[tilespmem:s18], [sflag:$0x2] =	stream.indirect.gather [hbm4b:s8+s17], $0x80, s30, s17, $0xb8;
	[tilespmem:$0x1DC00] =	vst v63  }
0x7e: {  	_ =	swait.ge [sflag:s21], $0x4000  }
0x7f: {  	[sflag:s21] =	ssyncset.done $0x0  }
0x80: {  	s31 =	sadd.s32 $0x1580, s23;
	[sflag:s21] =	ssyncadd.s32 $0xFFFFC000  }
0x81: {  	[spmem:s1] =	stream.indirect.scatter.add.f32 [tilespmem:s19], [sflag:$0x4], $0x80, s31, s17, $0xb8;
	[tilespmem:$0x1DC00] =	vst v63  }
0x82: {  	_ =	swait.ge [sflag:s15], $0x4000  }
0x83: {  	[sflag:s15] =	ssyncset.done $0x0  }
0x84: {  	s25 =	sadd.s32 $0x680, s23;
	[sflag:s15] =	ssyncadd.s32 $0xFFFFC000  }
0x85: {  	[tilespmem:s19], [sflag:$0x3] =	stream.indirect.gather [hbm4b:s8+s17], $0x80, s25, s17, $0xb8;
	[tilespmem:$0x1DC00] =	vst v63  }
0x86: {  	_ =	swait.ge [sflag:s20], $0x4000  }
0x87: {  	[sflag:s20] =	ssyncset.done $0x0  }
0x88: {  	s26 =	sadd.s32 $0x1600, s23;
	[sflag:s20] =	ssyncadd.s32 $0xFFFFC000  }
0x89: {  	[spmem:s1] =	stream.indirect.scatter.add.f32 [tilespmem:s18], [sflag:$0x4], $0x80, s26, s17, $0xb8;
	[tilespmem:$0x1DC00] =	vst v63  }
0x8a: {  	_ =	swait.ge [sflag:s15], $0x4000  }
0x8b: {  	[sflag:s15] =	ssyncset.done $0x0  }
0x8c: {  	s28 =	sadd.s32 $0x700, s23;
	[sflag:s15] =	ssyncadd.s32 $0xFFFFC000  }
0x8d: {  	[tilespmem:s18], [sflag:$0x2] =	stream.indirect.gather [hbm4b:s8+s17], $0x80, s28, s17, $0xb8;
	[tilespmem:$0x1DC00] =	vst v63  }
0x8e: {  	_ =	swait.ge [sflag:s21], $0x4000  }
0x8f: {  	[sflag:s21] =	ssyncset.done $0x0  }
0x90: {  	s29 =	sadd.s32 $0x1680, s23;
	[sflag:s21] =	ssyncadd.s32 $0xFFFFC000  }
0x91: {  	[spmem:s1] =	stream.indirect.scatter.add.f32 [tilespmem:s19], [sflag:$0x4], $0x80, s29, s17, $0xb8;
	[tilespmem:$0x1DC00] =	vst v63  }
0x92: {  	_ =	swait.ge [sflag:s15], $0x4000  }
0x93: {  	[sflag:s15] =	ssyncset.done $0x0  }
0x94: {  	s30 =	sadd.s32 $0x780, s23;
	[sflag:s15] =	ssyncadd.s32 $0xFFFFC000  }
0x95: {  	[tilespmem:s19], [sflag:$0x3] =	stream.indirect.gather [hbm4b:s8+s17], $0x80, s30, s17, $0xb8;
	[tilespmem:$0x1DC00] =	vst v63  }
0x96: {  	_ =	swait.ge [sflag:s20], $0x4000  }
0x97: {  	[sflag:s20] =	ssyncset.done $0x0  }
0x98: {  	s31 =	sadd.s32 $0x1700, s23;
	[sflag:s20] =	ssyncadd.s32 $0xFFFFC000  }
0x99: {  	[spmem:s1] =	stream.indirect.scatter.add.f32 [tilespmem:s18], [sflag:$0x4], $0x80, s31, s17, $0xb8;
	[tilespmem:$0x1DC00] =	vst v63  }
0x9a: {  	_ =	swait.ge [sflag:s15], $0x4000  }
0x9b: {  	[sflag:s15] =	ssyncset.done $0x0  }
0x9c: {  	[sflag:s15] =	ssyncadd.s32 $0xFFFFC000  }
0x9d: {  	_ =	swait.ge [sflag:s21], $0x4000  }
0x9e: {  	[sflag:s21] =	ssyncset.done $0x0  }
0x9f: {  	s23 =	sadd.s32 $0x1780, s23;
	[sflag:s21] =	ssyncadd.s32 $0xFFFFC000  }
0xa0: {  	[spmem:s1] =	stream.indirect.scatter.add.f32 [tilespmem:s19], [sflag:$0x4], $0x80, s23, s17, $0xb8;
	[tilespmem:$0x1DC00] =	vst v63  }
0xa1: {  	s24 =	sadd.s32 $0x100, s12;
	_ =	swait.ge [sflag:s15], $0x4000  }
0xa2: {  	s25 =	smov.u32 s11;
	s23 =	simm.s32 $0x800;
	[sflag:s15] =	ssyncset.done $0x0  }
.LBB2_2:
0xa3: {  	[sflag:s15] =	ssyncadd.s32 $0xFFFFC000  }
0xa4: {  	s25 =	sadd.s32 $0x100, s25;
	s28 =	smov.u32 s23;
	s23 =	sadd.s32 $0x800, s23  }
0xa5: {  	_ =	swait.ge [sflag:s16], $0x800;
	p0 =	sne.s32 s23, $0x5000  }
0xa6: {  	[sflag:s16] =	ssyncset.done $0x0  }
0xa7: {  	[sflag:s16] =	ssyncadd.s32 $0xFFFFF800  }
0xa8: {  	_ =	swait.ge [sflag:s16], $0x800  }
0xa9: {  	s26 =	sand.u32 $0x800, s28;
	p1 =	seq.s32 s28, $0x4800;
	[sflag:s16] =	ssyncset.done $0x0  }
0xaa: {  	s28 =	ssub.s32 @!p1 $0x800, s26;
	s29 =	simm.s32 @!p1 $0x0;
	[sflag:s16] =	ssyncadd.s32 $0xFFFFF800  }
0xab: {  	[tilespmem:s28], [sflag:$0x1] =	stream.linear.gather @!p1 [hbm4b:s24+s29], $0x800, $0x38;
	[tilespmem:$0x1DC00] =	vst v63  }
0xac: {  	s28 =	ssub.s32 @!p1 $0x1800, s26  }
0xad: {  	[tilespmem:s28], [sflag:$0x1] =	stream.linear.gather @!p1 [hbm4b:s25+s29], $0x800, $0x38;
	[tilespmem:$0x1DC00] =	vst v63  }
0xae: {  	_ = 	snop  }
0xaf: {  	[tilespmem:s18], [sflag:$0x2] =	stream.indirect.gather [hbm4b:s8+s17], $0x80, s26, s17, $0xb8;
	[tilespmem:$0x1DC00] =	vst v63  }
0xb0: {  	s28 =	sadd.s32 $0x80, s26  }
0xb1: {  	[tilespmem:s19], [sflag:$0x3] =	stream.indirect.gather [hbm4b:s8+s17], $0x80, s28, s17, $0xb8;
	[tilespmem:$0x1DC00] =	vst v63  }
0xb2: {  	_ =	swait.ge [sflag:s20], $0x4000  }
0xb3: {  	[sflag:s20] =	ssyncset.done $0x0  }
0xb4: {  	s28 =	sor.u32 $0x1000, s26;
	[sflag:s20] =	ssyncadd.s32 $0xFFFFC000  }
0xb5: {  	[spmem:s1] =	stream.indirect.scatter.add.f32 [tilespmem:s18], [sflag:$0x4], $0x80, s28, s17, $0xb8;
	[tilespmem:$0x1DC00] =	vst v63  }
0xb6: {  	_ =	swait.ge [sflag:s15], $0x4000  }
0xb7: {  	[sflag:s15] =	ssyncset.done $0x0  }
0xb8: {  	s28 =	sadd.s32 $0x100, s26;
	[sflag:s15] =	ssyncadd.s32 $0xFFFFC000  }
0xb9: {  	[tilespmem:s18], [sflag:$0x2] =	stream.indirect.gather [hbm4b:s8+s17], $0x80, s28, s17, $0xb8;
	[tilespmem:$0x1DC00] =	vst v63  }
0xba: {  	_ =	swait.ge [sflag:s21], $0x4000  }
0xbb: {  	[sflag:s21] =	ssyncset.done $0x0  }
0xbc: {  	s28 =	sadd.s32 $0x1080, s26;
	[sflag:s21] =	ssyncadd.s32 $0xFFFFC000  }
0xbd: {  	[spmem:s1] =	stream.indirect.scatter.add.f32 [tilespmem:s19], [sflag:$0x4], $0x80, s28, s17, $0xb8;
	[tilespmem:$0x1DC00] =	vst v63  }
0xbe: {  	_ =	swait.ge [sflag:s15], $0x4000  }
0xbf: {  	[sflag:s15] =	ssyncset.done $0x0  }
0xc0: {  	s28 =	sadd.s32 $0x180, s26;
	[sflag:s15] =	ssyncadd.s32 $0xFFFFC000  }
0xc1: {  	[tilespmem:s19], [sflag:$0x3] =	stream.indirect.gather [hbm4b:s8+s17], $0x80, s28, s17, $0xb8;
	[tilespmem:$0x1DC00] =	vst v63  }
0xc2: {  	_ =	swait.ge [sflag:s20], $0x4000  }
0xc3: {  	[sflag:s20] =	ssyncset.done $0x0  }
0xc4: {  	s28 =	sadd.s32 $0x1100, s26;
	[sflag:s20] =	ssyncadd.s32 $0xFFFFC000  }
0xc5: {  	[spmem:s1] =	stream.indirect.scatter.add.f32 [tilespmem:s18], [sflag:$0x4], $0x80, s28, s17, $0xb8;
	[tilespmem:$0x1DC00] =	vst v63  }
0xc6: {  	_ =	swait.ge [sflag:s15], $0x4000  }
0xc7: {  	[sflag:s15] =	ssyncset.done $0x0  }
0xc8: {  	s28 =	sadd.s32 $0x200, s26;
	[sflag:s15] =	ssyncadd.s32 $0xFFFFC000  }
0xc9: {  	[tilespmem:s18], [sflag:$0x2] =	stream.indirect.gather [hbm4b:s8+s17], $0x80, s28, s17, $0xb8;
	[tilespmem:$0x1DC00] =	vst v63  }
0xca: {  	_ =	swait.ge [sflag:s21], $0x4000  }
0xcb: {  	[sflag:s21] =	ssyncset.done $0x0  }
0xcc: {  	s28 =	sadd.s32 $0x1180, s26;
	[sflag:s21] =	ssyncadd.s32 $0xFFFFC000  }
0xcd: {  	[spmem:s1] =	stream.indirect.scatter.add.f32 [tilespmem:s19], [sflag:$0x4], $0x80, s28, s17, $0xb8;
	[tilespmem:$0x1DC00] =	vst v63  }
0xce: {  	_ =	swait.ge [sflag:s15], $0x4000  }
0xcf: {  	[sflag:s15] =	ssyncset.done $0x0  }
0xd0: {  	s28 =	sadd.s32 $0x280, s26;
	[sflag:s15] =	ssyncadd.s32 $0xFFFFC000  }
0xd1: {  	[tilespmem:s19], [sflag:$0x3] =	stream.indirect.gather [hbm4b:s8+s17], $0x80, s28, s17, $0xb8;
	[tilespmem:$0x1DC00] =	vst v63  }
0xd2: {  	_ =	swait.ge [sflag:s20], $0x4000  }
0xd3: {  	[sflag:s20] =	ssyncset.done $0x0  }
0xd4: {  	s28 =	sadd.s32 $0x1200, s26;
	[sflag:s20] =	ssyncadd.s32 $0xFFFFC000  }
0xd5: {  	[spmem:s1] =	stream.indirect.scatter.add.f32 [tilespmem:s18], [sflag:$0x4], $0x80, s28, s17, $0xb8;
	[tilespmem:$0x1DC00] =	vst v63  }
0xd6: {  	_ =	swait.ge [sflag:s15], $0x4000  }
0xd7: {  	[sflag:s15] =	ssyncset.done $0x0  }
0xd8: {  	s28 =	sadd.s32 $0x300, s26;
	[sflag:s15] =	ssyncadd.s32 $0xFFFFC000  }
0xd9: {  	[tilespmem:s18], [sflag:$0x2] =	stream.indirect.gather [hbm4b:s8+s17], $0x80, s28, s17, $0xb8;
	[tilespmem:$0x1DC00] =	vst v63  }
0xda: {  	_ =	swait.ge [sflag:s21], $0x4000  }
0xdb: {  	[sflag:s21] =	ssyncset.done $0x0  }
0xdc: {  	s28 =	sadd.s32 $0x1280, s26;
	[sflag:s21] =	ssyncadd.s32 $0xFFFFC000  }
0xdd: {  	[spmem:s1] =	stream.indirect.scatter.add.f32 [tilespmem:s19], [sflag:$0x4], $0x80, s28, s17, $0xb8;
	[tilespmem:$0x1DC00] =	vst v63  }
0xde: {  	_ =	swait.ge [sflag:s15], $0x4000  }
0xdf: {  	[sflag:s15] =	ssyncset.done $0x0  }
0xe0: {  	s28 =	sadd.s32 $0x380, s26;
	[sflag:s15] =	ssyncadd.s32 $0xFFFFC000  }
0xe1: {  	[tilespmem:s19], [sflag:$0x3] =	stream.indirect.gather [hbm4b:s8+s17], $0x80, s28, s17, $0xb8;
	[tilespmem:$0x1DC00] =	vst v63  }
0xe2: {  	_ =	swait.ge [sflag:s20], $0x4000  }
0xe3: {  	[sflag:s20] =	ssyncset.done $0x0  }
0xe4: {  	s28 =	sadd.s32 $0x1300, s26;
	[sflag:s20] =	ssyncadd.s32 $0xFFFFC000  }
0xe5: {  	[spmem:s1] =	stream.indirect.scatter.add.f32 [tilespmem:s18], [sflag:$0x4], $0x80, s28, s17, $0xb8;
	[tilespmem:$0x1DC00] =	vst v63  }
0xe6: {  	_ =	swait.ge [sflag:s15], $0x4000  }
0xe7: {  	[sflag:s15] =	ssyncset.done $0x0  }
0xe8: {  	s28 =	sadd.s32 $0x400, s26;
	[sflag:s15] =	ssyncadd.s32 $0xFFFFC000  }
0xe9: {  	[tilespmem:s18], [sflag:$0x2] =	stream.indirect.gather [hbm4b:s8+s17], $0x80, s28, s17, $0xb8;
	[tilespmem:$0x1DC00] =	vst v63  }
0xea: {  	_ =	swait.ge [sflag:s21], $0x4000  }
0xeb: {  	[sflag:s21] =	ssyncset.done $0x0  }
0xec: {  	s28 =	sadd.s32 $0x1380, s26;
	[sflag:s21] =	ssyncadd.s32 $0xFFFFC000  }
0xed: {  	[spmem:s1] =	stream.indirect.scatter.add.f32 [tilespmem:s19], [sflag:$0x4], $0x80, s28, s17, $0xb8;
	[tilespmem:$0x1DC00] =	vst v63  }
0xee: {  	_ =	swait.ge [sflag:s15], $0x4000  }
0xef: {  	[sflag:s15] =	ssyncset.done $0x0  }
0xf0: {  	s28 =	sadd.s32 $0x480, s26;
	[sflag:s15] =	ssyncadd.s32 $0xFFFFC000  }
0xf1: {  	[tilespmem:s19], [sflag:$0x3] =	stream.indirect.gather [hbm4b:s8+s17], $0x80, s28, s17, $0xb8;
	[tilespmem:$0x1DC00] =	vst v63  }
0xf2: {  	_ =	swait.ge [sflag:s20], $0x4000  }
0xf3: {  	[sflag:s20] =	ssyncset.done $0x0  }
0xf4: {  	s28 =	sadd.s32 $0x1400, s26;
	[sflag:s20] =	ssyncadd.s32 $0xFFFFC000  }
0xf5: {  	[spmem:s1] =	stream.indirect.scatter.add.f32 [tilespmem:s18], [sflag:$0x4], $0x80, s28, s17, $0xb8;
	[tilespmem:$0x1DC00] =	vst v63  }
0xf6: {  	_ =	swait.ge [sflag:s15], $0x4000  }
0xf7: {  	[sflag:s15] =	ssyncset.done $0x0  }
0xf8: {  	s28 =	sadd.s32 $0x500, s26;
	[sflag:s15] =	ssyncadd.s32 $0xFFFFC000  }
0xf9: {  	[tilespmem:s18], [sflag:$0x2] =	stream.indirect.gather [hbm4b:s8+s17], $0x80, s28, s17, $0xb8;
	[tilespmem:$0x1DC00] =	vst v63  }
0xfa: {  	_ =	swait.ge [sflag:s21], $0x4000  }
0xfb: {  	[sflag:s21] =	ssyncset.done $0x0  }
0xfc: {  	s28 =	sadd.s32 $0x1480, s26;
	[sflag:s21] =	ssyncadd.s32 $0xFFFFC000  }
0xfd: {  	[spmem:s1] =	stream.indirect.scatter.add.f32 [tilespmem:s19], [sflag:$0x4], $0x80, s28, s17, $0xb8;
	[tilespmem:$0x1DC00] =	vst v63  }
0xfe: {  	_ =	swait.ge [sflag:s15], $0x4000  }
0xff: {  	[sflag:s15] =	ssyncset.done $0x0  }
0x100: {  	s28 =	sadd.s32 $0x580, s26;
	[sflag:s15] =	ssyncadd.s32 $0xFFFFC000  }
0x101: {  	[tilespmem:s19], [sflag:$0x3] =	stream.indirect.gather [hbm4b:s8+s17], $0x80, s28, s17, $0xb8;
	[tilespmem:$0x1DC00] =	vst v63  }
0x102: {  	_ =	swait.ge [sflag:s20], $0x4000  }
0x103: {  	[sflag:s20] =	ssyncset.done $0x0  }
0x104: {  	s28 =	sadd.s32 $0x1500, s26;
	[sflag:s20] =	ssyncadd.s32 $0xFFFFC000  }
0x105: {  	[spmem:s1] =	stream.indirect.scatter.add.f32 [tilespmem:s18], [sflag:$0x4], $0x80, s28, s17, $0xb8;
	[tilespmem:$0x1DC00] =	vst v63  }
0x106: {  	_ =	swait.ge [sflag:s15], $0x4000  }
0x107: {  	[sflag:s15] =	ssyncset.done $0x0  }
0x108: {  	s28 =	sadd.s32 $0x600, s26;
	[sflag:s15] =	ssyncadd.s32 $0xFFFFC000  }
0x109: {  	[tilespmem:s18], [sflag:$0x2] =	stream.indirect.gather [hbm4b:s8+s17], $0x80, s28, s17, $0xb8;
	[tilespmem:$0x1DC00] =	vst v63  }
0x10a: {  	_ =	swait.ge [sflag:s21], $0x4000  }
0x10b: {  	[sflag:s21] =	ssyncset.done $0x0  }
0x10c: {  	s28 =	sadd.s32 $0x1580, s26;
	[sflag:s21] =	ssyncadd.s32 $0xFFFFC000  }
0x10d: {  	[spmem:s1] =	stream.indirect.scatter.add.f32 [tilespmem:s19], [sflag:$0x4], $0x80, s28, s17, $0xb8;
	[tilespmem:$0x1DC00] =	vst v63  }
0x10e: {  	_ =	swait.ge [sflag:s15], $0x4000  }
0x10f: {  	[sflag:s15] =	ssyncset.done $0x0  }
0x110: {  	s28 =	sadd.s32 $0x680, s26;
	[sflag:s15] =	ssyncadd.s32 $0xFFFFC000  }
0x111: {  	[tilespmem:s19], [sflag:$0x3] =	stream.indirect.gather [hbm4b:s8+s17], $0x80, s28, s17, $0xb8;
	[tilespmem:$0x1DC00] =	vst v63  }
0x112: {  	_ =	swait.ge [sflag:s20], $0x4000  }
0x113: {  	[sflag:s20] =	ssyncset.done $0x0  }
0x114: {  	s28 =	sadd.s32 $0x1600, s26;
	[sflag:s20] =	ssyncadd.s32 $0xFFFFC000  }
0x115: {  	[spmem:s1] =	stream.indirect.scatter.add.f32 [tilespmem:s18], [sflag:$0x4], $0x80, s28, s17, $0xb8;
	[tilespmem:$0x1DC00] =	vst v63  }
0x116: {  	_ =	swait.ge [sflag:s15], $0x4000  }
0x117: {  	[sflag:s15] =	ssyncset.done $0x0  }
0x118: {  	s28 =	sadd.s32 $0x700, s26;
	[sflag:s15] =	ssyncadd.s32 $0xFFFFC000  }
0x119: {  	[tilespmem:s18], [sflag:$0x2] =	stream.indirect.gather [hbm4b:s8+s17], $0x80, s28, s17, $0xb8;
	[tilespmem:$0x1DC00] =	vst v63  }
0x11a: {  	_ =	swait.ge [sflag:s21], $0x4000  }
0x11b: {  	[sflag:s21] =	ssyncset.done $0x0  }
0x11c: {  	s28 =	sadd.s32 $0x1680, s26;
	[sflag:s21] =	ssyncadd.s32 $0xFFFFC000  }
0x11d: {  	[spmem:s1] =	stream.indirect.scatter.add.f32 [tilespmem:s19], [sflag:$0x4], $0x80, s28, s17, $0xb8;
	[tilespmem:$0x1DC00] =	vst v63  }
0x11e: {  	_ =	swait.ge [sflag:s15], $0x4000  }
0x11f: {  	[sflag:s15] =	ssyncset.done $0x0  }
0x120: {  	s28 =	sadd.s32 $0x780, s26;
	[sflag:s15] =	ssyncadd.s32 $0xFFFFC000  }
0x121: {  	[tilespmem:s19], [sflag:$0x3] =	stream.indirect.gather [hbm4b:s8+s17], $0x80, s28, s17, $0xb8;
	[tilespmem:$0x1DC00] =	vst v63  }
0x122: {  	_ =	swait.ge [sflag:s20], $0x4000  }
0x123: {  	[sflag:s20] =	ssyncset.done $0x0  }
0x124: {  	s28 =	sadd.s32 $0x1700, s26;
	[sflag:s20] =	ssyncadd.s32 $0xFFFFC000  }
0x125: {  	[spmem:s1] =	stream.indirect.scatter.add.f32 [tilespmem:s18], [sflag:$0x4], $0x80, s28, s17, $0xb8;
	[tilespmem:$0x1DC00] =	vst v63  }
0x126: {  	_ =	swait.ge [sflag:s15], $0x4000  }
0x127: {  	[sflag:s15] =	ssyncset.done $0x0  }
0x128: {  	[sflag:s15] =	ssyncadd.s32 $0xFFFFC000  }
0x129: {  	_ =	swait.ge [sflag:s21], $0x4000  }
.Ltmp0:
0x12a: {  	[sflag:s21] =	ssyncset.done $0x0;
	(pc) =	sbr.rel @p0 .LBB2_2-.Ltmp0, $4  }
0x12b: {  	s26 =	sadd.s32 $0x1780, s26;
	[sflag:s21] =	ssyncadd.s32 $0xFFFFC000  }
0x12c: {  	[spmem:s1] =	stream.indirect.scatter.add.f32 [tilespmem:s19], [sflag:$0x4], $0x80, s26, s17, $0xb8;
	[tilespmem:$0x1DC00] =	vst v63  }
0x12d: {  	_ =	swait.ge [sflag:s15], $0x4000  }
0x12e: {  	s24 =	sadd.s32 $0x100, s24;
	[sflag:s15] =	ssyncset.done $0x0  }
0x12f: {  	s22 =	sadd.s32 $0x1, s22  }
0x130: {  	[sflag:s15] =	ssyncadd.s32 $0xFFFFC000;
	p0 =	sne.s32 s22, s10  }
.Ltmp1:
0x131: {  	[bflag:$0x0] =	sbarrier.arrive $0xFFFF;
	(pc) =	sbr.rel @p0 .LBB2_1-.Ltmp1, $4  }
0x132: {  	[hbm:s9], [sflag:s7] =	dma.local [spmem:s14], $0x2780  }
0x133: {  	_ =	swait.ge [sflag:s15], $0x2780  }
0x134: {  	[sflag:s15] =	ssyncset.done $0x0  }
0x135: {  	[sflag:s15] =	ssyncadd.s32 $0xFFFFD880  }
0x136: {  	_ =	sfence.sel $0x180000  }
0x137: {  	[bflag:$0x0] =	sbarrier.arrive $0xFFFF  }
0x138: {  	p0 =	sne.s32 s2, $0x0;
	_ =	strace $0x90000050  }
0x139: {  	s0 =	sadd.s32 @!p0 $0x100000, s0;
	[bflag:$0x2] =	sbarrier.arrive $0xFFFF  }
0x13a: {  	[sflag:s0] =	ssyncadd.tile.s32 @!p0 $0x1;
	_ =	shalt  }
.Lfunc_end2:
_tile_overlayer_lowered:
.L_overlay_start_2:
0x13b: {  	(tag) =	ssettag $0x2  }
0x13c: {  	s0 =	rddreg [dreg:$0x0];
	s2 =	stileid.u32  }
0x13d: {  	s1 =	rddreg [dreg:$0x1];
	p0 =	sne.s32 s2, $0x0  }
0x13e: {  	s3 =	rddreg [dreg:$0x2];
	[bflag:$0x3] =	sbarrier.arrive $0xFFFF;
	s2 =	simm.s32 @!p0 $0x1C04  }
0x13f: {  	[timem:s3], [sflag:s2] =	dma.local @!p0 [hbm:s0], s1  }
0x140: {  	s0 =	simm.s32 @!p0 $0x4  }
0x141: {  	_ =	swait.ge @!p0 [sflag:s0], s1  }
0x142: {  	s1 =	ssub.s32 @!p0 $0x0, s1;
	[sflag:s0] =	ssyncset.done @!p0 $0x0  }
0x143: {  	[sflag:s0] =	ssyncadd.s32 @!p0 s1  }
0x144: {  	[bflag:$0x3] =	sbarrier.arrive $0xFFFF  }
0x145: {  	_ =	shalt  }

// kernel: kernel.24.cloned.1.call-start
scs
__scs_entry_jumppad:
0x0: {  	(pc) =	sbr.rel $0x88, $3  }
0x1: {  	(tag) =	ssettag $0x0;
	lr =	simm.s32 $0x1  }
0x2: {  	[smem:$0x3F95] =	sst lr;
	_ =	strace $0xD0000000  }
0x3: {  	_ = 	snop  }
0x4: {  	_ = 	snop  }
0x5: {  	_ = 	snop  }
0x6: {  	_ = 	snop  }
0x7: {  	_ = 	snop  }
__scs_overlays_trampoline_lowered:
0x8: {  	[smem:$0x3FA4] =	sst s0  }
0x9: {  	[smem:$0x3FA5] =	sst s1  }
0xa: {  	[smem:$0x3FA6] =	sst s2  }
0xb: {  	[smem:$0x3FA7] =	sst s3  }
0xc: {  	[smem:$0x3FA8] =	sst s4  }
0xd: {  	[smem:$0x3FA9] =	sst s5  }
0xe: {  	[smem:$0x3FAA] =	sst s6  }
0xf: {  	[smem:$0x3FAB] =	sst s7  }
0x10: {  	[smem:$0x3FAC] =	sst s8  }
0x11: {  	[smem:$0x3FAD] =	sst s9;
	s0 =	simm.s32 @!p0 $0x0  }
0x12: {  	s1 =	sld [smem:$0x3F93];
	s0 =	simm.s32 @p0 $0x1  }
0x13: {  	[smem:$0x3FAE] =	sst s0;
	s0 =	simm.s32 @!p1 $0x0  }
0x14: {  	s2 =	sld [smem:$0x3F92];
	s0 =	simm.s32 @p1 $0x1  }
0x15: {  	[smem:$0x3FAF] =	sst s0;
	s0 =	simm.s32 @!p2 $0x0  }
0x16: {  	s3 =	sld [smem:$0x3FDB];
	s0 =	simm.s32 @p2 $0x1  }
0x17: {  	s4 =	simm.s32 $0x1BF5;
	[smem:$0x3FB1] =	sst s0  }
0x18: {  	s0 =	sld [smem:$0x3F94];
	_ =	swait.ge [sflag:s4], $0x0  }
0x19: {  	s7 =	sld [smem:$0x3F95]  }
0x1a: {  	s8 =	sadd.s32 $0xFFFFE003, lr  }
0x1b: {  	s9 =	sadd.s32 $0xFFFFFEF7, lr;
	s5 =	simm.s32 $0xFFFFFFFF;
	p2 =	slt.u32 s8, $0xFFFFF086  }
0x1c: {  	p1 =	slt.u32 s9, $0xF7A;
	s5 =	simm.s32 @!p2 $0x0  }
0x1d: {  	s5 =	simm.s32 @p1 $0x1;
	p0 =	seq.s32 s7, s2  }
0x1e: {  	s7 =	smul.u32 @!p0 $0xF7A, s2;
	p2 =	seq.s32 @!p0 s5, $0x0  }
0x1f: {  	s9 =	smul.u32 $0xF7A, s1;
	s8 =	simm.s32 @!p0 $0x1BF5;
	p2 =	por !p2, p0  }
0x20: {  	[sflag:s8] =	ssyncset.s32 @!p0 $0xFFFFF086;
	s6 =	sadd.s32 @!p0 s3, s7;
	s7 =	simm.s32 @!p0 $0x108  }
0x21: {  	s3 =	sadd.s32 s3, s9;
	s6 =	sadd.s32 @!p0 $0x88, s6;
	s7 =	simm.s32 @p2 $0x1082  }
0x22: {  	[simem:s7], [sflag:s8] =	dma.local @!p0 [hbm:s6], $0xF7A  }
0x23: {  	s9 =	sor.u32 $0xD0000000, s2;
	s6 =	simm.s32 $0x108;
	_ =	swait.ge @!p0 [sflag:s8], $0x0  }
0x24: {  	s3 =	sadd.s32 $0x88, s3;
	s6 =	simm.s32 @!p1 $0x1082;
	[sflag:s4] =	ssyncset.s32 $0xFFFFF086  }
0x25: {  	[simem:s6], [sflag:s4] =	dma.local [hbm:s3], $0xF7A  }
0x26: {  	[smem:$0x3F95] =	sst s1;
	(tag) =	ssettag s2;
	_ =	strace s9  }
0x27: {  	s1 =	sld [smem:$0x3FA5]  }
0x28: {  	s2 =	sld [smem:$0x3FA6]  }
0x29: {  	s4 =	sld [smem:$0x3FA8]  }
0x2a: {  	p0 =	seq.s32 s5, $0x0;
	s5 =	sld [smem:$0x3FA9]  }
0x2b: {  	s6 =	sld [smem:$0x3FAA]  }
0x2c: {  	s7 =	sld [smem:$0x3FAB]  }
0x2d: {  	s3 =	simm.s32 $0x108;
	s8 =	sld [smem:$0x3FAC]  }
0x2e: {  	s3 =	simm.s32 @!p0 $0x1082;
	s9 =	sld [smem:$0x3FAD]  }
0x2f: {  	lr =	sadd.s32 s0, s3;
	s0 =	sld [smem:$0x3FA4]  }
0x30: {  	s3 =	sld [smem:$0x3FA7]  }
0x31: {  	[smem:$0x3FB0] =	sst s10  }
0x32: {  	s10 =	sld [smem:$0x3FAE];
	_ =	sdelay $0x3  }
0x33: {  	p0 =	seq.s32 s10, $0x1;
	s10 =	sld [smem:$0x3FB0];
	_ =	sdelay $0x3  }
0x34: {  	[smem:$0x3FB0] =	sst s10  }
0x35: {  	s10 =	sld [smem:$0x3FAF];
	_ =	sdelay $0x3  }
0x36: {  	p1 =	seq.s32 s10, $0x1;
	s10 =	sld [smem:$0x3FB0];
	_ =	sdelay $0x3  }
0x37: {  	[smem:$0x3FB0] =	sst s10  }
0x38: {  	s10 =	sld [smem:$0x3FB1]  }
0x39: {  	_ = 	snop;
	(pc) =	sbr.ind lr, $3  }
0x3a: {  	_ = 	snop  }
0x3b: {  	_ = 	snop  }
0x3c: {  	p2 =	seq.s32 s10, $0x1;
	s10 =	sld [smem:$0x3FB0]  }
0x3d: {  	_ =	shalt  }
0x3e: {  	_ =	shalt  }
0x3f: {  	_ =	shalt  }
0x40: {  	_ =	shalt  }
0x41: {  	_ =	shalt  }
0x42: {  	_ =	shalt  }
0x43: {  	_ =	shalt  }
0x44: {  	_ =	shalt  }
0x45: {  	_ =	shalt  }
0x46: {  	_ =	shalt  }
0x47: {  	_ =	shalt  }
0x48: {  	_ =	shalt  }
0x49: {  	_ =	shalt  }
0x4a: {  	_ =	shalt  }
0x4b: {  	_ =	shalt  }
0x4c: {  	_ =	shalt  }
0x4d: {  	_ =	shalt  }
0x4e: {  	_ =	shalt  }
0x4f: {  	_ =	shalt  }
0x50: {  	_ =	shalt  }
0x51: {  	_ =	shalt  }
0x52: {  	_ =	shalt  }
0x53: {  	_ =	shalt  }
0x54: {  	_ =	shalt  }
0x55: {  	_ =	shalt  }
0x56: {  	_ =	shalt  }
0x57: {  	_ =	shalt  }
0x58: {  	_ =	shalt  }
0x59: {  	_ =	shalt  }
0x5a: {  	_ =	shalt  }
0x5b: {  	_ =	shalt  }
0x5c: {  	_ =	shalt  }
0x5d: {  	_ =	shalt  }
0x5e: {  	_ =	shalt  }
0x5f: {  	_ =	shalt  }
0x60: {  	_ =	shalt  }
0x61: {  	_ =	shalt  }
0x62: {  	_ =	shalt  }
0x63: {  	_ =	shalt  }
0x64: {  	_ =	shalt  }
0x65: {  	_ =	shalt  }
0x66: {  	_ =	shalt  }
0x67: {  	_ =	shalt  }
0x68: {  	_ =	shalt  }
0x69: {  	_ =	shalt  }
0x6a: {  	_ =	shalt  }
0x6b: {  	_ =	shalt  }
0x6c: {  	_ =	shalt  }
0x6d: {  	_ =	shalt  }
0x6e: {  	_ =	shalt  }
0x6f: {  	_ =	shalt  }
0x70: {  	_ =	shalt  }
0x71: {  	_ =	shalt  }
0x72: {  	_ =	shalt  }
0x73: {  	_ =	shalt  }
0x74: {  	_ =	shalt  }
0x75: {  	_ =	shalt  }
0x76: {  	_ =	shalt  }
0x77: {  	_ =	shalt  }
0x78: {  	_ =	shalt  }
0x79: {  	_ =	shalt  }
0x7a: {  	_ =	shalt  }
0x7b: {  	_ =	shalt  }
0x7c: {  	_ =	shalt  }
0x7d: {  	_ =	shalt  }
0x7e: {  	_ =	shalt  }
0x7f: {  	_ =	shalt  }
0x80: {  	_ =	shalt  }
0x81: {  	_ =	shalt  }
0x82: {  	_ =	shalt  }
0x83: {  	_ =	shalt  }
0x84: {  	_ =	shalt  }
0x85: {  	_ =	shalt  }
0x86: {  	_ =	shalt  }
0x87: {  	_ =	shalt  }
.Lfunc_end0:
.L_simem_size_0:
called_computation.4_lowered:
.L_overlay_start_0:
0x88: {  	s2 =	sld [smem:$0x3FD9]  }
0x89: {  	s3 =	sld [smem:$0x3FFE];
	_ =	sdelay $0x1  }
0x8a: {  	s1 =	srdreg.scid  }
0x8b: {  	s0 =	sand.u32 $0x1, s1  }
0x8c: {  	s16 =	sshll.u32 s0, $0xA;
	s2 =	sadd.s32 s3, s2  }
0x8d: {  	s2 =	sadd.s32 s2, s16  }
0x8e: {  	[smem:$0x3FBC] =	sst s2  }
0x8f: {  	_ = 	snop  }
0x90: {  	(tm) =	ssettm $0x1  }
0x91: {  	s17 =	sld [smem:$0x3FFB];
	_ =	sdelay $0x3  }
0x92: {  	_ =	strace s17  }
0x93: {  	s2 =	sld [smem:$0x3FFC];
	_ =	sdelay $0x3  }
0x94: {  	_ =	strace s2  }
0x95: {  	s2 =	sld [smem:$0x3FFD];
	_ =	sdelay $0x3  }
0x96: {  	_ =	strace s2  }
0x97: {  	_ =	strace $0x8FFFFFFF  }
0x98: {  	s18 =	sld [smem:$0x3FDB];
	_ =	sdelay $0x1  }
0x99: {  	s19 =	simm.s32 $_scs_section_size  }
0x9a: {  	s4 =	simm.s32 $_size__tile_overlayer_lowered;
	s5 =	simm.s32 $_tile_overlayer_lowered  }
0x9b: {  	s22 =	simm.s32 $0x1BFF;
	s21 =	sshll.u32 s5, $0x1;
	s2 =	sadd.s32 s19, s18  }
0x9c: {  	s6 =	simm.s32 $0x0;
	s20 =	sshll.u32 s4, $0x1;
	s4 =	sadd.s32 s21, s2  }
0x9d: {  	[timem:s6], [sflag:s22] =	dma.local [hbm:s4], s20  }
0x9e: {  	_ =	swait.ge [sflag:s22], s20  }
0x9f: {  	s3 =	ssub.s32 $0x0, s20;
	[sflag:s22] =	ssyncset.done $0x0  }
0xa0: {  	[sflag:s22] =	ssyncadd.s32 s3;
	_ =	sdelay $0x1  }
0xa1: {  	s23 =	simm.s32 $0x1B8B  }
0xa2: {  	_ =	swait.ge [sflag:s23], $0x1  }
0xa3: {  	[sflag:s23] =	ssyncset.done $0x0  }
0xa4: {  	s25 =	simm.s32 $0x1B8E;
	s24 =	sld [smem:$0x3FFE];
	[sflag:s23] =	ssyncadd.s32 $0xFFFFFFFF  }
0xa5: {  	s26 =	simm.s32 $execute0_lowered;
	[smem:$0x3FD2] =	sst s25  }
0xa6: {  	s4 =	sshll.u32 s26, $0x1;
	_ =	strace $0x80000052;
	[dreg:$0x1] =	wrdreg $0xFFFFFFFF  }
0xa7: {  	s28 =	simm.s32 $_size_execute0_lowered;
	s2 =	sadd.s32 s2, s4;
	[dreg:$0x0] =	wrdreg $0x0  }
0xa8: {  	s4 =	sshll.u32 s28, $0x1;
	[dreg:$0x2] =	wrdreg s2  }
0xa9: {  	[dreg:$0x3] =	wrdreg s4  }
0xaa: {  	[dreg:$0x4] =	wrdreg $0xC0  }
0xab: {  	_ =	task [dreg:s6], $0x5FFFF  }
0xac: {  	[dreg:$0x1] =	wrdreg $0xFFFFFFFF  }
0xad: {  	[dreg:$0x0] =	wrdreg $0x60  }
0xae: {  	[dreg:$0x2] =	wrdreg s24  }
0xaf: {  	[dreg:$0x3] =	wrdreg $0xA0000  }
0xb0: {  	[dreg:$0x4] =	wrdreg $0x9  }
0xb1: {  	_ =	task.clear_ibuf [dreg:s6], $0x5FFFF;
	_ =	strace $0x90000052  }
0xb2: {  	s29 =	simm.s32 $0x9;
	_ =	strace $0x80000054  }
0xb3: {  	_ =	swait.ge [sflag:s29], $0x1  }
0xb4: {  	[sflag:s29] =	ssyncadd.s32 $0xFFFFFFFF  }
0xb5: {  	_ =	strace $0x90000054  }
0xb6: {  	_ =	sfence  }
0xb7: {  	s30 =	sld [smem:$0x0];
	_ =	sdelay $0x2  }
0xb8: {  	s31 =	sshll.u32 s1, $0xD;
	s1 =	sshrl.u32 s1, $0x2  }
0xb9: {  	s3 =	sand.u32 $0x4000, s31;
	s1 =	sadd.s32 s1, s30  }
0xba: {  	s0 =	sor.u32 s3, s0;
	s1 =	sshll.u32 s1, $0x11  }
0xbb: {  	s0 =	sor.u32 s1, s0  }
0xbc: {  	s0 =	sadd.s32 $0x8F2B, s0  }
0xbd: {  	[sflag:s0] =	ssyncadd.remote.s32 $0x1  }
0xbe: {  	_ =	sfence.sel $0xFFFF  }
0xbf: {  	[dreg:$0x0] =	wrdreg $0xFFFFFFFF;
	(pc) =	sbr.abs _section_cstart, $3  }
0xc0: {  	[dreg:$0x1] =	wrdreg $0xFFFFFFFF  }
0xc1: {  	_ =	task.clear_ibuf [dreg:s6], $0x2FFFF;
	_ =	strace $0x9FFFFFFF  }
0xc2: {  	(tm) =	ssettm $0x7FFFFFFF  }
0xc3: {  	_ =	shalt  }
tec
execute0_lowered:
.L_overlay_start_1:
0x0: {  	(tag) =	ssettag $0x1  }
0x1: {  	s4 =	rddreg [dreg:$0x0]  }
0x2: {  	s1 =	rddreg [dreg:$0x1]  }
0x3: {  	s2 =	srdreg.scid;
	s0 =	rddreg [dreg:$0x2];
	s3 =	simm.s32 $0x0  }
0x4: {  	s15 =	simm.s32 $0x4;
	s16 =	simm.s32 $0x1;
	s17 =	simm.s32 $0x80  }
0x5: {  	s18 =	simm.s32 $0x2000;
	s19 =	simm.s32 $0x6000;
	s5 =	sand.u32 $0x1, s2  }
0x6: {  	s20 =	simm.s32 $0x2;
	s2 =	stileid.u32;
	s8 =	smul.u32 $0x13C000, s5  }
0x7: {  	s21 =	simm.s32 $0x3;
	s22 =	simm.s32 $0x0;
	s6 =	smul.u32 $0x13C00, s2  }
0x8: {  	[smem:$0x7FF] =	sst s3;
	s9 =	sadd.s32 $0x67E00, s4;
	s7 =	smul.u32 $0xA00, s2  }
0x9: {  	_ =	strace $0x80000053;
	s5 =	ssub.s32 $0x2, s5;
	s10 =	smul.u32 $0x4F000, s2  }
0xa: {  	s31 =	sshll.u32 s2, $0x6;
	s29 =	sshrl.u32 s5, $0x1;
	s6 =	sadd.s32 s6, s8  }
0xb: {  	s12 =	sadd.s32 s7, s4;
	s13 =	ssub.s32 s5, s29;
	s30 =	sshrl.u32 s10, $0x2  }
0xc: {  	s7 =	sor.u32 $0x1C04, s31;
	s8 =	sshrl.u32 s8, $0x3;
	s6 =	sshrl.u32 s6, $0x3  }
0xd: {  	s5 =	sadd.s32 $0xE600, s12;
	s14 =	sadd.s32 s30, s1;
	s8 =	sadd.s32 s9, s8  }
0xe: {  	s10 =	smax.u32 s13, $0x1;
	s13 =	simm.s32 $0x1000;
	s11 =	sadd.s32 s6, s4  }
0xf: {  	s4 =	sadd.s32 $0x4600, s12;
	s6 =	sadd.s32 s9, s6;
	s14 =	sshrl.u32 s14, $0x3  }
0x10: {  	s9 =	sadd.s32 $0xB6E00, s11;
	s11 =	sadd.s32 $0xE700, s12;
	s12 =	sadd.s32 $0x4700, s12  }
.LBB2_1:
0x11: {  	[tilespmem:s3], [sflag:$0x1] =	stream.linear.gather [hbm4b:s4+s3], $0x800, $0x38;
	[tilespmem:$0x1DC00] =	vst v63  }
0x12: {  	_ = 	snop  }
0x13: {  	[tilespmem:s13], [sflag:$0x1] =	stream.linear.gather [hbm4b:s5+s3], $0x800, $0x38;
	[tilespmem:$0x1DC00] =	vst v63  }
0x14: {  	[spmem:s14], [sflag:s7] =	dma.local [hbm:s6], $0x2780  }
0x15: {  	_ =	swait.ge [sflag:s15], $0x2780  }
0x16: {  	[sflag:s15] =	ssyncset.done $0x0  }
0x17: {  	[sflag:s15] =	ssyncadd.s32 $0xFFFFD880  }
0x18: {  	[bflag:$0x0] =	sbarrier.arrive $0xFFFF  }
0x19: {  	_ =	swait.ge [sflag:s16], $0x800  }
0x1a: {  	[sflag:s16] =	ssyncset.done $0x0  }
0x1b: {  	[sflag:s16] =	ssyncadd.s32 $0xFFFFF800  }
0x1c: {  	_ =	swait.ge [sflag:s16], $0x800  }
0x1d: {  	s23 =	sand.u32 $0x800, s3;
	p0 =	por $0x0, $0x0;
	[sflag:s16] =	ssyncset.done $0x0  }
0x1e: {  	s24 =	ssub.s32 @!p0 $0x800, s23;
	s25 =	simm.s32 @!p0 $0x0;
	[sflag:s16] =	ssyncadd.s32 $0xFFFFF800  }
0x1f: {  	[tilespmem:s24], [sflag:$0x1] =	stream.linear.gather @!p0 [hbm4b:s12+s25], $0x800, $0x38;
	[tilespmem:$0x1DC00] =	vst v63  }
0x20: {  	s24 =	ssub.s32 @!p0 $0x1800, s23  }
0x21: {  	[tilespmem:s24], [sflag:$0x1] =	stream.linear.gather @!p0 [hbm4b:s11+s25], $0x800, $0x38;
	[tilespmem:$0x1DC00] =	vst v63  }
0x22: {  	_ = 	snop  }
0x23: {  	[tilespmem:s18], [sflag:$0x2] =	stream.indirect.gather [hbm4b:s8+s17], $0x80, s23, s17, $0xb8;
	[tilespmem:$0x1DC00] =	vst v63  }
0x24: {  	s25 =	sadd.s32 $0x80, s23  }
0x25: {  	[tilespmem:s19], [sflag:$0x3] =	stream.indirect.gather [hbm4b:s8+s17], $0x80, s25, s17, $0xb8;
	[tilespmem:$0x1DC00] =	vst v63  }
0x26: {  	_ =	swait.ge [sflag:s20], $0x4000  }
0x27: {  	[sflag:s20] =	ssyncset.done $0x0  }
0x28: {  	s26 =	sor.u32 $0x1000, s23;
	[sflag:s20] =	ssyncadd.s32 $0xFFFFC000  }
0x29: {  	[spmem:s1] =	stream.indirect.scatter.add.f32 [tilespmem:s18], [sflag:$0x4], $0x80, s26, s17, $0xb8;
	[tilespmem:$0x1DC00] =	vst v63  }
0x2a: {  	_ =	swait.ge [sflag:s15], $0x4000  }
0x2b: {  	[sflag:s15] =	ssyncset.done $0x0  }
0x2c: {  	s28 =	sadd.s32 $0x100, s23;
	[sflag:s15] =	ssyncadd.s32 $0xFFFFC000  }
0x2d: {  	[tilespmem:s18], [sflag:$0x2] =	stream.indirect.gather [hbm4b:s8+s17], $0x80, s28, s17, $0xb8;
	[tilespmem:$0x1DC00] =	vst v63  }
0x2e: {  	_ =	swait.ge [sflag:s21], $0x4000  }
0x2f: {  	[sflag:s21] =	ssyncset.done $0x0  }
0x30: {  	s29 =	sadd.s32 $0x1080, s23;
	[sflag:s21] =	ssyncadd.s32 $0xFFFFC000  }
0x31: {  	[spmem:s1] =	stream.indirect.scatter.add.f32 [tilespmem:s19], [sflag:$0x4], $0x80, s29, s17, $0xb8;
	[tilespmem:$0x1DC00] =	vst v63  }
0x32: {  	_ =	swait.ge [sflag:s15], $0x4000  }
0x33: {  	[sflag:s15] =	ssyncset.done $0x0  }
0x34: {  	s30 =	sadd.s32 $0x180, s23;
	[sflag:s15] =	ssyncadd.s32 $0xFFFFC000  }
0x35: {  	[tilespmem:s19], [sflag:$0x3] =	stream.indirect.gather [hbm4b:s8+s17], $0x80, s30, s17, $0xb8;
	[tilespmem:$0x1DC00] =	vst v63  }
0x36: {  	_ =	swait.ge [sflag:s20], $0x4000  }
0x37: {  	[sflag:s20] =	ssyncset.done $0x0  }
0x38: {  	s31 =	sadd.s32 $0x1100, s23;
	[sflag:s20] =	ssyncadd.s32 $0xFFFFC000  }
0x39: {  	[spmem:s1] =	stream.indirect.scatter.add.f32 [tilespmem:s18], [sflag:$0x4], $0x80, s31, s17, $0xb8;
	[tilespmem:$0x1DC00] =	vst v63  }
0x3a: {  	_ =	swait.ge [sflag:s15], $0x4000  }
0x3b: {  	[sflag:s15] =	ssyncset.done $0x0  }
0x3c: {  	s25 =	sadd.s32 $0x200, s23;
	[sflag:s15] =	ssyncadd.s32 $0xFFFFC000  }
0x3d: {  	[tilespmem:s18], [sflag:$0x2] =	stream.indirect.gather [hbm4b:s8+s17], $0x80, s25, s17, $0xb8;
	[tilespmem:$0x1DC00] =	vst v63  }
0x3e: {  	_ =	swait.ge [sflag:s21], $0x4000  }
0x3f: {  	[sflag:s21] =	ssyncset.done $0x0  }
0x40: {  	s26 =	sadd.s32 $0x1180, s23;
	[sflag:s21] =	ssyncadd.s32 $0xFFFFC000  }
0x41: {  	[spmem:s1] =	stream.indirect.scatter.add.f32 [tilespmem:s19], [sflag:$0x4], $0x80, s26, s17, $0xb8;
	[tilespmem:$0x1DC00] =	vst v63  }
0x42: {  	_ =	swait.ge [sflag:s15], $0x4000  }
0x43: {  	[sflag:s15] =	ssyncset.done $0x0  }
0x44: {  	s28 =	sadd.s32 $0x280, s23;
	[sflag:s15] =	ssyncadd.s32 $0xFFFFC000  }
0x45: {  	[tilespmem:s19], [sflag:$0x3] =	stream.indirect.gather [hbm4b:s8+s17], $0x80, s28, s17, $0xb8;
	[tilespmem:$0x1DC00] =	vst v63  }
0x46: {  	_ =	swait.ge [sflag:s20], $0x4000  }
0x47: {  	[sflag:s20] =	ssyncset.done $0x0  }
0x48: {  	s29 =	sadd.s32 $0x1200, s23;
	[sflag:s20] =	ssyncadd.s32 $0xFFFFC000  }
0x49: {  	[spmem:s1] =	stream.indirect.scatter.add.f32 [tilespmem:s18], [sflag:$0x4], $0x80, s29, s17, $0xb8;
	[tilespmem:$0x1DC00] =	vst v63  }
0x4a: {  	_ =	swait.ge [sflag:s15], $0x4000  }
0x4b: {  	[sflag:s15] =	ssyncset.done $0x0  }
0x4c: {  	s30 =	sadd.s32 $0x300, s23;
	[sflag:s15] =	ssyncadd.s32 $0xFFFFC000  }
0x4d: {  	[tilespmem:s18], [sflag:$0x2] =	stream.indirect.gather [hbm4b:s8+s17], $0x80, s30, s17, $0xb8;
	[tilespmem:$0x1DC00] =	vst v63  }
0x4e: {  	_ =	swait.ge [sflag:s21], $0x4000  }
0x4f: {  	[sflag:s21] =	ssyncset.done $0x0  }
0x50: {  	s31 =	sadd.s32 $0x1280, s23;
	[sflag:s21] =	ssyncadd.s32 $0xFFFFC000  }
0x51: {  	[spmem:s1] =	stream.indirect.scatter.add.f32 [tilespmem:s19], [sflag:$0x4], $0x80, s31, s17, $0xb8;
	[tilespmem:$0x1DC00] =	vst v63  }
0x52: {  	_ =	swait.ge [sflag:s15], $0x4000  }
0x53: {  	[sflag:s15] =	ssyncset.done $0x0  }
0x54: {  	s25 =	sadd.s32 $0x380, s23;
	[sflag:s15] =	ssyncadd.s32 $0xFFFFC000  }
0x55: {  	[tilespmem:s19], [sflag:$0x3] =	stream.indirect.gather [hbm4b:s8+s17], $0x80, s25, s17, $0xb8;
	[tilespmem:$0x1DC00] =	vst v63  }
0x56: {  	_ =	swait.ge [sflag:s20], $0x4000  }
0x57: {  	[sflag:s20] =	ssyncset.done $0x0  }
0x58: {  	s26 =	sadd.s32 $0x1300, s23;
	[sflag:s20] =	ssyncadd.s32 $0xFFFFC000  }
0x59: {  	[spmem:s1] =	stream.indirect.scatter.add.f32 [tilespmem:s18], [sflag:$0x4], $0x80, s26, s17, $0xb8;
	[tilespmem:$0x1DC00] =	vst v63  }
0x5a: {  	_ =	swait.ge [sflag:s15], $0x4000  }
0x5b: {  	[sflag:s15] =	ssyncset.done $0x0  }
0x5c: {  	s28 =	sadd.s32 $0x400, s23;
	[sflag:s15] =	ssyncadd.s32 $0xFFFFC000  }
0x5d: {  	[tilespmem:s18], [sflag:$0x2] =	stream.indirect.gather [hbm4b:s8+s17], $0x80, s28, s17, $0xb8;
	[tilespmem:$0x1DC00] =	vst v63  }
0x5e: {  	_ =	swait.ge [sflag:s21], $0x4000  }
0x5f: {  	[sflag:s21] =	ssyncset.done $0x0  }
0x60: {  	s29 =	sadd.s32 $0x1380, s23;
	[sflag:s21] =	ssyncadd.s32 $0xFFFFC000  }
0x61: {  	[spmem:s1] =	stream.indirect.scatter.add.f32 [tilespmem:s19], [sflag:$0x4], $0x80, s29, s17, $0xb8;
	[tilespmem:$0x1DC00] =	vst v63  }
0x62: {  	_ =	swait.ge [sflag:s15], $0x4000  }
0x63: {  	[sflag:s15] =	ssyncset.done $0x0  }
0x64: {  	s30 =	sadd.s32 $0x480, s23;
	[sflag:s15] =	ssyncadd.s32 $0xFFFFC000  }
0x65: {  	[tilespmem:s19], [sflag:$0x3] =	stream.indirect.gather [hbm4b:s8+s17], $0x80, s30, s17, $0xb8;
	[tilespmem:$0x1DC00] =	vst v63  }
0x66: {  	_ =	swait.ge [sflag:s20], $0x4000  }
0x67: {  	[sflag:s20] =	ssyncset.done $0x0  }
0x68: {  	s31 =	sadd.s32 $0x1400, s23;
	[sflag:s20] =	ssyncadd.s32 $0xFFFFC000  }
0x69: {  	[spmem:s1] =	stream.indirect.scatter.add.f32 [tilespmem:s18], [sflag:$0x4], $0x80, s31, s17, $0xb8;
	[tilespmem:$0x1DC00] =	vst v63  }
0x6a: {  	_ =	swait.ge [sflag:s15], $0x4000  }
0x6b: {  	[sflag:s15] =	ssyncset.done $0x0  }
0x6c: {  	s25 =	sadd.s32 $0x500, s23;
	[sflag:s15] =	ssyncadd.s32 $0xFFFFC000  }
0x6d: {  	[tilespmem:s18], [sflag:$0x2] =	stream.indirect.gather [hbm4b:s8+s17], $0x80, s25, s17, $0xb8;
	[tilespmem:$0x1DC00] =	vst v63  }
0x6e: {  	_ =	swait.ge [sflag:s21], $0x4000  }
0x6f: {  	[sflag:s21] =	ssyncset.done $0x0  }
0x70: {  	s26 =	sadd.s32 $0x1480, s23;
	[sflag:s21] =	ssyncadd.s32 $0xFFFFC000  }
0x71: {  	[spmem:s1] =	stream.indirect.scatter.add.f32 [tilespmem:s19], [sflag:$0x4], $0x80, s26, s17, $0xb8;
	[tilespmem:$0x1DC00] =	vst v63  }
0x72: {  	_ =	swait.ge [sflag:s15], $0x4000  }
0x73: {  	[sflag:s15] =	ssyncset.done $0x0  }
0x74: {  	s28 =	sadd.s32 $0x580, s23;
	[sflag:s15] =	ssyncadd.s32 $0xFFFFC000  }
0x75: {  	[tilespmem:s19], [sflag:$0x3] =	stream.indirect.gather [hbm4b:s8+s17], $0x80, s28, s17, $0xb8;
	[tilespmem:$0x1DC00] =	vst v63  }
0x76: {  	_ =	swait.ge [sflag:s20], $0x4000  }
0x77: {  	[sflag:s20] =	ssyncset.done $0x0  }
0x78: {  	s29 =	sadd.s32 $0x1500, s23;
	[sflag:s20] =	ssyncadd.s32 $0xFFFFC000  }
0x79: {  	[spmem:s1] =	stream.indirect.scatter.add.f32 [tilespmem:s18], [sflag:$0x4], $0x80, s29, s17, $0xb8;
	[tilespmem:$0x1DC00] =	vst v63  }
0x7a: {  	_ =	swait.ge [sflag:s15], $0x4000  }
0x7b: {  	[sflag:s15] =	ssyncset.done $0x0  }
0x7c: {  	s30 =	sadd.s32 $0x600, s23;
	[sflag:s15] =	ssyncadd.s32 $0xFFFFC000  }
0x7d: {  	[tilespmem:s18], [sflag:$0x2] =	stream.indirect.gather [hbm4b:s8+s17], $0x80, s30, s17, $0xb8;
	[tilespmem:$0x1DC00] =	vst v63  }
0x7e: {  	_ =	swait.ge [sflag:s21], $0x4000  }
0x7f: {  	[sflag:s21] =	ssyncset.done $0x0  }
0x80: {  	s31 =	sadd.s32 $0x1580, s23;
	[sflag:s21] =	ssyncadd.s32 $0xFFFFC000  }
0x81: {  	[spmem:s1] =	stream.indirect.scatter.add.f32 [tilespmem:s19], [sflag:$0x4], $0x80, s31, s17, $0xb8;
	[tilespmem:$0x1DC00] =	vst v63  }
0x82: {  	_ =	swait.ge [sflag:s15], $0x4000  }
0x83: {  	[sflag:s15] =	ssyncset.done $0x0  }
0x84: {  	s25 =	sadd.s32 $0x680, s23;
	[sflag:s15] =	ssyncadd.s32 $0xFFFFC000  }
0x85: {  	[tilespmem:s19], [sflag:$0x3] =	stream.indirect.gather [hbm4b:s8+s17], $0x80, s25, s17, $0xb8;
	[tilespmem:$0x1DC00] =	vst v63  }
0x86: {  	_ =	swait.ge [sflag:s20], $0x4000  }
0x87: {  	[sflag:s20] =	ssyncset.done $0x0  }
0x88: {  	s26 =	sadd.s32 $0x1600, s23;
	[sflag:s20] =	ssyncadd.s32 $0xFFFFC000  }
0x89: {  	[spmem:s1] =	stream.indirect.scatter.add.f32 [tilespmem:s18], [sflag:$0x4], $0x80, s26, s17, $0xb8;
	[tilespmem:$0x1DC00] =	vst v63  }
0x8a: {  	_ =	swait.ge [sflag:s15], $0x4000  }
0x8b: {  	[sflag:s15] =	ssyncset.done $0x0  }
0x8c: {  	s28 =	sadd.s32 $0x700, s23;
	[sflag:s15] =	ssyncadd.s32 $0xFFFFC000  }
0x8d: {  	[tilespmem:s18], [sflag:$0x2] =	stream.indirect.gather [hbm4b:s8+s17], $0x80, s28, s17, $0xb8;
	[tilespmem:$0x1DC00] =	vst v63  }
0x8e: {  	_ =	swait.ge [sflag:s21], $0x4000  }
0x8f: {  	[sflag:s21] =	ssyncset.done $0x0  }
0x90: {  	s29 =	sadd.s32 $0x1680, s23;
	[sflag:s21] =	ssyncadd.s32 $0xFFFFC000  }
0x91: {  	[spmem:s1] =	stream.indirect.scatter.add.f32 [tilespmem:s19], [sflag:$0x4], $0x80, s29, s17, $0xb8;
	[tilespmem:$0x1DC00] =	vst v63  }
0x92: {  	_ =	swait.ge [sflag:s15], $0x4000  }
0x93: {  	[sflag:s15] =	ssyncset.done $0x0  }
0x94: {  	s30 =	sadd.s32 $0x780, s23;
	[sflag:s15] =	ssyncadd.s32 $0xFFFFC000  }
0x95: {  	[tilespmem:s19], [sflag:$0x3] =	stream.indirect.gather [hbm4b:s8+s17], $0x80, s30, s17, $0xb8;
	[tilespmem:$0x1DC00] =	vst v63  }
0x96: {  	_ =	swait.ge [sflag:s20], $0x4000  }
0x97: {  	[sflag:s20] =	ssyncset.done $0x0  }
0x98: {  	s31 =	sadd.s32 $0x1700, s23;
	[sflag:s20] =	ssyncadd.s32 $0xFFFFC000  }
0x99: {  	[spmem:s1] =	stream.indirect.scatter.add.f32 [tilespmem:s18], [sflag:$0x4], $0x80, s31, s17, $0xb8;
	[tilespmem:$0x1DC00] =	vst v63  }
0x9a: {  	_ =	swait.ge [sflag:s15], $0x4000  }
0x9b: {  	[sflag:s15] =	ssyncset.done $0x0  }
0x9c: {  	[sflag:s15] =	ssyncadd.s32 $0xFFFFC000  }
0x9d: {  	_ =	swait.ge [sflag:s21], $0x4000  }
0x9e: {  	[sflag:s21] =	ssyncset.done $0x0  }
0x9f: {  	s23 =	sadd.s32 $0x1780, s23;
	[sflag:s21] =	ssyncadd.s32 $0xFFFFC000  }
0xa0: {  	[spmem:s1] =	stream.indirect.scatter.add.f32 [tilespmem:s19], [sflag:$0x4], $0x80, s23, s17, $0xb8;
	[tilespmem:$0x1DC00] =	vst v63  }
0xa1: {  	s24 =	sadd.s32 $0x100, s12;
	_ =	swait.ge [sflag:s15], $0x4000  }
0xa2: {  	s25 =	smov.u32 s11;
	s23 =	simm.s32 $0x800;
	[sflag:s15] =	ssyncset.done $0x0  }
.LBB2_2:
0xa3: {  	[sflag:s15] =	ssyncadd.s32 $0xFFFFC000  }
0xa4: {  	s25 =	sadd.s32 $0x100, s25;
	s28 =	smov.u32 s23;
	s23 =	sadd.s32 $0x800, s23  }
0xa5: {  	_ =	swait.ge [sflag:s16], $0x800;
	p0 =	sne.s32 s23, $0x5000  }
0xa6: {  	[sflag:s16] =	ssyncset.done $0x0  }
0xa7: {  	[sflag:s16] =	ssyncadd.s32 $0xFFFFF800  }
0xa8: {  	_ =	swait.ge [sflag:s16], $0x800  }
0xa9: {  	s26 =	sand.u32 $0x800, s28;
	p1 =	seq.s32 s28, $0x4800;
	[sflag:s16] =	ssyncset.done $0x0  }
0xaa: {  	s28 =	ssub.s32 @!p1 $0x800, s26;
	s29 =	simm.s32 @!p1 $0x0;
	[sflag:s16] =	ssyncadd.s32 $0xFFFFF800  }
0xab: {  	[tilespmem:s28], [sflag:$0x1] =	stream.linear.gather @!p1 [hbm4b:s24+s29], $0x800, $0x38;
	[tilespmem:$0x1DC00] =	vst v63  }
0xac: {  	s28 =	ssub.s32 @!p1 $0x1800, s26  }
0xad: {  	[tilespmem:s28], [sflag:$0x1] =	stream.linear.gather @!p1 [hbm4b:s25+s29], $0x800, $0x38;
	[tilespmem:$0x1DC00] =	vst v63  }
0xae: {  	_ = 	snop  }
0xaf: {  	[tilespmem:s18], [sflag:$0x2] =	stream.indirect.gather [hbm4b:s8+s17], $0x80, s26, s17, $0xb8;
	[tilespmem:$0x1DC00] =	vst v63  }
0xb0: {  	s28 =	sadd.s32 $0x80, s26  }
0xb1: {  	[tilespmem:s19], [sflag:$0x3] =	stream.indirect.gather [hbm4b:s8+s17], $0x80, s28, s17, $0xb8;
	[tilespmem:$0x1DC00] =	vst v63  }
0xb2: {  	_ =	swait.ge [sflag:s20], $0x4000  }
0xb3: {  	[sflag:s20] =	ssyncset.done $0x0  }
0xb4: {  	s28 =	sor.u32 $0x1000, s26;
	[sflag:s20] =	ssyncadd.s32 $0xFFFFC000  }
0xb5: {  	[spmem:s1] =	stream.indirect.scatter.add.f32 [tilespmem:s18], [sflag:$0x4], $0x80, s28, s17, $0xb8;
	[tilespmem:$0x1DC00] =	vst v63  }
0xb6: {  	_ =	swait.ge [sflag:s15], $0x4000  }
0xb7: {  	[sflag:s15] =	ssyncset.done $0x0  }
0xb8: {  	s28 =	sadd.s32 $0x100, s26;
	[sflag:s15] =	ssyncadd.s32 $0xFFFFC000  }
0xb9: {  	[tilespmem:s18], [sflag:$0x2] =	stream.indirect.gather [hbm4b:s8+s17], $0x80, s28, s17, $0xb8;
	[tilespmem:$0x1DC00] =	vst v63  }
0xba: {  	_ =	swait.ge [sflag:s21], $0x4000  }
0xbb: {  	[sflag:s21] =	ssyncset.done $0x0  }
0xbc: {  	s28 =	sadd.s32 $0x1080, s26;
	[sflag:s21] =	ssyncadd.s32 $0xFFFFC000  }
0xbd: {  	[spmem:s1] =	stream.indirect.scatter.add.f32 [tilespmem:s19], [sflag:$0x4], $0x80, s28, s17, $0xb8;
	[tilespmem:$0x1DC00] =	vst v63  }
0xbe: {  	_ =	swait.ge [sflag:s15], $0x4000  }
0xbf: {  	[sflag:s15] =	ssyncset.done $0x0  }
0xc0: {  	s28 =	sadd.s32 $0x180, s26;
	[sflag:s15] =	ssyncadd.s32 $0xFFFFC000  }
0xc1: {  	[tilespmem:s19], [sflag:$0x3] =	stream.indirect.gather [hbm4b:s8+s17], $0x80, s28, s17, $0xb8;
	[tilespmem:$0x1DC00] =	vst v63  }
0xc2: {  	_ =	swait.ge [sflag:s20], $0x4000  }
0xc3: {  	[sflag:s20] =	ssyncset.done $0x0  }
0xc4: {  	s28 =	sadd.s32 $0x1100, s26;
	[sflag:s20] =	ssyncadd.s32 $0xFFFFC000  }
0xc5: {  	[spmem:s1] =	stream.indirect.scatter.add.f32 [tilespmem:s18], [sflag:$0x4], $0x80, s28, s17, $0xb8;
	[tilespmem:$0x1DC00] =	vst v63  }
0xc6: {  	_ =	swait.ge [sflag:s15], $0x4000  }
0xc7: {  	[sflag:s15] =	ssyncset.done $0x0  }
0xc8: {  	s28 =	sadd.s32 $0x200, s26;
	[sflag:s15] =	ssyncadd.s32 $0xFFFFC000  }
0xc9: {  	[tilespmem:s18], [sflag:$0x2] =	stream.indirect.gather [hbm4b:s8+s17], $0x80, s28, s17, $0xb8;
	[tilespmem:$0x1DC00] =	vst v63  }
0xca: {  	_ =	swait.ge [sflag:s21], $0x4000  }
0xcb: {  	[sflag:s21] =	ssyncset.done $0x0  }
0xcc: {  	s28 =	sadd.s32 $0x1180, s26;
	[sflag:s21] =	ssyncadd.s32 $0xFFFFC000  }
0xcd: {  	[spmem:s1] =	stream.indirect.scatter.add.f32 [tilespmem:s19], [sflag:$0x4], $0x80, s28, s17, $0xb8;
	[tilespmem:$0x1DC00] =	vst v63  }
0xce: {  	_ =	swait.ge [sflag:s15], $0x4000  }
0xcf: {  	[sflag:s15] =	ssyncset.done $0x0  }
0xd0: {  	s28 =	sadd.s32 $0x280, s26;
	[sflag:s15] =	ssyncadd.s32 $0xFFFFC000  }
0xd1: {  	[tilespmem:s19], [sflag:$0x3] =	stream.indirect.gather [hbm4b:s8+s17], $0x80, s28, s17, $0xb8;
	[tilespmem:$0x1DC00] =	vst v63  }
0xd2: {  	_ =	swait.ge [sflag:s20], $0x4000  }
0xd3: {  	[sflag:s20] =	ssyncset.done $0x0  }
0xd4: {  	s28 =	sadd.s32 $0x1200, s26;
	[sflag:s20] =	ssyncadd.s32 $0xFFFFC000  }
0xd5: {  	[spmem:s1] =	stream.indirect.scatter.add.f32 [tilespmem:s18], [sflag:$0x4], $0x80, s28, s17, $0xb8;
	[tilespmem:$0x1DC00] =	vst v63  }
0xd6: {  	_ =	swait.ge [sflag:s15], $0x4000  }
0xd7: {  	[sflag:s15] =	ssyncset.done $0x0  }
0xd8: {  	s28 =	sadd.s32 $0x300, s26;
	[sflag:s15] =	ssyncadd.s32 $0xFFFFC000  }
0xd9: {  	[tilespmem:s18], [sflag:$0x2] =	stream.indirect.gather [hbm4b:s8+s17], $0x80, s28, s17, $0xb8;
	[tilespmem:$0x1DC00] =	vst v63  }
0xda: {  	_ =	swait.ge [sflag:s21], $0x4000  }
0xdb: {  	[sflag:s21] =	ssyncset.done $0x0  }
0xdc: {  	s28 =	sadd.s32 $0x1280, s26;
	[sflag:s21] =	ssyncadd.s32 $0xFFFFC000  }
0xdd: {  	[spmem:s1] =	stream.indirect.scatter.add.f32 [tilespmem:s19], [sflag:$0x4], $0x80, s28, s17, $0xb8;
	[tilespmem:$0x1DC00] =	vst v63  }
0xde: {  	_ =	swait.ge [sflag:s15], $0x4000  }
0xdf: {  	[sflag:s15] =	ssyncset.done $0x0  }
0xe0: {  	s28 =	sadd.s32 $0x380, s26;
	[sflag:s15] =	ssyncadd.s32 $0xFFFFC000  }
0xe1: {  	[tilespmem:s19], [sflag:$0x3] =	stream.indirect.gather [hbm4b:s8+s17], $0x80, s28, s17, $0xb8;
	[tilespmem:$0x1DC00] =	vst v63  }
0xe2: {  	_ =	swait.ge [sflag:s20], $0x4000  }
0xe3: {  	[sflag:s20] =	ssyncset.done $0x0  }
0xe4: {  	s28 =	sadd.s32 $0x1300, s26;
	[sflag:s20] =	ssyncadd.s32 $0xFFFFC000  }
0xe5: {  	[spmem:s1] =	stream.indirect.scatter.add.f32 [tilespmem:s18], [sflag:$0x4], $0x80, s28, s17, $0xb8;
	[tilespmem:$0x1DC00] =	vst v63  }
0xe6: {  	_ =	swait.ge [sflag:s15], $0x4000  }
0xe7: {  	[sflag:s15] =	ssyncset.done $0x0  }
0xe8: {  	s28 =	sadd.s32 $0x400, s26;
	[sflag:s15] =	ssyncadd.s32 $0xFFFFC000  }
0xe9: {  	[tilespmem:s18], [sflag:$0x2] =	stream.indirect.gather [hbm4b:s8+s17], $0x80, s28, s17, $0xb8;
	[tilespmem:$0x1DC00] =	vst v63  }
0xea: {  	_ =	swait.ge [sflag:s21], $0x4000  }
0xeb: {  	[sflag:s21] =	ssyncset.done $0x0  }
0xec: {  	s28 =	sadd.s32 $0x1380, s26;
	[sflag:s21] =	ssyncadd.s32 $0xFFFFC000  }
0xed: {  	[spmem:s1] =	stream.indirect.scatter.add.f32 [tilespmem:s19], [sflag:$0x4], $0x80, s28, s17, $0xb8;
	[tilespmem:$0x1DC00] =	vst v63  }
0xee: {  	_ =	swait.ge [sflag:s15], $0x4000  }
0xef: {  	[sflag:s15] =	ssyncset.done $0x0  }
0xf0: {  	s28 =	sadd.s32 $0x480, s26;
	[sflag:s15] =	ssyncadd.s32 $0xFFFFC000  }
0xf1: {  	[tilespmem:s19], [sflag:$0x3] =	stream.indirect.gather [hbm4b:s8+s17], $0x80, s28, s17, $0xb8;
	[tilespmem:$0x1DC00] =	vst v63  }
0xf2: {  	_ =	swait.ge [sflag:s20], $0x4000  }
0xf3: {  	[sflag:s20] =	ssyncset.done $0x0  }
0xf4: {  	s28 =	sadd.s32 $0x1400, s26;
	[sflag:s20] =	ssyncadd.s32 $0xFFFFC000  }
0xf5: {  	[spmem:s1] =	stream.indirect.scatter.add.f32 [tilespmem:s18], [sflag:$0x4], $0x80, s28, s17, $0xb8;
	[tilespmem:$0x1DC00] =	vst v63  }
0xf6: {  	_ =	swait.ge [sflag:s15], $0x4000  }
0xf7: {  	[sflag:s15] =	ssyncset.done $0x0  }
0xf8: {  	s28 =	sadd.s32 $0x500, s26;
	[sflag:s15] =	ssyncadd.s32 $0xFFFFC000  }
0xf9: {  	[tilespmem:s18], [sflag:$0x2] =	stream.indirect.gather [hbm4b:s8+s17], $0x80, s28, s17, $0xb8;
	[tilespmem:$0x1DC00] =	vst v63  }
0xfa: {  	_ =	swait.ge [sflag:s21], $0x4000  }
0xfb: {  	[sflag:s21] =	ssyncset.done $0x0  }
0xfc: {  	s28 =	sadd.s32 $0x1480, s26;
	[sflag:s21] =	ssyncadd.s32 $0xFFFFC000  }
0xfd: {  	[spmem:s1] =	stream.indirect.scatter.add.f32 [tilespmem:s19], [sflag:$0x4], $0x80, s28, s17, $0xb8;
	[tilespmem:$0x1DC00] =	vst v63  }
0xfe: {  	_ =	swait.ge [sflag:s15], $0x4000  }
0xff: {  	[sflag:s15] =	ssyncset.done $0x0  }
0x100: {  	s28 =	sadd.s32 $0x580, s26;
	[sflag:s15] =	ssyncadd.s32 $0xFFFFC000  }
0x101: {  	[tilespmem:s19], [sflag:$0x3] =	stream.indirect.gather [hbm4b:s8+s17], $0x80, s28, s17, $0xb8;
	[tilespmem:$0x1DC00] =	vst v63  }
0x102: {  	_ =	swait.ge [sflag:s20], $0x4000  }
0x103: {  	[sflag:s20] =	ssyncset.done $0x0  }
0x104: {  	s28 =	sadd.s32 $0x1500, s26;
	[sflag:s20] =	ssyncadd.s32 $0xFFFFC000  }
0x105: {  	[spmem:s1] =	stream.indirect.scatter.add.f32 [tilespmem:s18], [sflag:$0x4], $0x80, s28, s17, $0xb8;
	[tilespmem:$0x1DC00] =	vst v63  }
0x106: {  	_ =	swait.ge [sflag:s15], $0x4000  }
0x107: {  	[sflag:s15] =	ssyncset.done $0x0  }
0x108: {  	s28 =	sadd.s32 $0x600, s26;
	[sflag:s15] =	ssyncadd.s32 $0xFFFFC000  }
0x109: {  	[tilespmem:s18], [sflag:$0x2] =	stream.indirect.gather [hbm4b:s8+s17], $0x80, s28, s17, $0xb8;
	[tilespmem:$0x1DC00] =	vst v63  }
0x10a: {  	_ =	swait.ge [sflag:s21], $0x4000  }
0x10b: {  	[sflag:s21] =	ssyncset.done $0x0  }
0x10c: {  	s28 =	sadd.s32 $0x1580, s26;
	[sflag:s21] =	ssyncadd.s32 $0xFFFFC000  }
0x10d: {  	[spmem:s1] =	stream.indirect.scatter.add.f32 [tilespmem:s19], [sflag:$0x4], $0x80, s28, s17, $0xb8;
	[tilespmem:$0x1DC00] =	vst v63  }
0x10e: {  	_ =	swait.ge [sflag:s15], $0x4000  }
0x10f: {  	[sflag:s15] =	ssyncset.done $0x0  }
0x110: {  	s28 =	sadd.s32 $0x680, s26;
	[sflag:s15] =	ssyncadd.s32 $0xFFFFC000  }
0x111: {  	[tilespmem:s19], [sflag:$0x3] =	stream.indirect.gather [hbm4b:s8+s17], $0x80, s28, s17, $0xb8;
	[tilespmem:$0x1DC00] =	vst v63  }
0x112: {  	_ =	swait.ge [sflag:s20], $0x4000  }
0x113: {  	[sflag:s20] =	ssyncset.done $0x0  }
0x114: {  	s28 =	sadd.s32 $0x1600, s26;
	[sflag:s20] =	ssyncadd.s32 $0xFFFFC000  }
0x115: {  	[spmem:s1] =	stream.indirect.scatter.add.f32 [tilespmem:s18], [sflag:$0x4], $0x80, s28, s17, $0xb8;
	[tilespmem:$0x1DC00] =	vst v63  }
0x116: {  	_ =	swait.ge [sflag:s15], $0x4000  }
0x117: {  	[sflag:s15] =	ssyncset.done $0x0  }
0x118: {  	s28 =	sadd.s32 $0x700, s26;
	[sflag:s15] =	ssyncadd.s32 $0xFFFFC000  }
0x119: {  	[tilespmem:s18], [sflag:$0x2] =	stream.indirect.gather [hbm4b:s8+s17], $0x80, s28, s17, $0xb8;
	[tilespmem:$0x1DC00] =	vst v63  }
0x11a: {  	_ =	swait.ge [sflag:s21], $0x4000  }
0x11b: {  	[sflag:s21] =	ssyncset.done $0x0  }
0x11c: {  	s28 =	sadd.s32 $0x1680, s26;
	[sflag:s21] =	ssyncadd.s32 $0xFFFFC000  }
0x11d: {  	[spmem:s1] =	stream.indirect.scatter.add.f32 [tilespmem:s19], [sflag:$0x4], $0x80, s28, s17, $0xb8;
	[tilespmem:$0x1DC00] =	vst v63  }
0x11e: {  	_ =	swait.ge [sflag:s15], $0x4000  }
0x11f: {  	[sflag:s15] =	ssyncset.done $0x0  }
0x120: {  	s28 =	sadd.s32 $0x780, s26;
	[sflag:s15] =	ssyncadd.s32 $0xFFFFC000  }
0x121: {  	[tilespmem:s19], [sflag:$0x3] =	stream.indirect.gather [hbm4b:s8+s17], $0x80, s28, s17, $0xb8;
	[tilespmem:$0x1DC00] =	vst v63  }
0x122: {  	_ =	swait.ge [sflag:s20], $0x4000  }
0x123: {  	[sflag:s20] =	ssyncset.done $0x0  }
0x124: {  	s28 =	sadd.s32 $0x1700, s26;
	[sflag:s20] =	ssyncadd.s32 $0xFFFFC000  }
0x125: {  	[spmem:s1] =	stream.indirect.scatter.add.f32 [tilespmem:s18], [sflag:$0x4], $0x80, s28, s17, $0xb8;
	[tilespmem:$0x1DC00] =	vst v63  }
0x126: {  	_ =	swait.ge [sflag:s15], $0x4000  }
0x127: {  	[sflag:s15] =	ssyncset.done $0x0  }
0x128: {  	[sflag:s15] =	ssyncadd.s32 $0xFFFFC000  }
0x129: {  	_ =	swait.ge [sflag:s21], $0x4000  }
.Ltmp0:
0x12a: {  	[sflag:s21] =	ssyncset.done $0x0;
	(pc) =	sbr.rel @p0 .LBB2_2-.Ltmp0, $4  }
0x12b: {  	s26 =	sadd.s32 $0x1780, s26;
	[sflag:s21] =	ssyncadd.s32 $0xFFFFC000  }
0x12c: {  	[spmem:s1] =	stream.indirect.scatter.add.f32 [tilespmem:s19], [sflag:$0x4], $0x80, s26, s17, $0xb8;
	[tilespmem:$0x1DC00] =	vst v63  }
0x12d: {  	_ =	swait.ge [sflag:s15], $0x4000  }
0x12e: {  	s24 =	sadd.s32 $0x100, s24;
	[sflag:s15] =	ssyncset.done $0x0  }
0x12f: {  	s22 =	sadd.s32 $0x1, s22  }
0x130: {  	[sflag:s15] =	ssyncadd.s32 $0xFFFFC000;
	p0 =	sne.s32 s22, s10  }
.Ltmp1:
0x131: {  	[bflag:$0x0] =	sbarrier.arrive $0xFFFF;
	(pc) =	sbr.rel @p0 .LBB2_1-.Ltmp1, $4  }
0x132: {  	[hbm:s9], [sflag:s7] =	dma.local [spmem:s14], $0x2780  }
0x133: {  	_ =	swait.ge [sflag:s15], $0x2780  }
0x134: {  	[sflag:s15] =	ssyncset.done $0x0  }
0x135: {  	[sflag:s15] =	ssyncadd.s32 $0xFFFFD880  }
0x136: {  	_ =	sfence.sel $0x180000  }
0x137: {  	[bflag:$0x0] =	sbarrier.arrive $0xFFFF  }
0x138: {  	p0 =	sne.s32 s2, $0x0;
	_ =	strace $0x90000053  }
0x139: {  	s0 =	sadd.s32 @!p0 $0x100000, s0;
	[bflag:$0x2] =	sbarrier.arrive $0xFFFF  }
0x13a: {  	[sflag:s0] =	ssyncadd.tile.s32 @!p0 $0x1;
	_ =	shalt  }
.Lfunc_end2:
_tile_overlayer_lowered:
.L_overlay_start_2:
0x13b: {  	(tag) =	ssettag $0x2  }
0x13c: {  	s0 =	rddreg [dreg:$0x0];
	s2 =	stileid.u32  }
0x13d: {  	s1 =	rddreg [dreg:$0x1];
	p0 =	sne.s32 s2, $0x0  }
0x13e: {  	s3 =	rddreg [dreg:$0x2];
	[bflag:$0x3] =	sbarrier.arrive $0xFFFF;
	s2 =	simm.s32 @!p0 $0x1C04  }
0x13f: {  	[timem:s3], [sflag:s2] =	dma.local @!p0 [hbm:s0], s1  }
0x140: {  	s0 =	simm.s32 @!p0 $0x4  }
0x141: {  	_ =	swait.ge @!p0 [sflag:s0], s1  }
0x142: {  	s1 =	ssub.s32 @!p0 $0x0, s1;
	[sflag:s0] =	ssyncset.done @!p0 $0x0  }
0x143: {  	[sflag:s0] =	ssyncadd.s32 @!p0 s1  }
0x144: {  	[bflag:$0x3] =	sbarrier.arrive $0xFFFF  }
0x145: {  	_ =	shalt  }

</sc_bundles>
